<compile_context>
chip_gen: v7x
topology: tpu7x:2x2x1
jax: 0.10.2.dev20260603
libtpu: 0.0.44.dev20260713+nightly
codegen_flags: <defaults>
</compile_context>

<pallas_src>
import functools

import jax
import jax.numpy as jnp
from jax import lax
from jax.experimental import pallas as pl
from jax.experimental.pallas import tpu as pltpu
from jax.experimental.pallas import tpu_sc as plsc

BATCH = 16384
EMBED_DIM = 32
TOTAL = BATCH * 2
NUM_NODES = 1000000
_RPP = 128 // EMBED_DIM
_PAD_ROWS = NUM_NODES // _RPP

_info = plsc.get_sparse_core_info()
_NC, _NS = _info.num_cores, _info.num_subcores
_NW = _NC * _NS
_PER_W = TOTAL // _NW
_CHUNK = 128
_NCHUNK = _PER_W // _CHUNK
_L = 16

_mesh = plsc.VectorSubcoreMesh(core_axis_name="c", subcore_axis_name="s")


@functools.partial(
    pl.kernel,
    mesh=_mesh,
    compiler_params=pltpu.CompilerParams(needs_layout_passes=False),
    out_type=jax.ShapeDtypeStruct((2, EMBED_DIM, BATCH), jnp.float32),
    scratch_types=[
        pltpu.VMEM((_PER_W,), jnp.int32),
        pltpu.VMEM((_NCHUNK, _CHUNK), jnp.int32),
        pltpu.VMEM((_CHUNK, 128), jnp.float32),
        pltpu.VMEM((_CHUNK, 128), jnp.float32),
        pltpu.VMEM((EMBED_DIM, _PER_W), jnp.float32),
        pltpu.SemaphoreType.DMA,
        pltpu.SemaphoreType.DMA,
    ],
)
def _gather(idx_hbm, table_hbm, out_hbm, idx_v, g_v, pad_a, pad_b, out_v,
            sem_a, sem_b):
    wid = lax.axis_index("s") * _NC + lax.axis_index("c")
    p = wid // (_NW // 2)
    jbase = (wid % (_NW // 2)) * _PER_W
    pltpu.sync_copy(idx_hbm.at[pl.ds(wid * _PER_W, _PER_W)], idx_v)

    for c in range(_NCHUNK):
        for j in range(_CHUNK // _L):
            v = idx_v[pl.ds(c * _CHUNK + j * _L, _L)]
            g_v[c, pl.ds(j * _L, _L)] = lax.shift_right_logical(v, 2)

    bufs = (pad_a, pad_b)
    sems = (sem_a, sem_b)

    def fire(c):
        pltpu.async_copy(table_hbm.at[g_v.at[c]], bufs[c % 2], sems[c % 2])

    def drain(c):
        pltpu.make_async_copy(
            table_hbm.at[g_v.at[c]], bufs[c % 2], sems[c % 2]
        ).wait()

    fire(0)
    lanes = lax.iota(jnp.int32, _L)
    for c in range(_NCHUNK):
        if c + 1 < _NCHUNK:
            fire(c + 1)
        drain(c)
        buf = bufs[c % 2]
        for g in range(_CHUNK // _L):
            l16 = g * _L + lanes
            col16 = lax.shift_left(
                lax.bitwise_and(
                    idx_v[pl.ds(c * _CHUNK + g * _L, _L)],
                    jnp.int32(_RPP - 1),
                ),
                jnp.int32(5),
            )
            dst16 = c * _CHUNK + g * _L + lanes

            def d_body(d, carry, l16=l16, col16=col16, dst16=dst16, buf=buf):
                d16 = jnp.full((_L,), d, jnp.int32)
                vals = plsc.load_gather(buf, [l16, col16 + d])
                plsc.store_scatter(out_v, [d16, dst16], vals)
                return carry

            lax.fori_loop(0, EMBED_DIM, d_body, 0, unroll=False)

    pltpu.sync_copy(out_v, out_hbm.at[p, :, pl.ds(jbase, _PER_W)])


def kernel(node_pairs, embedding):
    idx = node_pairs.T.reshape(TOTAL)
    table = embedding.reshape(_PAD_ROWS, 128)
    out = _gather(idx, table)
    return jnp.transpose(out, (2, 0, 1))

# --- scband reference (transcript-rebuilt; emitter-appended) ---
"""Pipeline reference for scband-contrastive-model-78958678770007 (READ-ONLY COPY).

The authoritative reference and input builder live on the scoring server;
editing this copy changes nothing except your own understanding.
"""

import jax, jax.numpy as jnp
import numpy as np

NUM_NODES = 1000000
EMBED_DIM = 32
BATCH = 16384

def setup_inputs(seed: int = 0) -> dict:
    key = jax.random.key(seed)
    k_idx, k_emb = jax.random.split(key)
    node_pairs = jax.random.randint(k_idx, (BATCH, 2), 0, NUM_NODES, dtype=jnp.int64 if jax.config.jax_enable_x64 else jnp.int32).astype(jnp.int32)
    embedding = jax.random.normal(k_emb, (NUM_NODES, EMBED_DIM), dtype=jnp.float32)
    return {"node_pairs": node_pairs, "embedding": embedding}

def reference(node_pairs, embedding):
    # tf.nn.embedding_lookup(self.embedding, node_pairs)
    return jnp.take(embedding, node_pairs, axis=0)

if __name__ == "__main__":
    import jax
    _d = setup_inputs()
    print(jax.jit(kernel)(*tuple(_d.values())))

</pallas_src>

<mosaic_0001>
#map = affine_map<(d0, d1) -> (0)>
#map1 = affine_map<(d0, d1) -> (0, 0)>
#map2 = affine_map<(d0, d1) -> (0, 0, 0)>
module attributes {stable_mosaic.version = 14 : i64} {
  func.func @_gather(%arg0: i32, %arg1: i32, %arg2: memref<32768xi32, #tpu.memory_space<hbm>>, %arg3: memref<250000x128xf32, #tpu.memory_space<hbm>>, %arg4: memref<2x32x16384xf32, #tpu.memory_space<hbm>>, %arg5: memref<1024xi32, #tpu.memory_space<vmem>>, %arg6: memref<8x128xi32, #tpu.memory_space<vmem>>, %arg7: memref<128x128xf32, #tpu.memory_space<vmem>>, %arg8: memref<128x128xf32, #tpu.memory_space<vmem>>, %arg9: memref<32x1024xf32, #tpu.memory_space<vmem>>, %arg10: memref<!tpu.dma_semaphore, #tpu.memory_space<semaphore_mem>>, %arg11: memref<!tpu.dma_semaphore, #tpu.memory_space<semaphore_mem>>) attributes {dimension_semantics = [#tpu.dimension_semantics<core_parallel>, #tpu.dimension_semantics<subcore_parallel>], iteration_bounds = array<i64: 2, 16>, scalar_prefetch = 0 : i64, scratch_operands = 7 : i64, tpu.core_type = #tpu.core_type<sc_vector_subcore>, window_params = [{transform_indices = #map}, {transform_indices = #map1}, {transform_indices = #map2}]} {
    %mul3A = arith.constant 2 : i32
    %mul3A_0 = arith.muli %arg1, %mul3A : i32
    %add3A = arith.addi %mul3A_0, %arg0 : i32
    %jit3A = arith.constant 16 : i32
    %div3A = arith.divsi %add3A, %jit3A : i32
    %sign3A = arith.constant 0 : i32
    %sign3A_1 = arith.cmpi sgt, %add3A, %sign3A : i32
    %sign3A_2 = arith.extui %sign3A_1 : i1 to i32
    %sign3A_3 = arith.constant 0 : i32
    %sign3A_4 = arith.cmpi slt, %add3A, %sign3A_3 : i32
    %sign3A_5 = arith.extui %sign3A_4 : i1 to i32
    %sign3A_6 = arith.subi %sign3A_2, %sign3A_5 : i32
    %sign3A_7 = arith.constant 0 : i32
    %sign3A_8 = arith.cmpi sgt, %jit3A, %sign3A_7 : i32
    %sign3A_9 = arith.extui %sign3A_8 : i1 to i32
    %sign3A_10 = arith.constant 0 : i32
    %sign3A_11 = arith.cmpi slt, %jit3A, %sign3A_10 : i32
    %sign3A_12 = arith.extui %sign3A_11 : i1 to i32
    %sign3A_13 = arith.subi %sign3A_9, %sign3A_12 : i32
    %ne3A = arith.cmpi ne, %sign3A_6, %sign3A_13 : i32
    %rem3A = arith.remsi %add3A, %jit3A : i32
    %ne3A_14 = arith.constant 0 : i32
    %ne3A_15 = arith.cmpi ne, %rem3A, %ne3A_14 : i32
    %and3A = arith.andi %ne3A, %ne3A_15 : i1
    %sub3A = arith.constant 1 : i32
    %sub3A_16 = arith.subi %div3A, %sub3A : i32
    %select_n3A = arith.select %and3A, %sub3A_16, %div3A : i32
    %jit3A_17 = arith.constant 16 : i32
    %eq3A = arith.constant 0 : i32
    %eq3A_18 = arith.cmpi eq, %jit3A_17, %eq3A : i32
    %jit3A_19 = arith.constant 1 : i32
    %select_n3A_20 = arith.select %eq3A_18, %jit3A_19, %jit3A_17 : i32
    %rem3A_21 = arith.remsi %add3A, %select_n3A_20 : i32
    %ne3A_22 = arith.constant 0 : i32
    %ne3A_23 = arith.cmpi ne, %rem3A_21, %ne3A_22 : i32
    %lt3A = arith.constant 0 : i32
    %lt3A_24 = arith.cmpi slt, %rem3A_21, %lt3A : i32
    %lt3A_25 = arith.constant 0 : i32
    %lt3A_26 = arith.cmpi slt, %select_n3A_20, %lt3A_25 : i32
    %ne3A_27 = arith.xori %lt3A_24, %lt3A_26 : i1
    %and3A_28 = arith.andi %ne3A_27, %ne3A_23 : i1
    %add3A_29 = arith.addi %rem3A_21, %select_n3A_20 : i32
    %select_n3A_30 = arith.select %and3A_28, %add3A_29, %rem3A_21 : i32
    %mul3A_31 = arith.constant 1024 : i32
    %mul3A_32 = arith.muli %select_n3A_30, %mul3A_31 : i32
    %mul3A_33 = arith.constant 1024 : i32
    %mul3A_34 = arith.muli %add3A, %mul3A_33 : i32
    "tpu.region"() ({
      %run_scoped3A = tpu.sem_alloc : memref<!tpu.dma_semaphore, #tpu.memory_space<semaphore_mem>>
      %dma_start3A_1996 = tpu.memref_slice %arg2[%mul3A_34] : memref<32768xi32, #tpu.memory_space<hbm>> -> memref<1024xi32, #tpu.memory_space<hbm>>
      %dma_start3A_1997 = tpu.memref_slice %arg2[%mul3A_34] : memref<32768xi32, #tpu.memory_space<hbm>> -> memref<1024xi32, #tpu.memory_space<hbm>>
      tpu.enqueue_dma source(%dma_start3A_1997 : memref<1024xi32, #tpu.memory_space<hbm>>) target(%arg5 : memref<1024xi32, #tpu.memory_space<vmem>>) target_semaphore(%run_scoped3A : memref<!tpu.dma_semaphore, #tpu.memory_space<semaphore_mem>>)
      %dma_wait3A_1998 = tpu.memref_slice %arg2[%mul3A_34] : memref<32768xi32, #tpu.memory_space<hbm>> -> memref<1024xi32, #tpu.memory_space<hbm>>
      %dma_wait3A_1999 = tpu.memref_slice %arg2[%mul3A_34] : memref<32768xi32, #tpu.memory_space<hbm>> -> memref<1024xi32, #tpu.memory_space<hbm>>
      tpu.wait_dma2 semaphore(%run_scoped3A : memref<!tpu.dma_semaphore, #tpu.memory_space<semaphore_mem>>) src(%dma_wait3A_1999 : memref<1024xi32, #tpu.memory_space<hbm>>) dst(%arg5 : memref<1024xi32, #tpu.memory_space<vmem>>)
      tpu.yield
    }) : () -> ()
    %get3A = arith.constant 0 : index
    %get3A_35 = tpu.vector_load %arg5[%get3A] {strides = array<i32>} : memref<1024xi32, #tpu.memory_space<vmem>>, vector<16xi32>,
    %shift_right_logical3A = arith.constant 2 : i32
    %shift_right_logical3A_36 = vector.broadcast %shift_right_logical3A : i32 to vector<16xi32>
    %shift_right_logical3A_37 = arith.shrui %get3A_35, %shift_right_logical3A_36 : vector<16xi32>
    %swap3A = arith.constant 0 : i32
    %swap3A_38 = arith.index_cast %swap3A : i32 to index
    %swap3A_39 = arith.constant 0 : index
    %swap3A_40 = tpu.vector_load %arg6[%swap3A_38, %swap3A_39] {strides = array<i32>} : memref<8x128xi32, #tpu.memory_space<vmem>>, vector<16xi32>,
    tpu.vector_store %arg6[%swap3A_38, %swap3A_39], %shift_right_logical3A_37 {strides = array<i32>} : memref<8x128xi32, #tpu.memory_space<vmem>>, vector<16xi32>,
    %get3A_41 = arith.constant 16 : index
    %get3A_42 = tpu.vector_load %arg5[%get3A_41] {strides = array<i32>} : memref<1024xi32, #tpu.memory_space<vmem>>, vector<16xi32>,
    %shift_right_logical3A_43 = arith.constant 2 : i32
    %shift_right_logical3A_44 = vector.broadcast %shift_right_logical3A_43 : i32 to vector<16xi32>
    %shift_right_logical3A_45 = arith.shrui %get3A_42, %shift_right_logical3A_44 : vector<16xi32>
    %swap3A_46 = arith.constant 0 : i32
    %swap3A_47 = arith.index_cast %swap3A_46 : i32 to index
    %swap3A_48 = arith.constant 16 : index
    %swap3A_49 = tpu.vector_load %arg6[%swap3A_47, %swap3A_48] {strides = array<i32>} : memref<8x128xi32, #tpu.memory_space<vmem>>, vector<16xi32>,
    tpu.vector_store %arg6[%swap3A_47, %swap3A_48], %shift_right_logical3A_45 {strides = array<i32>} : memref<8x128xi32, #tpu.memory_space<vmem>>, vector<16xi32>,
    %get3A_50 = arith.constant 32 : index
    %get3A_51 = tpu.vector_load %arg5[%get3A_50] {strides = array<i32>} : memref<1024xi32, #tpu.memory_space<vmem>>, vector<16xi32>,
    %shift_right_logical3A_52 = arith.constant 2 : i32
    %shift_right_logical3A_53 = vector.broadcast %shift_right_logical3A_52 : i32 to vector<16xi32>
    %shift_right_logical3A_54 = arith.shrui %get3A_51, %shift_right_logical3A_53 : vector<16xi32>
    %swap3A_55 = arith.constant 0 : i32
    %swap3A_56 = arith.index_cast %swap3A_55 : i32 to index
    %swap3A_57 = arith.constant 32 : index
    %swap3A_58 = tpu.vector_load %arg6[%swap3A_56, %swap3A_57] {strides = array<i32>} : memref<8x128xi32, #tpu.memory_space<vmem>>, vector<16xi32>,
    tpu.vector_store %arg6[%swap3A_56, %swap3A_57], %shift_right_logical3A_54 {strides = array<i32>} : memref<8x128xi32, #tpu.memory_space<vmem>>, vector<16xi32>,
    %get3A_59 = arith.constant 48 : index
    %get3A_60 = tpu.vector_load %arg5[%get3A_59] {strides = array<i32>} : memref<1024xi32, #tpu.memory_space<vmem>>, vector<16xi32>,
    %shift_right_logical3A_61 = arith.constant 2 : i32
    %shift_right_logical3A_62 = vector.broadcast %shift_right_logical3A_61 : i32 to vector<16xi32>
    %shift_right_logical3A_63 = arith.shrui %get3A_60, %shift_right_logical3A_62 : vector<16xi32>
    %swap3A_64 = arith.constant 0 : i32
    %swap3A_65 = arith.index_cast %swap3A_64 : i32 to index
    %swap3A_66 = arith.constant 48 : index
    %swap3A_67 = tpu.vector_load %arg6[%swap3A_65, %swap3A_66] {strides = array<i32>} : memref<8x128xi32, #tpu.memory_space<vmem>>, vector<16xi32>,
    tpu.vector_store %arg6[%swap3A_65, %swap3A_66], %shift_right_logical3A_63 {strides = array<i32>} : memref<8x128xi32, #tpu.memory_space<vmem>>, vector<16xi32>,
    %get3A_68 = arith.constant 64 : index
    %get3A_69 = tpu.vector_load %arg5[%get3A_68] {strides = array<i32>} : memref<1024xi32, #tpu.memory_space<vmem>>, vector<16xi32>,
    %shift_right_logical3A_70 = arith.constant 2 : i32
    %shift_right_logical3A_71 = vector.broadcast %shift_right_logical3A_70 : i32 to vector<16xi32>
    %shift_right_logical3A_72 = arith.shrui %get3A_69, %shift_right_logical3A_71 : vector<16xi32>
    %swap3A_73 = arith.constant 0 : i32
    %swap3A_74 = arith.index_cast %swap3A_73 : i32 to index
    %swap3A_75 = arith.constant 64 : index
    %swap3A_76 = tpu.vector_load %arg6[%swap3A_74, %swap3A_75] {strides = array<i32>} : memref<8x128xi32, #tpu.memory_space<vmem>>, vector<16xi32>,
    tpu.vector_store %arg6[%swap3A_74, %swap3A_75], %shift_right_logical3A_72 {strides = array<i32>} : memref<8x128xi32, #tpu.memory_space<vmem>>, vector<16xi32>,
    %get3A_77 = arith.constant 80 : index
    %get3A_78 = tpu.vector_load %arg5[%get3A_77] {strides = array<i32>} : memref<1024xi32, #tpu.memory_space<vmem>>, vector<16xi32>,
    %shift_right_logical3A_79 = arith.constant 2 : i32
    %shift_right_logical3A_80 = vector.broadcast %shift_right_logical3A_79 : i32 to vector<16xi32>
    %shift_right_logical3A_81 = arith.shrui %get3A_78, %shift_right_logical3A_80 : vector<16xi32>
    %swap3A_82 = arith.constant 0 : i32
    %swap3A_83 = arith.index_cast %swap3A_82 : i32 to index
    %swap3A_84 = arith.constant 80 : index
    %swap3A_85 = tpu.vector_load %arg6[%swap3A_83, %swap3A_84] {strides = array<i32>} : memref<8x128xi32, #tpu.memory_space<vmem>>, vector<16xi32>,
    tpu.vector_store %arg6[%swap3A_83, %swap3A_84], %shift_right_logical3A_81 {strides = array<i32>} : memref<8x128xi32, #tpu.memory_space<vmem>>, vector<16xi32>,
    %get3A_86 = arith.constant 96 : index
    %get3A_87 = tpu.vector_load %arg5[%get3A_86] {strides = array<i32>} : memref<1024xi32, #tpu.memory_space<vmem>>, vector<16xi32>,
    %shift_right_logical3A_88 = arith.constant 2 : i32
    %shift_right_logical3A_89 = vector.broadcast %shift_right_logical3A_88 : i32 to vector<16xi32>
    %shift_right_logical3A_90 = arith.shrui %get3A_87, %shift_right_logical3A_89 : vector<16xi32>
    %swap3A_91 = arith.constant 0 : i32
    %swap3A_92 = arith.index_cast %swap3A_91 : i32 to index
    %swap3A_93 = arith.constant 96 : index
    %swap3A_94 = tpu.vector_load %arg6[%swap3A_92, %swap3A_93] {strides = array<i32>} : memref<8x128xi32, #tpu.memory_space<vmem>>, vector<16xi32>,
    tpu.vector_store %arg6[%swap3A_92, %swap3A_93], %shift_right_logical3A_90 {strides = array<i32>} : memref<8x128xi32, #tpu.memory_space<vmem>>, vector<16xi32>,
    %get3A_95 = arith.constant 112 : index
    %get3A_96 = tpu.vector_load %arg5[%get3A_95] {strides = array<i32>} : memref<1024xi32, #tpu.memory_space<vmem>>, vector<16xi32>,
    %shift_right_logical3A_97 = arith.constant 2 : i32
    %shift_right_logical3A_98 = vector.broadcast %shift_right_logical3A_97 : i32 to vector<16xi32>
    %shift_right_logical3A_99 = arith.shrui %get3A_96, %shift_right_logical3A_98 : vector<16xi32>
    %swap3A_100 = arith.constant 0 : i32
    %swap3A_101 = arith.index_cast %swap3A_100 : i32 to index
    %swap3A_102 = arith.constant 112 : index
    %swap3A_103 = tpu.vector_load %arg6[%swap3A_101, %swap3A_102] {strides = array<i32>} : memref<8x128xi32, #tpu.memory_space<vmem>>, vector<16xi32>,
    tpu.vector_store %arg6[%swap3A_101, %swap3A_102], %shift_right_logical3A_99 {strides = array<i32>} : memref<8x128xi32, #tpu.memory_space<vmem>>, vector<16xi32>,
    %get3A_104 = arith.constant 128 : index
    %get3A_105 = tpu.vector_load %arg5[%get3A_104] {strides = array<i32>} : memref<1024xi32, #tpu.memory_space<vmem>>, vector<16xi32>,
    %shift_right_logical3A_106 = arith.constant 2 : i32
    %shift_right_logical3A_107 = vector.broadcast %shift_right_logical3A_106 : i32 to vector<16xi32>
    %shift_right_logical3A_108 = arith.shrui %get3A_105, %shift_right_logical3A_107 : vector<16xi32>
    %swap3A_109 = arith.constant 1 : i32
    %swap3A_110 = arith.index_cast %swap3A_109 : i32 to index
    %swap3A_111 = arith.constant 0 : index
    %swap3A_112 = tpu.vector_load %arg6[%swap3A_110, %swap3A_111] {strides = array<i32>} : memref<8x128xi32, #tpu.memory_space<vmem>>, vector<16xi32>,
    tpu.vector_store %arg6[%swap3A_110, %swap3A_111], %shift_right_logical3A_108 {strides = array<i32>} : memref<8x128xi32, #tpu.memory_space<vmem>>, vector<16xi32>,
    %get3A_113 = arith.constant 144 : index
    %get3A_114 = tpu.vector_load %arg5[%get3A_113] {strides = array<i32>} : memref<1024xi32, #tpu.memory_space<vmem>>, vector<16xi32>,
    %shift_right_logical3A_115 = arith.constant 2 : i32
    %shift_right_logical3A_116 = vector.broadcast %shift_right_logical3A_115 : i32 to vector<16xi32>
    %shift_right_logical3A_117 = arith.shrui %get3A_114, %shift_right_logical3A_116 : vector<16xi32>
    %swap3A_118 = arith.constant 1 : i32
    %swap3A_119 = arith.index_cast %swap3A_118 : i32 to index
    %swap3A_120 = arith.constant 16 : index
    %swap3A_121 = tpu.vector_load %arg6[%swap3A_119, %swap3A_120] {strides = array<i32>} : memref<8x128xi32, #tpu.memory_space<vmem>>, vector<16xi32>,
    tpu.vector_store %arg6[%swap3A_119, %swap3A_120], %shift_right_logical3A_117 {strides = array<i32>} : memref<8x128xi32, #tpu.memory_space<vmem>>, vector<16xi32>,
    %get3A_122 = arith.constant 160 : index
    %get3A_123 = tpu.vector_load %arg5[%get3A_122] {strides = array<i32>} : memref<1024xi32, #tpu.memory_space<vmem>>, vector<16xi32>,
    %shift_right_logical3A_124 = arith.constant 2 : i32
    %shift_right_logical3A_125 = vector.broadcast %shift_right_logical3A_124 : i32 to vector<16xi32>
    %shift_right_logical3A_126 = arith.shrui %get3A_123, %shift_right_logical3A_125 : vector<16xi32>
    %swap3A_127 = arith.constant 1 : i32
    %swap3A_128 = arith.index_cast %swap3A_127 : i32 to index
    %swap3A_129 = arith.constant 32 : index
    %swap3A_130 = tpu.vector_load %arg6[%swap3A_128, %swap3A_129] {strides = array<i32>} : memref<8x128xi32, #tpu.memory_space<vmem>>, vector<16xi32>,
    tpu.vector_store %arg6[%swap3A_128, %swap3A_129], %shift_right_logical3A_126 {strides = array<i32>} : memref<8x128xi32, #tpu.memory_space<vmem>>, vector<16xi32>,
    %get3A_131 = arith.constant 176 : index
    %get3A_132 = tpu.vector_load %arg5[%get3A_131] {strides = array<i32>} : memref<1024xi32, #tpu.memory_space<vmem>>, vector<16xi32>,
    %shift_right_logical3A_133 = arith.constant 2 : i32
    %shift_right_logical3A_134 = vector.broadcast %shift_right_logical3A_133 : i32 to vector<16xi32>
    %shift_right_logical3A_135 = arith.shrui %get3A_132, %shift_right_logical3A_134 : vector<16xi32>
    %swap3A_136 = arith.constant 1 : i32
    %swap3A_137 = arith.index_cast %swap3A_136 : i32 to index
    %swap3A_138 = arith.constant 48 : index
    %swap3A_139 = tpu.vector_load %arg6[%swap3A_137, %swap3A_138] {strides = array<i32>} : memref<8x128xi32, #tpu.memory_space<vmem>>, vector<16xi32>,
    tpu.vector_store %arg6[%swap3A_137, %swap3A_138], %shift_right_logical3A_135 {strides = array<i32>} : memref<8x128xi32, #tpu.memory_space<vmem>>, vector<16xi32>,
    %get3A_140 = arith.constant 192 : index
    %get3A_141 = tpu.vector_load %arg5[%get3A_140] {strides = array<i32>} : memref<1024xi32, #tpu.memory_space<vmem>>, vector<16xi32>,
    %shift_right_logical3A_142 = arith.constant 2 : i32
    %shift_right_logical3A_143 = vector.broadcast %shift_right_logical3A_142 : i32 to vector<16xi32>
    %shift_right_logical3A_144 = arith.shrui %get3A_141, %shift_right_logical3A_143 : vector<16xi32>
    %swap3A_145 = arith.constant 1 : i32
    %swap3A_146 = arith.index_cast %swap3A_145 : i32 to index
    %swap3A_147 = arith.constant 64 : index
    %swap3A_148 = tpu.vector_load %arg6[%swap3A_146, %swap3A_147] {strides = array<i32>} : memref<8x128xi32, #tpu.memory_space<vmem>>, vector<16xi32>,
    tpu.vector_store %arg6[%swap3A_146, %swap3A_147], %shift_right_logical3A_144 {strides = array<i32>} : memref<8x128xi32, #tpu.memory_space<vmem>>, vector<16xi32>,
    %get3A_149 = arith.constant 208 : index
    %get3A_150 = tpu.vector_load %arg5[%get3A_149] {strides = array<i32>} : memref<1024xi32, #tpu.memory_space<vmem>>, vector<16xi32>,
    %shift_right_logical3A_151 = arith.constant 2 : i32
    %shift_right_logical3A_152 = vector.broadcast %shift_right_logical3A_151 : i32 to vector<16xi32>
    %shift_right_logical3A_153 = arith.shrui %get3A_150, %shift_right_logical3A_152 : vector<16xi32>
    %swap3A_154 = arith.constant 1 : i32
    %swap3A_155 = arith.index_cast %swap3A_154 : i32 to index
    %swap3A_156 = arith.constant 80 : index
    %swap3A_157 = tpu.vector_load %arg6[%swap3A_155, %swap3A_156] {strides = array<i32>} : memref<8x128xi32, #tpu.memory_space<vmem>>, vector<16xi32>,
    tpu.vector_store %arg6[%swap3A_155, %swap3A_156], %shift_right_logical3A_153 {strides = array<i32>} : memref<8x128xi32, #tpu.memory_space<vmem>>, vector<16xi32>,
    %get3A_158 = arith.constant 224 : index
    %get3A_159 = tpu.vector_load %arg5[%get3A_158] {strides = array<i32>} : memref<1024xi32, #tpu.memory_space<vmem>>, vector<16xi32>,
    %shift_right_logical3A_160 = arith.constant 2 : i32
    %shift_right_logical3A_161 = vector.broadcast %shift_right_logical3A_160 : i32 to vector<16xi32>
    %shift_right_logical3A_162 = arith.shrui %get3A_159, %shift_right_logical3A_161 : vector<16xi32>
    %swap3A_163 = arith.constant 1 : i32
    %swap3A_164 = arith.index_cast %swap3A_163 : i32 to index
    %swap3A_165 = arith.constant 96 : index
    %swap3A_166 = tpu.vector_load %arg6[%swap3A_164, %swap3A_165] {strides = array<i32>} : memref<8x128xi32, #tpu.memory_space<vmem>>, vector<16xi32>,
    tpu.vector_store %arg6[%swap3A_164, %swap3A_165], %shift_right_logical3A_162 {strides = array<i32>} : memref<8x128xi32, #tpu.memory_space<vmem>>, vector<16xi32>,
    %get3A_167 = arith.constant 240 : index
    %get3A_168 = tpu.vector_load %arg5[%get3A_167] {strides = array<i32>} : memref<1024xi32, #tpu.memory_space<vmem>>, vector<16xi32>,
    %shift_right_logical3A_169 = arith.constant 2 : i32
    %shift_right_logical3A_170 = vector.broadcast %shift_right_logical3A_169 : i32 to vector<16xi32>
    %shift_right_logical3A_171 = arith.shrui %get3A_168, %shift_right_logical3A_170 : vector<16xi32>
    %swap3A_172 = arith.constant 1 : i32
    %swap3A_173 = arith.index_cast %swap3A_172 : i32 to index
    %swap3A_174 = arith.constant 112 : index
    %swap3A_175 = tpu.vector_load %arg6[%swap3A_173, %swap3A_174] {strides = array<i32>} : memref<8x128xi32, #tpu.memory_space<vmem>>, vector<16xi32>,
    tpu.vector_store %arg6[%swap3A_173, %swap3A_174], %shift_right_logical3A_171 {strides = array<i32>} : memref<8x128xi32, #tpu.memory_space<vmem>>, vector<16xi32>,
    %get3A_176 = arith.constant 256 : index
    %get3A_177 = tpu.vector_load %arg5[%get3A_176] {strides = array<i32>} : memref<1024xi32, #tpu.memory_space<vmem>>, vector<16xi32>,
    %shift_right_logical3A_178 = arith.constant 2 : i32
    %shift_right_logical3A_179 = vector.broadcast %shift_right_logical3A_178 : i32 to vector<16xi32>
    %shift_right_logical3A_180 = arith.shrui %get3A_177, %shift_right_logical3A_179 : vector<16xi32>
    %swap3A_181 = arith.constant 2 : i32
    %swap3A_182 = arith.index_cast %swap3A_181 : i32 to index
    %swap3A_183 = arith.constant 0 : index
    %swap3A_184 = tpu.vector_load %arg6[%swap3A_182, %swap3A_183] {strides = array<i32>} : memref<8x128xi32, #tpu.memory_space<vmem>>, vector<16xi32>,
    tpu.vector_store %arg6[%swap3A_182, %swap3A_183], %shift_right_logical3A_180 {strides = array<i32>} : memref<8x128xi32, #tpu.memory_space<vmem>>, vector<16xi32>,
    %get3A_185 = arith.constant 272 : index
    %get3A_186 = tpu.vector_load %arg5[%get3A_185] {strides = array<i32>} : memref<1024xi32, #tpu.memory_space<vmem>>, vector<16xi32>,
    %shift_right_logical3A_187 = arith.constant 2 : i32
    %shift_right_logical3A_188 = vector.broadcast %shift_right_logical3A_187 : i32 to vector<16xi32>
    %shift_right_logical3A_189 = arith.shrui %get3A_186, %shift_right_logical3A_188 : vector<16xi32>
    %swap3A_190 = arith.constant 2 : i32
    %swap3A_191 = arith.index_cast %swap3A_190 : i32 to index
    %swap3A_192 = arith.constant 16 : index
    %swap3A_193 = tpu.vector_load %arg6[%swap3A_191, %swap3A_192] {strides = array<i32>} : memref<8x128xi32, #tpu.memory_space<vmem>>, vector<16xi32>,
    tpu.vector_store %arg6[%swap3A_191, %swap3A_192], %shift_right_logical3A_189 {strides = array<i32>} : memref<8x128xi32, #tpu.memory_space<vmem>>, vector<16xi32>,
    %get3A_194 = arith.constant 288 : index
    %get3A_195 = tpu.vector_load %arg5[%get3A_194] {strides = array<i32>} : memref<1024xi32, #tpu.memory_space<vmem>>, vector<16xi32>,
    %shift_right_logical3A_196 = arith.constant 2 : i32
    %shift_right_logical3A_197 = vector.broadcast %shift_right_logical3A_196 : i32 to vector<16xi32>
    %shift_right_logical3A_198 = arith.shrui %get3A_195, %shift_right_logical3A_197 : vector<16xi32>
    %swap3A_199 = arith.constant 2 : i32
    %swap3A_200 = arith.index_cast %swap3A_199 : i32 to index
    %swap3A_201 = arith.constant 32 : index
    %swap3A_202 = tpu.vector_load %arg6[%swap3A_200, %swap3A_201] {strides = array<i32>} : memref<8x128xi32, #tpu.memory_space<vmem>>, vector<16xi32>,
    tpu.vector_store %arg6[%swap3A_200, %swap3A_201], %shift_right_logical3A_198 {strides = array<i32>} : memref<8x128xi32, #tpu.memory_space<vmem>>, vector<16xi32>,
    %get3A_203 = arith.constant 304 : index
    %get3A_204 = tpu.vector_load %arg5[%get3A_203] {strides = array<i32>} : memref<1024xi32, #tpu.memory_space<vmem>>, vector<16xi32>,
    %shift_right_logical3A_205 = arith.constant 2 : i32
    %shift_right_logical3A_206 = vector.broadcast %shift_right_logical3A_205 : i32 to vector<16xi32>
    %shift_right_logical3A_207 = arith.shrui %get3A_204, %shift_right_logical3A_206 : vector<16xi32>
    %swap3A_208 = arith.constant 2 : i32
    %swap3A_209 = arith.index_cast %swap3A_208 : i32 to index
    %swap3A_210 = arith.constant 48 : index
    %swap3A_211 = tpu.vector_load %arg6[%swap3A_209, %swap3A_210] {strides = array<i32>} : memref<8x128xi32, #tpu.memory_space<vmem>>, vector<16xi32>,
    tpu.vector_store %arg6[%swap3A_209, %swap3A_210], %shift_right_logical3A_207 {strides = array<i32>} : memref<8x128xi32, #tpu.memory_space<vmem>>, vector<16xi32>,
    %get3A_212 = arith.constant 320 : index
    %get3A_213 = tpu.vector_load %arg5[%get3A_212] {strides = array<i32>} : memref<1024xi32, #tpu.memory_space<vmem>>, vector<16xi32>,
    %shift_right_logical3A_214 = arith.constant 2 : i32
    %shift_right_logical3A_215 = vector.broadcast %shift_right_logical3A_214 : i32 to vector<16xi32>
    %shift_right_logical3A_216 = arith.shrui %get3A_213, %shift_right_logical3A_215 : vector<16xi32>
    %swap3A_217 = arith.constant 2 : i32
    %swap3A_218 = arith.index_cast %swap3A_217 : i32 to index
    %swap3A_219 = arith.constant 64 : index
    %swap3A_220 = tpu.vector_load %arg6[%swap3A_218, %swap3A_219] {strides = array<i32>} : memref<8x128xi32, #tpu.memory_space<vmem>>, vector<16xi32>,
    tpu.vector_store %arg6[%swap3A_218, %swap3A_219], %shift_right_logical3A_216 {strides = array<i32>} : memref<8x128xi32, #tpu.memory_space<vmem>>, vector<16xi32>,
    %get3A_221 = arith.constant 336 : index
    %get3A_222 = tpu.vector_load %arg5[%get3A_221] {strides = array<i32>} : memref<1024xi32, #tpu.memory_space<vmem>>, vector<16xi32>,
    %shift_right_logical3A_223 = arith.constant 2 : i32
    %shift_right_logical3A_224 = vector.broadcast %shift_right_logical3A_223 : i32 to vector<16xi32>
    %shift_right_logical3A_225 = arith.shrui %get3A_222, %shift_right_logical3A_224 : vector<16xi32>
    %swap3A_226 = arith.constant 2 : i32
    %swap3A_227 = arith.index_cast %swap3A_226 : i32 to index
    %swap3A_228 = arith.constant 80 : index
    %swap3A_229 = tpu.vector_load %arg6[%swap3A_227, %swap3A_228] {strides = array<i32>} : memref<8x128xi32, #tpu.memory_space<vmem>>, vector<16xi32>,
    tpu.vector_store %arg6[%swap3A_227, %swap3A_228], %shift_right_logical3A_225 {strides = array<i32>} : memref<8x128xi32, #tpu.memory_space<vmem>>, vector<16xi32>,
    %get3A_230 = arith.constant 352 : index
    %get3A_231 = tpu.vector_load %arg5[%get3A_230] {strides = array<i32>} : memref<1024xi32, #tpu.memory_space<vmem>>, vector<16xi32>,
    %shift_right_logical3A_232 = arith.constant 2 : i32
    %shift_right_logical3A_233 = vector.broadcast %shift_right_logical3A_232 : i32 to vector<16xi32>
    %shift_right_logical3A_234 = arith.shrui %get3A_231, %shift_right_logical3A_233 : vector<16xi32>
    %swap3A_235 = arith.constant 2 : i32
    %swap3A_236 = arith.index_cast %swap3A_235 : i32 to index
    %swap3A_237 = arith.constant 96 : index
    %swap3A_238 = tpu.vector_load %arg6[%swap3A_236, %swap3A_237] {strides = array<i32>} : memref<8x128xi32, #tpu.memory_space<vmem>>, vector<16xi32>,
    tpu.vector_store %arg6[%swap3A_236, %swap3A_237], %shift_right_logical3A_234 {strides = array<i32>} : memref<8x128xi32, #tpu.memory_space<vmem>>, vector<16xi32>,
    %get3A_239 = arith.constant 368 : index
    %get3A_240 = tpu.vector_load %arg5[%get3A_239] {strides = array<i32>} : memref<1024xi32, #tpu.memory_space<vmem>>, vector<16xi32>,
    %shift_right_logical3A_241 = arith.constant 2 : i32
    %shift_right_logical3A_242 = vector.broadcast %shift_right_logical3A_241 : i32 to vector<16xi32>
    %shift_right_logical3A_243 = arith.shrui %get3A_240, %shift_right_logical3A_242 : vector<16xi32>
    %swap3A_244 = arith.constant 2 : i32
    %swap3A_245 = arith.index_cast %swap3A_244 : i32 to index
    %swap3A_246 = arith.constant 112 : index
    %swap3A_247 = tpu.vector_load %arg6[%swap3A_245, %swap3A_246] {strides = array<i32>} : memref<8x128xi32, #tpu.memory_space<vmem>>, vector<16xi32>,
    tpu.vector_store %arg6[%swap3A_245, %swap3A_246], %shift_right_logical3A_243 {strides = array<i32>} : memref<8x128xi32, #tpu.memory_space<vmem>>, vector<16xi32>,
    %get3A_248 = arith.constant 384 : index
    %get3A_249 = tpu.vector_load %arg5[%get3A_248] {strides = array<i32>} : memref<1024xi32, #tpu.memory_space<vmem>>, vector<16xi32>,
    %shift_right_logical3A_250 = arith.constant 2 : i32
    %shift_right_logical3A_251 = vector.broadcast %shift_right_logical3A_250 : i32 to vector<16xi32>
    %shift_right_logical3A_252 = arith.shrui %get3A_249, %shift_right_logical3A_251 : vector<16xi32>
    %swap3A_253 = arith.constant 3 : i32
    %swap3A_254 = arith.index_cast %swap3A_253 : i32 to index
    %swap3A_255 = arith.constant 0 : index
    %swap3A_256 = tpu.vector_load %arg6[%swap3A_254, %swap3A_255] {strides = array<i32>} : memref<8x128xi32, #tpu.memory_space<vmem>>, vector<16xi32>,
    tpu.vector_store %arg6[%swap3A_254, %swap3A_255], %shift_right_logical3A_252 {strides = array<i32>} : memref<8x128xi32, #tpu.memory_space<vmem>>, vector<16xi32>,
    %get3A_257 = arith.constant 400 : index
    %get3A_258 = tpu.vector_load %arg5[%get3A_257] {strides = array<i32>} : memref<1024xi32, #tpu.memory_space<vmem>>, vector<16xi32>,
    %shift_right_logical3A_259 = arith.constant 2 : i32
    %shift_right_logical3A_260 = vector.broadcast %shift_right_logical3A_259 : i32 to vector<16xi32>
    %shift_right_logical3A_261 = arith.shrui %get3A_258, %shift_right_logical3A_260 : vector<16xi32>
    %swap3A_262 = arith.constant 3 : i32
    %swap3A_263 = arith.index_cast %swap3A_262 : i32 to index
    %swap3A_264 = arith.constant 16 : index
    %swap3A_265 = tpu.vector_load %arg6[%swap3A_263, %swap3A_264] {strides = array<i32>} : memref<8x128xi32, #tpu.memory_space<vmem>>, vector<16xi32>,
    tpu.vector_store %arg6[%swap3A_263, %swap3A_264], %shift_right_logical3A_261 {strides = array<i32>} : memref<8x128xi32, #tpu.memory_space<vmem>>, vector<16xi32>,
    %get3A_266 = arith.constant 416 : index
    %get3A_267 = tpu.vector_load %arg5[%get3A_266] {strides = array<i32>} : memref<1024xi32, #tpu.memory_space<vmem>>, vector<16xi32>,
    %shift_right_logical3A_268 = arith.constant 2 : i32
    %shift_right_logical3A_269 = vector.broadcast %shift_right_logical3A_268 : i32 to vector<16xi32>
    %shift_right_logical3A_270 = arith.shrui %get3A_267, %shift_right_logical3A_269 : vector<16xi32>
    %swap3A_271 = arith.constant 3 : i32
    %swap3A_272 = arith.index_cast %swap3A_271 : i32 to index
    %swap3A_273 = arith.constant 32 : index
    %swap3A_274 = tpu.vector_load %arg6[%swap3A_272, %swap3A_273] {strides = array<i32>} : memref<8x128xi32, #tpu.memory_space<vmem>>, vector<16xi32>,
    tpu.vector_store %arg6[%swap3A_272, %swap3A_273], %shift_right_logical3A_270 {strides = array<i32>} : memref<8x128xi32, #tpu.memory_space<vmem>>, vector<16xi32>,
    %get3A_275 = arith.constant 432 : index
    %get3A_276 = tpu.vector_load %arg5[%get3A_275] {strides = array<i32>} : memref<1024xi32, #tpu.memory_space<vmem>>, vector<16xi32>,
    %shift_right_logical3A_277 = arith.constant 2 : i32
    %shift_right_logical3A_278 = vector.broadcast %shift_right_logical3A_277 : i32 to vector<16xi32>
    %shift_right_logical3A_279 = arith.shrui %get3A_276, %shift_right_logical3A_278 : vector<16xi32>
    %swap3A_280 = arith.constant 3 : i32
    %swap3A_281 = arith.index_cast %swap3A_280 : i32 to index
    %swap3A_282 = arith.constant 48 : index
    %swap3A_283 = tpu.vector_load %arg6[%swap3A_281, %swap3A_282] {strides = array<i32>} : memref<8x128xi32, #tpu.memory_space<vmem>>, vector<16xi32>,
    tpu.vector_store %arg6[%swap3A_281, %swap3A_282], %shift_right_logical3A_279 {strides = array<i32>} : memref<8x128xi32, #tpu.memory_space<vmem>>, vector<16xi32>,
    %get3A_284 = arith.constant 448 : index
    %get3A_285 = tpu.vector_load %arg5[%get3A_284] {strides = array<i32>} : memref<1024xi32, #tpu.memory_space<vmem>>, vector<16xi32>,
    %shift_right_logical3A_286 = arith.constant 2 : i32
    %shift_right_logical3A_287 = vector.broadcast %shift_right_logical3A_286 : i32 to vector<16xi32>
    %shift_right_logical3A_288 = arith.shrui %get3A_285, %shift_right_logical3A_287 : vector<16xi32>
    %swap3A_289 = arith.constant 3 : i32
    %swap3A_290 = arith.index_cast %swap3A_289 : i32 to index
    %swap3A_291 = arith.constant 64 : index
    %swap3A_292 = tpu.vector_load %arg6[%swap3A_290, %swap3A_291] {strides = array<i32>} : memref<8x128xi32, #tpu.memory_space<vmem>>, vector<16xi32>,
    tpu.vector_store %arg6[%swap3A_290, %swap3A_291], %shift_right_logical3A_288 {strides = array<i32>} : memref<8x128xi32, #tpu.memory_space<vmem>>, vector<16xi32>,
    %get3A_293 = arith.constant 464 : index
    %get3A_294 = tpu.vector_load %arg5[%get3A_293] {strides = array<i32>} : memref<1024xi32, #tpu.memory_space<vmem>>, vector<16xi32>,
    %shift_right_logical3A_295 = arith.constant 2 : i32
    %shift_right_logical3A_296 = vector.broadcast %shift_right_logical3A_295 : i32 to vector<16xi32>
    %shift_right_logical3A_297 = arith.shrui %get3A_294, %shift_right_logical3A_296 : vector<16xi32>
    %swap3A_298 = arith.constant 3 : i32
    %swap3A_299 = arith.index_cast %swap3A_298 : i32 to index
    %swap3A_300 = arith.constant 80 : index
    %swap3A_301 = tpu.vector_load %arg6[%swap3A_299, %swap3A_300] {strides = array<i32>} : memref<8x128xi32, #tpu.memory_space<vmem>>, vector<16xi32>,
    tpu.vector_store %arg6[%swap3A_299, %swap3A_300], %shift_right_logical3A_297 {strides = array<i32>} : memref<8x128xi32, #tpu.memory_space<vmem>>, vector<16xi32>,
    %get3A_302 = arith.constant 480 : index
    %get3A_303 = tpu.vector_load %arg5[%get3A_302] {strides = array<i32>} : memref<1024xi32, #tpu.memory_space<vmem>>, vector<16xi32>,
    %shift_right_logical3A_304 = arith.constant 2 : i32
    %shift_right_logical3A_305 = vector.broadcast %shift_right_logical3A_304 : i32 to vector<16xi32>
    %shift_right_logical3A_306 = arith.shrui %get3A_303, %shift_right_logical3A_305 : vector<16xi32>
    %swap3A_307 = arith.constant 3 : i32
    %swap3A_308 = arith.index_cast %swap3A_307 : i32 to index
    %swap3A_309 = arith.constant 96 : index
    %swap3A_310 = tpu.vector_load %arg6[%swap3A_308, %swap3A_309] {strides = array<i32>} : memref<8x128xi32, #tpu.memory_space<vmem>>, vector<16xi32>,
    tpu.vector_store %arg6[%swap3A_308, %swap3A_309], %shift_right_logical3A_306 {strides = array<i32>} : memref<8x128xi32, #tpu.memory_space<vmem>>, vector<16xi32>,
    %get3A_311 = arith.constant 496 : index
    %get3A_312 = tpu.vector_load %arg5[%get3A_311] {strides = array<i32>} : memref<1024xi32, #tpu.memory_space<vmem>>, vector<16xi32>,
    %shift_right_logical3A_313 = arith.constant 2 : i32
    %shift_right_logical3A_314 = vector.broadcast %shift_right_logical3A_313 : i32 to vector<16xi32>
    %shift_right_logical3A_315 = arith.shrui %get3A_312, %shift_right_logical3A_314 : vector<16xi32>
    %swap3A_316 = arith.constant 3 : i32
    %swap3A_317 = arith.index_cast %swap3A_316 : i32 to index
    %swap3A_318 = arith.constant 112 : index
    %swap3A_319 = tpu.vector_load %arg6[%swap3A_317, %swap3A_318] {strides = array<i32>} : memref<8x128xi32, #tpu.memory_space<vmem>>, vector<16xi32>,
    tpu.vector_store %arg6[%swap3A_317, %swap3A_318], %shift_right_logical3A_315 {strides = array<i32>} : memref<8x128xi32, #tpu.memory_space<vmem>>, vector<16xi32>,
    %get3A_320 = arith.constant 512 : index
    %get3A_321 = tpu.vector_load %arg5[%get3A_320] {strides = array<i32>} : memref<1024xi32, #tpu.memory_space<vmem>>, vector<16xi32>,
    %shift_right_logical3A_322 = arith.constant 2 : i32
    %shift_right_logical3A_323 = vector.broadcast %shift_right_logical3A_322 : i32 to vector<16xi32>
    %shift_right_logical3A_324 = arith.shrui %get3A_321, %shift_right_logical3A_323 : vector<16xi32>
    %swap3A_325 = arith.constant 4 : i32
    %swap3A_326 = arith.index_cast %swap3A_325 : i32 to index
    %swap3A_327 = arith.constant 0 : index
    %swap3A_328 = tpu.vector_load %arg6[%swap3A_326, %swap3A_327] {strides = array<i32>} : memref<8x128xi32, #tpu.memory_space<vmem>>, vector<16xi32>,
    tpu.vector_store %arg6[%swap3A_326, %swap3A_327], %shift_right_logical3A_324 {strides = array<i32>} : memref<8x128xi32, #tpu.memory_space<vmem>>, vector<16xi32>,
    %get3A_329 = arith.constant 528 : index
    %get3A_330 = tpu.vector_load %arg5[%get3A_329] {strides = array<i32>} : memref<1024xi32, #tpu.memory_space<vmem>>, vector<16xi32>,
    %shift_right_logical3A_331 = arith.constant 2 : i32
    %shift_right_logical3A_332 = vector.broadcast %shift_right_logical3A_331 : i32 to vector<16xi32>
    %shift_right_logical3A_333 = arith.shrui %get3A_330, %shift_right_logical3A_332 : vector<16xi32>
    %swap3A_334 = arith.constant 4 : i32
    %swap3A_335 = arith.index_cast %swap3A_334 : i32 to index
    %swap3A_336 = arith.constant 16 : index
    %swap3A_337 = tpu.vector_load %arg6[%swap3A_335, %swap3A_336] {strides = array<i32>} : memref<8x128xi32, #tpu.memory_space<vmem>>, vector<16xi32>,
    tpu.vector_store %arg6[%swap3A_335, %swap3A_336], %shift_right_logical3A_333 {strides = array<i32>} : memref<8x128xi32, #tpu.memory_space<vmem>>, vector<16xi32>,
    %get3A_338 = arith.constant 544 : index
    %get3A_339 = tpu.vector_load %arg5[%get3A_338] {strides = array<i32>} : memref<1024xi32, #tpu.memory_space<vmem>>, vector<16xi32>,
    %shift_right_logical3A_340 = arith.constant 2 : i32
    %shift_right_logical3A_341 = vector.broadcast %shift_right_logical3A_340 : i32 to vector<16xi32>
    %shift_right_logical3A_342 = arith.shrui %get3A_339, %shift_right_logical3A_341 : vector<16xi32>
    %swap3A_343 = arith.constant 4 : i32
    %swap3A_344 = arith.index_cast %swap3A_343 : i32 to index
    %swap3A_345 = arith.constant 32 : index
    %swap3A_346 = tpu.vector_load %arg6[%swap3A_344, %swap3A_345] {strides = array<i32>} : memref<8x128xi32, #tpu.memory_space<vmem>>, vector<16xi32>,
    tpu.vector_store %arg6[%swap3A_344, %swap3A_345], %shift_right_logical3A_342 {strides = array<i32>} : memref<8x128xi32, #tpu.memory_space<vmem>>, vector<16xi32>,
    %get3A_347 = arith.constant 560 : index
    %get3A_348 = tpu.vector_load %arg5[%get3A_347] {strides = array<i32>} : memref<1024xi32, #tpu.memory_space<vmem>>, vector<16xi32>,
    %shift_right_logical3A_349 = arith.constant 2 : i32
    %shift_right_logical3A_350 = vector.broadcast %shift_right_logical3A_349 : i32 to vector<16xi32>
    %shift_right_logical3A_351 = arith.shrui %get3A_348, %shift_right_logical3A_350 : vector<16xi32>
    %swap3A_352 = arith.constant 4 : i32
    %swap3A_353 = arith.index_cast %swap3A_352 : i32 to index
    %swap3A_354 = arith.constant 48 : index
    %swap3A_355 = tpu.vector_load %arg6[%swap3A_353, %swap3A_354] {strides = array<i32>} : memref<8x128xi32, #tpu.memory_space<vmem>>, vector<16xi32>,
    tpu.vector_store %arg6[%swap3A_353, %swap3A_354], %shift_right_logical3A_351 {strides = array<i32>} : memref<8x128xi32, #tpu.memory_space<vmem>>, vector<16xi32>,
    %get3A_356 = arith.constant 576 : index
    %get3A_357 = tpu.vector_load %arg5[%get3A_356] {strides = array<i32>} : memref<1024xi32, #tpu.memory_space<vmem>>, vector<16xi32>,
    %shift_right_logical3A_358 = arith.constant 2 : i32
    %shift_right_logical3A_359 = vector.broadcast %shift_right_logical3A_358 : i32 to vector<16xi32>
    %shift_right_logical3A_360 = arith.shrui %get3A_357, %shift_right_logical3A_359 : vector<16xi32>
    %swap3A_361 = arith.constant 4 : i32
    %swap3A_362 = arith.index_cast %swap3A_361 : i32 to index
    %swap3A_363 = arith.constant 64 : index
    %swap3A_364 = tpu.vector_load %arg6[%swap3A_362, %swap3A_363] {strides = array<i32>} : memref<8x128xi32, #tpu.memory_space<vmem>>, vector<16xi32>,
    tpu.vector_store %arg6[%swap3A_362, %swap3A_363], %shift_right_logical3A_360 {strides = array<i32>} : memref<8x128xi32, #tpu.memory_space<vmem>>, vector<16xi32>,
    %get3A_365 = arith.constant 592 : index
    %get3A_366 = tpu.vector_load %arg5[%get3A_365] {strides = array<i32>} : memref<1024xi32, #tpu.memory_space<vmem>>, vector<16xi32>,
    %shift_right_logical3A_367 = arith.constant 2 : i32
    %shift_right_logical3A_368 = vector.broadcast %shift_right_logical3A_367 : i32 to vector<16xi32>
    %shift_right_logical3A_369 = arith.shrui %get3A_366, %shift_right_logical3A_368 : vector<16xi32>
    %swap3A_370 = arith.constant 4 : i32
    %swap3A_371 = arith.index_cast %swap3A_370 : i32 to index
    %swap3A_372 = arith.constant 80 : index
    %swap3A_373 = tpu.vector_load %arg6[%swap3A_371, %swap3A_372] {strides = array<i32>} : memref<8x128xi32, #tpu.memory_space<vmem>>, vector<16xi32>,
    tpu.vector_store %arg6[%swap3A_371, %swap3A_372], %shift_right_logical3A_369 {strides = array<i32>} : memref<8x128xi32, #tpu.memory_space<vmem>>, vector<16xi32>,
    %get3A_374 = arith.constant 608 : index
    %get3A_375 = tpu.vector_load %arg5[%get3A_374] {strides = array<i32>} : memref<1024xi32, #tpu.memory_space<vmem>>, vector<16xi32>,
    %shift_right_logical3A_376 = arith.constant 2 : i32
    %shift_right_logical3A_377 = vector.broadcast %shift_right_logical3A_376 : i32 to vector<16xi32>
    %shift_right_logical3A_378 = arith.shrui %get3A_375, %shift_right_logical3A_377 : vector<16xi32>
    %swap3A_379 = arith.constant 4 : i32
    %swap3A_380 = arith.index_cast %swap3A_379 : i32 to index
    %swap3A_381 = arith.constant 96 : index
    %swap3A_382 = tpu.vector_load %arg6[%swap3A_380, %swap3A_381] {strides = array<i32>} : memref<8x128xi32, #tpu.memory_space<vmem>>, vector<16xi32>,
    tpu.vector_store %arg6[%swap3A_380, %swap3A_381], %shift_right_logical3A_378 {strides = array<i32>} : memref<8x128xi32, #tpu.memory_space<vmem>>, vector<16xi32>,
    %get3A_383 = arith.constant 624 : index
    %get3A_384 = tpu.vector_load %arg5[%get3A_383] {strides = array<i32>} : memref<1024xi32, #tpu.memory_space<vmem>>, vector<16xi32>,
    %shift_right_logical3A_385 = arith.constant 2 : i32
    %shift_right_logical3A_386 = vector.broadcast %shift_right_logical3A_385 : i32 to vector<16xi32>
    %shift_right_logical3A_387 = arith.shrui %get3A_384, %shift_right_logical3A_386 : vector<16xi32>
    %swap3A_388 = arith.constant 4 : i32
    %swap3A_389 = arith.index_cast %swap3A_388 : i32 to index
    %swap3A_390 = arith.constant 112 : index
    %swap3A_391 = tpu.vector_load %arg6[%swap3A_389, %swap3A_390] {strides = array<i32>} : memref<8x128xi32, #tpu.memory_space<vmem>>, vector<16xi32>,
    tpu.vector_store %arg6[%swap3A_389, %swap3A_390], %shift_right_logical3A_387 {strides = array<i32>} : memref<8x128xi32, #tpu.memory_space<vmem>>, vector<16xi32>,
    %get3A_392 = arith.constant 640 : index
    %get3A_393 = tpu.vector_load %arg5[%get3A_392] {strides = array<i32>} : memref<1024xi32, #tpu.memory_space<vmem>>, vector<16xi32>,
    %shift_right_logical3A_394 = arith.constant 2 : i32
    %shift_right_logical3A_395 = vector.broadcast %shift_right_logical3A_394 : i32 to vector<16xi32>
    %shift_right_logical3A_396 = arith.shrui %get3A_393, %shift_right_logical3A_395 : vector<16xi32>
    %swap3A_397 = arith.constant 5 : i32
    %swap3A_398 = arith.index_cast %swap3A_397 : i32 to index
    %swap3A_399 = arith.constant 0 : index
    %swap3A_400 = tpu.vector_load %arg6[%swap3A_398, %swap3A_399] {strides = array<i32>} : memref<8x128xi32, #tpu.memory_space<vmem>>, vector<16xi32>,
    tpu.vector_store %arg6[%swap3A_398, %swap3A_399], %shift_right_logical3A_396 {strides = array<i32>} : memref<8x128xi32, #tpu.memory_space<vmem>>, vector<16xi32>,
    %get3A_401 = arith.constant 656 : index
    %get3A_402 = tpu.vector_load %arg5[%get3A_401] {strides = array<i32>} : memref<1024xi32, #tpu.memory_space<vmem>>, vector<16xi32>,
    %shift_right_logical3A_403 = arith.constant 2 : i32
    %shift_right_logical3A_404 = vector.broadcast %shift_right_logical3A_403 : i32 to vector<16xi32>
    %shift_right_logical3A_405 = arith.shrui %get3A_402, %shift_right_logical3A_404 : vector<16xi32>
    %swap3A_406 = arith.constant 5 : i32
    %swap3A_407 = arith.index_cast %swap3A_406 : i32 to index
    %swap3A_408 = arith.constant 16 : index
    %swap3A_409 = tpu.vector_load %arg6[%swap3A_407, %swap3A_408] {strides = array<i32>} : memref<8x128xi32, #tpu.memory_space<vmem>>, vector<16xi32>,
    tpu.vector_store %arg6[%swap3A_407, %swap3A_408], %shift_right_logical3A_405 {strides = array<i32>} : memref<8x128xi32, #tpu.memory_space<vmem>>, vector<16xi32>,
    %get3A_410 = arith.constant 672 : index
    %get3A_411 = tpu.vector_load %arg5[%get3A_410] {strides = array<i32>} : memref<1024xi32, #tpu.memory_space<vmem>>, vector<16xi32>,
    %shift_right_logical3A_412 = arith.constant 2 : i32
    %shift_right_logical3A_413 = vector.broadcast %shift_right_logical3A_412 : i32 to vector<16xi32>
    %shift_right_logical3A_414 = arith.shrui %get3A_411, %shift_right_logical3A_413 : vector<16xi32>
    %swap3A_415 = arith.constant 5 : i32
    %swap3A_416 = arith.index_cast %swap3A_415 : i32 to index
    %swap3A_417 = arith.constant 32 : index
    %swap3A_418 = tpu.vector_load %arg6[%swap3A_416, %swap3A_417] {strides = array<i32>} : memref<8x128xi32, #tpu.memory_space<vmem>>, vector<16xi32>,
    tpu.vector_store %arg6[%swap3A_416, %swap3A_417], %shift_right_logical3A_414 {strides = array<i32>} : memref<8x128xi32, #tpu.memory_space<vmem>>, vector<16xi32>,
    %get3A_419 = arith.constant 688 : index
    %get3A_420 = tpu.vector_load %arg5[%get3A_419] {strides = array<i32>} : memref<1024xi32, #tpu.memory_space<vmem>>, vector<16xi32>,
    %shift_right_logical3A_421 = arith.constant 2 : i32
    %shift_right_logical3A_422 = vector.broadcast %shift_right_logical3A_421 : i32 to vector<16xi32>
    %shift_right_logical3A_423 = arith.shrui %get3A_420, %shift_right_logical3A_422 : vector<16xi32>
    %swap3A_424 = arith.constant 5 : i32
    %swap3A_425 = arith.index_cast %swap3A_424 : i32 to index
    %swap3A_426 = arith.constant 48 : index
    %swap3A_427 = tpu.vector_load %arg6[%swap3A_425, %swap3A_426] {strides = array<i32>} : memref<8x128xi32, #tpu.memory_space<vmem>>, vector<16xi32>,
    tpu.vector_store %arg6[%swap3A_425, %swap3A_426], %shift_right_logical3A_423 {strides = array<i32>} : memref<8x128xi32, #tpu.memory_space<vmem>>, vector<16xi32>,
    %get3A_428 = arith.constant 704 : index
    %get3A_429 = tpu.vector_load %arg5[%get3A_428] {strides = array<i32>} : memref<1024xi32, #tpu.memory_space<vmem>>, vector<16xi32>,
    %shift_right_logical3A_430 = arith.constant 2 : i32
    %shift_right_logical3A_431 = vector.broadcast %shift_right_logical3A_430 : i32 to vector<16xi32>
    %shift_right_logical3A_432 = arith.shrui %get3A_429, %shift_right_logical3A_431 : vector<16xi32>
    %swap3A_433 = arith.constant 5 : i32
    %swap3A_434 = arith.index_cast %swap3A_433 : i32 to index
    %swap3A_435 = arith.constant 64 : index
    %swap3A_436 = tpu.vector_load %arg6[%swap3A_434, %swap3A_435] {strides = array<i32>} : memref<8x128xi32, #tpu.memory_space<vmem>>, vector<16xi32>,
    tpu.vector_store %arg6[%swap3A_434, %swap3A_435], %shift_right_logical3A_432 {strides = array<i32>} : memref<8x128xi32, #tpu.memory_space<vmem>>, vector<16xi32>,
    %get3A_437 = arith.constant 720 : index
    %get3A_438 = tpu.vector_load %arg5[%get3A_437] {strides = array<i32>} : memref<1024xi32, #tpu.memory_space<vmem>>, vector<16xi32>,
    %shift_right_logical3A_439 = arith.constant 2 : i32
    %shift_right_logical3A_440 = vector.broadcast %shift_right_logical3A_439 : i32 to vector<16xi32>
    %shift_right_logical3A_441 = arith.shrui %get3A_438, %shift_right_logical3A_440 : vector<16xi32>
    %swap3A_442 = arith.constant 5 : i32
    %swap3A_443 = arith.index_cast %swap3A_442 : i32 to index
    %swap3A_444 = arith.constant 80 : index
    %swap3A_445 = tpu.vector_load %arg6[%swap3A_443, %swap3A_444] {strides = array<i32>} : memref<8x128xi32, #tpu.memory_space<vmem>>, vector<16xi32>,
    tpu.vector_store %arg6[%swap3A_443, %swap3A_444], %shift_right_logical3A_441 {strides = array<i32>} : memref<8x128xi32, #tpu.memory_space<vmem>>, vector<16xi32>,
    %get3A_446 = arith.constant 736 : index
    %get3A_447 = tpu.vector_load %arg5[%get3A_446] {strides = array<i32>} : memref<1024xi32, #tpu.memory_space<vmem>>, vector<16xi32>,
    %shift_right_logical3A_448 = arith.constant 2 : i32
    %shift_right_logical3A_449 = vector.broadcast %shift_right_logical3A_448 : i32 to vector<16xi32>
    %shift_right_logical3A_450 = arith.shrui %get3A_447, %shift_right_logical3A_449 : vector<16xi32>
    %swap3A_451 = arith.constant 5 : i32
    %swap3A_452 = arith.index_cast %swap3A_451 : i32 to index
    %swap3A_453 = arith.constant 96 : index
    %swap3A_454 = tpu.vector_load %arg6[%swap3A_452, %swap3A_453] {strides = array<i32>} : memref<8x128xi32, #tpu.memory_space<vmem>>, vector<16xi32>,
    tpu.vector_store %arg6[%swap3A_452, %swap3A_453], %shift_right_logical3A_450 {strides = array<i32>} : memref<8x128xi32, #tpu.memory_space<vmem>>, vector<16xi32>,
    %get3A_455 = arith.constant 752 : index
    %get3A_456 = tpu.vector_load %arg5[%get3A_455] {strides = array<i32>} : memref<1024xi32, #tpu.memory_space<vmem>>, vector<16xi32>,
    %shift_right_logical3A_457 = arith.constant 2 : i32
    %shift_right_logical3A_458 = vector.broadcast %shift_right_logical3A_457 : i32 to vector<16xi32>
    %shift_right_logical3A_459 = arith.shrui %get3A_456, %shift_right_logical3A_458 : vector<16xi32>
    %swap3A_460 = arith.constant 5 : i32
    %swap3A_461 = arith.index_cast %swap3A_460 : i32 to index
    %swap3A_462 = arith.constant 112 : index
    %swap3A_463 = tpu.vector_load %arg6[%swap3A_461, %swap3A_462] {strides = array<i32>} : memref<8x128xi32, #tpu.memory_space<vmem>>, vector<16xi32>,
    tpu.vector_store %arg6[%swap3A_461, %swap3A_462], %shift_right_logical3A_459 {strides = array<i32>} : memref<8x128xi32, #tpu.memory_space<vmem>>, vector<16xi32>,
    %get3A_464 = arith.constant 768 : index
    %get3A_465 = tpu.vector_load %arg5[%get3A_464] {strides = array<i32>} : memref<1024xi32, #tpu.memory_space<vmem>>, vector<16xi32>,
    %shift_right_logical3A_466 = arith.constant 2 : i32
    %shift_right_logical3A_467 = vector.broadcast %shift_right_logical3A_466 : i32 to vector<16xi32>
    %shift_right_logical3A_468 = arith.shrui %get3A_465, %shift_right_logical3A_467 : vector<16xi32>
    %swap3A_469 = arith.constant 6 : i32
    %swap3A_470 = arith.index_cast %swap3A_469 : i32 to index
    %swap3A_471 = arith.constant 0 : index
    %swap3A_472 = tpu.vector_load %arg6[%swap3A_470, %swap3A_471] {strides = array<i32>} : memref<8x128xi32, #tpu.memory_space<vmem>>, vector<16xi32>,
    tpu.vector_store %arg6[%swap3A_470, %swap3A_471], %shift_right_logical3A_468 {strides = array<i32>} : memref<8x128xi32, #tpu.memory_space<vmem>>, vector<16xi32>,
    %get3A_473 = arith.constant 784 : index
    %get3A_474 = tpu.vector_load %arg5[%get3A_473] {strides = array<i32>} : memref<1024xi32, #tpu.memory_space<vmem>>, vector<16xi32>,
    %shift_right_logical3A_475 = arith.constant 2 : i32
    %shift_right_logical3A_476 = vector.broadcast %shift_right_logical3A_475 : i32 to vector<16xi32>
    %shift_right_logical3A_477 = arith.shrui %get3A_474, %shift_right_logical3A_476 : vector<16xi32>
    %swap3A_478 = arith.constant 6 : i32
    %swap3A_479 = arith.index_cast %swap3A_478 : i32 to index
    %swap3A_480 = arith.constant 16 : index
    %swap3A_481 = tpu.vector_load %arg6[%swap3A_479, %swap3A_480] {strides = array<i32>} : memref<8x128xi32, #tpu.memory_space<vmem>>, vector<16xi32>,
    tpu.vector_store %arg6[%swap3A_479, %swap3A_480], %shift_right_logical3A_477 {strides = array<i32>} : memref<8x128xi32, #tpu.memory_space<vmem>>, vector<16xi32>,
    %get3A_482 = arith.constant 800 : index
    %get3A_483 = tpu.vector_load %arg5[%get3A_482] {strides = array<i32>} : memref<1024xi32, #tpu.memory_space<vmem>>, vector<16xi32>,
    %shift_right_logical3A_484 = arith.constant 2 : i32
    %shift_right_logical3A_485 = vector.broadcast %shift_right_logical3A_484 : i32 to vector<16xi32>
    %shift_right_logical3A_486 = arith.shrui %get3A_483, %shift_right_logical3A_485 : vector<16xi32>
    %swap3A_487 = arith.constant 6 : i32
    %swap3A_488 = arith.index_cast %swap3A_487 : i32 to index
    %swap3A_489 = arith.constant 32 : index
    %swap3A_490 = tpu.vector_load %arg6[%swap3A_488, %swap3A_489] {strides = array<i32>} : memref<8x128xi32, #tpu.memory_space<vmem>>, vector<16xi32>,
    tpu.vector_store %arg6[%swap3A_488, %swap3A_489], %shift_right_logical3A_486 {strides = array<i32>} : memref<8x128xi32, #tpu.memory_space<vmem>>, vector<16xi32>,
    %get3A_491 = arith.constant 816 : index
    %get3A_492 = tpu.vector_load %arg5[%get3A_491] {strides = array<i32>} : memref<1024xi32, #tpu.memory_space<vmem>>, vector<16xi32>,
    %shift_right_logical3A_493 = arith.constant 2 : i32
    %shift_right_logical3A_494 = vector.broadcast %shift_right_logical3A_493 : i32 to vector<16xi32>
    %shift_right_logical3A_495 = arith.shrui %get3A_492, %shift_right_logical3A_494 : vector<16xi32>
    %swap3A_496 = arith.constant 6 : i32
    %swap3A_497 = arith.index_cast %swap3A_496 : i32 to index
    %swap3A_498 = arith.constant 48 : index
    %swap3A_499 = tpu.vector_load %arg6[%swap3A_497, %swap3A_498] {strides = array<i32>} : memref<8x128xi32, #tpu.memory_space<vmem>>, vector<16xi32>,
    tpu.vector_store %arg6[%swap3A_497, %swap3A_498], %shift_right_logical3A_495 {strides = array<i32>} : memref<8x128xi32, #tpu.memory_space<vmem>>, vector<16xi32>,
    %get3A_500 = arith.constant 832 : index
    %get3A_501 = tpu.vector_load %arg5[%get3A_500] {strides = array<i32>} : memref<1024xi32, #tpu.memory_space<vmem>>, vector<16xi32>,
    %shift_right_logical3A_502 = arith.constant 2 : i32
    %shift_right_logical3A_503 = vector.broadcast %shift_right_logical3A_502 : i32 to vector<16xi32>
    %shift_right_logical3A_504 = arith.shrui %get3A_501, %shift_right_logical3A_503 : vector<16xi32>
    %swap3A_505 = arith.constant 6 : i32
    %swap3A_506 = arith.index_cast %swap3A_505 : i32 to index
    %swap3A_507 = arith.constant 64 : index
    %swap3A_508 = tpu.vector_load %arg6[%swap3A_506, %swap3A_507] {strides = array<i32>} : memref<8x128xi32, #tpu.memory_space<vmem>>, vector<16xi32>,
    tpu.vector_store %arg6[%swap3A_506, %swap3A_507], %shift_right_logical3A_504 {strides = array<i32>} : memref<8x128xi32, #tpu.memory_space<vmem>>, vector<16xi32>,
    %get3A_509 = arith.constant 848 : index
    %get3A_510 = tpu.vector_load %arg5[%get3A_509] {strides = array<i32>} : memref<1024xi32, #tpu.memory_space<vmem>>, vector<16xi32>,
    %shift_right_logical3A_511 = arith.constant 2 : i32
    %shift_right_logical3A_512 = vector.broadcast %shift_right_logical3A_511 : i32 to vector<16xi32>
    %shift_right_logical3A_513 = arith.shrui %get3A_510, %shift_right_logical3A_512 : vector<16xi32>
    %swap3A_514 = arith.constant 6 : i32
    %swap3A_515 = arith.index_cast %swap3A_514 : i32 to index
    %swap3A_516 = arith.constant 80 : index
    %swap3A_517 = tpu.vector_load %arg6[%swap3A_515, %swap3A_516] {strides = array<i32>} : memref<8x128xi32, #tpu.memory_space<vmem>>, vector<16xi32>,
    tpu.vector_store %arg6[%swap3A_515, %swap3A_516], %shift_right_logical3A_513 {strides = array<i32>} : memref<8x128xi32, #tpu.memory_space<vmem>>, vector<16xi32>,
    %get3A_518 = arith.constant 864 : index
    %get3A_519 = tpu.vector_load %arg5[%get3A_518] {strides = array<i32>} : memref<1024xi32, #tpu.memory_space<vmem>>, vector<16xi32>,
    %shift_right_logical3A_520 = arith.constant 2 : i32
    %shift_right_logical3A_521 = vector.broadcast %shift_right_logical3A_520 : i32 to vector<16xi32>
    %shift_right_logical3A_522 = arith.shrui %get3A_519, %shift_right_logical3A_521 : vector<16xi32>
    %swap3A_523 = arith.constant 6 : i32
    %swap3A_524 = arith.index_cast %swap3A_523 : i32 to index
    %swap3A_525 = arith.constant 96 : index
    %swap3A_526 = tpu.vector_load %arg6[%swap3A_524, %swap3A_525] {strides = array<i32>} : memref<8x128xi32, #tpu.memory_space<vmem>>, vector<16xi32>,
    tpu.vector_store %arg6[%swap3A_524, %swap3A_525], %shift_right_logical3A_522 {strides = array<i32>} : memref<8x128xi32, #tpu.memory_space<vmem>>, vector<16xi32>,
    %get3A_527 = arith.constant 880 : index
    %get3A_528 = tpu.vector_load %arg5[%get3A_527] {strides = array<i32>} : memref<1024xi32, #tpu.memory_space<vmem>>, vector<16xi32>,
    %shift_right_logical3A_529 = arith.constant 2 : i32
    %shift_right_logical3A_530 = vector.broadcast %shift_right_logical3A_529 : i32 to vector<16xi32>
    %shift_right_logical3A_531 = arith.shrui %get3A_528, %shift_right_logical3A_530 : vector<16xi32>
    %swap3A_532 = arith.constant 6 : i32
    %swap3A_533 = arith.index_cast %swap3A_532 : i32 to index
    %swap3A_534 = arith.constant 112 : index
    %swap3A_535 = tpu.vector_load %arg6[%swap3A_533, %swap3A_534] {strides = array<i32>} : memref<8x128xi32, #tpu.memory_space<vmem>>, vector<16xi32>,
    tpu.vector_store %arg6[%swap3A_533, %swap3A_534], %shift_right_logical3A_531 {strides = array<i32>} : memref<8x128xi32, #tpu.memory_space<vmem>>, vector<16xi32>,
    %get3A_536 = arith.constant 896 : index
    %get3A_537 = tpu.vector_load %arg5[%get3A_536] {strides = array<i32>} : memref<1024xi32, #tpu.memory_space<vmem>>, vector<16xi32>,
    %shift_right_logical3A_538 = arith.constant 2 : i32
    %shift_right_logical3A_539 = vector.broadcast %shift_right_logical3A_538 : i32 to vector<16xi32>
    %shift_right_logical3A_540 = arith.shrui %get3A_537, %shift_right_logical3A_539 : vector<16xi32>
    %swap3A_541 = arith.constant 7 : i32
    %swap3A_542 = arith.index_cast %swap3A_541 : i32 to index
    %swap3A_543 = arith.constant 0 : index
    %swap3A_544 = tpu.vector_load %arg6[%swap3A_542, %swap3A_543] {strides = array<i32>} : memref<8x128xi32, #tpu.memory_space<vmem>>, vector<16xi32>,
    tpu.vector_store %arg6[%swap3A_542, %swap3A_543], %shift_right_logical3A_540 {strides = array<i32>} : memref<8x128xi32, #tpu.memory_space<vmem>>, vector<16xi32>,
    %get3A_545 = arith.constant 912 : index
    %get3A_546 = tpu.vector_load %arg5[%get3A_545] {strides = array<i32>} : memref<1024xi32, #tpu.memory_space<vmem>>, vector<16xi32>,
    %shift_right_logical3A_547 = arith.constant 2 : i32
    %shift_right_logical3A_548 = vector.broadcast %shift_right_logical3A_547 : i32 to vector<16xi32>
    %shift_right_logical3A_549 = arith.shrui %get3A_546, %shift_right_logical3A_548 : vector<16xi32>
    %swap3A_550 = arith.constant 7 : i32
    %swap3A_551 = arith.index_cast %swap3A_550 : i32 to index
    %swap3A_552 = arith.constant 16 : index
    %swap3A_553 = tpu.vector_load %arg6[%swap3A_551, %swap3A_552] {strides = array<i32>} : memref<8x128xi32, #tpu.memory_space<vmem>>, vector<16xi32>,
    tpu.vector_store %arg6[%swap3A_551, %swap3A_552], %shift_right_logical3A_549 {strides = array<i32>} : memref<8x128xi32, #tpu.memory_space<vmem>>, vector<16xi32>,
    %get3A_554 = arith.constant 928 : index
    %get3A_555 = tpu.vector_load %arg5[%get3A_554] {strides = array<i32>} : memref<1024xi32, #tpu.memory_space<vmem>>, vector<16xi32>,
    %shift_right_logical3A_556 = arith.constant 2 : i32
    %shift_right_logical3A_557 = vector.broadcast %shift_right_logical3A_556 : i32 to vector<16xi32>
    %shift_right_logical3A_558 = arith.shrui %get3A_555, %shift_right_logical3A_557 : vector<16xi32>
    %swap3A_559 = arith.constant 7 : i32
    %swap3A_560 = arith.index_cast %swap3A_559 : i32 to index
    %swap3A_561 = arith.constant 32 : index
    %swap3A_562 = tpu.vector_load %arg6[%swap3A_560, %swap3A_561] {strides = array<i32>} : memref<8x128xi32, #tpu.memory_space<vmem>>, vector<16xi32>,
    tpu.vector_store %arg6[%swap3A_560, %swap3A_561], %shift_right_logical3A_558 {strides = array<i32>} : memref<8x128xi32, #tpu.memory_space<vmem>>, vector<16xi32>,
    %get3A_563 = arith.constant 944 : index
    %get3A_564 = tpu.vector_load %arg5[%get3A_563] {strides = array<i32>} : memref<1024xi32, #tpu.memory_space<vmem>>, vector<16xi32>,
    %shift_right_logical3A_565 = arith.constant 2 : i32
    %shift_right_logical3A_566 = vector.broadcast %shift_right_logical3A_565 : i32 to vector<16xi32>
    %shift_right_logical3A_567 = arith.shrui %get3A_564, %shift_right_logical3A_566 : vector<16xi32>
    %swap3A_568 = arith.constant 7 : i32
    %swap3A_569 = arith.index_cast %swap3A_568 : i32 to index
    %swap3A_570 = arith.constant 48 : index
    %swap3A_571 = tpu.vector_load %arg6[%swap3A_569, %swap3A_570] {strides = array<i32>} : memref<8x128xi32, #tpu.memory_space<vmem>>, vector<16xi32>,
    tpu.vector_store %arg6[%swap3A_569, %swap3A_570], %shift_right_logical3A_567 {strides = array<i32>} : memref<8x128xi32, #tpu.memory_space<vmem>>, vector<16xi32>,
    %get3A_572 = arith.constant 960 : index
    %get3A_573 = tpu.vector_load %arg5[%get3A_572] {strides = array<i32>} : memref<1024xi32, #tpu.memory_space<vmem>>, vector<16xi32>,
    %shift_right_logical3A_574 = arith.constant 2 : i32
    %shift_right_logical3A_575 = vector.broadcast %shift_right_logical3A_574 : i32 to vector<16xi32>
    %shift_right_logical3A_576 = arith.shrui %get3A_573, %shift_right_logical3A_575 : vector<16xi32>
    %swap3A_577 = arith.constant 7 : i32
    %swap3A_578 = arith.index_cast %swap3A_577 : i32 to index
    %swap3A_579 = arith.constant 64 : index
    %swap3A_580 = tpu.vector_load %arg6[%swap3A_578, %swap3A_579] {strides = array<i32>} : memref<8x128xi32, #tpu.memory_space<vmem>>, vector<16xi32>,
    tpu.vector_store %arg6[%swap3A_578, %swap3A_579], %shift_right_logical3A_576 {strides = array<i32>} : memref<8x128xi32, #tpu.memory_space<vmem>>, vector<16xi32>,
    %get3A_581 = arith.constant 976 : index
    %get3A_582 = tpu.vector_load %arg5[%get3A_581] {strides = array<i32>} : memref<1024xi32, #tpu.memory_space<vmem>>, vector<16xi32>,
    %shift_right_logical3A_583 = arith.constant 2 : i32
    %shift_right_logical3A_584 = vector.broadcast %shift_right_logical3A_583 : i32 to vector<16xi32>
    %shift_right_logical3A_585 = arith.shrui %get3A_582, %shift_right_logical3A_584 : vector<16xi32>
    %swap3A_586 = arith.constant 7 : i32
    %swap3A_587 = arith.index_cast %swap3A_586 : i32 to index
    %swap3A_588 = arith.constant 80 : index
    %swap3A_589 = tpu.vector_load %arg6[%swap3A_587, %swap3A_588] {strides = array<i32>} : memref<8x128xi32, #tpu.memory_space<vmem>>, vector<16xi32>,
    tpu.vector_store %arg6[%swap3A_587, %swap3A_588], %shift_right_logical3A_585 {strides = array<i32>} : memref<8x128xi32, #tpu.memory_space<vmem>>, vector<16xi32>,
    %get3A_590 = arith.constant 992 : index
    %get3A_591 = tpu.vector_load %arg5[%get3A_590] {strides = array<i32>} : memref<1024xi32, #tpu.memory_space<vmem>>, vector<16xi32>,
    %shift_right_logical3A_592 = arith.constant 2 : i32
    %shift_right_logical3A_593 = vector.broadcast %shift_right_logical3A_592 : i32 to vector<16xi32>
    %shift_right_logical3A_594 = arith.shrui %get3A_591, %shift_right_logical3A_593 : vector<16xi32>
    %swap3A_595 = arith.constant 7 : i32
    %swap3A_596 = arith.index_cast %swap3A_595 : i32 to index
    %swap3A_597 = arith.constant 96 : index
    %swap3A_598 = tpu.vector_load %arg6[%swap3A_596, %swap3A_597] {strides = array<i32>} : memref<8x128xi32, #tpu.memory_space<vmem>>, vector<16xi32>,
    tpu.vector_store %arg6[%swap3A_596, %swap3A_597], %shift_right_logical3A_594 {strides = array<i32>} : memref<8x128xi32, #tpu.memory_space<vmem>>, vector<16xi32>,
    %get3A_599 = arith.constant 1008 : index
    %get3A_600 = tpu.vector_load %arg5[%get3A_599] {strides = array<i32>} : memref<1024xi32, #tpu.memory_space<vmem>>, vector<16xi32>,
    %shift_right_logical3A_601 = arith.constant 2 : i32
    %shift_right_logical3A_602 = vector.broadcast %shift_right_logical3A_601 : i32 to vector<16xi32>
    %shift_right_logical3A_603 = arith.shrui %get3A_600, %shift_right_logical3A_602 : vector<16xi32>
    %swap3A_604 = arith.constant 7 : i32
    %swap3A_605 = arith.index_cast %swap3A_604 : i32 to index
    %swap3A_606 = arith.constant 112 : index
    %swap3A_607 = tpu.vector_load %arg6[%swap3A_605, %swap3A_606] {strides = array<i32>} : memref<8x128xi32, #tpu.memory_space<vmem>>, vector<16xi32>,
    tpu.vector_store %arg6[%swap3A_605, %swap3A_606], %shift_right_logical3A_603 {strides = array<i32>} : memref<8x128xi32, #tpu.memory_space<vmem>>, vector<16xi32>,
    %dma_start3A = arith.constant 0 : i32
    %dma_start3A_608 = arith.constant 0 : i32
    %dma_start3A_609 = tpu.memref_slice %arg6[%dma_start3A, %dma_start3A_608] : memref<8x128xi32, #tpu.memory_space<vmem>> -> memref<1x128xi32, #tpu.memory_space<vmem>>
    %dma_start3A_610 = tpu.memref_squeeze %dma_start3A_609 : memref<1x128xi32, #tpu.memory_space<vmem>> -> memref<128xi32, #tpu.memory_space<vmem>>
    %dma_start3A_611 = arith.constant 0 : i32
    %dma_start3A_612 = arith.constant 0 : i32
    %dma_start3A_613 = tpu.memref_slice %arg3[%dma_start3A_611, %dma_start3A_612] : memref<250000x128xf32, #tpu.memory_space<hbm>> -> memref<250000x128xf32, #tpu.memory_space<hbm>>
    tpu.enqueue_indirect_dma source(%dma_start3A_613 : memref<250000x128xf32, #tpu.memory_space<hbm>>) target(%arg7 : memref<128x128xf32, #tpu.memory_space<vmem>>) offsets(%dma_start3A_610 : memref<128xi32, #tpu.memory_space<vmem>>) semaphore(%arg10 : memref<!tpu.dma_semaphore, #tpu.memory_space<semaphore_mem>>)
    %iota3A = tpu.iota {dimensions = array<i32: 0>} : vector<16xi32>
    %dma_start3A_614 = arith.constant 1 : i32
    %dma_start3A_615 = arith.constant 0 : i32
    %dma_start3A_616 = tpu.memref_slice %arg6[%dma_start3A_614, %dma_start3A_615] : memref<8x128xi32, #tpu.memory_space<vmem>> -> memref<1x128xi32, #tpu.memory_space<vmem>>
    %dma_start3A_617 = tpu.memref_squeeze %dma_start3A_616 : memref<1x128xi32, #tpu.memory_space<vmem>> -> memref<128xi32, #tpu.memory_space<vmem>>
    %dma_start3A_618 = arith.constant 0 : i32
    %dma_start3A_619 = arith.constant 0 : i32
    %dma_start3A_620 = tpu.memref_slice %arg3[%dma_start3A_618, %dma_start3A_619] : memref<250000x128xf32, #tpu.memory_space<hbm>> -> memref<250000x128xf32, #tpu.memory_space<hbm>>
    tpu.enqueue_indirect_dma source(%dma_start3A_620 : memref<250000x128xf32, #tpu.memory_space<hbm>>) target(%arg8 : memref<128x128xf32, #tpu.memory_space<vmem>>) offsets(%dma_start3A_617 : memref<128xi32, #tpu.memory_space<vmem>>) semaphore(%arg11 : memref<!tpu.dma_semaphore, #tpu.memory_space<semaphore_mem>>)
    %dma_wait3A = arith.constant 0 : i32
    %dma_wait3A_621 = arith.constant 0 : i32
    %dma_wait3A_622 = tpu.memref_slice %arg6[%dma_wait3A, %dma_wait3A_621] : memref<8x128xi32, #tpu.memory_space<vmem>> -> memref<1x128xi32, #tpu.memory_space<vmem>>
    %dma_wait3A_623 = tpu.memref_squeeze %dma_wait3A_622 : memref<1x128xi32, #tpu.memory_space<vmem>> -> memref<128xi32, #tpu.memory_space<vmem>>
    %dma_wait3A_624 = arith.constant 0 : i32
    %dma_wait3A_625 = arith.constant 0 : i32
    %dma_wait3A_626 = tpu.memref_slice %arg3[%dma_wait3A_624, %dma_wait3A_625] : memref<250000x128xf32, #tpu.memory_space<hbm>> -> memref<250000x128xf32, #tpu.memory_space<hbm>>
    tpu.wait_indirect_dma semaphore(%arg10 : memref<!tpu.dma_semaphore, #tpu.memory_space<semaphore_mem>>) src(%dma_wait3A_626 : memref<250000x128xf32, #tpu.memory_space<hbm>>) dst(%arg7 : memref<128x128xf32, #tpu.memory_space<vmem>>)
    %add3A_627 = arith.constant 0 : i32
    %add3A_628 = vector.broadcast %add3A_627 : i32 to vector<16xi32>
    %add3A_629 = arith.addi %add3A_628, %iota3A : vector<16xi32>
    %get3A_630 = arith.constant 0 : index
    %get3A_631 = tpu.vector_load %arg5[%get3A_630] {strides = array<i32>} : memref<1024xi32, #tpu.memory_space<vmem>>, vector<16xi32>,
    %and3A_632 = arith.constant 3 : i32
    %and3A_633 = vector.broadcast %and3A_632 : i32 to vector<16xi32>
    %and3A_634 = arith.andi %get3A_631, %and3A_633 : vector<16xi32>
    %shift_left3A = arith.constant 5 : i32
    %shift_left3A_635 = vector.broadcast %shift_left3A : i32 to vector<16xi32>
    %shift_left3A_636 = arith.shli %and3A_634, %shift_left3A_635 : vector<16xi32>
    %add3A_637 = arith.constant 0 : i32
    %add3A_638 = vector.broadcast %add3A_637 : i32 to vector<16xi32>
    %add3A_639 = arith.addi %add3A_638, %iota3A : vector<16xi32>
    %scan3A = arith.constant 0 : i32
    %scan3A_640 = arith.constant 0 : i32
    %scan3A_641 = arith.constant 32 : i32
    %scan3A_642 = arith.addi %scan3A_640, %scan3A_641 : i32
    %scan3A_643 = arith.constant 1 : i32
    scf.for %scan3A_1996 = %scan3A_640 to %scan3A_642 step %scan3A_643  : i32 {
      %broadcast_in_dim3A = vector.broadcast %scan3A_1996 : i32 to vector<16xi32>
      %add3A_1997 = vector.broadcast %scan3A_1996 : i32 to vector<16xi32>
      %add3A_1998 = arith.addi %shift_left3A_636, %add3A_1997 : vector<16xi32>
      %gather3A = tpu.vector_load_idx %arg7[%add3A_629, %add3A_1998] : memref<128x128xf32, #tpu.memory_space<vmem>>[vector<16xi32>, vector<16xi32>], vector<16xf32>,
      tpu.vector_store_idx %arg9[%broadcast_in_dim3A, %add3A_639], %gather3A : memref<32x1024xf32, #tpu.memory_space<vmem>>[vector<16xi32>, vector<16xi32>], vector<16xf32>,
    }
    %scan3A_644 = arith.constant 32 : i32
    %add3A_645 = arith.constant 16 : i32
    %add3A_646 = vector.broadcast %add3A_645 : i32 to vector<16xi32>
    %add3A_647 = arith.addi %add3A_646, %iota3A : vector<16xi32>
    %get3A_648 = arith.constant 16 : index
    %get3A_649 = tpu.vector_load %arg5[%get3A_648] {strides = array<i32>} : memref<1024xi32, #tpu.memory_space<vmem>>, vector<16xi32>,
    %and3A_650 = arith.constant 3 : i32
    %and3A_651 = vector.broadcast %and3A_650 : i32 to vector<16xi32>
    %and3A_652 = arith.andi %get3A_649, %and3A_651 : vector<16xi32>
    %shift_left3A_653 = arith.constant 5 : i32
    %shift_left3A_654 = vector.broadcast %shift_left3A_653 : i32 to vector<16xi32>
    %shift_left3A_655 = arith.shli %and3A_652, %shift_left3A_654 : vector<16xi32>
    %add3A_656 = arith.constant 16 : i32
    %add3A_657 = vector.broadcast %add3A_656 : i32 to vector<16xi32>
    %add3A_658 = arith.addi %add3A_657, %iota3A : vector<16xi32>
    %scan3A_659 = arith.constant 0 : i32
    %scan3A_660 = arith.constant 0 : i32
    %scan3A_661 = arith.constant 32 : i32
    %scan3A_662 = arith.addi %scan3A_660, %scan3A_661 : i32
    %scan3A_663 = arith.constant 1 : i32
    scf.for %scan3A_1996 = %scan3A_660 to %scan3A_662 step %scan3A_663  : i32 {
      %broadcast_in_dim3A = vector.broadcast %scan3A_1996 : i32 to vector<16xi32>
      %add3A_1997 = vector.broadcast %scan3A_1996 : i32 to vector<16xi32>
      %add3A_1998 = arith.addi %shift_left3A_655, %add3A_1997 : vector<16xi32>
      %gather3A = tpu.vector_load_idx %arg7[%add3A_647, %add3A_1998] : memref<128x128xf32, #tpu.memory_space<vmem>>[vector<16xi32>, vector<16xi32>], vector<16xf32>,
      tpu.vector_store_idx %arg9[%broadcast_in_dim3A, %add3A_658], %gather3A : memref<32x1024xf32, #tpu.memory_space<vmem>>[vector<16xi32>, vector<16xi32>], vector<16xf32>,
    }
    %scan3A_664 = arith.constant 32 : i32
    %add3A_665 = arith.constant 32 : i32
    %add3A_666 = vector.broadcast %add3A_665 : i32 to vector<16xi32>
    %add3A_667 = arith.addi %add3A_666, %iota3A : vector<16xi32>
    %get3A_668 = arith.constant 32 : index
    %get3A_669 = tpu.vector_load %arg5[%get3A_668] {strides = array<i32>} : memref<1024xi32, #tpu.memory_space<vmem>>, vector<16xi32>,
    %and3A_670 = arith.constant 3 : i32
    %and3A_671 = vector.broadcast %and3A_670 : i32 to vector<16xi32>
    %and3A_672 = arith.andi %get3A_669, %and3A_671 : vector<16xi32>
    %shift_left3A_673 = arith.constant 5 : i32
    %shift_left3A_674 = vector.broadcast %shift_left3A_673 : i32 to vector<16xi32>
    %shift_left3A_675 = arith.shli %and3A_672, %shift_left3A_674 : vector<16xi32>
    %add3A_676 = arith.constant 32 : i32
    %add3A_677 = vector.broadcast %add3A_676 : i32 to vector<16xi32>
    %add3A_678 = arith.addi %add3A_677, %iota3A : vector<16xi32>
    %scan3A_679 = arith.constant 0 : i32
    %scan3A_680 = arith.constant 0 : i32
    %scan3A_681 = arith.constant 32 : i32
    %scan3A_682 = arith.addi %scan3A_680, %scan3A_681 : i32
    %scan3A_683 = arith.constant 1 : i32
    scf.for %scan3A_1996 = %scan3A_680 to %scan3A_682 step %scan3A_683  : i32 {
      %broadcast_in_dim3A = vector.broadcast %scan3A_1996 : i32 to vector<16xi32>
      %add3A_1997 = vector.broadcast %scan3A_1996 : i32 to vector<16xi32>
      %add3A_1998 = arith.addi %shift_left3A_675, %add3A_1997 : vector<16xi32>
      %gather3A = tpu.vector_load_idx %arg7[%add3A_667, %add3A_1998] : memref<128x128xf32, #tpu.memory_space<vmem>>[vector<16xi32>, vector<16xi32>], vector<16xf32>,
      tpu.vector_store_idx %arg9[%broadcast_in_dim3A, %add3A_678], %gather3A : memref<32x1024xf32, #tpu.memory_space<vmem>>[vector<16xi32>, vector<16xi32>], vector<16xf32>,
    }
    %scan3A_684 = arith.constant 32 : i32
    %add3A_685 = arith.constant 48 : i32
    %add3A_686 = vector.broadcast %add3A_685 : i32 to vector<16xi32>
    %add3A_687 = arith.addi %add3A_686, %iota3A : vector<16xi32>
    %get3A_688 = arith.constant 48 : index
    %get3A_689 = tpu.vector_load %arg5[%get3A_688] {strides = array<i32>} : memref<1024xi32, #tpu.memory_space<vmem>>, vector<16xi32>,
    %and3A_690 = arith.constant 3 : i32
    %and3A_691 = vector.broadcast %and3A_690 : i32 to vector<16xi32>
    %and3A_692 = arith.andi %get3A_689, %and3A_691 : vector<16xi32>
    %shift_left3A_693 = arith.constant 5 : i32
    %shift_left3A_694 = vector.broadcast %shift_left3A_693 : i32 to vector<16xi32>
    %shift_left3A_695 = arith.shli %and3A_692, %shift_left3A_694 : vector<16xi32>
    %add3A_696 = arith.constant 48 : i32
    %add3A_697 = vector.broadcast %add3A_696 : i32 to vector<16xi32>
    %add3A_698 = arith.addi %add3A_697, %iota3A : vector<16xi32>
    %scan3A_699 = arith.constant 0 : i32
    %scan3A_700 = arith.constant 0 : i32
    %scan3A_701 = arith.constant 32 : i32
    %scan3A_702 = arith.addi %scan3A_700, %scan3A_701 : i32
    %scan3A_703 = arith.constant 1 : i32
    scf.for %scan3A_1996 = %scan3A_700 to %scan3A_702 step %scan3A_703  : i32 {
      %broadcast_in_dim3A = vector.broadcast %scan3A_1996 : i32 to vector<16xi32>
      %add3A_1997 = vector.broadcast %scan3A_1996 : i32 to vector<16xi32>
      %add3A_1998 = arith.addi %shift_left3A_695, %add3A_1997 : vector<16xi32>
      %gather3A = tpu.vector_load_idx %arg7[%add3A_687, %add3A_1998] : memref<128x128xf32, #tpu.memory_space<vmem>>[vector<16xi32>, vector<16xi32>], vector<16xf32>,
      tpu.vector_store_idx %arg9[%broadcast_in_dim3A, %add3A_698], %gather3A : memref<32x1024xf32, #tpu.memory_space<vmem>>[vector<16xi32>, vector<16xi32>], vector<16xf32>,
    }
    %scan3A_704 = arith.constant 32 : i32
    %add3A_705 = arith.constant 64 : i32
    %add3A_706 = vector.broadcast %add3A_705 : i32 to vector<16xi32>
    %add3A_707 = arith.addi %add3A_706, %iota3A : vector<16xi32>
    %get3A_708 = arith.constant 64 : index
    %get3A_709 = tpu.vector_load %arg5[%get3A_708] {strides = array<i32>} : memref<1024xi32, #tpu.memory_space<vmem>>, vector<16xi32>,
    %and3A_710 = arith.constant 3 : i32
    %and3A_711 = vector.broadcast %and3A_710 : i32 to vector<16xi32>
    %and3A_712 = arith.andi %get3A_709, %and3A_711 : vector<16xi32>
    %shift_left3A_713 = arith.constant 5 : i32
    %shift_left3A_714 = vector.broadcast %shift_left3A_713 : i32 to vector<16xi32>
    %shift_left3A_715 = arith.shli %and3A_712, %shift_left3A_714 : vector<16xi32>
    %add3A_716 = arith.constant 64 : i32
    %add3A_717 = vector.broadcast %add3A_716 : i32 to vector<16xi32>
    %add3A_718 = arith.addi %add3A_717, %iota3A : vector<16xi32>
    %scan3A_719 = arith.constant 0 : i32
    %scan3A_720 = arith.constant 0 : i32
    %scan3A_721 = arith.constant 32 : i32
    %scan3A_722 = arith.addi %scan3A_720, %scan3A_721 : i32
    %scan3A_723 = arith.constant 1 : i32
    scf.for %scan3A_1996 = %scan3A_720 to %scan3A_722 step %scan3A_723  : i32 {
      %broadcast_in_dim3A = vector.broadcast %scan3A_1996 : i32 to vector<16xi32>
      %add3A_1997 = vector.broadcast %scan3A_1996 : i32 to vector<16xi32>
      %add3A_1998 = arith.addi %shift_left3A_715, %add3A_1997 : vector<16xi32>
      %gather3A = tpu.vector_load_idx %arg7[%add3A_707, %add3A_1998] : memref<128x128xf32, #tpu.memory_space<vmem>>[vector<16xi32>, vector<16xi32>], vector<16xf32>,
      tpu.vector_store_idx %arg9[%broadcast_in_dim3A, %add3A_718], %gather3A : memref<32x1024xf32, #tpu.memory_space<vmem>>[vector<16xi32>, vector<16xi32>], vector<16xf32>,
    }
    %scan3A_724 = arith.constant 32 : i32
    %add3A_725 = arith.constant 80 : i32
    %add3A_726 = vector.broadcast %add3A_725 : i32 to vector<16xi32>
    %add3A_727 = arith.addi %add3A_726, %iota3A : vector<16xi32>
    %get3A_728 = arith.constant 80 : index
    %get3A_729 = tpu.vector_load %arg5[%get3A_728] {strides = array<i32>} : memref<1024xi32, #tpu.memory_space<vmem>>, vector<16xi32>,
    %and3A_730 = arith.constant 3 : i32
    %and3A_731 = vector.broadcast %and3A_730 : i32 to vector<16xi32>
    %and3A_732 = arith.andi %get3A_729, %and3A_731 : vector<16xi32>
    %shift_left3A_733 = arith.constant 5 : i32
    %shift_left3A_734 = vector.broadcast %shift_left3A_733 : i32 to vector<16xi32>
    %shift_left3A_735 = arith.shli %and3A_732, %shift_left3A_734 : vector<16xi32>
    %add3A_736 = arith.constant 80 : i32
    %add3A_737 = vector.broadcast %add3A_736 : i32 to vector<16xi32>
    %add3A_738 = arith.addi %add3A_737, %iota3A : vector<16xi32>
    %scan3A_739 = arith.constant 0 : i32
    %scan3A_740 = arith.constant 0 : i32
    %scan3A_741 = arith.constant 32 : i32
    %scan3A_742 = arith.addi %scan3A_740, %scan3A_741 : i32
    %scan3A_743 = arith.constant 1 : i32
    scf.for %scan3A_1996 = %scan3A_740 to %scan3A_742 step %scan3A_743  : i32 {
      %broadcast_in_dim3A = vector.broadcast %scan3A_1996 : i32 to vector<16xi32>
      %add3A_1997 = vector.broadcast %scan3A_1996 : i32 to vector<16xi32>
      %add3A_1998 = arith.addi %shift_left3A_735, %add3A_1997 : vector<16xi32>
      %gather3A = tpu.vector_load_idx %arg7[%add3A_727, %add3A_1998] : memref<128x128xf32, #tpu.memory_space<vmem>>[vector<16xi32>, vector<16xi32>], vector<16xf32>,
      tpu.vector_store_idx %arg9[%broadcast_in_dim3A, %add3A_738], %gather3A : memref<32x1024xf32, #tpu.memory_space<vmem>>[vector<16xi32>, vector<16xi32>], vector<16xf32>,
    }
    %scan3A_744 = arith.constant 32 : i32
    %add3A_745 = arith.constant 96 : i32
    %add3A_746 = vector.broadcast %add3A_745 : i32 to vector<16xi32>
    %add3A_747 = arith.addi %add3A_746, %iota3A : vector<16xi32>
    %get3A_748 = arith.constant 96 : index
    %get3A_749 = tpu.vector_load %arg5[%get3A_748] {strides = array<i32>} : memref<1024xi32, #tpu.memory_space<vmem>>, vector<16xi32>,
    %and3A_750 = arith.constant 3 : i32
    %and3A_751 = vector.broadcast %and3A_750 : i32 to vector<16xi32>
    %and3A_752 = arith.andi %get3A_749, %and3A_751 : vector<16xi32>
    %shift_left3A_753 = arith.constant 5 : i32
    %shift_left3A_754 = vector.broadcast %shift_left3A_753 : i32 to vector<16xi32>
    %shift_left3A_755 = arith.shli %and3A_752, %shift_left3A_754 : vector<16xi32>
    %add3A_756 = arith.constant 96 : i32
    %add3A_757 = vector.broadcast %add3A_756 : i32 to vector<16xi32>
    %add3A_758 = arith.addi %add3A_757, %iota3A : vector<16xi32>
    %scan3A_759 = arith.constant 0 : i32
    %scan3A_760 = arith.constant 0 : i32
    %scan3A_761 = arith.constant 32 : i32
    %scan3A_762 = arith.addi %scan3A_760, %scan3A_761 : i32
    %scan3A_763 = arith.constant 1 : i32
    scf.for %scan3A_1996 = %scan3A_760 to %scan3A_762 step %scan3A_763  : i32 {
      %broadcast_in_dim3A = vector.broadcast %scan3A_1996 : i32 to vector<16xi32>
      %add3A_1997 = vector.broadcast %scan3A_1996 : i32 to vector<16xi32>
      %add3A_1998 = arith.addi %shift_left3A_755, %add3A_1997 : vector<16xi32>
      %gather3A = tpu.vector_load_idx %arg7[%add3A_747, %add3A_1998] : memref<128x128xf32, #tpu.memory_space<vmem>>[vector<16xi32>, vector<16xi32>], vector<16xf32>,
      tpu.vector_store_idx %arg9[%broadcast_in_dim3A, %add3A_758], %gather3A : memref<32x1024xf32, #tpu.memory_space<vmem>>[vector<16xi32>, vector<16xi32>], vector<16xf32>,
    }
    %scan3A_764 = arith.constant 32 : i32
    %add3A_765 = arith.constant 112 : i32
    %add3A_766 = vector.broadcast %add3A_765 : i32 to vector<16xi32>
    %add3A_767 = arith.addi %add3A_766, %iota3A : vector<16xi32>
    %get3A_768 = arith.constant 112 : index
    %get3A_769 = tpu.vector_load %arg5[%get3A_768] {strides = array<i32>} : memref<1024xi32, #tpu.memory_space<vmem>>, vector<16xi32>,
    %and3A_770 = arith.constant 3 : i32
    %and3A_771 = vector.broadcast %and3A_770 : i32 to vector<16xi32>
    %and3A_772 = arith.andi %get3A_769, %and3A_771 : vector<16xi32>
    %shift_left3A_773 = arith.constant 5 : i32
    %shift_left3A_774 = vector.broadcast %shift_left3A_773 : i32 to vector<16xi32>
    %shift_left3A_775 = arith.shli %and3A_772, %shift_left3A_774 : vector<16xi32>
    %add3A_776 = arith.constant 112 : i32
    %add3A_777 = vector.broadcast %add3A_776 : i32 to vector<16xi32>
    %add3A_778 = arith.addi %add3A_777, %iota3A : vector<16xi32>
    %scan3A_779 = arith.constant 0 : i32
    %scan3A_780 = arith.constant 0 : i32
    %scan3A_781 = arith.constant 32 : i32
    %scan3A_782 = arith.addi %scan3A_780, %scan3A_781 : i32
    %scan3A_783 = arith.constant 1 : i32
    scf.for %scan3A_1996 = %scan3A_780 to %scan3A_782 step %scan3A_783  : i32 {
      %broadcast_in_dim3A = vector.broadcast %scan3A_1996 : i32 to vector<16xi32>
      %add3A_1997 = vector.broadcast %scan3A_1996 : i32 to vector<16xi32>
      %add3A_1998 = arith.addi %shift_left3A_775, %add3A_1997 : vector<16xi32>
      %gather3A = tpu.vector_load_idx %arg7[%add3A_767, %add3A_1998] : memref<128x128xf32, #tpu.memory_space<vmem>>[vector<16xi32>, vector<16xi32>], vector<16xf32>,
      tpu.vector_store_idx %arg9[%broadcast_in_dim3A, %add3A_778], %gather3A : memref<32x1024xf32, #tpu.memory_space<vmem>>[vector<16xi32>, vector<16xi32>], vector<16xf32>,
    }
    %scan3A_784 = arith.constant 32 : i32
    %dma_start3A_785 = arith.constant 2 : i32
    %dma_start3A_786 = arith.constant 0 : i32
    %dma_start3A_787 = tpu.memref_slice %arg6[%dma_start3A_785, %dma_start3A_786] : memref<8x128xi32, #tpu.memory_space<vmem>> -> memref<1x128xi32, #tpu.memory_space<vmem>>
    %dma_start3A_788 = tpu.memref_squeeze %dma_start3A_787 : memref<1x128xi32, #tpu.memory_space<vmem>> -> memref<128xi32, #tpu.memory_space<vmem>>
    %dma_start3A_789 = arith.constant 0 : i32
    %dma_start3A_790 = arith.constant 0 : i32
    %dma_start3A_791 = tpu.memref_slice %arg3[%dma_start3A_789, %dma_start3A_790] : memref<250000x128xf32, #tpu.memory_space<hbm>> -> memref<250000x128xf32, #tpu.memory_space<hbm>>
    tpu.enqueue_indirect_dma source(%dma_start3A_791 : memref<250000x128xf32, #tpu.memory_space<hbm>>) target(%arg7 : memref<128x128xf32, #tpu.memory_space<vmem>>) offsets(%dma_start3A_788 : memref<128xi32, #tpu.memory_space<vmem>>) semaphore(%arg10 : memref<!tpu.dma_semaphore, #tpu.memory_space<semaphore_mem>>)
    %dma_wait3A_792 = arith.constant 1 : i32
    %dma_wait3A_793 = arith.constant 0 : i32
    %dma_wait3A_794 = tpu.memref_slice %arg6[%dma_wait3A_792, %dma_wait3A_793] : memref<8x128xi32, #tpu.memory_space<vmem>> -> memref<1x128xi32, #tpu.memory_space<vmem>>
    %dma_wait3A_795 = tpu.memref_squeeze %dma_wait3A_794 : memref<1x128xi32, #tpu.memory_space<vmem>> -> memref<128xi32, #tpu.memory_space<vmem>>
    %dma_wait3A_796 = arith.constant 0 : i32
    %dma_wait3A_797 = arith.constant 0 : i32
    %dma_wait3A_798 = tpu.memref_slice %arg3[%dma_wait3A_796, %dma_wait3A_797] : memref<250000x128xf32, #tpu.memory_space<hbm>> -> memref<250000x128xf32, #tpu.memory_space<hbm>>
    tpu.wait_indirect_dma semaphore(%arg11 : memref<!tpu.dma_semaphore, #tpu.memory_space<semaphore_mem>>) src(%dma_wait3A_798 : memref<250000x128xf32, #tpu.memory_space<hbm>>) dst(%arg8 : memref<128x128xf32, #tpu.memory_space<vmem>>)
    %add3A_799 = arith.constant 0 : i32
    %add3A_800 = vector.broadcast %add3A_799 : i32 to vector<16xi32>
    %add3A_801 = arith.addi %add3A_800, %iota3A : vector<16xi32>
    %get3A_802 = arith.constant 128 : index
    %get3A_803 = tpu.vector_load %arg5[%get3A_802] {strides = array<i32>} : memref<1024xi32, #tpu.memory_space<vmem>>, vector<16xi32>,
    %and3A_804 = arith.constant 3 : i32
    %and3A_805 = vector.broadcast %and3A_804 : i32 to vector<16xi32>
    %and3A_806 = arith.andi %get3A_803, %and3A_805 : vector<16xi32>
    %shift_left3A_807 = arith.constant 5 : i32
    %shift_left3A_808 = vector.broadcast %shift_left3A_807 : i32 to vector<16xi32>
    %shift_left3A_809 = arith.shli %and3A_806, %shift_left3A_808 : vector<16xi32>
    %add3A_810 = arith.constant 128 : i32
    %add3A_811 = vector.broadcast %add3A_810 : i32 to vector<16xi32>
    %add3A_812 = arith.addi %add3A_811, %iota3A : vector<16xi32>
    %scan3A_813 = arith.constant 0 : i32
    %scan3A_814 = arith.constant 0 : i32
    %scan3A_815 = arith.constant 32 : i32
    %scan3A_816 = arith.addi %scan3A_814, %scan3A_815 : i32
    %scan3A_817 = arith.constant 1 : i32
    scf.for %scan3A_1996 = %scan3A_814 to %scan3A_816 step %scan3A_817  : i32 {
      %broadcast_in_dim3A = vector.broadcast %scan3A_1996 : i32 to vector<16xi32>
      %add3A_1997 = vector.broadcast %scan3A_1996 : i32 to vector<16xi32>
      %add3A_1998 = arith.addi %shift_left3A_809, %add3A_1997 : vector<16xi32>
      %gather3A = tpu.vector_load_idx %arg8[%add3A_801, %add3A_1998] : memref<128x128xf32, #tpu.memory_space<vmem>>[vector<16xi32>, vector<16xi32>], vector<16xf32>,
      tpu.vector_store_idx %arg9[%broadcast_in_dim3A, %add3A_812], %gather3A : memref<32x1024xf32, #tpu.memory_space<vmem>>[vector<16xi32>, vector<16xi32>], vector<16xf32>,
    }
    %scan3A_818 = arith.constant 32 : i32
    %add3A_819 = arith.constant 16 : i32
    %add3A_820 = vector.broadcast %add3A_819 : i32 to vector<16xi32>
    %add3A_821 = arith.addi %add3A_820, %iota3A : vector<16xi32>
    %get3A_822 = arith.constant 144 : index
    %get3A_823 = tpu.vector_load %arg5[%get3A_822] {strides = array<i32>} : memref<1024xi32, #tpu.memory_space<vmem>>, vector<16xi32>,
    %and3A_824 = arith.constant 3 : i32
    %and3A_825 = vector.broadcast %and3A_824 : i32 to vector<16xi32>
    %and3A_826 = arith.andi %get3A_823, %and3A_825 : vector<16xi32>
    %shift_left3A_827 = arith.constant 5 : i32
    %shift_left3A_828 = vector.broadcast %shift_left3A_827 : i32 to vector<16xi32>
    %shift_left3A_829 = arith.shli %and3A_826, %shift_left3A_828 : vector<16xi32>
    %add3A_830 = arith.constant 144 : i32
    %add3A_831 = vector.broadcast %add3A_830 : i32 to vector<16xi32>
    %add3A_832 = arith.addi %add3A_831, %iota3A : vector<16xi32>
    %scan3A_833 = arith.constant 0 : i32
    %scan3A_834 = arith.constant 0 : i32
    %scan3A_835 = arith.constant 32 : i32
    %scan3A_836 = arith.addi %scan3A_834, %scan3A_835 : i32
    %scan3A_837 = arith.constant 1 : i32
    scf.for %scan3A_1996 = %scan3A_834 to %scan3A_836 step %scan3A_837  : i32 {
      %broadcast_in_dim3A = vector.broadcast %scan3A_1996 : i32 to vector<16xi32>
      %add3A_1997 = vector.broadcast %scan3A_1996 : i32 to vector<16xi32>
      %add3A_1998 = arith.addi %shift_left3A_829, %add3A_1997 : vector<16xi32>
      %gather3A = tpu.vector_load_idx %arg8[%add3A_821, %add3A_1998] : memref<128x128xf32, #tpu.memory_space<vmem>>[vector<16xi32>, vector<16xi32>], vector<16xf32>,
      tpu.vector_store_idx %arg9[%broadcast_in_dim3A, %add3A_832], %gather3A : memref<32x1024xf32, #tpu.memory_space<vmem>>[vector<16xi32>, vector<16xi32>], vector<16xf32>,
    }
    %scan3A_838 = arith.constant 32 : i32
    %add3A_839 = arith.constant 32 : i32
    %add3A_840 = vector.broadcast %add3A_839 : i32 to vector<16xi32>
    %add3A_841 = arith.addi %add3A_840, %iota3A : vector<16xi32>
    %get3A_842 = arith.constant 160 : index
    %get3A_843 = tpu.vector_load %arg5[%get3A_842] {strides = array<i32>} : memref<1024xi32, #tpu.memory_space<vmem>>, vector<16xi32>,
    %and3A_844 = arith.constant 3 : i32
    %and3A_845 = vector.broadcast %and3A_844 : i32 to vector<16xi32>
    %and3A_846 = arith.andi %get3A_843, %and3A_845 : vector<16xi32>
    %shift_left3A_847 = arith.constant 5 : i32
    %shift_left3A_848 = vector.broadcast %shift_left3A_847 : i32 to vector<16xi32>
    %shift_left3A_849 = arith.shli %and3A_846, %shift_left3A_848 : vector<16xi32>
    %add3A_850 = arith.constant 160 : i32
    %add3A_851 = vector.broadcast %add3A_850 : i32 to vector<16xi32>
    %add3A_852 = arith.addi %add3A_851, %iota3A : vector<16xi32>
    %scan3A_853 = arith.constant 0 : i32
    %scan3A_854 = arith.constant 0 : i32
    %scan3A_855 = arith.constant 32 : i32
    %scan3A_856 = arith.addi %scan3A_854, %scan3A_855 : i32
    %scan3A_857 = arith.constant 1 : i32
    scf.for %scan3A_1996 = %scan3A_854 to %scan3A_856 step %scan3A_857  : i32 {
      %broadcast_in_dim3A = vector.broadcast %scan3A_1996 : i32 to vector<16xi32>
      %add3A_1997 = vector.broadcast %scan3A_1996 : i32 to vector<16xi32>
      %add3A_1998 = arith.addi %shift_left3A_849, %add3A_1997 : vector<16xi32>
      %gather3A = tpu.vector_load_idx %arg8[%add3A_841, %add3A_1998] : memref<128x128xf32, #tpu.memory_space<vmem>>[vector<16xi32>, vector<16xi32>], vector<16xf32>,
      tpu.vector_store_idx %arg9[%broadcast_in_dim3A, %add3A_852], %gather3A : memref<32x1024xf32, #tpu.memory_space<vmem>>[vector<16xi32>, vector<16xi32>], vector<16xf32>,
    }
    %scan3A_858 = arith.constant 32 : i32
    %add3A_859 = arith.constant 48 : i32
    %add3A_860 = vector.broadcast %add3A_859 : i32 to vector<16xi32>
    %add3A_861 = arith.addi %add3A_860, %iota3A : vector<16xi32>
    %get3A_862 = arith.constant 176 : index
    %get3A_863 = tpu.vector_load %arg5[%get3A_862] {strides = array<i32>} : memref<1024xi32, #tpu.memory_space<vmem>>, vector<16xi32>,
    %and3A_864 = arith.constant 3 : i32
    %and3A_865 = vector.broadcast %and3A_864 : i32 to vector<16xi32>
    %and3A_866 = arith.andi %get3A_863, %and3A_865 : vector<16xi32>
    %shift_left3A_867 = arith.constant 5 : i32
    %shift_left3A_868 = vector.broadcast %shift_left3A_867 : i32 to vector<16xi32>
    %shift_left3A_869 = arith.shli %and3A_866, %shift_left3A_868 : vector<16xi32>
    %add3A_870 = arith.constant 176 : i32
    %add3A_871 = vector.broadcast %add3A_870 : i32 to vector<16xi32>
    %add3A_872 = arith.addi %add3A_871, %iota3A : vector<16xi32>
    %scan3A_873 = arith.constant 0 : i32
    %scan3A_874 = arith.constant 0 : i32
    %scan3A_875 = arith.constant 32 : i32
    %scan3A_876 = arith.addi %scan3A_874, %scan3A_875 : i32
    %scan3A_877 = arith.constant 1 : i32
    scf.for %scan3A_1996 = %scan3A_874 to %scan3A_876 step %scan3A_877  : i32 {
      %broadcast_in_dim3A = vector.broadcast %scan3A_1996 : i32 to vector<16xi32>
      %add3A_1997 = vector.broadcast %scan3A_1996 : i32 to vector<16xi32>
      %add3A_1998 = arith.addi %shift_left3A_869, %add3A_1997 : vector<16xi32>
      %gather3A = tpu.vector_load_idx %arg8[%add3A_861, %add3A_1998] : memref<128x128xf32, #tpu.memory_space<vmem>>[vector<16xi32>, vector<16xi32>], vector<16xf32>,
      tpu.vector_store_idx %arg9[%broadcast_in_dim3A, %add3A_872], %gather3A : memref<32x1024xf32, #tpu.memory_space<vmem>>[vector<16xi32>, vector<16xi32>], vector<16xf32>,
    }
    %scan3A_878 = arith.constant 32 : i32
    %add3A_879 = arith.constant 64 : i32
    %add3A_880 = vector.broadcast %add3A_879 : i32 to vector<16xi32>
    %add3A_881 = arith.addi %add3A_880, %iota3A : vector<16xi32>
    %get3A_882 = arith.constant 192 : index
    %get3A_883 = tpu.vector_load %arg5[%get3A_882] {strides = array<i32>} : memref<1024xi32, #tpu.memory_space<vmem>>, vector<16xi32>,
    %and3A_884 = arith.constant 3 : i32
    %and3A_885 = vector.broadcast %and3A_884 : i32 to vector<16xi32>
    %and3A_886 = arith.andi %get3A_883, %and3A_885 : vector<16xi32>
    %shift_left3A_887 = arith.constant 5 : i32
    %shift_left3A_888 = vector.broadcast %shift_left3A_887 : i32 to vector<16xi32>
    %shift_left3A_889 = arith.shli %and3A_886, %shift_left3A_888 : vector<16xi32>
    %add3A_890 = arith.constant 192 : i32
    %add3A_891 = vector.broadcast %add3A_890 : i32 to vector<16xi32>
    %add3A_892 = arith.addi %add3A_891, %iota3A : vector<16xi32>
    %scan3A_893 = arith.constant 0 : i32
    %scan3A_894 = arith.constant 0 : i32
    %scan3A_895 = arith.constant 32 : i32
    %scan3A_896 = arith.addi %scan3A_894, %scan3A_895 : i32
    %scan3A_897 = arith.constant 1 : i32
    scf.for %scan3A_1996 = %scan3A_894 to %scan3A_896 step %scan3A_897  : i32 {
      %broadcast_in_dim3A = vector.broadcast %scan3A_1996 : i32 to vector<16xi32>
      %add3A_1997 = vector.broadcast %scan3A_1996 : i32 to vector<16xi32>
      %add3A_1998 = arith.addi %shift_left3A_889, %add3A_1997 : vector<16xi32>
      %gather3A = tpu.vector_load_idx %arg8[%add3A_881, %add3A_1998] : memref<128x128xf32, #tpu.memory_space<vmem>>[vector<16xi32>, vector<16xi32>], vector<16xf32>,
      tpu.vector_store_idx %arg9[%broadcast_in_dim3A, %add3A_892], %gather3A : memref<32x1024xf32, #tpu.memory_space<vmem>>[vector<16xi32>, vector<16xi32>], vector<16xf32>,
    }
    %scan3A_898 = arith.constant 32 : i32
    %add3A_899 = arith.constant 80 : i32
    %add3A_900 = vector.broadcast %add3A_899 : i32 to vector<16xi32>
    %add3A_901 = arith.addi %add3A_900, %iota3A : vector<16xi32>
    %get3A_902 = arith.constant 208 : index
    %get3A_903 = tpu.vector_load %arg5[%get3A_902] {strides = array<i32>} : memref<1024xi32, #tpu.memory_space<vmem>>, vector<16xi32>,
    %and3A_904 = arith.constant 3 : i32
    %and3A_905 = vector.broadcast %and3A_904 : i32 to vector<16xi32>
    %and3A_906 = arith.andi %get3A_903, %and3A_905 : vector<16xi32>
    %shift_left3A_907 = arith.constant 5 : i32
    %shift_left3A_908 = vector.broadcast %shift_left3A_907 : i32 to vector<16xi32>
    %shift_left3A_909 = arith.shli %and3A_906, %shift_left3A_908 : vector<16xi32>
    %add3A_910 = arith.constant 208 : i32
    %add3A_911 = vector.broadcast %add3A_910 : i32 to vector<16xi32>
    %add3A_912 = arith.addi %add3A_911, %iota3A : vector<16xi32>
    %scan3A_913 = arith.constant 0 : i32
    %scan3A_914 = arith.constant 0 : i32
    %scan3A_915 = arith.constant 32 : i32
    %scan3A_916 = arith.addi %scan3A_914, %scan3A_915 : i32
    %scan3A_917 = arith.constant 1 : i32
    scf.for %scan3A_1996 = %scan3A_914 to %scan3A_916 step %scan3A_917  : i32 {
      %broadcast_in_dim3A = vector.broadcast %scan3A_1996 : i32 to vector<16xi32>
      %add3A_1997 = vector.broadcast %scan3A_1996 : i32 to vector<16xi32>
      %add3A_1998 = arith.addi %shift_left3A_909, %add3A_1997 : vector<16xi32>
      %gather3A = tpu.vector_load_idx %arg8[%add3A_901, %add3A_1998] : memref<128x128xf32, #tpu.memory_space<vmem>>[vector<16xi32>, vector<16xi32>], vector<16xf32>,
      tpu.vector_store_idx %arg9[%broadcast_in_dim3A, %add3A_912], %gather3A : memref<32x1024xf32, #tpu.memory_space<vmem>>[vector<16xi32>, vector<16xi32>], vector<16xf32>,
    }
    %scan3A_918 = arith.constant 32 : i32
    %add3A_919 = arith.constant 96 : i32
    %add3A_920 = vector.broadcast %add3A_919 : i32 to vector<16xi32>
    %add3A_921 = arith.addi %add3A_920, %iota3A : vector<16xi32>
    %get3A_922 = arith.constant 224 : index
    %get3A_923 = tpu.vector_load %arg5[%get3A_922] {strides = array<i32>} : memref<1024xi32, #tpu.memory_space<vmem>>, vector<16xi32>,
    %and3A_924 = arith.constant 3 : i32
    %and3A_925 = vector.broadcast %and3A_924 : i32 to vector<16xi32>
    %and3A_926 = arith.andi %get3A_923, %and3A_925 : vector<16xi32>
    %shift_left3A_927 = arith.constant 5 : i32
    %shift_left3A_928 = vector.broadcast %shift_left3A_927 : i32 to vector<16xi32>
    %shift_left3A_929 = arith.shli %and3A_926, %shift_left3A_928 : vector<16xi32>
    %add3A_930 = arith.constant 224 : i32
    %add3A_931 = vector.broadcast %add3A_930 : i32 to vector<16xi32>
    %add3A_932 = arith.addi %add3A_931, %iota3A : vector<16xi32>
    %scan3A_933 = arith.constant 0 : i32
    %scan3A_934 = arith.constant 0 : i32
    %scan3A_935 = arith.constant 32 : i32
    %scan3A_936 = arith.addi %scan3A_934, %scan3A_935 : i32
    %scan3A_937 = arith.constant 1 : i32
    scf.for %scan3A_1996 = %scan3A_934 to %scan3A_936 step %scan3A_937  : i32 {
      %broadcast_in_dim3A = vector.broadcast %scan3A_1996 : i32 to vector<16xi32>
      %add3A_1997 = vector.broadcast %scan3A_1996 : i32 to vector<16xi32>
      %add3A_1998 = arith.addi %shift_left3A_929, %add3A_1997 : vector<16xi32>
      %gather3A = tpu.vector_load_idx %arg8[%add3A_921, %add3A_1998] : memref<128x128xf32, #tpu.memory_space<vmem>>[vector<16xi32>, vector<16xi32>], vector<16xf32>,
      tpu.vector_store_idx %arg9[%broadcast_in_dim3A, %add3A_932], %gather3A : memref<32x1024xf32, #tpu.memory_space<vmem>>[vector<16xi32>, vector<16xi32>], vector<16xf32>,
    }
    %scan3A_938 = arith.constant 32 : i32
    %add3A_939 = arith.constant 112 : i32
    %add3A_940 = vector.broadcast %add3A_939 : i32 to vector<16xi32>
    %add3A_941 = arith.addi %add3A_940, %iota3A : vector<16xi32>
    %get3A_942 = arith.constant 240 : index
    %get3A_943 = tpu.vector_load %arg5[%get3A_942] {strides = array<i32>} : memref<1024xi32, #tpu.memory_space<vmem>>, vector<16xi32>,
    %and3A_944 = arith.constant 3 : i32
    %and3A_945 = vector.broadcast %and3A_944 : i32 to vector<16xi32>
    %and3A_946 = arith.andi %get3A_943, %and3A_945 : vector<16xi32>
    %shift_left3A_947 = arith.constant 5 : i32
    %shift_left3A_948 = vector.broadcast %shift_left3A_947 : i32 to vector<16xi32>
    %shift_left3A_949 = arith.shli %and3A_946, %shift_left3A_948 : vector<16xi32>
    %add3A_950 = arith.constant 240 : i32
    %add3A_951 = vector.broadcast %add3A_950 : i32 to vector<16xi32>
    %add3A_952 = arith.addi %add3A_951, %iota3A : vector<16xi32>
    %scan3A_953 = arith.constant 0 : i32
    %scan3A_954 = arith.constant 0 : i32
    %scan3A_955 = arith.constant 32 : i32
    %scan3A_956 = arith.addi %scan3A_954, %scan3A_955 : i32
    %scan3A_957 = arith.constant 1 : i32
    scf.for %scan3A_1996 = %scan3A_954 to %scan3A_956 step %scan3A_957  : i32 {
      %broadcast_in_dim3A = vector.broadcast %scan3A_1996 : i32 to vector<16xi32>
      %add3A_1997 = vector.broadcast %scan3A_1996 : i32 to vector<16xi32>
      %add3A_1998 = arith.addi %shift_left3A_949, %add3A_1997 : vector<16xi32>
      %gather3A = tpu.vector_load_idx %arg8[%add3A_941, %add3A_1998] : memref<128x128xf32, #tpu.memory_space<vmem>>[vector<16xi32>, vector<16xi32>], vector<16xf32>,
      tpu.vector_store_idx %arg9[%broadcast_in_dim3A, %add3A_952], %gather3A : memref<32x1024xf32, #tpu.memory_space<vmem>>[vector<16xi32>, vector<16xi32>], vector<16xf32>,
    }
    %scan3A_958 = arith.constant 32 : i32
    %dma_start3A_959 = arith.constant 3 : i32
    %dma_start3A_960 = arith.constant 0 : i32
    %dma_start3A_961 = tpu.memref_slice %arg6[%dma_start3A_959, %dma_start3A_960] : memref<8x128xi32, #tpu.memory_space<vmem>> -> memref<1x128xi32, #tpu.memory_space<vmem>>
    %dma_start3A_962 = tpu.memref_squeeze %dma_start3A_961 : memref<1x128xi32, #tpu.memory_space<vmem>> -> memref<128xi32, #tpu.memory_space<vmem>>
    %dma_start3A_963 = arith.constant 0 : i32
    %dma_start3A_964 = arith.constant 0 : i32
    %dma_start3A_965 = tpu.memref_slice %arg3[%dma_start3A_963, %dma_start3A_964] : memref<250000x128xf32, #tpu.memory_space<hbm>> -> memref<250000x128xf32, #tpu.memory_space<hbm>>
    tpu.enqueue_indirect_dma source(%dma_start3A_965 : memref<250000x128xf32, #tpu.memory_space<hbm>>) target(%arg8 : memref<128x128xf32, #tpu.memory_space<vmem>>) offsets(%dma_start3A_962 : memref<128xi32, #tpu.memory_space<vmem>>) semaphore(%arg11 : memref<!tpu.dma_semaphore, #tpu.memory_space<semaphore_mem>>)
    %dma_wait3A_966 = arith.constant 2 : i32
    %dma_wait3A_967 = arith.constant 0 : i32
    %dma_wait3A_968 = tpu.memref_slice %arg6[%dma_wait3A_966, %dma_wait3A_967] : memref<8x128xi32, #tpu.memory_space<vmem>> -> memref<1x128xi32, #tpu.memory_space<vmem>>
    %dma_wait3A_969 = tpu.memref_squeeze %dma_wait3A_968 : memref<1x128xi32, #tpu.memory_space<vmem>> -> memref<128xi32, #tpu.memory_space<vmem>>
    %dma_wait3A_970 = arith.constant 0 : i32
    %dma_wait3A_971 = arith.constant 0 : i32
    %dma_wait3A_972 = tpu.memref_slice %arg3[%dma_wait3A_970, %dma_wait3A_971] : memref<250000x128xf32, #tpu.memory_space<hbm>> -> memref<250000x128xf32, #tpu.memory_space<hbm>>
    tpu.wait_indirect_dma semaphore(%arg10 : memref<!tpu.dma_semaphore, #tpu.memory_space<semaphore_mem>>) src(%dma_wait3A_972 : memref<250000x128xf32, #tpu.memory_space<hbm>>) dst(%arg7 : memref<128x128xf32, #tpu.memory_space<vmem>>)
    %add3A_973 = arith.constant 0 : i32
    %add3A_974 = vector.broadcast %add3A_973 : i32 to vector<16xi32>
    %add3A_975 = arith.addi %add3A_974, %iota3A : vector<16xi32>
    %get3A_976 = arith.constant 256 : index
    %get3A_977 = tpu.vector_load %arg5[%get3A_976] {strides = array<i32>} : memref<1024xi32, #tpu.memory_space<vmem>>, vector<16xi32>,
    %and3A_978 = arith.constant 3 : i32
    %and3A_979 = vector.broadcast %and3A_978 : i32 to vector<16xi32>
    %and3A_980 = arith.andi %get3A_977, %and3A_979 : vector<16xi32>
    %shift_left3A_981 = arith.constant 5 : i32
    %shift_left3A_982 = vector.broadcast %shift_left3A_981 : i32 to vector<16xi32>
    %shift_left3A_983 = arith.shli %and3A_980, %shift_left3A_982 : vector<16xi32>
    %add3A_984 = arith.constant 256 : i32
    %add3A_985 = vector.broadcast %add3A_984 : i32 to vector<16xi32>
    %add3A_986 = arith.addi %add3A_985, %iota3A : vector<16xi32>
    %scan3A_987 = arith.constant 0 : i32
    %scan3A_988 = arith.constant 0 : i32
    %scan3A_989 = arith.constant 32 : i32
    %scan3A_990 = arith.addi %scan3A_988, %scan3A_989 : i32
    %scan3A_991 = arith.constant 1 : i32
    scf.for %scan3A_1996 = %scan3A_988 to %scan3A_990 step %scan3A_991  : i32 {
      %broadcast_in_dim3A = vector.broadcast %scan3A_1996 : i32 to vector<16xi32>
      %add3A_1997 = vector.broadcast %scan3A_1996 : i32 to vector<16xi32>
      %add3A_1998 = arith.addi %shift_left3A_983, %add3A_1997 : vector<16xi32>
      %gather3A = tpu.vector_load_idx %arg7[%add3A_975, %add3A_1998] : memref<128x128xf32, #tpu.memory_space<vmem>>[vector<16xi32>, vector<16xi32>], vector<16xf32>,
      tpu.vector_store_idx %arg9[%broadcast_in_dim3A, %add3A_986], %gather3A : memref<32x1024xf32, #tpu.memory_space<vmem>>[vector<16xi32>, vector<16xi32>], vector<16xf32>,
    }
    %scan3A_992 = arith.constant 32 : i32
    %add3A_993 = arith.constant 16 : i32
    %add3A_994 = vector.broadcast %add3A_993 : i32 to vector<16xi32>
    %add3A_995 = arith.addi %add3A_994, %iota3A : vector<16xi32>
    %get3A_996 = arith.constant 272 : index
    %get3A_997 = tpu.vector_load %arg5[%get3A_996] {strides = array<i32>} : memref<1024xi32, #tpu.memory_space<vmem>>, vector<16xi32>,
    %and3A_998 = arith.constant 3 : i32
    %and3A_999 = vector.broadcast %and3A_998 : i32 to vector<16xi32>
    %and3A_1000 = arith.andi %get3A_997, %and3A_999 : vector<16xi32>
    %shift_left3A_1001 = arith.constant 5 : i32
    %shift_left3A_1002 = vector.broadcast %shift_left3A_1001 : i32 to vector<16xi32>
    %shift_left3A_1003 = arith.shli %and3A_1000, %shift_left3A_1002 : vector<16xi32>
    %add3A_1004 = arith.constant 272 : i32
    %add3A_1005 = vector.broadcast %add3A_1004 : i32 to vector<16xi32>
    %add3A_1006 = arith.addi %add3A_1005, %iota3A : vector<16xi32>
    %scan3A_1007 = arith.constant 0 : i32
    %scan3A_1008 = arith.constant 0 : i32
    %scan3A_1009 = arith.constant 32 : i32
    %scan3A_1010 = arith.addi %scan3A_1008, %scan3A_1009 : i32
    %scan3A_1011 = arith.constant 1 : i32
    scf.for %scan3A_1996 = %scan3A_1008 to %scan3A_1010 step %scan3A_1011  : i32 {
      %broadcast_in_dim3A = vector.broadcast %scan3A_1996 : i32 to vector<16xi32>
      %add3A_1997 = vector.broadcast %scan3A_1996 : i32 to vector<16xi32>
      %add3A_1998 = arith.addi %shift_left3A_1003, %add3A_1997 : vector<16xi32>
      %gather3A = tpu.vector_load_idx %arg7[%add3A_995, %add3A_1998] : memref<128x128xf32, #tpu.memory_space<vmem>>[vector<16xi32>, vector<16xi32>], vector<16xf32>,
      tpu.vector_store_idx %arg9[%broadcast_in_dim3A, %add3A_1006], %gather3A : memref<32x1024xf32, #tpu.memory_space<vmem>>[vector<16xi32>, vector<16xi32>], vector<16xf32>,
    }
    %scan3A_1012 = arith.constant 32 : i32
    %add3A_1013 = arith.constant 32 : i32
    %add3A_1014 = vector.broadcast %add3A_1013 : i32 to vector<16xi32>
    %add3A_1015 = arith.addi %add3A_1014, %iota3A : vector<16xi32>
    %get3A_1016 = arith.constant 288 : index
    %get3A_1017 = tpu.vector_load %arg5[%get3A_1016] {strides = array<i32>} : memref<1024xi32, #tpu.memory_space<vmem>>, vector<16xi32>,
    %and3A_1018 = arith.constant 3 : i32
    %and3A_1019 = vector.broadcast %and3A_1018 : i32 to vector<16xi32>
    %and3A_1020 = arith.andi %get3A_1017, %and3A_1019 : vector<16xi32>
    %shift_left3A_1021 = arith.constant 5 : i32
    %shift_left3A_1022 = vector.broadcast %shift_left3A_1021 : i32 to vector<16xi32>
    %shift_left3A_1023 = arith.shli %and3A_1020, %shift_left3A_1022 : vector<16xi32>
    %add3A_1024 = arith.constant 288 : i32
    %add3A_1025 = vector.broadcast %add3A_1024 : i32 to vector<16xi32>
    %add3A_1026 = arith.addi %add3A_1025, %iota3A : vector<16xi32>
    %scan3A_1027 = arith.constant 0 : i32
    %scan3A_1028 = arith.constant 0 : i32
    %scan3A_1029 = arith.constant 32 : i32
    %scan3A_1030 = arith.addi %scan3A_1028, %scan3A_1029 : i32
    %scan3A_1031 = arith.constant 1 : i32
    scf.for %scan3A_1996 = %scan3A_1028 to %scan3A_1030 step %scan3A_1031  : i32 {
      %broadcast_in_dim3A = vector.broadcast %scan3A_1996 : i32 to vector<16xi32>
      %add3A_1997 = vector.broadcast %scan3A_1996 : i32 to vector<16xi32>
      %add3A_1998 = arith.addi %shift_left3A_1023, %add3A_1997 : vector<16xi32>
      %gather3A = tpu.vector_load_idx %arg7[%add3A_1015, %add3A_1998] : memref<128x128xf32, #tpu.memory_space<vmem>>[vector<16xi32>, vector<16xi32>], vector<16xf32>,
      tpu.vector_store_idx %arg9[%broadcast_in_dim3A, %add3A_1026], %gather3A : memref<32x1024xf32, #tpu.memory_space<vmem>>[vector<16xi32>, vector<16xi32>], vector<16xf32>,
    }
    %scan3A_1032 = arith.constant 32 : i32
    %add3A_1033 = arith.constant 48 : i32
    %add3A_1034 = vector.broadcast %add3A_1033 : i32 to vector<16xi32>
    %add3A_1035 = arith.addi %add3A_1034, %iota3A : vector<16xi32>
    %get3A_1036 = arith.constant 304 : index
    %get3A_1037 = tpu.vector_load %arg5[%get3A_1036] {strides = array<i32>} : memref<1024xi32, #tpu.memory_space<vmem>>, vector<16xi32>,
    %and3A_1038 = arith.constant 3 : i32
    %and3A_1039 = vector.broadcast %and3A_1038 : i32 to vector<16xi32>
    %and3A_1040 = arith.andi %get3A_1037, %and3A_1039 : vector<16xi32>
    %shift_left3A_1041 = arith.constant 5 : i32
    %shift_left3A_1042 = vector.broadcast %shift_left3A_1041 : i32 to vector<16xi32>
    %shift_left3A_1043 = arith.shli %and3A_1040, %shift_left3A_1042 : vector<16xi32>
    %add3A_1044 = arith.constant 304 : i32
    %add3A_1045 = vector.broadcast %add3A_1044 : i32 to vector<16xi32>
    %add3A_1046 = arith.addi %add3A_1045, %iota3A : vector<16xi32>
    %scan3A_1047 = arith.constant 0 : i32
    %scan3A_1048 = arith.constant 0 : i32
    %scan3A_1049 = arith.constant 32 : i32
    %scan3A_1050 = arith.addi %scan3A_1048, %scan3A_1049 : i32
    %scan3A_1051 = arith.constant 1 : i32
    scf.for %scan3A_1996 = %scan3A_1048 to %scan3A_1050 step %scan3A_1051  : i32 {
      %broadcast_in_dim3A = vector.broadcast %scan3A_1996 : i32 to vector<16xi32>
      %add3A_1997 = vector.broadcast %scan3A_1996 : i32 to vector<16xi32>
      %add3A_1998 = arith.addi %shift_left3A_1043, %add3A_1997 : vector<16xi32>
      %gather3A = tpu.vector_load_idx %arg7[%add3A_1035, %add3A_1998] : memref<128x128xf32, #tpu.memory_space<vmem>>[vector<16xi32>, vector<16xi32>], vector<16xf32>,
      tpu.vector_store_idx %arg9[%broadcast_in_dim3A, %add3A_1046], %gather3A : memref<32x1024xf32, #tpu.memory_space<vmem>>[vector<16xi32>, vector<16xi32>], vector<16xf32>,
    }
    %scan3A_1052 = arith.constant 32 : i32
    %add3A_1053 = arith.constant 64 : i32
    %add3A_1054 = vector.broadcast %add3A_1053 : i32 to vector<16xi32>
    %add3A_1055 = arith.addi %add3A_1054, %iota3A : vector<16xi32>
    %get3A_1056 = arith.constant 320 : index
    %get3A_1057 = tpu.vector_load %arg5[%get3A_1056] {strides = array<i32>} : memref<1024xi32, #tpu.memory_space<vmem>>, vector<16xi32>,
    %and3A_1058 = arith.constant 3 : i32
    %and3A_1059 = vector.broadcast %and3A_1058 : i32 to vector<16xi32>
    %and3A_1060 = arith.andi %get3A_1057, %and3A_1059 : vector<16xi32>
    %shift_left3A_1061 = arith.constant 5 : i32
    %shift_left3A_1062 = vector.broadcast %shift_left3A_1061 : i32 to vector<16xi32>
    %shift_left3A_1063 = arith.shli %and3A_1060, %shift_left3A_1062 : vector<16xi32>
    %add3A_1064 = arith.constant 320 : i32
    %add3A_1065 = vector.broadcast %add3A_1064 : i32 to vector<16xi32>
    %add3A_1066 = arith.addi %add3A_1065, %iota3A : vector<16xi32>
    %scan3A_1067 = arith.constant 0 : i32
    %scan3A_1068 = arith.constant 0 : i32
    %scan3A_1069 = arith.constant 32 : i32
    %scan3A_1070 = arith.addi %scan3A_1068, %scan3A_1069 : i32
    %scan3A_1071 = arith.constant 1 : i32
    scf.for %scan3A_1996 = %scan3A_1068 to %scan3A_1070 step %scan3A_1071  : i32 {
      %broadcast_in_dim3A = vector.broadcast %scan3A_1996 : i32 to vector<16xi32>
      %add3A_1997 = vector.broadcast %scan3A_1996 : i32 to vector<16xi32>
      %add3A_1998 = arith.addi %shift_left3A_1063, %add3A_1997 : vector<16xi32>
      %gather3A = tpu.vector_load_idx %arg7[%add3A_1055, %add3A_1998] : memref<128x128xf32, #tpu.memory_space<vmem>>[vector<16xi32>, vector<16xi32>], vector<16xf32>,
      tpu.vector_store_idx %arg9[%broadcast_in_dim3A, %add3A_1066], %gather3A : memref<32x1024xf32, #tpu.memory_space<vmem>>[vector<16xi32>, vector<16xi32>], vector<16xf32>,
    }
    %scan3A_1072 = arith.constant 32 : i32
    %add3A_1073 = arith.constant 80 : i32
    %add3A_1074 = vector.broadcast %add3A_1073 : i32 to vector<16xi32>
    %add3A_1075 = arith.addi %add3A_1074, %iota3A : vector<16xi32>
    %get3A_1076 = arith.constant 336 : index
    %get3A_1077 = tpu.vector_load %arg5[%get3A_1076] {strides = array<i32>} : memref<1024xi32, #tpu.memory_space<vmem>>, vector<16xi32>,
    %and3A_1078 = arith.constant 3 : i32
    %and3A_1079 = vector.broadcast %and3A_1078 : i32 to vector<16xi32>
    %and3A_1080 = arith.andi %get3A_1077, %and3A_1079 : vector<16xi32>
    %shift_left3A_1081 = arith.constant 5 : i32
    %shift_left3A_1082 = vector.broadcast %shift_left3A_1081 : i32 to vector<16xi32>
    %shift_left3A_1083 = arith.shli %and3A_1080, %shift_left3A_1082 : vector<16xi32>
    %add3A_1084 = arith.constant 336 : i32
    %add3A_1085 = vector.broadcast %add3A_1084 : i32 to vector<16xi32>
    %add3A_1086 = arith.addi %add3A_1085, %iota3A : vector<16xi32>
    %scan3A_1087 = arith.constant 0 : i32
    %scan3A_1088 = arith.constant 0 : i32
    %scan3A_1089 = arith.constant 32 : i32
    %scan3A_1090 = arith.addi %scan3A_1088, %scan3A_1089 : i32
    %scan3A_1091 = arith.constant 1 : i32
    scf.for %scan3A_1996 = %scan3A_1088 to %scan3A_1090 step %scan3A_1091  : i32 {
      %broadcast_in_dim3A = vector.broadcast %scan3A_1996 : i32 to vector<16xi32>
      %add3A_1997 = vector.broadcast %scan3A_1996 : i32 to vector<16xi32>
      %add3A_1998 = arith.addi %shift_left3A_1083, %add3A_1997 : vector<16xi32>
      %gather3A = tpu.vector_load_idx %arg7[%add3A_1075, %add3A_1998] : memref<128x128xf32, #tpu.memory_space<vmem>>[vector<16xi32>, vector<16xi32>], vector<16xf32>,
      tpu.vector_store_idx %arg9[%broadcast_in_dim3A, %add3A_1086], %gather3A : memref<32x1024xf32, #tpu.memory_space<vmem>>[vector<16xi32>, vector<16xi32>], vector<16xf32>,
    }
    %scan3A_1092 = arith.constant 32 : i32
    %add3A_1093 = arith.constant 96 : i32
    %add3A_1094 = vector.broadcast %add3A_1093 : i32 to vector<16xi32>
    %add3A_1095 = arith.addi %add3A_1094, %iota3A : vector<16xi32>
    %get3A_1096 = arith.constant 352 : index
    %get3A_1097 = tpu.vector_load %arg5[%get3A_1096] {strides = array<i32>} : memref<1024xi32, #tpu.memory_space<vmem>>, vector<16xi32>,
    %and3A_1098 = arith.constant 3 : i32
    %and3A_1099 = vector.broadcast %and3A_1098 : i32 to vector<16xi32>
    %and3A_1100 = arith.andi %get3A_1097, %and3A_1099 : vector<16xi32>
    %shift_left3A_1101 = arith.constant 5 : i32
    %shift_left3A_1102 = vector.broadcast %shift_left3A_1101 : i32 to vector<16xi32>
    %shift_left3A_1103 = arith.shli %and3A_1100, %shift_left3A_1102 : vector<16xi32>
    %add3A_1104 = arith.constant 352 : i32
    %add3A_1105 = vector.broadcast %add3A_1104 : i32 to vector<16xi32>
    %add3A_1106 = arith.addi %add3A_1105, %iota3A : vector<16xi32>
    %scan3A_1107 = arith.constant 0 : i32
    %scan3A_1108 = arith.constant 0 : i32
    %scan3A_1109 = arith.constant 32 : i32
    %scan3A_1110 = arith.addi %scan3A_1108, %scan3A_1109 : i32
    %scan3A_1111 = arith.constant 1 : i32
    scf.for %scan3A_1996 = %scan3A_1108 to %scan3A_1110 step %scan3A_1111  : i32 {
      %broadcast_in_dim3A = vector.broadcast %scan3A_1996 : i32 to vector<16xi32>
      %add3A_1997 = vector.broadcast %scan3A_1996 : i32 to vector<16xi32>
      %add3A_1998 = arith.addi %shift_left3A_1103, %add3A_1997 : vector<16xi32>
      %gather3A = tpu.vector_load_idx %arg7[%add3A_1095, %add3A_1998] : memref<128x128xf32, #tpu.memory_space<vmem>>[vector<16xi32>, vector<16xi32>], vector<16xf32>,
      tpu.vector_store_idx %arg9[%broadcast_in_dim3A, %add3A_1106], %gather3A : memref<32x1024xf32, #tpu.memory_space<vmem>>[vector<16xi32>, vector<16xi32>], vector<16xf32>,
    }
    %scan3A_1112 = arith.constant 32 : i32
    %add3A_1113 = arith.constant 112 : i32
    %add3A_1114 = vector.broadcast %add3A_1113 : i32 to vector<16xi32>
    %add3A_1115 = arith.addi %add3A_1114, %iota3A : vector<16xi32>
    %get3A_1116 = arith.constant 368 : index
    %get3A_1117 = tpu.vector_load %arg5[%get3A_1116] {strides = array<i32>} : memref<1024xi32, #tpu.memory_space<vmem>>, vector<16xi32>,
    %and3A_1118 = arith.constant 3 : i32
    %and3A_1119 = vector.broadcast %and3A_1118 : i32 to vector<16xi32>
    %and3A_1120 = arith.andi %get3A_1117, %and3A_1119 : vector<16xi32>
    %shift_left3A_1121 = arith.constant 5 : i32
    %shift_left3A_1122 = vector.broadcast %shift_left3A_1121 : i32 to vector<16xi32>
    %shift_left3A_1123 = arith.shli %and3A_1120, %shift_left3A_1122 : vector<16xi32>
    %add3A_1124 = arith.constant 368 : i32
    %add3A_1125 = vector.broadcast %add3A_1124 : i32 to vector<16xi32>
    %add3A_1126 = arith.addi %add3A_1125, %iota3A : vector<16xi32>
    %scan3A_1127 = arith.constant 0 : i32
    %scan3A_1128 = arith.constant 0 : i32
    %scan3A_1129 = arith.constant 32 : i32
    %scan3A_1130 = arith.addi %scan3A_1128, %scan3A_1129 : i32
    %scan3A_1131 = arith.constant 1 : i32
    scf.for %scan3A_1996 = %scan3A_1128 to %scan3A_1130 step %scan3A_1131  : i32 {
      %broadcast_in_dim3A = vector.broadcast %scan3A_1996 : i32 to vector<16xi32>
      %add3A_1997 = vector.broadcast %scan3A_1996 : i32 to vector<16xi32>
      %add3A_1998 = arith.addi %shift_left3A_1123, %add3A_1997 : vector<16xi32>
      %gather3A = tpu.vector_load_idx %arg7[%add3A_1115, %add3A_1998] : memref<128x128xf32, #tpu.memory_space<vmem>>[vector<16xi32>, vector<16xi32>], vector<16xf32>,
      tpu.vector_store_idx %arg9[%broadcast_in_dim3A, %add3A_1126], %gather3A : memref<32x1024xf32, #tpu.memory_space<vmem>>[vector<16xi32>, vector<16xi32>], vector<16xf32>,
    }
    %scan3A_1132 = arith.constant 32 : i32
    %dma_start3A_1133 = arith.constant 4 : i32
    %dma_start3A_1134 = arith.constant 0 : i32
    %dma_start3A_1135 = tpu.memref_slice %arg6[%dma_start3A_1133, %dma_start3A_1134] : memref<8x128xi32, #tpu.memory_space<vmem>> -> memref<1x128xi32, #tpu.memory_space<vmem>>
    %dma_start3A_1136 = tpu.memref_squeeze %dma_start3A_1135 : memref<1x128xi32, #tpu.memory_space<vmem>> -> memref<128xi32, #tpu.memory_space<vmem>>
    %dma_start3A_1137 = arith.constant 0 : i32
    %dma_start3A_1138 = arith.constant 0 : i32
    %dma_start3A_1139 = tpu.memref_slice %arg3[%dma_start3A_1137, %dma_start3A_1138] : memref<250000x128xf32, #tpu.memory_space<hbm>> -> memref<250000x128xf32, #tpu.memory_space<hbm>>
    tpu.enqueue_indirect_dma source(%dma_start3A_1139 : memref<250000x128xf32, #tpu.memory_space<hbm>>) target(%arg7 : memref<128x128xf32, #tpu.memory_space<vmem>>) offsets(%dma_start3A_1136 : memref<128xi32, #tpu.memory_space<vmem>>) semaphore(%arg10 : memref<!tpu.dma_semaphore, #tpu.memory_space<semaphore_mem>>)
    %dma_wait3A_1140 = arith.constant 3 : i32
    %dma_wait3A_1141 = arith.constant 0 : i32
    %dma_wait3A_1142 = tpu.memref_slice %arg6[%dma_wait3A_1140, %dma_wait3A_1141] : memref<8x128xi32, #tpu.memory_space<vmem>> -> memref<1x128xi32, #tpu.memory_space<vmem>>
    %dma_wait3A_1143 = tpu.memref_squeeze %dma_wait3A_1142 : memref<1x128xi32, #tpu.memory_space<vmem>> -> memref<128xi32, #tpu.memory_space<vmem>>
    %dma_wait3A_1144 = arith.constant 0 : i32
    %dma_wait3A_1145 = arith.constant 0 : i32
    %dma_wait3A_1146 = tpu.memref_slice %arg3[%dma_wait3A_1144, %dma_wait3A_1145] : memref<250000x128xf32, #tpu.memory_space<hbm>> -> memref<250000x128xf32, #tpu.memory_space<hbm>>
    tpu.wait_indirect_dma semaphore(%arg11 : memref<!tpu.dma_semaphore, #tpu.memory_space<semaphore_mem>>) src(%dma_wait3A_1146 : memref<250000x128xf32, #tpu.memory_space<hbm>>) dst(%arg8 : memref<128x128xf32, #tpu.memory_space<vmem>>)
    %add3A_1147 = arith.constant 0 : i32
    %add3A_1148 = vector.broadcast %add3A_1147 : i32 to vector<16xi32>
    %add3A_1149 = arith.addi %add3A_1148, %iota3A : vector<16xi32>
    %get3A_1150 = arith.constant 384 : index
    %get3A_1151 = tpu.vector_load %arg5[%get3A_1150] {strides = array<i32>} : memref<1024xi32, #tpu.memory_space<vmem>>, vector<16xi32>,
    %and3A_1152 = arith.constant 3 : i32
    %and3A_1153 = vector.broadcast %and3A_1152 : i32 to vector<16xi32>
    %and3A_1154 = arith.andi %get3A_1151, %and3A_1153 : vector<16xi32>
    %shift_left3A_1155 = arith.constant 5 : i32
    %shift_left3A_1156 = vector.broadcast %shift_left3A_1155 : i32 to vector<16xi32>
    %shift_left3A_1157 = arith.shli %and3A_1154, %shift_left3A_1156 : vector<16xi32>
    %add3A_1158 = arith.constant 384 : i32
    %add3A_1159 = vector.broadcast %add3A_1158 : i32 to vector<16xi32>
    %add3A_1160 = arith.addi %add3A_1159, %iota3A : vector<16xi32>
    %scan3A_1161 = arith.constant 0 : i32
    %scan3A_1162 = arith.constant 0 : i32
    %scan3A_1163 = arith.constant 32 : i32
    %scan3A_1164 = arith.addi %scan3A_1162, %scan3A_1163 : i32
    %scan3A_1165 = arith.constant 1 : i32
    scf.for %scan3A_1996 = %scan3A_1162 to %scan3A_1164 step %scan3A_1165  : i32 {
      %broadcast_in_dim3A = vector.broadcast %scan3A_1996 : i32 to vector<16xi32>
      %add3A_1997 = vector.broadcast %scan3A_1996 : i32 to vector<16xi32>
      %add3A_1998 = arith.addi %shift_left3A_1157, %add3A_1997 : vector<16xi32>
      %gather3A = tpu.vector_load_idx %arg8[%add3A_1149, %add3A_1998] : memref<128x128xf32, #tpu.memory_space<vmem>>[vector<16xi32>, vector<16xi32>], vector<16xf32>,
      tpu.vector_store_idx %arg9[%broadcast_in_dim3A, %add3A_1160], %gather3A : memref<32x1024xf32, #tpu.memory_space<vmem>>[vector<16xi32>, vector<16xi32>], vector<16xf32>,
    }
    %scan3A_1166 = arith.constant 32 : i32
    %add3A_1167 = arith.constant 16 : i32
    %add3A_1168 = vector.broadcast %add3A_1167 : i32 to vector<16xi32>
    %add3A_1169 = arith.addi %add3A_1168, %iota3A : vector<16xi32>
    %get3A_1170 = arith.constant 400 : index
    %get3A_1171 = tpu.vector_load %arg5[%get3A_1170] {strides = array<i32>} : memref<1024xi32, #tpu.memory_space<vmem>>, vector<16xi32>,
    %and3A_1172 = arith.constant 3 : i32
    %and3A_1173 = vector.broadcast %and3A_1172 : i32 to vector<16xi32>
    %and3A_1174 = arith.andi %get3A_1171, %and3A_1173 : vector<16xi32>
    %shift_left3A_1175 = arith.constant 5 : i32
    %shift_left3A_1176 = vector.broadcast %shift_left3A_1175 : i32 to vector<16xi32>
    %shift_left3A_1177 = arith.shli %and3A_1174, %shift_left3A_1176 : vector<16xi32>
    %add3A_1178 = arith.constant 400 : i32
    %add3A_1179 = vector.broadcast %add3A_1178 : i32 to vector<16xi32>
    %add3A_1180 = arith.addi %add3A_1179, %iota3A : vector<16xi32>
    %scan3A_1181 = arith.constant 0 : i32
    %scan3A_1182 = arith.constant 0 : i32
    %scan3A_1183 = arith.constant 32 : i32
    %scan3A_1184 = arith.addi %scan3A_1182, %scan3A_1183 : i32
    %scan3A_1185 = arith.constant 1 : i32
    scf.for %scan3A_1996 = %scan3A_1182 to %scan3A_1184 step %scan3A_1185  : i32 {
      %broadcast_in_dim3A = vector.broadcast %scan3A_1996 : i32 to vector<16xi32>
      %add3A_1997 = vector.broadcast %scan3A_1996 : i32 to vector<16xi32>
      %add3A_1998 = arith.addi %shift_left3A_1177, %add3A_1997 : vector<16xi32>
      %gather3A = tpu.vector_load_idx %arg8[%add3A_1169, %add3A_1998] : memref<128x128xf32, #tpu.memory_space<vmem>>[vector<16xi32>, vector<16xi32>], vector<16xf32>,
      tpu.vector_store_idx %arg9[%broadcast_in_dim3A, %add3A_1180], %gather3A : memref<32x1024xf32, #tpu.memory_space<vmem>>[vector<16xi32>, vector<16xi32>], vector<16xf32>,
    }
    %scan3A_1186 = arith.constant 32 : i32
    %add3A_1187 = arith.constant 32 : i32
    %add3A_1188 = vector.broadcast %add3A_1187 : i32 to vector<16xi32>
    %add3A_1189 = arith.addi %add3A_1188, %iota3A : vector<16xi32>
    %get3A_1190 = arith.constant 416 : index
    %get3A_1191 = tpu.vector_load %arg5[%get3A_1190] {strides = array<i32>} : memref<1024xi32, #tpu.memory_space<vmem>>, vector<16xi32>,
    %and3A_1192 = arith.constant 3 : i32
    %and3A_1193 = vector.broadcast %and3A_1192 : i32 to vector<16xi32>
    %and3A_1194 = arith.andi %get3A_1191, %and3A_1193 : vector<16xi32>
    %shift_left3A_1195 = arith.constant 5 : i32
    %shift_left3A_1196 = vector.broadcast %shift_left3A_1195 : i32 to vector<16xi32>
    %shift_left3A_1197 = arith.shli %and3A_1194, %shift_left3A_1196 : vector<16xi32>
    %add3A_1198 = arith.constant 416 : i32
    %add3A_1199 = vector.broadcast %add3A_1198 : i32 to vector<16xi32>
    %add3A_1200 = arith.addi %add3A_1199, %iota3A : vector<16xi32>
    %scan3A_1201 = arith.constant 0 : i32
    %scan3A_1202 = arith.constant 0 : i32
    %scan3A_1203 = arith.constant 32 : i32
    %scan3A_1204 = arith.addi %scan3A_1202, %scan3A_1203 : i32
    %scan3A_1205 = arith.constant 1 : i32
    scf.for %scan3A_1996 = %scan3A_1202 to %scan3A_1204 step %scan3A_1205  : i32 {
      %broadcast_in_dim3A = vector.broadcast %scan3A_1996 : i32 to vector<16xi32>
      %add3A_1997 = vector.broadcast %scan3A_1996 : i32 to vector<16xi32>
      %add3A_1998 = arith.addi %shift_left3A_1197, %add3A_1997 : vector<16xi32>
      %gather3A = tpu.vector_load_idx %arg8[%add3A_1189, %add3A_1998] : memref<128x128xf32, #tpu.memory_space<vmem>>[vector<16xi32>, vector<16xi32>], vector<16xf32>,
      tpu.vector_store_idx %arg9[%broadcast_in_dim3A, %add3A_1200], %gather3A : memref<32x1024xf32, #tpu.memory_space<vmem>>[vector<16xi32>, vector<16xi32>], vector<16xf32>,
    }
    %scan3A_1206 = arith.constant 32 : i32
    %add3A_1207 = arith.constant 48 : i32
    %add3A_1208 = vector.broadcast %add3A_1207 : i32 to vector<16xi32>
    %add3A_1209 = arith.addi %add3A_1208, %iota3A : vector<16xi32>
    %get3A_1210 = arith.constant 432 : index
    %get3A_1211 = tpu.vector_load %arg5[%get3A_1210] {strides = array<i32>} : memref<1024xi32, #tpu.memory_space<vmem>>, vector<16xi32>,
    %and3A_1212 = arith.constant 3 : i32
    %and3A_1213 = vector.broadcast %and3A_1212 : i32 to vector<16xi32>
    %and3A_1214 = arith.andi %get3A_1211, %and3A_1213 : vector<16xi32>
    %shift_left3A_1215 = arith.constant 5 : i32
    %shift_left3A_1216 = vector.broadcast %shift_left3A_1215 : i32 to vector<16xi32>
    %shift_left3A_1217 = arith.shli %and3A_1214, %shift_left3A_1216 : vector<16xi32>
    %add3A_1218 = arith.constant 432 : i32
    %add3A_1219 = vector.broadcast %add3A_1218 : i32 to vector<16xi32>
    %add3A_1220 = arith.addi %add3A_1219, %iota3A : vector<16xi32>
    %scan3A_1221 = arith.constant 0 : i32
    %scan3A_1222 = arith.constant 0 : i32
    %scan3A_1223 = arith.constant 32 : i32
    %scan3A_1224 = arith.addi %scan3A_1222, %scan3A_1223 : i32
    %scan3A_1225 = arith.constant 1 : i32
    scf.for %scan3A_1996 = %scan3A_1222 to %scan3A_1224 step %scan3A_1225  : i32 {
      %broadcast_in_dim3A = vector.broadcast %scan3A_1996 : i32 to vector<16xi32>
      %add3A_1997 = vector.broadcast %scan3A_1996 : i32 to vector<16xi32>
      %add3A_1998 = arith.addi %shift_left3A_1217, %add3A_1997 : vector<16xi32>
      %gather3A = tpu.vector_load_idx %arg8[%add3A_1209, %add3A_1998] : memref<128x128xf32, #tpu.memory_space<vmem>>[vector<16xi32>, vector<16xi32>], vector<16xf32>,
      tpu.vector_store_idx %arg9[%broadcast_in_dim3A, %add3A_1220], %gather3A : memref<32x1024xf32, #tpu.memory_space<vmem>>[vector<16xi32>, vector<16xi32>], vector<16xf32>,
    }
    %scan3A_1226 = arith.constant 32 : i32
    %add3A_1227 = arith.constant 64 : i32
    %add3A_1228 = vector.broadcast %add3A_1227 : i32 to vector<16xi32>
    %add3A_1229 = arith.addi %add3A_1228, %iota3A : vector<16xi32>
    %get3A_1230 = arith.constant 448 : index
    %get3A_1231 = tpu.vector_load %arg5[%get3A_1230] {strides = array<i32>} : memref<1024xi32, #tpu.memory_space<vmem>>, vector<16xi32>,
    %and3A_1232 = arith.constant 3 : i32
    %and3A_1233 = vector.broadcast %and3A_1232 : i32 to vector<16xi32>
    %and3A_1234 = arith.andi %get3A_1231, %and3A_1233 : vector<16xi32>
    %shift_left3A_1235 = arith.constant 5 : i32
    %shift_left3A_1236 = vector.broadcast %shift_left3A_1235 : i32 to vector<16xi32>
    %shift_left3A_1237 = arith.shli %and3A_1234, %shift_left3A_1236 : vector<16xi32>
    %add3A_1238 = arith.constant 448 : i32
    %add3A_1239 = vector.broadcast %add3A_1238 : i32 to vector<16xi32>
    %add3A_1240 = arith.addi %add3A_1239, %iota3A : vector<16xi32>
    %scan3A_1241 = arith.constant 0 : i32
    %scan3A_1242 = arith.constant 0 : i32
    %scan3A_1243 = arith.constant 32 : i32
    %scan3A_1244 = arith.addi %scan3A_1242, %scan3A_1243 : i32
    %scan3A_1245 = arith.constant 1 : i32
    scf.for %scan3A_1996 = %scan3A_1242 to %scan3A_1244 step %scan3A_1245  : i32 {
      %broadcast_in_dim3A = vector.broadcast %scan3A_1996 : i32 to vector<16xi32>
      %add3A_1997 = vector.broadcast %scan3A_1996 : i32 to vector<16xi32>
      %add3A_1998 = arith.addi %shift_left3A_1237, %add3A_1997 : vector<16xi32>
      %gather3A = tpu.vector_load_idx %arg8[%add3A_1229, %add3A_1998] : memref<128x128xf32, #tpu.memory_space<vmem>>[vector<16xi32>, vector<16xi32>], vector<16xf32>,
      tpu.vector_store_idx %arg9[%broadcast_in_dim3A, %add3A_1240], %gather3A : memref<32x1024xf32, #tpu.memory_space<vmem>>[vector<16xi32>, vector<16xi32>], vector<16xf32>,
    }
    %scan3A_1246 = arith.constant 32 : i32
    %add3A_1247 = arith.constant 80 : i32
    %add3A_1248 = vector.broadcast %add3A_1247 : i32 to vector<16xi32>
    %add3A_1249 = arith.addi %add3A_1248, %iota3A : vector<16xi32>
    %get3A_1250 = arith.constant 464 : index
    %get3A_1251 = tpu.vector_load %arg5[%get3A_1250] {strides = array<i32>} : memref<1024xi32, #tpu.memory_space<vmem>>, vector<16xi32>,
    %and3A_1252 = arith.constant 3 : i32
    %and3A_1253 = vector.broadcast %and3A_1252 : i32 to vector<16xi32>
    %and3A_1254 = arith.andi %get3A_1251, %and3A_1253 : vector<16xi32>
    %shift_left3A_1255 = arith.constant 5 : i32
    %shift_left3A_1256 = vector.broadcast %shift_left3A_1255 : i32 to vector<16xi32>
    %shift_left3A_1257 = arith.shli %and3A_1254, %shift_left3A_1256 : vector<16xi32>
    %add3A_1258 = arith.constant 464 : i32
    %add3A_1259 = vector.broadcast %add3A_1258 : i32 to vector<16xi32>
    %add3A_1260 = arith.addi %add3A_1259, %iota3A : vector<16xi32>
    %scan3A_1261 = arith.constant 0 : i32
    %scan3A_1262 = arith.constant 0 : i32
    %scan3A_1263 = arith.constant 32 : i32
    %scan3A_1264 = arith.addi %scan3A_1262, %scan3A_1263 : i32
    %scan3A_1265 = arith.constant 1 : i32
    scf.for %scan3A_1996 = %scan3A_1262 to %scan3A_1264 step %scan3A_1265  : i32 {
      %broadcast_in_dim3A = vector.broadcast %scan3A_1996 : i32 to vector<16xi32>
      %add3A_1997 = vector.broadcast %scan3A_1996 : i32 to vector<16xi32>
      %add3A_1998 = arith.addi %shift_left3A_1257, %add3A_1997 : vector<16xi32>
      %gather3A = tpu.vector_load_idx %arg8[%add3A_1249, %add3A_1998] : memref<128x128xf32, #tpu.memory_space<vmem>>[vector<16xi32>, vector<16xi32>], vector<16xf32>,
      tpu.vector_store_idx %arg9[%broadcast_in_dim3A, %add3A_1260], %gather3A : memref<32x1024xf32, #tpu.memory_space<vmem>>[vector<16xi32>, vector<16xi32>], vector<16xf32>,
    }
    %scan3A_1266 = arith.constant 32 : i32
    %add3A_1267 = arith.constant 96 : i32
    %add3A_1268 = vector.broadcast %add3A_1267 : i32 to vector<16xi32>
    %add3A_1269 = arith.addi %add3A_1268, %iota3A : vector<16xi32>
    %get3A_1270 = arith.constant 480 : index
    %get3A_1271 = tpu.vector_load %arg5[%get3A_1270] {strides = array<i32>} : memref<1024xi32, #tpu.memory_space<vmem>>, vector<16xi32>,
    %and3A_1272 = arith.constant 3 : i32
    %and3A_1273 = vector.broadcast %and3A_1272 : i32 to vector<16xi32>
    %and3A_1274 = arith.andi %get3A_1271, %and3A_1273 : vector<16xi32>
    %shift_left3A_1275 = arith.constant 5 : i32
    %shift_left3A_1276 = vector.broadcast %shift_left3A_1275 : i32 to vector<16xi32>
    %shift_left3A_1277 = arith.shli %and3A_1274, %shift_left3A_1276 : vector<16xi32>
    %add3A_1278 = arith.constant 480 : i32
    %add3A_1279 = vector.broadcast %add3A_1278 : i32 to vector<16xi32>
    %add3A_1280 = arith.addi %add3A_1279, %iota3A : vector<16xi32>
    %scan3A_1281 = arith.constant 0 : i32
    %scan3A_1282 = arith.constant 0 : i32
    %scan3A_1283 = arith.constant 32 : i32
    %scan3A_1284 = arith.addi %scan3A_1282, %scan3A_1283 : i32
    %scan3A_1285 = arith.constant 1 : i32
    scf.for %scan3A_1996 = %scan3A_1282 to %scan3A_1284 step %scan3A_1285  : i32 {
      %broadcast_in_dim3A = vector.broadcast %scan3A_1996 : i32 to vector<16xi32>
      %add3A_1997 = vector.broadcast %scan3A_1996 : i32 to vector<16xi32>
      %add3A_1998 = arith.addi %shift_left3A_1277, %add3A_1997 : vector<16xi32>
      %gather3A = tpu.vector_load_idx %arg8[%add3A_1269, %add3A_1998] : memref<128x128xf32, #tpu.memory_space<vmem>>[vector<16xi32>, vector<16xi32>], vector<16xf32>,
      tpu.vector_store_idx %arg9[%broadcast_in_dim3A, %add3A_1280], %gather3A : memref<32x1024xf32, #tpu.memory_space<vmem>>[vector<16xi32>, vector<16xi32>], vector<16xf32>,
    }
    %scan3A_1286 = arith.constant 32 : i32
    %add3A_1287 = arith.constant 112 : i32
    %add3A_1288 = vector.broadcast %add3A_1287 : i32 to vector<16xi32>
    %add3A_1289 = arith.addi %add3A_1288, %iota3A : vector<16xi32>
    %get3A_1290 = arith.constant 496 : index
    %get3A_1291 = tpu.vector_load %arg5[%get3A_1290] {strides = array<i32>} : memref<1024xi32, #tpu.memory_space<vmem>>, vector<16xi32>,
    %and3A_1292 = arith.constant 3 : i32
    %and3A_1293 = vector.broadcast %and3A_1292 : i32 to vector<16xi32>
    %and3A_1294 = arith.andi %get3A_1291, %and3A_1293 : vector<16xi32>
    %shift_left3A_1295 = arith.constant 5 : i32
    %shift_left3A_1296 = vector.broadcast %shift_left3A_1295 : i32 to vector<16xi32>
    %shift_left3A_1297 = arith.shli %and3A_1294, %shift_left3A_1296 : vector<16xi32>
    %add3A_1298 = arith.constant 496 : i32
    %add3A_1299 = vector.broadcast %add3A_1298 : i32 to vector<16xi32>
    %add3A_1300 = arith.addi %add3A_1299, %iota3A : vector<16xi32>
    %scan3A_1301 = arith.constant 0 : i32
    %scan3A_1302 = arith.constant 0 : i32
    %scan3A_1303 = arith.constant 32 : i32
    %scan3A_1304 = arith.addi %scan3A_1302, %scan3A_1303 : i32
    %scan3A_1305 = arith.constant 1 : i32
    scf.for %scan3A_1996 = %scan3A_1302 to %scan3A_1304 step %scan3A_1305  : i32 {
      %broadcast_in_dim3A = vector.broadcast %scan3A_1996 : i32 to vector<16xi32>
      %add3A_1997 = vector.broadcast %scan3A_1996 : i32 to vector<16xi32>
      %add3A_1998 = arith.addi %shift_left3A_1297, %add3A_1997 : vector<16xi32>
      %gather3A = tpu.vector_load_idx %arg8[%add3A_1289, %add3A_1998] : memref<128x128xf32, #tpu.memory_space<vmem>>[vector<16xi32>, vector<16xi32>], vector<16xf32>,
      tpu.vector_store_idx %arg9[%broadcast_in_dim3A, %add3A_1300], %gather3A : memref<32x1024xf32, #tpu.memory_space<vmem>>[vector<16xi32>, vector<16xi32>], vector<16xf32>,
    }
    %scan3A_1306 = arith.constant 32 : i32
    %dma_start3A_1307 = arith.constant 5 : i32
    %dma_start3A_1308 = arith.constant 0 : i32
    %dma_start3A_1309 = tpu.memref_slice %arg6[%dma_start3A_1307, %dma_start3A_1308] : memref<8x128xi32, #tpu.memory_space<vmem>> -> memref<1x128xi32, #tpu.memory_space<vmem>>
    %dma_start3A_1310 = tpu.memref_squeeze %dma_start3A_1309 : memref<1x128xi32, #tpu.memory_space<vmem>> -> memref<128xi32, #tpu.memory_space<vmem>>
    %dma_start3A_1311 = arith.constant 0 : i32
    %dma_start3A_1312 = arith.constant 0 : i32
    %dma_start3A_1313 = tpu.memref_slice %arg3[%dma_start3A_1311, %dma_start3A_1312] : memref<250000x128xf32, #tpu.memory_space<hbm>> -> memref<250000x128xf32, #tpu.memory_space<hbm>>
    tpu.enqueue_indirect_dma source(%dma_start3A_1313 : memref<250000x128xf32, #tpu.memory_space<hbm>>) target(%arg8 : memref<128x128xf32, #tpu.memory_space<vmem>>) offsets(%dma_start3A_1310 : memref<128xi32, #tpu.memory_space<vmem>>) semaphore(%arg11 : memref<!tpu.dma_semaphore, #tpu.memory_space<semaphore_mem>>)
    %dma_wait3A_1314 = arith.constant 4 : i32
    %dma_wait3A_1315 = arith.constant 0 : i32
    %dma_wait3A_1316 = tpu.memref_slice %arg6[%dma_wait3A_1314, %dma_wait3A_1315] : memref<8x128xi32, #tpu.memory_space<vmem>> -> memref<1x128xi32, #tpu.memory_space<vmem>>
    %dma_wait3A_1317 = tpu.memref_squeeze %dma_wait3A_1316 : memref<1x128xi32, #tpu.memory_space<vmem>> -> memref<128xi32, #tpu.memory_space<vmem>>
    %dma_wait3A_1318 = arith.constant 0 : i32
    %dma_wait3A_1319 = arith.constant 0 : i32
    %dma_wait3A_1320 = tpu.memref_slice %arg3[%dma_wait3A_1318, %dma_wait3A_1319] : memref<250000x128xf32, #tpu.memory_space<hbm>> -> memref<250000x128xf32, #tpu.memory_space<hbm>>
    tpu.wait_indirect_dma semaphore(%arg10 : memref<!tpu.dma_semaphore, #tpu.memory_space<semaphore_mem>>) src(%dma_wait3A_1320 : memref<250000x128xf32, #tpu.memory_space<hbm>>) dst(%arg7 : memref<128x128xf32, #tpu.memory_space<vmem>>)
    %add3A_1321 = arith.constant 0 : i32
    %add3A_1322 = vector.broadcast %add3A_1321 : i32 to vector<16xi32>
    %add3A_1323 = arith.addi %add3A_1322, %iota3A : vector<16xi32>
    %get3A_1324 = arith.constant 512 : index
    %get3A_1325 = tpu.vector_load %arg5[%get3A_1324] {strides = array<i32>} : memref<1024xi32, #tpu.memory_space<vmem>>, vector<16xi32>,
    %and3A_1326 = arith.constant 3 : i32
    %and3A_1327 = vector.broadcast %and3A_1326 : i32 to vector<16xi32>
    %and3A_1328 = arith.andi %get3A_1325, %and3A_1327 : vector<16xi32>
    %shift_left3A_1329 = arith.constant 5 : i32
    %shift_left3A_1330 = vector.broadcast %shift_left3A_1329 : i32 to vector<16xi32>
    %shift_left3A_1331 = arith.shli %and3A_1328, %shift_left3A_1330 : vector<16xi32>
    %add3A_1332 = arith.constant 512 : i32
    %add3A_1333 = vector.broadcast %add3A_1332 : i32 to vector<16xi32>
    %add3A_1334 = arith.addi %add3A_1333, %iota3A : vector<16xi32>
    %scan3A_1335 = arith.constant 0 : i32
    %scan3A_1336 = arith.constant 0 : i32
    %scan3A_1337 = arith.constant 32 : i32
    %scan3A_1338 = arith.addi %scan3A_1336, %scan3A_1337 : i32
    %scan3A_1339 = arith.constant 1 : i32
    scf.for %scan3A_1996 = %scan3A_1336 to %scan3A_1338 step %scan3A_1339  : i32 {
      %broadcast_in_dim3A = vector.broadcast %scan3A_1996 : i32 to vector<16xi32>
      %add3A_1997 = vector.broadcast %scan3A_1996 : i32 to vector<16xi32>
      %add3A_1998 = arith.addi %shift_left3A_1331, %add3A_1997 : vector<16xi32>
      %gather3A = tpu.vector_load_idx %arg7[%add3A_1323, %add3A_1998] : memref<128x128xf32, #tpu.memory_space<vmem>>[vector<16xi32>, vector<16xi32>], vector<16xf32>,
      tpu.vector_store_idx %arg9[%broadcast_in_dim3A, %add3A_1334], %gather3A : memref<32x1024xf32, #tpu.memory_space<vmem>>[vector<16xi32>, vector<16xi32>], vector<16xf32>,
    }
    %scan3A_1340 = arith.constant 32 : i32
    %add3A_1341 = arith.constant 16 : i32
    %add3A_1342 = vector.broadcast %add3A_1341 : i32 to vector<16xi32>
    %add3A_1343 = arith.addi %add3A_1342, %iota3A : vector<16xi32>
    %get3A_1344 = arith.constant 528 : index
    %get3A_1345 = tpu.vector_load %arg5[%get3A_1344] {strides = array<i32>} : memref<1024xi32, #tpu.memory_space<vmem>>, vector<16xi32>,
    %and3A_1346 = arith.constant 3 : i32
    %and3A_1347 = vector.broadcast %and3A_1346 : i32 to vector<16xi32>
    %and3A_1348 = arith.andi %get3A_1345, %and3A_1347 : vector<16xi32>
    %shift_left3A_1349 = arith.constant 5 : i32
    %shift_left3A_1350 = vector.broadcast %shift_left3A_1349 : i32 to vector<16xi32>
    %shift_left3A_1351 = arith.shli %and3A_1348, %shift_left3A_1350 : vector<16xi32>
    %add3A_1352 = arith.constant 528 : i32
    %add3A_1353 = vector.broadcast %add3A_1352 : i32 to vector<16xi32>
    %add3A_1354 = arith.addi %add3A_1353, %iota3A : vector<16xi32>
    %scan3A_1355 = arith.constant 0 : i32
    %scan3A_1356 = arith.constant 0 : i32
    %scan3A_1357 = arith.constant 32 : i32
    %scan3A_1358 = arith.addi %scan3A_1356, %scan3A_1357 : i32
    %scan3A_1359 = arith.constant 1 : i32
    scf.for %scan3A_1996 = %scan3A_1356 to %scan3A_1358 step %scan3A_1359  : i32 {
      %broadcast_in_dim3A = vector.broadcast %scan3A_1996 : i32 to vector<16xi32>
      %add3A_1997 = vector.broadcast %scan3A_1996 : i32 to vector<16xi32>
      %add3A_1998 = arith.addi %shift_left3A_1351, %add3A_1997 : vector<16xi32>
      %gather3A = tpu.vector_load_idx %arg7[%add3A_1343, %add3A_1998] : memref<128x128xf32, #tpu.memory_space<vmem>>[vector<16xi32>, vector<16xi32>], vector<16xf32>,
      tpu.vector_store_idx %arg9[%broadcast_in_dim3A, %add3A_1354], %gather3A : memref<32x1024xf32, #tpu.memory_space<vmem>>[vector<16xi32>, vector<16xi32>], vector<16xf32>,
    }
    %scan3A_1360 = arith.constant 32 : i32
    %add3A_1361 = arith.constant 32 : i32
    %add3A_1362 = vector.broadcast %add3A_1361 : i32 to vector<16xi32>
    %add3A_1363 = arith.addi %add3A_1362, %iota3A : vector<16xi32>
    %get3A_1364 = arith.constant 544 : index
    %get3A_1365 = tpu.vector_load %arg5[%get3A_1364] {strides = array<i32>} : memref<1024xi32, #tpu.memory_space<vmem>>, vector<16xi32>,
    %and3A_1366 = arith.constant 3 : i32
    %and3A_1367 = vector.broadcast %and3A_1366 : i32 to vector<16xi32>
    %and3A_1368 = arith.andi %get3A_1365, %and3A_1367 : vector<16xi32>
    %shift_left3A_1369 = arith.constant 5 : i32
    %shift_left3A_1370 = vector.broadcast %shift_left3A_1369 : i32 to vector<16xi32>
    %shift_left3A_1371 = arith.shli %and3A_1368, %shift_left3A_1370 : vector<16xi32>
    %add3A_1372 = arith.constant 544 : i32
    %add3A_1373 = vector.broadcast %add3A_1372 : i32 to vector<16xi32>
    %add3A_1374 = arith.addi %add3A_1373, %iota3A : vector<16xi32>
    %scan3A_1375 = arith.constant 0 : i32
    %scan3A_1376 = arith.constant 0 : i32
    %scan3A_1377 = arith.constant 32 : i32
    %scan3A_1378 = arith.addi %scan3A_1376, %scan3A_1377 : i32
    %scan3A_1379 = arith.constant 1 : i32
    scf.for %scan3A_1996 = %scan3A_1376 to %scan3A_1378 step %scan3A_1379  : i32 {
      %broadcast_in_dim3A = vector.broadcast %scan3A_1996 : i32 to vector<16xi32>
      %add3A_1997 = vector.broadcast %scan3A_1996 : i32 to vector<16xi32>
      %add3A_1998 = arith.addi %shift_left3A_1371, %add3A_1997 : vector<16xi32>
      %gather3A = tpu.vector_load_idx %arg7[%add3A_1363, %add3A_1998] : memref<128x128xf32, #tpu.memory_space<vmem>>[vector<16xi32>, vector<16xi32>], vector<16xf32>,
      tpu.vector_store_idx %arg9[%broadcast_in_dim3A, %add3A_1374], %gather3A : memref<32x1024xf32, #tpu.memory_space<vmem>>[vector<16xi32>, vector<16xi32>], vector<16xf32>,
    }
    %scan3A_1380 = arith.constant 32 : i32
    %add3A_1381 = arith.constant 48 : i32
    %add3A_1382 = vector.broadcast %add3A_1381 : i32 to vector<16xi32>
    %add3A_1383 = arith.addi %add3A_1382, %iota3A : vector<16xi32>
    %get3A_1384 = arith.constant 560 : index
    %get3A_1385 = tpu.vector_load %arg5[%get3A_1384] {strides = array<i32>} : memref<1024xi32, #tpu.memory_space<vmem>>, vector<16xi32>,
    %and3A_1386 = arith.constant 3 : i32
    %and3A_1387 = vector.broadcast %and3A_1386 : i32 to vector<16xi32>
    %and3A_1388 = arith.andi %get3A_1385, %and3A_1387 : vector<16xi32>
    %shift_left3A_1389 = arith.constant 5 : i32
    %shift_left3A_1390 = vector.broadcast %shift_left3A_1389 : i32 to vector<16xi32>
    %shift_left3A_1391 = arith.shli %and3A_1388, %shift_left3A_1390 : vector<16xi32>
    %add3A_1392 = arith.constant 560 : i32
    %add3A_1393 = vector.broadcast %add3A_1392 : i32 to vector<16xi32>
    %add3A_1394 = arith.addi %add3A_1393, %iota3A : vector<16xi32>
    %scan3A_1395 = arith.constant 0 : i32
    %scan3A_1396 = arith.constant 0 : i32
    %scan3A_1397 = arith.constant 32 : i32
    %scan3A_1398 = arith.addi %scan3A_1396, %scan3A_1397 : i32
    %scan3A_1399 = arith.constant 1 : i32
    scf.for %scan3A_1996 = %scan3A_1396 to %scan3A_1398 step %scan3A_1399  : i32 {
      %broadcast_in_dim3A = vector.broadcast %scan3A_1996 : i32 to vector<16xi32>
      %add3A_1997 = vector.broadcast %scan3A_1996 : i32 to vector<16xi32>
      %add3A_1998 = arith.addi %shift_left3A_1391, %add3A_1997 : vector<16xi32>
      %gather3A = tpu.vector_load_idx %arg7[%add3A_1383, %add3A_1998] : memref<128x128xf32, #tpu.memory_space<vmem>>[vector<16xi32>, vector<16xi32>], vector<16xf32>,
      tpu.vector_store_idx %arg9[%broadcast_in_dim3A, %add3A_1394], %gather3A : memref<32x1024xf32, #tpu.memory_space<vmem>>[vector<16xi32>, vector<16xi32>], vector<16xf32>,
    }
    %scan3A_1400 = arith.constant 32 : i32
    %add3A_1401 = arith.constant 64 : i32
    %add3A_1402 = vector.broadcast %add3A_1401 : i32 to vector<16xi32>
    %add3A_1403 = arith.addi %add3A_1402, %iota3A : vector<16xi32>
    %get3A_1404 = arith.constant 576 : index
    %get3A_1405 = tpu.vector_load %arg5[%get3A_1404] {strides = array<i32>} : memref<1024xi32, #tpu.memory_space<vmem>>, vector<16xi32>,
    %and3A_1406 = arith.constant 3 : i32
    %and3A_1407 = vector.broadcast %and3A_1406 : i32 to vector<16xi32>
    %and3A_1408 = arith.andi %get3A_1405, %and3A_1407 : vector<16xi32>
    %shift_left3A_1409 = arith.constant 5 : i32
    %shift_left3A_1410 = vector.broadcast %shift_left3A_1409 : i32 to vector<16xi32>
    %shift_left3A_1411 = arith.shli %and3A_1408, %shift_left3A_1410 : vector<16xi32>
    %add3A_1412 = arith.constant 576 : i32
    %add3A_1413 = vector.broadcast %add3A_1412 : i32 to vector<16xi32>
    %add3A_1414 = arith.addi %add3A_1413, %iota3A : vector<16xi32>
    %scan3A_1415 = arith.constant 0 : i32
    %scan3A_1416 = arith.constant 0 : i32
    %scan3A_1417 = arith.constant 32 : i32
    %scan3A_1418 = arith.addi %scan3A_1416, %scan3A_1417 : i32
    %scan3A_1419 = arith.constant 1 : i32
    scf.for %scan3A_1996 = %scan3A_1416 to %scan3A_1418 step %scan3A_1419  : i32 {
      %broadcast_in_dim3A = vector.broadcast %scan3A_1996 : i32 to vector<16xi32>
      %add3A_1997 = vector.broadcast %scan3A_1996 : i32 to vector<16xi32>
      %add3A_1998 = arith.addi %shift_left3A_1411, %add3A_1997 : vector<16xi32>
      %gather3A = tpu.vector_load_idx %arg7[%add3A_1403, %add3A_1998] : memref<128x128xf32, #tpu.memory_space<vmem>>[vector<16xi32>, vector<16xi32>], vector<16xf32>,
      tpu.vector_store_idx %arg9[%broadcast_in_dim3A, %add3A_1414], %gather3A : memref<32x1024xf32, #tpu.memory_space<vmem>>[vector<16xi32>, vector<16xi32>], vector<16xf32>,
    }
    %scan3A_1420 = arith.constant 32 : i32
    %add3A_1421 = arith.constant 80 : i32
    %add3A_1422 = vector.broadcast %add3A_1421 : i32 to vector<16xi32>
    %add3A_1423 = arith.addi %add3A_1422, %iota3A : vector<16xi32>
    %get3A_1424 = arith.constant 592 : index
    %get3A_1425 = tpu.vector_load %arg5[%get3A_1424] {strides = array<i32>} : memref<1024xi32, #tpu.memory_space<vmem>>, vector<16xi32>,
    %and3A_1426 = arith.constant 3 : i32
    %and3A_1427 = vector.broadcast %and3A_1426 : i32 to vector<16xi32>
    %and3A_1428 = arith.andi %get3A_1425, %and3A_1427 : vector<16xi32>
    %shift_left3A_1429 = arith.constant 5 : i32
    %shift_left3A_1430 = vector.broadcast %shift_left3A_1429 : i32 to vector<16xi32>
    %shift_left3A_1431 = arith.shli %and3A_1428, %shift_left3A_1430 : vector<16xi32>
    %add3A_1432 = arith.constant 592 : i32
    %add3A_1433 = vector.broadcast %add3A_1432 : i32 to vector<16xi32>
    %add3A_1434 = arith.addi %add3A_1433, %iota3A : vector<16xi32>
    %scan3A_1435 = arith.constant 0 : i32
    %scan3A_1436 = arith.constant 0 : i32
    %scan3A_1437 = arith.constant 32 : i32
    %scan3A_1438 = arith.addi %scan3A_1436, %scan3A_1437 : i32
    %scan3A_1439 = arith.constant 1 : i32
    scf.for %scan3A_1996 = %scan3A_1436 to %scan3A_1438 step %scan3A_1439  : i32 {
      %broadcast_in_dim3A = vector.broadcast %scan3A_1996 : i32 to vector<16xi32>
      %add3A_1997 = vector.broadcast %scan3A_1996 : i32 to vector<16xi32>
      %add3A_1998 = arith.addi %shift_left3A_1431, %add3A_1997 : vector<16xi32>
      %gather3A = tpu.vector_load_idx %arg7[%add3A_1423, %add3A_1998] : memref<128x128xf32, #tpu.memory_space<vmem>>[vector<16xi32>, vector<16xi32>], vector<16xf32>,
      tpu.vector_store_idx %arg9[%broadcast_in_dim3A, %add3A_1434], %gather3A : memref<32x1024xf32, #tpu.memory_space<vmem>>[vector<16xi32>, vector<16xi32>], vector<16xf32>,
    }
    %scan3A_1440 = arith.constant 32 : i32
    %add3A_1441 = arith.constant 96 : i32
    %add3A_1442 = vector.broadcast %add3A_1441 : i32 to vector<16xi32>
    %add3A_1443 = arith.addi %add3A_1442, %iota3A : vector<16xi32>
    %get3A_1444 = arith.constant 608 : index
    %get3A_1445 = tpu.vector_load %arg5[%get3A_1444] {strides = array<i32>} : memref<1024xi32, #tpu.memory_space<vmem>>, vector<16xi32>,
    %and3A_1446 = arith.constant 3 : i32
    %and3A_1447 = vector.broadcast %and3A_1446 : i32 to vector<16xi32>
    %and3A_1448 = arith.andi %get3A_1445, %and3A_1447 : vector<16xi32>
    %shift_left3A_1449 = arith.constant 5 : i32
    %shift_left3A_1450 = vector.broadcast %shift_left3A_1449 : i32 to vector<16xi32>
    %shift_left3A_1451 = arith.shli %and3A_1448, %shift_left3A_1450 : vector<16xi32>
    %add3A_1452 = arith.constant 608 : i32
    %add3A_1453 = vector.broadcast %add3A_1452 : i32 to vector<16xi32>
    %add3A_1454 = arith.addi %add3A_1453, %iota3A : vector<16xi32>
    %scan3A_1455 = arith.constant 0 : i32
    %scan3A_1456 = arith.constant 0 : i32
    %scan3A_1457 = arith.constant 32 : i32
    %scan3A_1458 = arith.addi %scan3A_1456, %scan3A_1457 : i32
    %scan3A_1459 = arith.constant 1 : i32
    scf.for %scan3A_1996 = %scan3A_1456 to %scan3A_1458 step %scan3A_1459  : i32 {
      %broadcast_in_dim3A = vector.broadcast %scan3A_1996 : i32 to vector<16xi32>
      %add3A_1997 = vector.broadcast %scan3A_1996 : i32 to vector<16xi32>
      %add3A_1998 = arith.addi %shift_left3A_1451, %add3A_1997 : vector<16xi32>
      %gather3A = tpu.vector_load_idx %arg7[%add3A_1443, %add3A_1998] : memref<128x128xf32, #tpu.memory_space<vmem>>[vector<16xi32>, vector<16xi32>], vector<16xf32>,
      tpu.vector_store_idx %arg9[%broadcast_in_dim3A, %add3A_1454], %gather3A : memref<32x1024xf32, #tpu.memory_space<vmem>>[vector<16xi32>, vector<16xi32>], vector<16xf32>,
    }
    %scan3A_1460 = arith.constant 32 : i32
    %add3A_1461 = arith.constant 112 : i32
    %add3A_1462 = vector.broadcast %add3A_1461 : i32 to vector<16xi32>
    %add3A_1463 = arith.addi %add3A_1462, %iota3A : vector<16xi32>
    %get3A_1464 = arith.constant 624 : index
    %get3A_1465 = tpu.vector_load %arg5[%get3A_1464] {strides = array<i32>} : memref<1024xi32, #tpu.memory_space<vmem>>, vector<16xi32>,
    %and3A_1466 = arith.constant 3 : i32
    %and3A_1467 = vector.broadcast %and3A_1466 : i32 to vector<16xi32>
    %and3A_1468 = arith.andi %get3A_1465, %and3A_1467 : vector<16xi32>
    %shift_left3A_1469 = arith.constant 5 : i32
    %shift_left3A_1470 = vector.broadcast %shift_left3A_1469 : i32 to vector<16xi32>
    %shift_left3A_1471 = arith.shli %and3A_1468, %shift_left3A_1470 : vector<16xi32>
    %add3A_1472 = arith.constant 624 : i32
    %add3A_1473 = vector.broadcast %add3A_1472 : i32 to vector<16xi32>
    %add3A_1474 = arith.addi %add3A_1473, %iota3A : vector<16xi32>
    %scan3A_1475 = arith.constant 0 : i32
    %scan3A_1476 = arith.constant 0 : i32
    %scan3A_1477 = arith.constant 32 : i32
    %scan3A_1478 = arith.addi %scan3A_1476, %scan3A_1477 : i32
    %scan3A_1479 = arith.constant 1 : i32
    scf.for %scan3A_1996 = %scan3A_1476 to %scan3A_1478 step %scan3A_1479  : i32 {
      %broadcast_in_dim3A = vector.broadcast %scan3A_1996 : i32 to vector<16xi32>
      %add3A_1997 = vector.broadcast %scan3A_1996 : i32 to vector<16xi32>
      %add3A_1998 = arith.addi %shift_left3A_1471, %add3A_1997 : vector<16xi32>
      %gather3A = tpu.vector_load_idx %arg7[%add3A_1463, %add3A_1998] : memref<128x128xf32, #tpu.memory_space<vmem>>[vector<16xi32>, vector<16xi32>], vector<16xf32>,
      tpu.vector_store_idx %arg9[%broadcast_in_dim3A, %add3A_1474], %gather3A : memref<32x1024xf32, #tpu.memory_space<vmem>>[vector<16xi32>, vector<16xi32>], vector<16xf32>,
    }
    %scan3A_1480 = arith.constant 32 : i32
    %dma_start3A_1481 = arith.constant 6 : i32
    %dma_start3A_1482 = arith.constant 0 : i32
    %dma_start3A_1483 = tpu.memref_slice %arg6[%dma_start3A_1481, %dma_start3A_1482] : memref<8x128xi32, #tpu.memory_space<vmem>> -> memref<1x128xi32, #tpu.memory_space<vmem>>
    %dma_start3A_1484 = tpu.memref_squeeze %dma_start3A_1483 : memref<1x128xi32, #tpu.memory_space<vmem>> -> memref<128xi32, #tpu.memory_space<vmem>>
    %dma_start3A_1485 = arith.constant 0 : i32
    %dma_start3A_1486 = arith.constant 0 : i32
    %dma_start3A_1487 = tpu.memref_slice %arg3[%dma_start3A_1485, %dma_start3A_1486] : memref<250000x128xf32, #tpu.memory_space<hbm>> -> memref<250000x128xf32, #tpu.memory_space<hbm>>
    tpu.enqueue_indirect_dma source(%dma_start3A_1487 : memref<250000x128xf32, #tpu.memory_space<hbm>>) target(%arg7 : memref<128x128xf32, #tpu.memory_space<vmem>>) offsets(%dma_start3A_1484 : memref<128xi32, #tpu.memory_space<vmem>>) semaphore(%arg10 : memref<!tpu.dma_semaphore, #tpu.memory_space<semaphore_mem>>)
    %dma_wait3A_1488 = arith.constant 5 : i32
    %dma_wait3A_1489 = arith.constant 0 : i32
    %dma_wait3A_1490 = tpu.memref_slice %arg6[%dma_wait3A_1488, %dma_wait3A_1489] : memref<8x128xi32, #tpu.memory_space<vmem>> -> memref<1x128xi32, #tpu.memory_space<vmem>>
    %dma_wait3A_1491 = tpu.memref_squeeze %dma_wait3A_1490 : memref<1x128xi32, #tpu.memory_space<vmem>> -> memref<128xi32, #tpu.memory_space<vmem>>
    %dma_wait3A_1492 = arith.constant 0 : i32
    %dma_wait3A_1493 = arith.constant 0 : i32
    %dma_wait3A_1494 = tpu.memref_slice %arg3[%dma_wait3A_1492, %dma_wait3A_1493] : memref<250000x128xf32, #tpu.memory_space<hbm>> -> memref<250000x128xf32, #tpu.memory_space<hbm>>
    tpu.wait_indirect_dma semaphore(%arg11 : memref<!tpu.dma_semaphore, #tpu.memory_space<semaphore_mem>>) src(%dma_wait3A_1494 : memref<250000x128xf32, #tpu.memory_space<hbm>>) dst(%arg8 : memref<128x128xf32, #tpu.memory_space<vmem>>)
    %add3A_1495 = arith.constant 0 : i32
    %add3A_1496 = vector.broadcast %add3A_1495 : i32 to vector<16xi32>
    %add3A_1497 = arith.addi %add3A_1496, %iota3A : vector<16xi32>
    %get3A_1498 = arith.constant 640 : index
    %get3A_1499 = tpu.vector_load %arg5[%get3A_1498] {strides = array<i32>} : memref<1024xi32, #tpu.memory_space<vmem>>, vector<16xi32>,
    %and3A_1500 = arith.constant 3 : i32
    %and3A_1501 = vector.broadcast %and3A_1500 : i32 to vector<16xi32>
    %and3A_1502 = arith.andi %get3A_1499, %and3A_1501 : vector<16xi32>
    %shift_left3A_1503 = arith.constant 5 : i32
    %shift_left3A_1504 = vector.broadcast %shift_left3A_1503 : i32 to vector<16xi32>
    %shift_left3A_1505 = arith.shli %and3A_1502, %shift_left3A_1504 : vector<16xi32>
    %add3A_1506 = arith.constant 640 : i32
    %add3A_1507 = vector.broadcast %add3A_1506 : i32 to vector<16xi32>
    %add3A_1508 = arith.addi %add3A_1507, %iota3A : vector<16xi32>
    %scan3A_1509 = arith.constant 0 : i32
    %scan3A_1510 = arith.constant 0 : i32
    %scan3A_1511 = arith.constant 32 : i32
    %scan3A_1512 = arith.addi %scan3A_1510, %scan3A_1511 : i32
    %scan3A_1513 = arith.constant 1 : i32
    scf.for %scan3A_1996 = %scan3A_1510 to %scan3A_1512 step %scan3A_1513  : i32 {
      %broadcast_in_dim3A = vector.broadcast %scan3A_1996 : i32 to vector<16xi32>
      %add3A_1997 = vector.broadcast %scan3A_1996 : i32 to vector<16xi32>
      %add3A_1998 = arith.addi %shift_left3A_1505, %add3A_1997 : vector<16xi32>
      %gather3A = tpu.vector_load_idx %arg8[%add3A_1497, %add3A_1998] : memref<128x128xf32, #tpu.memory_space<vmem>>[vector<16xi32>, vector<16xi32>], vector<16xf32>,
      tpu.vector_store_idx %arg9[%broadcast_in_dim3A, %add3A_1508], %gather3A : memref<32x1024xf32, #tpu.memory_space<vmem>>[vector<16xi32>, vector<16xi32>], vector<16xf32>,
    }
    %scan3A_1514 = arith.constant 32 : i32
    %add3A_1515 = arith.constant 16 : i32
    %add3A_1516 = vector.broadcast %add3A_1515 : i32 to vector<16xi32>
    %add3A_1517 = arith.addi %add3A_1516, %iota3A : vector<16xi32>
    %get3A_1518 = arith.constant 656 : index
    %get3A_1519 = tpu.vector_load %arg5[%get3A_1518] {strides = array<i32>} : memref<1024xi32, #tpu.memory_space<vmem>>, vector<16xi32>,
    %and3A_1520 = arith.constant 3 : i32
    %and3A_1521 = vector.broadcast %and3A_1520 : i32 to vector<16xi32>
    %and3A_1522 = arith.andi %get3A_1519, %and3A_1521 : vector<16xi32>
    %shift_left3A_1523 = arith.constant 5 : i32
    %shift_left3A_1524 = vector.broadcast %shift_left3A_1523 : i32 to vector<16xi32>
    %shift_left3A_1525 = arith.shli %and3A_1522, %shift_left3A_1524 : vector<16xi32>
    %add3A_1526 = arith.constant 656 : i32
    %add3A_1527 = vector.broadcast %add3A_1526 : i32 to vector<16xi32>
    %add3A_1528 = arith.addi %add3A_1527, %iota3A : vector<16xi32>
    %scan3A_1529 = arith.constant 0 : i32
    %scan3A_1530 = arith.constant 0 : i32
    %scan3A_1531 = arith.constant 32 : i32
    %scan3A_1532 = arith.addi %scan3A_1530, %scan3A_1531 : i32
    %scan3A_1533 = arith.constant 1 : i32
    scf.for %scan3A_1996 = %scan3A_1530 to %scan3A_1532 step %scan3A_1533  : i32 {
      %broadcast_in_dim3A = vector.broadcast %scan3A_1996 : i32 to vector<16xi32>
      %add3A_1997 = vector.broadcast %scan3A_1996 : i32 to vector<16xi32>
      %add3A_1998 = arith.addi %shift_left3A_1525, %add3A_1997 : vector<16xi32>
      %gather3A = tpu.vector_load_idx %arg8[%add3A_1517, %add3A_1998] : memref<128x128xf32, #tpu.memory_space<vmem>>[vector<16xi32>, vector<16xi32>], vector<16xf32>,
      tpu.vector_store_idx %arg9[%broadcast_in_dim3A, %add3A_1528], %gather3A : memref<32x1024xf32, #tpu.memory_space<vmem>>[vector<16xi32>, vector<16xi32>], vector<16xf32>,
    }
    %scan3A_1534 = arith.constant 32 : i32
    %add3A_1535 = arith.constant 32 : i32
    %add3A_1536 = vector.broadcast %add3A_1535 : i32 to vector<16xi32>
    %add3A_1537 = arith.addi %add3A_1536, %iota3A : vector<16xi32>
    %get3A_1538 = arith.constant 672 : index
    %get3A_1539 = tpu.vector_load %arg5[%get3A_1538] {strides = array<i32>} : memref<1024xi32, #tpu.memory_space<vmem>>, vector<16xi32>,
    %and3A_1540 = arith.constant 3 : i32
    %and3A_1541 = vector.broadcast %and3A_1540 : i32 to vector<16xi32>
    %and3A_1542 = arith.andi %get3A_1539, %and3A_1541 : vector<16xi32>
    %shift_left3A_1543 = arith.constant 5 : i32
    %shift_left3A_1544 = vector.broadcast %shift_left3A_1543 : i32 to vector<16xi32>
    %shift_left3A_1545 = arith.shli %and3A_1542, %shift_left3A_1544 : vector<16xi32>
    %add3A_1546 = arith.constant 672 : i32
    %add3A_1547 = vector.broadcast %add3A_1546 : i32 to vector<16xi32>
    %add3A_1548 = arith.addi %add3A_1547, %iota3A : vector<16xi32>
    %scan3A_1549 = arith.constant 0 : i32
    %scan3A_1550 = arith.constant 0 : i32
    %scan3A_1551 = arith.constant 32 : i32
    %scan3A_1552 = arith.addi %scan3A_1550, %scan3A_1551 : i32
    %scan3A_1553 = arith.constant 1 : i32
    scf.for %scan3A_1996 = %scan3A_1550 to %scan3A_1552 step %scan3A_1553  : i32 {
      %broadcast_in_dim3A = vector.broadcast %scan3A_1996 : i32 to vector<16xi32>
      %add3A_1997 = vector.broadcast %scan3A_1996 : i32 to vector<16xi32>
      %add3A_1998 = arith.addi %shift_left3A_1545, %add3A_1997 : vector<16xi32>
      %gather3A = tpu.vector_load_idx %arg8[%add3A_1537, %add3A_1998] : memref<128x128xf32, #tpu.memory_space<vmem>>[vector<16xi32>, vector<16xi32>], vector<16xf32>,
      tpu.vector_store_idx %arg9[%broadcast_in_dim3A, %add3A_1548], %gather3A : memref<32x1024xf32, #tpu.memory_space<vmem>>[vector<16xi32>, vector<16xi32>], vector<16xf32>,
    }
    %scan3A_1554 = arith.constant 32 : i32
    %add3A_1555 = arith.constant 48 : i32
    %add3A_1556 = vector.broadcast %add3A_1555 : i32 to vector<16xi32>
    %add3A_1557 = arith.addi %add3A_1556, %iota3A : vector<16xi32>
    %get3A_1558 = arith.constant 688 : index
    %get3A_1559 = tpu.vector_load %arg5[%get3A_1558] {strides = array<i32>} : memref<1024xi32, #tpu.memory_space<vmem>>, vector<16xi32>,
    %and3A_1560 = arith.constant 3 : i32
    %and3A_1561 = vector.broadcast %and3A_1560 : i32 to vector<16xi32>
    %and3A_1562 = arith.andi %get3A_1559, %and3A_1561 : vector<16xi32>
    %shift_left3A_1563 = arith.constant 5 : i32
    %shift_left3A_1564 = vector.broadcast %shift_left3A_1563 : i32 to vector<16xi32>
    %shift_left3A_1565 = arith.shli %and3A_1562, %shift_left3A_1564 : vector<16xi32>
    %add3A_1566 = arith.constant 688 : i32
    %add3A_1567 = vector.broadcast %add3A_1566 : i32 to vector<16xi32>
    %add3A_1568 = arith.addi %add3A_1567, %iota3A : vector<16xi32>
    %scan3A_1569 = arith.constant 0 : i32
    %scan3A_1570 = arith.constant 0 : i32
    %scan3A_1571 = arith.constant 32 : i32
    %scan3A_1572 = arith.addi %scan3A_1570, %scan3A_1571 : i32
    %scan3A_1573 = arith.constant 1 : i32
    scf.for %scan3A_1996 = %scan3A_1570 to %scan3A_1572 step %scan3A_1573  : i32 {
      %broadcast_in_dim3A = vector.broadcast %scan3A_1996 : i32 to vector<16xi32>
      %add3A_1997 = vector.broadcast %scan3A_1996 : i32 to vector<16xi32>
      %add3A_1998 = arith.addi %shift_left3A_1565, %add3A_1997 : vector<16xi32>
      %gather3A = tpu.vector_load_idx %arg8[%add3A_1557, %add3A_1998] : memref<128x128xf32, #tpu.memory_space<vmem>>[vector<16xi32>, vector<16xi32>], vector<16xf32>,
      tpu.vector_store_idx %arg9[%broadcast_in_dim3A, %add3A_1568], %gather3A : memref<32x1024xf32, #tpu.memory_space<vmem>>[vector<16xi32>, vector<16xi32>], vector<16xf32>,
    }
    %scan3A_1574 = arith.constant 32 : i32
    %add3A_1575 = arith.constant 64 : i32
    %add3A_1576 = vector.broadcast %add3A_1575 : i32 to vector<16xi32>
    %add3A_1577 = arith.addi %add3A_1576, %iota3A : vector<16xi32>
    %get3A_1578 = arith.constant 704 : index
    %get3A_1579 = tpu.vector_load %arg5[%get3A_1578] {strides = array<i32>} : memref<1024xi32, #tpu.memory_space<vmem>>, vector<16xi32>,
    %and3A_1580 = arith.constant 3 : i32
    %and3A_1581 = vector.broadcast %and3A_1580 : i32 to vector<16xi32>
    %and3A_1582 = arith.andi %get3A_1579, %and3A_1581 : vector<16xi32>
    %shift_left3A_1583 = arith.constant 5 : i32
    %shift_left3A_1584 = vector.broadcast %shift_left3A_1583 : i32 to vector<16xi32>
    %shift_left3A_1585 = arith.shli %and3A_1582, %shift_left3A_1584 : vector<16xi32>
    %add3A_1586 = arith.constant 704 : i32
    %add3A_1587 = vector.broadcast %add3A_1586 : i32 to vector<16xi32>
    %add3A_1588 = arith.addi %add3A_1587, %iota3A : vector<16xi32>
    %scan3A_1589 = arith.constant 0 : i32
    %scan3A_1590 = arith.constant 0 : i32
    %scan3A_1591 = arith.constant 32 : i32
    %scan3A_1592 = arith.addi %scan3A_1590, %scan3A_1591 : i32
    %scan3A_1593 = arith.constant 1 : i32
    scf.for %scan3A_1996 = %scan3A_1590 to %scan3A_1592 step %scan3A_1593  : i32 {
      %broadcast_in_dim3A = vector.broadcast %scan3A_1996 : i32 to vector<16xi32>
      %add3A_1997 = vector.broadcast %scan3A_1996 : i32 to vector<16xi32>
      %add3A_1998 = arith.addi %shift_left3A_1585, %add3A_1997 : vector<16xi32>
      %gather3A = tpu.vector_load_idx %arg8[%add3A_1577, %add3A_1998] : memref<128x128xf32, #tpu.memory_space<vmem>>[vector<16xi32>, vector<16xi32>], vector<16xf32>,
      tpu.vector_store_idx %arg9[%broadcast_in_dim3A, %add3A_1588], %gather3A : memref<32x1024xf32, #tpu.memory_space<vmem>>[vector<16xi32>, vector<16xi32>], vector<16xf32>,
    }
    %scan3A_1594 = arith.constant 32 : i32
    %add3A_1595 = arith.constant 80 : i32
    %add3A_1596 = vector.broadcast %add3A_1595 : i32 to vector<16xi32>
    %add3A_1597 = arith.addi %add3A_1596, %iota3A : vector<16xi32>
    %get3A_1598 = arith.constant 720 : index
    %get3A_1599 = tpu.vector_load %arg5[%get3A_1598] {strides = array<i32>} : memref<1024xi32, #tpu.memory_space<vmem>>, vector<16xi32>,
    %and3A_1600 = arith.constant 3 : i32
    %and3A_1601 = vector.broadcast %and3A_1600 : i32 to vector<16xi32>
    %and3A_1602 = arith.andi %get3A_1599, %and3A_1601 : vector<16xi32>
    %shift_left3A_1603 = arith.constant 5 : i32
    %shift_left3A_1604 = vector.broadcast %shift_left3A_1603 : i32 to vector<16xi32>
    %shift_left3A_1605 = arith.shli %and3A_1602, %shift_left3A_1604 : vector<16xi32>
    %add3A_1606 = arith.constant 720 : i32
    %add3A_1607 = vector.broadcast %add3A_1606 : i32 to vector<16xi32>
    %add3A_1608 = arith.addi %add3A_1607, %iota3A : vector<16xi32>
    %scan3A_1609 = arith.constant 0 : i32
    %scan3A_1610 = arith.constant 0 : i32
    %scan3A_1611 = arith.constant 32 : i32
    %scan3A_1612 = arith.addi %scan3A_1610, %scan3A_1611 : i32
    %scan3A_1613 = arith.constant 1 : i32
    scf.for %scan3A_1996 = %scan3A_1610 to %scan3A_1612 step %scan3A_1613  : i32 {
      %broadcast_in_dim3A = vector.broadcast %scan3A_1996 : i32 to vector<16xi32>
      %add3A_1997 = vector.broadcast %scan3A_1996 : i32 to vector<16xi32>
      %add3A_1998 = arith.addi %shift_left3A_1605, %add3A_1997 : vector<16xi32>
      %gather3A = tpu.vector_load_idx %arg8[%add3A_1597, %add3A_1998] : memref<128x128xf32, #tpu.memory_space<vmem>>[vector<16xi32>, vector<16xi32>], vector<16xf32>,
      tpu.vector_store_idx %arg9[%broadcast_in_dim3A, %add3A_1608], %gather3A : memref<32x1024xf32, #tpu.memory_space<vmem>>[vector<16xi32>, vector<16xi32>], vector<16xf32>,
    }
    %scan3A_1614 = arith.constant 32 : i32
    %add3A_1615 = arith.constant 96 : i32
    %add3A_1616 = vector.broadcast %add3A_1615 : i32 to vector<16xi32>
    %add3A_1617 = arith.addi %add3A_1616, %iota3A : vector<16xi32>
    %get3A_1618 = arith.constant 736 : index
    %get3A_1619 = tpu.vector_load %arg5[%get3A_1618] {strides = array<i32>} : memref<1024xi32, #tpu.memory_space<vmem>>, vector<16xi32>,
    %and3A_1620 = arith.constant 3 : i32
    %and3A_1621 = vector.broadcast %and3A_1620 : i32 to vector<16xi32>
    %and3A_1622 = arith.andi %get3A_1619, %and3A_1621 : vector<16xi32>
    %shift_left3A_1623 = arith.constant 5 : i32
    %shift_left3A_1624 = vector.broadcast %shift_left3A_1623 : i32 to vector<16xi32>
    %shift_left3A_1625 = arith.shli %and3A_1622, %shift_left3A_1624 : vector<16xi32>
    %add3A_1626 = arith.constant 736 : i32
    %add3A_1627 = vector.broadcast %add3A_1626 : i32 to vector<16xi32>
    %add3A_1628 = arith.addi %add3A_1627, %iota3A : vector<16xi32>
    %scan3A_1629 = arith.constant 0 : i32
    %scan3A_1630 = arith.constant 0 : i32
    %scan3A_1631 = arith.constant 32 : i32
    %scan3A_1632 = arith.addi %scan3A_1630, %scan3A_1631 : i32
    %scan3A_1633 = arith.constant 1 : i32
    scf.for %scan3A_1996 = %scan3A_1630 to %scan3A_1632 step %scan3A_1633  : i32 {
      %broadcast_in_dim3A = vector.broadcast %scan3A_1996 : i32 to vector<16xi32>
      %add3A_1997 = vector.broadcast %scan3A_1996 : i32 to vector<16xi32>
      %add3A_1998 = arith.addi %shift_left3A_1625, %add3A_1997 : vector<16xi32>
      %gather3A = tpu.vector_load_idx %arg8[%add3A_1617, %add3A_1998] : memref<128x128xf32, #tpu.memory_space<vmem>>[vector<16xi32>, vector<16xi32>], vector<16xf32>,
      tpu.vector_store_idx %arg9[%broadcast_in_dim3A, %add3A_1628], %gather3A : memref<32x1024xf32, #tpu.memory_space<vmem>>[vector<16xi32>, vector<16xi32>], vector<16xf32>,
    }
    %scan3A_1634 = arith.constant 32 : i32
    %add3A_1635 = arith.constant 112 : i32
    %add3A_1636 = vector.broadcast %add3A_1635 : i32 to vector<16xi32>
    %add3A_1637 = arith.addi %add3A_1636, %iota3A : vector<16xi32>
    %get3A_1638 = arith.constant 752 : index
    %get3A_1639 = tpu.vector_load %arg5[%get3A_1638] {strides = array<i32>} : memref<1024xi32, #tpu.memory_space<vmem>>, vector<16xi32>,
    %and3A_1640 = arith.constant 3 : i32
    %and3A_1641 = vector.broadcast %and3A_1640 : i32 to vector<16xi32>
    %and3A_1642 = arith.andi %get3A_1639, %and3A_1641 : vector<16xi32>
    %shift_left3A_1643 = arith.constant 5 : i32
    %shift_left3A_1644 = vector.broadcast %shift_left3A_1643 : i32 to vector<16xi32>
    %shift_left3A_1645 = arith.shli %and3A_1642, %shift_left3A_1644 : vector<16xi32>
    %add3A_1646 = arith.constant 752 : i32
    %add3A_1647 = vector.broadcast %add3A_1646 : i32 to vector<16xi32>
    %add3A_1648 = arith.addi %add3A_1647, %iota3A : vector<16xi32>
    %scan3A_1649 = arith.constant 0 : i32
    %scan3A_1650 = arith.constant 0 : i32
    %scan3A_1651 = arith.constant 32 : i32
    %scan3A_1652 = arith.addi %scan3A_1650, %scan3A_1651 : i32
    %scan3A_1653 = arith.constant 1 : i32
    scf.for %scan3A_1996 = %scan3A_1650 to %scan3A_1652 step %scan3A_1653  : i32 {
      %broadcast_in_dim3A = vector.broadcast %scan3A_1996 : i32 to vector<16xi32>
      %add3A_1997 = vector.broadcast %scan3A_1996 : i32 to vector<16xi32>
      %add3A_1998 = arith.addi %shift_left3A_1645, %add3A_1997 : vector<16xi32>
      %gather3A = tpu.vector_load_idx %arg8[%add3A_1637, %add3A_1998] : memref<128x128xf32, #tpu.memory_space<vmem>>[vector<16xi32>, vector<16xi32>], vector<16xf32>,
      tpu.vector_store_idx %arg9[%broadcast_in_dim3A, %add3A_1648], %gather3A : memref<32x1024xf32, #tpu.memory_space<vmem>>[vector<16xi32>, vector<16xi32>], vector<16xf32>,
    }
    %scan3A_1654 = arith.constant 32 : i32
    %dma_start3A_1655 = arith.constant 7 : i32
    %dma_start3A_1656 = arith.constant 0 : i32
    %dma_start3A_1657 = tpu.memref_slice %arg6[%dma_start3A_1655, %dma_start3A_1656] : memref<8x128xi32, #tpu.memory_space<vmem>> -> memref<1x128xi32, #tpu.memory_space<vmem>>
    %dma_start3A_1658 = tpu.memref_squeeze %dma_start3A_1657 : memref<1x128xi32, #tpu.memory_space<vmem>> -> memref<128xi32, #tpu.memory_space<vmem>>
    %dma_start3A_1659 = arith.constant 0 : i32
    %dma_start3A_1660 = arith.constant 0 : i32
    %dma_start3A_1661 = tpu.memref_slice %arg3[%dma_start3A_1659, %dma_start3A_1660] : memref<250000x128xf32, #tpu.memory_space<hbm>> -> memref<250000x128xf32, #tpu.memory_space<hbm>>
    tpu.enqueue_indirect_dma source(%dma_start3A_1661 : memref<250000x128xf32, #tpu.memory_space<hbm>>) target(%arg8 : memref<128x128xf32, #tpu.memory_space<vmem>>) offsets(%dma_start3A_1658 : memref<128xi32, #tpu.memory_space<vmem>>) semaphore(%arg11 : memref<!tpu.dma_semaphore, #tpu.memory_space<semaphore_mem>>)
    %dma_wait3A_1662 = arith.constant 6 : i32
    %dma_wait3A_1663 = arith.constant 0 : i32
    %dma_wait3A_1664 = tpu.memref_slice %arg6[%dma_wait3A_1662, %dma_wait3A_1663] : memref<8x128xi32, #tpu.memory_space<vmem>> -> memref<1x128xi32, #tpu.memory_space<vmem>>
    %dma_wait3A_1665 = tpu.memref_squeeze %dma_wait3A_1664 : memref<1x128xi32, #tpu.memory_space<vmem>> -> memref<128xi32, #tpu.memory_space<vmem>>
    %dma_wait3A_1666 = arith.constant 0 : i32
    %dma_wait3A_1667 = arith.constant 0 : i32
    %dma_wait3A_1668 = tpu.memref_slice %arg3[%dma_wait3A_1666, %dma_wait3A_1667] : memref<250000x128xf32, #tpu.memory_space<hbm>> -> memref<250000x128xf32, #tpu.memory_space<hbm>>
    tpu.wait_indirect_dma semaphore(%arg10 : memref<!tpu.dma_semaphore, #tpu.memory_space<semaphore_mem>>) src(%dma_wait3A_1668 : memref<250000x128xf32, #tpu.memory_space<hbm>>) dst(%arg7 : memref<128x128xf32, #tpu.memory_space<vmem>>)
    %add3A_1669 = arith.constant 0 : i32
    %add3A_1670 = vector.broadcast %add3A_1669 : i32 to vector<16xi32>
    %add3A_1671 = arith.addi %add3A_1670, %iota3A : vector<16xi32>
    %get3A_1672 = arith.constant 768 : index
    %get3A_1673 = tpu.vector_load %arg5[%get3A_1672] {strides = array<i32>} : memref<1024xi32, #tpu.memory_space<vmem>>, vector<16xi32>,
    %and3A_1674 = arith.constant 3 : i32
    %and3A_1675 = vector.broadcast %and3A_1674 : i32 to vector<16xi32>
    %and3A_1676 = arith.andi %get3A_1673, %and3A_1675 : vector<16xi32>
    %shift_left3A_1677 = arith.constant 5 : i32
    %shift_left3A_1678 = vector.broadcast %shift_left3A_1677 : i32 to vector<16xi32>
    %shift_left3A_1679 = arith.shli %and3A_1676, %shift_left3A_1678 : vector<16xi32>
    %add3A_1680 = arith.constant 768 : i32
    %add3A_1681 = vector.broadcast %add3A_1680 : i32 to vector<16xi32>
    %add3A_1682 = arith.addi %add3A_1681, %iota3A : vector<16xi32>
    %scan3A_1683 = arith.constant 0 : i32
    %scan3A_1684 = arith.constant 0 : i32
    %scan3A_1685 = arith.constant 32 : i32
    %scan3A_1686 = arith.addi %scan3A_1684, %scan3A_1685 : i32
    %scan3A_1687 = arith.constant 1 : i32
    scf.for %scan3A_1996 = %scan3A_1684 to %scan3A_1686 step %scan3A_1687  : i32 {
      %broadcast_in_dim3A = vector.broadcast %scan3A_1996 : i32 to vector<16xi32>
      %add3A_1997 = vector.broadcast %scan3A_1996 : i32 to vector<16xi32>
      %add3A_1998 = arith.addi %shift_left3A_1679, %add3A_1997 : vector<16xi32>
      %gather3A = tpu.vector_load_idx %arg7[%add3A_1671, %add3A_1998] : memref<128x128xf32, #tpu.memory_space<vmem>>[vector<16xi32>, vector<16xi32>], vector<16xf32>,
      tpu.vector_store_idx %arg9[%broadcast_in_dim3A, %add3A_1682], %gather3A : memref<32x1024xf32, #tpu.memory_space<vmem>>[vector<16xi32>, vector<16xi32>], vector<16xf32>,
    }
    %scan3A_1688 = arith.constant 32 : i32
    %add3A_1689 = arith.constant 16 : i32
    %add3A_1690 = vector.broadcast %add3A_1689 : i32 to vector<16xi32>
    %add3A_1691 = arith.addi %add3A_1690, %iota3A : vector<16xi32>
    %get3A_1692 = arith.constant 784 : index
    %get3A_1693 = tpu.vector_load %arg5[%get3A_1692] {strides = array<i32>} : memref<1024xi32, #tpu.memory_space<vmem>>, vector<16xi32>,
    %and3A_1694 = arith.constant 3 : i32
    %and3A_1695 = vector.broadcast %and3A_1694 : i32 to vector<16xi32>
    %and3A_1696 = arith.andi %get3A_1693, %and3A_1695 : vector<16xi32>
    %shift_left3A_1697 = arith.constant 5 : i32
    %shift_left3A_1698 = vector.broadcast %shift_left3A_1697 : i32 to vector<16xi32>
    %shift_left3A_1699 = arith.shli %and3A_1696, %shift_left3A_1698 : vector<16xi32>
    %add3A_1700 = arith.constant 784 : i32
    %add3A_1701 = vector.broadcast %add3A_1700 : i32 to vector<16xi32>
    %add3A_1702 = arith.addi %add3A_1701, %iota3A : vector<16xi32>
    %scan3A_1703 = arith.constant 0 : i32
    %scan3A_1704 = arith.constant 0 : i32
    %scan3A_1705 = arith.constant 32 : i32
    %scan3A_1706 = arith.addi %scan3A_1704, %scan3A_1705 : i32
    %scan3A_1707 = arith.constant 1 : i32
    scf.for %scan3A_1996 = %scan3A_1704 to %scan3A_1706 step %scan3A_1707  : i32 {
      %broadcast_in_dim3A = vector.broadcast %scan3A_1996 : i32 to vector<16xi32>
      %add3A_1997 = vector.broadcast %scan3A_1996 : i32 to vector<16xi32>
      %add3A_1998 = arith.addi %shift_left3A_1699, %add3A_1997 : vector<16xi32>
      %gather3A = tpu.vector_load_idx %arg7[%add3A_1691, %add3A_1998] : memref<128x128xf32, #tpu.memory_space<vmem>>[vector<16xi32>, vector<16xi32>], vector<16xf32>,
      tpu.vector_store_idx %arg9[%broadcast_in_dim3A, %add3A_1702], %gather3A : memref<32x1024xf32, #tpu.memory_space<vmem>>[vector<16xi32>, vector<16xi32>], vector<16xf32>,
    }
    %scan3A_1708 = arith.constant 32 : i32
    %add3A_1709 = arith.constant 32 : i32
    %add3A_1710 = vector.broadcast %add3A_1709 : i32 to vector<16xi32>
    %add3A_1711 = arith.addi %add3A_1710, %iota3A : vector<16xi32>
    %get3A_1712 = arith.constant 800 : index
    %get3A_1713 = tpu.vector_load %arg5[%get3A_1712] {strides = array<i32>} : memref<1024xi32, #tpu.memory_space<vmem>>, vector<16xi32>,
    %and3A_1714 = arith.constant 3 : i32
    %and3A_1715 = vector.broadcast %and3A_1714 : i32 to vector<16xi32>
    %and3A_1716 = arith.andi %get3A_1713, %and3A_1715 : vector<16xi32>
    %shift_left3A_1717 = arith.constant 5 : i32
    %shift_left3A_1718 = vector.broadcast %shift_left3A_1717 : i32 to vector<16xi32>
    %shift_left3A_1719 = arith.shli %and3A_1716, %shift_left3A_1718 : vector<16xi32>
    %add3A_1720 = arith.constant 800 : i32
    %add3A_1721 = vector.broadcast %add3A_1720 : i32 to vector<16xi32>
    %add3A_1722 = arith.addi %add3A_1721, %iota3A : vector<16xi32>
    %scan3A_1723 = arith.constant 0 : i32
    %scan3A_1724 = arith.constant 0 : i32
    %scan3A_1725 = arith.constant 32 : i32
    %scan3A_1726 = arith.addi %scan3A_1724, %scan3A_1725 : i32
    %scan3A_1727 = arith.constant 1 : i32
    scf.for %scan3A_1996 = %scan3A_1724 to %scan3A_1726 step %scan3A_1727  : i32 {
      %broadcast_in_dim3A = vector.broadcast %scan3A_1996 : i32 to vector<16xi32>
      %add3A_1997 = vector.broadcast %scan3A_1996 : i32 to vector<16xi32>
      %add3A_1998 = arith.addi %shift_left3A_1719, %add3A_1997 : vector<16xi32>
      %gather3A = tpu.vector_load_idx %arg7[%add3A_1711, %add3A_1998] : memref<128x128xf32, #tpu.memory_space<vmem>>[vector<16xi32>, vector<16xi32>], vector<16xf32>,
      tpu.vector_store_idx %arg9[%broadcast_in_dim3A, %add3A_1722], %gather3A : memref<32x1024xf32, #tpu.memory_space<vmem>>[vector<16xi32>, vector<16xi32>], vector<16xf32>,
    }
    %scan3A_1728 = arith.constant 32 : i32
    %add3A_1729 = arith.constant 48 : i32
    %add3A_1730 = vector.broadcast %add3A_1729 : i32 to vector<16xi32>
    %add3A_1731 = arith.addi %add3A_1730, %iota3A : vector<16xi32>
    %get3A_1732 = arith.constant 816 : index
    %get3A_1733 = tpu.vector_load %arg5[%get3A_1732] {strides = array<i32>} : memref<1024xi32, #tpu.memory_space<vmem>>, vector<16xi32>,
    %and3A_1734 = arith.constant 3 : i32
    %and3A_1735 = vector.broadcast %and3A_1734 : i32 to vector<16xi32>
    %and3A_1736 = arith.andi %get3A_1733, %and3A_1735 : vector<16xi32>
    %shift_left3A_1737 = arith.constant 5 : i32
    %shift_left3A_1738 = vector.broadcast %shift_left3A_1737 : i32 to vector<16xi32>
    %shift_left3A_1739 = arith.shli %and3A_1736, %shift_left3A_1738 : vector<16xi32>
    %add3A_1740 = arith.constant 816 : i32
    %add3A_1741 = vector.broadcast %add3A_1740 : i32 to vector<16xi32>
    %add3A_1742 = arith.addi %add3A_1741, %iota3A : vector<16xi32>
    %scan3A_1743 = arith.constant 0 : i32
    %scan3A_1744 = arith.constant 0 : i32
    %scan3A_1745 = arith.constant 32 : i32
    %scan3A_1746 = arith.addi %scan3A_1744, %scan3A_1745 : i32
    %scan3A_1747 = arith.constant 1 : i32
    scf.for %scan3A_1996 = %scan3A_1744 to %scan3A_1746 step %scan3A_1747  : i32 {
      %broadcast_in_dim3A = vector.broadcast %scan3A_1996 : i32 to vector<16xi32>
      %add3A_1997 = vector.broadcast %scan3A_1996 : i32 to vector<16xi32>
      %add3A_1998 = arith.addi %shift_left3A_1739, %add3A_1997 : vector<16xi32>
      %gather3A = tpu.vector_load_idx %arg7[%add3A_1731, %add3A_1998] : memref<128x128xf32, #tpu.memory_space<vmem>>[vector<16xi32>, vector<16xi32>], vector<16xf32>,
      tpu.vector_store_idx %arg9[%broadcast_in_dim3A, %add3A_1742], %gather3A : memref<32x1024xf32, #tpu.memory_space<vmem>>[vector<16xi32>, vector<16xi32>], vector<16xf32>,
    }
    %scan3A_1748 = arith.constant 32 : i32
    %add3A_1749 = arith.constant 64 : i32
    %add3A_1750 = vector.broadcast %add3A_1749 : i32 to vector<16xi32>
    %add3A_1751 = arith.addi %add3A_1750, %iota3A : vector<16xi32>
    %get3A_1752 = arith.constant 832 : index
    %get3A_1753 = tpu.vector_load %arg5[%get3A_1752] {strides = array<i32>} : memref<1024xi32, #tpu.memory_space<vmem>>, vector<16xi32>,
    %and3A_1754 = arith.constant 3 : i32
    %and3A_1755 = vector.broadcast %and3A_1754 : i32 to vector<16xi32>
    %and3A_1756 = arith.andi %get3A_1753, %and3A_1755 : vector<16xi32>
    %shift_left3A_1757 = arith.constant 5 : i32
    %shift_left3A_1758 = vector.broadcast %shift_left3A_1757 : i32 to vector<16xi32>
    %shift_left3A_1759 = arith.shli %and3A_1756, %shift_left3A_1758 : vector<16xi32>
    %add3A_1760 = arith.constant 832 : i32
    %add3A_1761 = vector.broadcast %add3A_1760 : i32 to vector<16xi32>
    %add3A_1762 = arith.addi %add3A_1761, %iota3A : vector<16xi32>
    %scan3A_1763 = arith.constant 0 : i32
    %scan3A_1764 = arith.constant 0 : i32
    %scan3A_1765 = arith.constant 32 : i32
    %scan3A_1766 = arith.addi %scan3A_1764, %scan3A_1765 : i32
    %scan3A_1767 = arith.constant 1 : i32
    scf.for %scan3A_1996 = %scan3A_1764 to %scan3A_1766 step %scan3A_1767  : i32 {
      %broadcast_in_dim3A = vector.broadcast %scan3A_1996 : i32 to vector<16xi32>
      %add3A_1997 = vector.broadcast %scan3A_1996 : i32 to vector<16xi32>
      %add3A_1998 = arith.addi %shift_left3A_1759, %add3A_1997 : vector<16xi32>
      %gather3A = tpu.vector_load_idx %arg7[%add3A_1751, %add3A_1998] : memref<128x128xf32, #tpu.memory_space<vmem>>[vector<16xi32>, vector<16xi32>], vector<16xf32>,
      tpu.vector_store_idx %arg9[%broadcast_in_dim3A, %add3A_1762], %gather3A : memref<32x1024xf32, #tpu.memory_space<vmem>>[vector<16xi32>, vector<16xi32>], vector<16xf32>,
    }
    %scan3A_1768 = arith.constant 32 : i32
    %add3A_1769 = arith.constant 80 : i32
    %add3A_1770 = vector.broadcast %add3A_1769 : i32 to vector<16xi32>
    %add3A_1771 = arith.addi %add3A_1770, %iota3A : vector<16xi32>
    %get3A_1772 = arith.constant 848 : index
    %get3A_1773 = tpu.vector_load %arg5[%get3A_1772] {strides = array<i32>} : memref<1024xi32, #tpu.memory_space<vmem>>, vector<16xi32>,
    %and3A_1774 = arith.constant 3 : i32
    %and3A_1775 = vector.broadcast %and3A_1774 : i32 to vector<16xi32>
    %and3A_1776 = arith.andi %get3A_1773, %and3A_1775 : vector<16xi32>
    %shift_left3A_1777 = arith.constant 5 : i32
    %shift_left3A_1778 = vector.broadcast %shift_left3A_1777 : i32 to vector<16xi32>
    %shift_left3A_1779 = arith.shli %and3A_1776, %shift_left3A_1778 : vector<16xi32>
    %add3A_1780 = arith.constant 848 : i32
    %add3A_1781 = vector.broadcast %add3A_1780 : i32 to vector<16xi32>
    %add3A_1782 = arith.addi %add3A_1781, %iota3A : vector<16xi32>
    %scan3A_1783 = arith.constant 0 : i32
    %scan3A_1784 = arith.constant 0 : i32
    %scan3A_1785 = arith.constant 32 : i32
    %scan3A_1786 = arith.addi %scan3A_1784, %scan3A_1785 : i32
    %scan3A_1787 = arith.constant 1 : i32
    scf.for %scan3A_1996 = %scan3A_1784 to %scan3A_1786 step %scan3A_1787  : i32 {
      %broadcast_in_dim3A = vector.broadcast %scan3A_1996 : i32 to vector<16xi32>
      %add3A_1997 = vector.broadcast %scan3A_1996 : i32 to vector<16xi32>
      %add3A_1998 = arith.addi %shift_left3A_1779, %add3A_1997 : vector<16xi32>
      %gather3A = tpu.vector_load_idx %arg7[%add3A_1771, %add3A_1998] : memref<128x128xf32, #tpu.memory_space<vmem>>[vector<16xi32>, vector<16xi32>], vector<16xf32>,
      tpu.vector_store_idx %arg9[%broadcast_in_dim3A, %add3A_1782], %gather3A : memref<32x1024xf32, #tpu.memory_space<vmem>>[vector<16xi32>, vector<16xi32>], vector<16xf32>,
    }
    %scan3A_1788 = arith.constant 32 : i32
    %add3A_1789 = arith.constant 96 : i32
    %add3A_1790 = vector.broadcast %add3A_1789 : i32 to vector<16xi32>
    %add3A_1791 = arith.addi %add3A_1790, %iota3A : vector<16xi32>
    %get3A_1792 = arith.constant 864 : index
    %get3A_1793 = tpu.vector_load %arg5[%get3A_1792] {strides = array<i32>} : memref<1024xi32, #tpu.memory_space<vmem>>, vector<16xi32>,
    %and3A_1794 = arith.constant 3 : i32
    %and3A_1795 = vector.broadcast %and3A_1794 : i32 to vector<16xi32>
    %and3A_1796 = arith.andi %get3A_1793, %and3A_1795 : vector<16xi32>
    %shift_left3A_1797 = arith.constant 5 : i32
    %shift_left3A_1798 = vector.broadcast %shift_left3A_1797 : i32 to vector<16xi32>
    %shift_left3A_1799 = arith.shli %and3A_1796, %shift_left3A_1798 : vector<16xi32>
    %add3A_1800 = arith.constant 864 : i32
    %add3A_1801 = vector.broadcast %add3A_1800 : i32 to vector<16xi32>
    %add3A_1802 = arith.addi %add3A_1801, %iota3A : vector<16xi32>
    %scan3A_1803 = arith.constant 0 : i32
    %scan3A_1804 = arith.constant 0 : i32
    %scan3A_1805 = arith.constant 32 : i32
    %scan3A_1806 = arith.addi %scan3A_1804, %scan3A_1805 : i32
    %scan3A_1807 = arith.constant 1 : i32
    scf.for %scan3A_1996 = %scan3A_1804 to %scan3A_1806 step %scan3A_1807  : i32 {
      %broadcast_in_dim3A = vector.broadcast %scan3A_1996 : i32 to vector<16xi32>
      %add3A_1997 = vector.broadcast %scan3A_1996 : i32 to vector<16xi32>
      %add3A_1998 = arith.addi %shift_left3A_1799, %add3A_1997 : vector<16xi32>
      %gather3A = tpu.vector_load_idx %arg7[%add3A_1791, %add3A_1998] : memref<128x128xf32, #tpu.memory_space<vmem>>[vector<16xi32>, vector<16xi32>], vector<16xf32>,
      tpu.vector_store_idx %arg9[%broadcast_in_dim3A, %add3A_1802], %gather3A : memref<32x1024xf32, #tpu.memory_space<vmem>>[vector<16xi32>, vector<16xi32>], vector<16xf32>,
    }
    %scan3A_1808 = arith.constant 32 : i32
    %add3A_1809 = arith.constant 112 : i32
    %add3A_1810 = vector.broadcast %add3A_1809 : i32 to vector<16xi32>
    %add3A_1811 = arith.addi %add3A_1810, %iota3A : vector<16xi32>
    %get3A_1812 = arith.constant 880 : index
    %get3A_1813 = tpu.vector_load %arg5[%get3A_1812] {strides = array<i32>} : memref<1024xi32, #tpu.memory_space<vmem>>, vector<16xi32>,
    %and3A_1814 = arith.constant 3 : i32
    %and3A_1815 = vector.broadcast %and3A_1814 : i32 to vector<16xi32>
    %and3A_1816 = arith.andi %get3A_1813, %and3A_1815 : vector<16xi32>
    %shift_left3A_1817 = arith.constant 5 : i32
    %shift_left3A_1818 = vector.broadcast %shift_left3A_1817 : i32 to vector<16xi32>
    %shift_left3A_1819 = arith.shli %and3A_1816, %shift_left3A_1818 : vector<16xi32>
    %add3A_1820 = arith.constant 880 : i32
    %add3A_1821 = vector.broadcast %add3A_1820 : i32 to vector<16xi32>
    %add3A_1822 = arith.addi %add3A_1821, %iota3A : vector<16xi32>
    %scan3A_1823 = arith.constant 0 : i32
    %scan3A_1824 = arith.constant 0 : i32
    %scan3A_1825 = arith.constant 32 : i32
    %scan3A_1826 = arith.addi %scan3A_1824, %scan3A_1825 : i32
    %scan3A_1827 = arith.constant 1 : i32
    scf.for %scan3A_1996 = %scan3A_1824 to %scan3A_1826 step %scan3A_1827  : i32 {
      %broadcast_in_dim3A = vector.broadcast %scan3A_1996 : i32 to vector<16xi32>
      %add3A_1997 = vector.broadcast %scan3A_1996 : i32 to vector<16xi32>
      %add3A_1998 = arith.addi %shift_left3A_1819, %add3A_1997 : vector<16xi32>
      %gather3A = tpu.vector_load_idx %arg7[%add3A_1811, %add3A_1998] : memref<128x128xf32, #tpu.memory_space<vmem>>[vector<16xi32>, vector<16xi32>], vector<16xf32>,
      tpu.vector_store_idx %arg9[%broadcast_in_dim3A, %add3A_1822], %gather3A : memref<32x1024xf32, #tpu.memory_space<vmem>>[vector<16xi32>, vector<16xi32>], vector<16xf32>,
    }
    %scan3A_1828 = arith.constant 32 : i32
    %dma_wait3A_1829 = arith.constant 7 : i32
    %dma_wait3A_1830 = arith.constant 0 : i32
    %dma_wait3A_1831 = tpu.memref_slice %arg6[%dma_wait3A_1829, %dma_wait3A_1830] : memref<8x128xi32, #tpu.memory_space<vmem>> -> memref<1x128xi32, #tpu.memory_space<vmem>>
    %dma_wait3A_1832 = tpu.memref_squeeze %dma_wait3A_1831 : memref<1x128xi32, #tpu.memory_space<vmem>> -> memref<128xi32, #tpu.memory_space<vmem>>
    %dma_wait3A_1833 = arith.constant 0 : i32
    %dma_wait3A_1834 = arith.constant 0 : i32
    %dma_wait3A_1835 = tpu.memref_slice %arg3[%dma_wait3A_1833, %dma_wait3A_1834] : memref<250000x128xf32, #tpu.memory_space<hbm>> -> memref<250000x128xf32, #tpu.memory_space<hbm>>
    tpu.wait_indirect_dma semaphore(%arg11 : memref<!tpu.dma_semaphore, #tpu.memory_space<semaphore_mem>>) src(%dma_wait3A_1835 : memref<250000x128xf32, #tpu.memory_space<hbm>>) dst(%arg8 : memref<128x128xf32, #tpu.memory_space<vmem>>)
    %add3A_1836 = arith.constant 0 : i32
    %add3A_1837 = vector.broadcast %add3A_1836 : i32 to vector<16xi32>
    %add3A_1838 = arith.addi %add3A_1837, %iota3A : vector<16xi32>
    %get3A_1839 = arith.constant 896 : index
    %get3A_1840 = tpu.vector_load %arg5[%get3A_1839] {strides = array<i32>} : memref<1024xi32, #tpu.memory_space<vmem>>, vector<16xi32>,
    %and3A_1841 = arith.constant 3 : i32
    %and3A_1842 = vector.broadcast %and3A_1841 : i32 to vector<16xi32>
    %and3A_1843 = arith.andi %get3A_1840, %and3A_1842 : vector<16xi32>
    %shift_left3A_1844 = arith.constant 5 : i32
    %shift_left3A_1845 = vector.broadcast %shift_left3A_1844 : i32 to vector<16xi32>
    %shift_left3A_1846 = arith.shli %and3A_1843, %shift_left3A_1845 : vector<16xi32>
    %add3A_1847 = arith.constant 896 : i32
    %add3A_1848 = vector.broadcast %add3A_1847 : i32 to vector<16xi32>
    %add3A_1849 = arith.addi %add3A_1848, %iota3A : vector<16xi32>
    %scan3A_1850 = arith.constant 0 : i32
    %scan3A_1851 = arith.constant 0 : i32
    %scan3A_1852 = arith.constant 32 : i32
    %scan3A_1853 = arith.addi %scan3A_1851, %scan3A_1852 : i32
    %scan3A_1854 = arith.constant 1 : i32
    scf.for %scan3A_1996 = %scan3A_1851 to %scan3A_1853 step %scan3A_1854  : i32 {
      %broadcast_in_dim3A = vector.broadcast %scan3A_1996 : i32 to vector<16xi32>
      %add3A_1997 = vector.broadcast %scan3A_1996 : i32 to vector<16xi32>
      %add3A_1998 = arith.addi %shift_left3A_1846, %add3A_1997 : vector<16xi32>
      %gather3A = tpu.vector_load_idx %arg8[%add3A_1838, %add3A_1998] : memref<128x128xf32, #tpu.memory_space<vmem>>[vector<16xi32>, vector<16xi32>], vector<16xf32>,
      tpu.vector_store_idx %arg9[%broadcast_in_dim3A, %add3A_1849], %gather3A : memref<32x1024xf32, #tpu.memory_space<vmem>>[vector<16xi32>, vector<16xi32>], vector<16xf32>,
    }
    %scan3A_1855 = arith.constant 32 : i32
    %add3A_1856 = arith.constant 16 : i32
    %add3A_1857 = vector.broadcast %add3A_1856 : i32 to vector<16xi32>
    %add3A_1858 = arith.addi %add3A_1857, %iota3A : vector<16xi32>
    %get3A_1859 = arith.constant 912 : index
    %get3A_1860 = tpu.vector_load %arg5[%get3A_1859] {strides = array<i32>} : memref<1024xi32, #tpu.memory_space<vmem>>, vector<16xi32>,
    %and3A_1861 = arith.constant 3 : i32
    %and3A_1862 = vector.broadcast %and3A_1861 : i32 to vector<16xi32>
    %and3A_1863 = arith.andi %get3A_1860, %and3A_1862 : vector<16xi32>
    %shift_left3A_1864 = arith.constant 5 : i32
    %shift_left3A_1865 = vector.broadcast %shift_left3A_1864 : i32 to vector<16xi32>
    %shift_left3A_1866 = arith.shli %and3A_1863, %shift_left3A_1865 : vector<16xi32>
    %add3A_1867 = arith.constant 912 : i32
    %add3A_1868 = vector.broadcast %add3A_1867 : i32 to vector<16xi32>
    %add3A_1869 = arith.addi %add3A_1868, %iota3A : vector<16xi32>
    %scan3A_1870 = arith.constant 0 : i32
    %scan3A_1871 = arith.constant 0 : i32
    %scan3A_1872 = arith.constant 32 : i32
    %scan3A_1873 = arith.addi %scan3A_1871, %scan3A_1872 : i32
    %scan3A_1874 = arith.constant 1 : i32
    scf.for %scan3A_1996 = %scan3A_1871 to %scan3A_1873 step %scan3A_1874  : i32 {
      %broadcast_in_dim3A = vector.broadcast %scan3A_1996 : i32 to vector<16xi32>
      %add3A_1997 = vector.broadcast %scan3A_1996 : i32 to vector<16xi32>
      %add3A_1998 = arith.addi %shift_left3A_1866, %add3A_1997 : vector<16xi32>
      %gather3A = tpu.vector_load_idx %arg8[%add3A_1858, %add3A_1998] : memref<128x128xf32, #tpu.memory_space<vmem>>[vector<16xi32>, vector<16xi32>], vector<16xf32>,
      tpu.vector_store_idx %arg9[%broadcast_in_dim3A, %add3A_1869], %gather3A : memref<32x1024xf32, #tpu.memory_space<vmem>>[vector<16xi32>, vector<16xi32>], vector<16xf32>,
    }
    %scan3A_1875 = arith.constant 32 : i32
    %add3A_1876 = arith.constant 32 : i32
    %add3A_1877 = vector.broadcast %add3A_1876 : i32 to vector<16xi32>
    %add3A_1878 = arith.addi %add3A_1877, %iota3A : vector<16xi32>
    %get3A_1879 = arith.constant 928 : index
    %get3A_1880 = tpu.vector_load %arg5[%get3A_1879] {strides = array<i32>} : memref<1024xi32, #tpu.memory_space<vmem>>, vector<16xi32>,
    %and3A_1881 = arith.constant 3 : i32
    %and3A_1882 = vector.broadcast %and3A_1881 : i32 to vector<16xi32>
    %and3A_1883 = arith.andi %get3A_1880, %and3A_1882 : vector<16xi32>
    %shift_left3A_1884 = arith.constant 5 : i32
    %shift_left3A_1885 = vector.broadcast %shift_left3A_1884 : i32 to vector<16xi32>
    %shift_left3A_1886 = arith.shli %and3A_1883, %shift_left3A_1885 : vector<16xi32>
    %add3A_1887 = arith.constant 928 : i32
    %add3A_1888 = vector.broadcast %add3A_1887 : i32 to vector<16xi32>
    %add3A_1889 = arith.addi %add3A_1888, %iota3A : vector<16xi32>
    %scan3A_1890 = arith.constant 0 : i32
    %scan3A_1891 = arith.constant 0 : i32
    %scan3A_1892 = arith.constant 32 : i32
    %scan3A_1893 = arith.addi %scan3A_1891, %scan3A_1892 : i32
    %scan3A_1894 = arith.constant 1 : i32
    scf.for %scan3A_1996 = %scan3A_1891 to %scan3A_1893 step %scan3A_1894  : i32 {
      %broadcast_in_dim3A = vector.broadcast %scan3A_1996 : i32 to vector<16xi32>
      %add3A_1997 = vector.broadcast %scan3A_1996 : i32 to vector<16xi32>
      %add3A_1998 = arith.addi %shift_left3A_1886, %add3A_1997 : vector<16xi32>
      %gather3A = tpu.vector_load_idx %arg8[%add3A_1878, %add3A_1998] : memref<128x128xf32, #tpu.memory_space<vmem>>[vector<16xi32>, vector<16xi32>], vector<16xf32>,
      tpu.vector_store_idx %arg9[%broadcast_in_dim3A, %add3A_1889], %gather3A : memref<32x1024xf32, #tpu.memory_space<vmem>>[vector<16xi32>, vector<16xi32>], vector<16xf32>,
    }
    %scan3A_1895 = arith.constant 32 : i32
    %add3A_1896 = arith.constant 48 : i32
    %add3A_1897 = vector.broadcast %add3A_1896 : i32 to vector<16xi32>
    %add3A_1898 = arith.addi %add3A_1897, %iota3A : vector<16xi32>
    %get3A_1899 = arith.constant 944 : index
    %get3A_1900 = tpu.vector_load %arg5[%get3A_1899] {strides = array<i32>} : memref<1024xi32, #tpu.memory_space<vmem>>, vector<16xi32>,
    %and3A_1901 = arith.constant 3 : i32
    %and3A_1902 = vector.broadcast %and3A_1901 : i32 to vector<16xi32>
    %and3A_1903 = arith.andi %get3A_1900, %and3A_1902 : vector<16xi32>
    %shift_left3A_1904 = arith.constant 5 : i32
    %shift_left3A_1905 = vector.broadcast %shift_left3A_1904 : i32 to vector<16xi32>
    %shift_left3A_1906 = arith.shli %and3A_1903, %shift_left3A_1905 : vector<16xi32>
    %add3A_1907 = arith.constant 944 : i32
    %add3A_1908 = vector.broadcast %add3A_1907 : i32 to vector<16xi32>
    %add3A_1909 = arith.addi %add3A_1908, %iota3A : vector<16xi32>
    %scan3A_1910 = arith.constant 0 : i32
    %scan3A_1911 = arith.constant 0 : i32
    %scan3A_1912 = arith.constant 32 : i32
    %scan3A_1913 = arith.addi %scan3A_1911, %scan3A_1912 : i32
    %scan3A_1914 = arith.constant 1 : i32
    scf.for %scan3A_1996 = %scan3A_1911 to %scan3A_1913 step %scan3A_1914  : i32 {
      %broadcast_in_dim3A = vector.broadcast %scan3A_1996 : i32 to vector<16xi32>
      %add3A_1997 = vector.broadcast %scan3A_1996 : i32 to vector<16xi32>
      %add3A_1998 = arith.addi %shift_left3A_1906, %add3A_1997 : vector<16xi32>
      %gather3A = tpu.vector_load_idx %arg8[%add3A_1898, %add3A_1998] : memref<128x128xf32, #tpu.memory_space<vmem>>[vector<16xi32>, vector<16xi32>], vector<16xf32>,
      tpu.vector_store_idx %arg9[%broadcast_in_dim3A, %add3A_1909], %gather3A : memref<32x1024xf32, #tpu.memory_space<vmem>>[vector<16xi32>, vector<16xi32>], vector<16xf32>,
    }
    %scan3A_1915 = arith.constant 32 : i32
    %add3A_1916 = arith.constant 64 : i32
    %add3A_1917 = vector.broadcast %add3A_1916 : i32 to vector<16xi32>
    %add3A_1918 = arith.addi %add3A_1917, %iota3A : vector<16xi32>
    %get3A_1919 = arith.constant 960 : index
    %get3A_1920 = tpu.vector_load %arg5[%get3A_1919] {strides = array<i32>} : memref<1024xi32, #tpu.memory_space<vmem>>, vector<16xi32>,
    %and3A_1921 = arith.constant 3 : i32
    %and3A_1922 = vector.broadcast %and3A_1921 : i32 to vector<16xi32>
    %and3A_1923 = arith.andi %get3A_1920, %and3A_1922 : vector<16xi32>
    %shift_left3A_1924 = arith.constant 5 : i32
    %shift_left3A_1925 = vector.broadcast %shift_left3A_1924 : i32 to vector<16xi32>
    %shift_left3A_1926 = arith.shli %and3A_1923, %shift_left3A_1925 : vector<16xi32>
    %add3A_1927 = arith.constant 960 : i32
    %add3A_1928 = vector.broadcast %add3A_1927 : i32 to vector<16xi32>
    %add3A_1929 = arith.addi %add3A_1928, %iota3A : vector<16xi32>
    %scan3A_1930 = arith.constant 0 : i32
    %scan3A_1931 = arith.constant 0 : i32
    %scan3A_1932 = arith.constant 32 : i32
    %scan3A_1933 = arith.addi %scan3A_1931, %scan3A_1932 : i32
    %scan3A_1934 = arith.constant 1 : i32
    scf.for %scan3A_1996 = %scan3A_1931 to %scan3A_1933 step %scan3A_1934  : i32 {
      %broadcast_in_dim3A = vector.broadcast %scan3A_1996 : i32 to vector<16xi32>
      %add3A_1997 = vector.broadcast %scan3A_1996 : i32 to vector<16xi32>
      %add3A_1998 = arith.addi %shift_left3A_1926, %add3A_1997 : vector<16xi32>
      %gather3A = tpu.vector_load_idx %arg8[%add3A_1918, %add3A_1998] : memref<128x128xf32, #tpu.memory_space<vmem>>[vector<16xi32>, vector<16xi32>], vector<16xf32>,
      tpu.vector_store_idx %arg9[%broadcast_in_dim3A, %add3A_1929], %gather3A : memref<32x1024xf32, #tpu.memory_space<vmem>>[vector<16xi32>, vector<16xi32>], vector<16xf32>,
    }
    %scan3A_1935 = arith.constant 32 : i32
    %add3A_1936 = arith.constant 80 : i32
    %add3A_1937 = vector.broadcast %add3A_1936 : i32 to vector<16xi32>
    %add3A_1938 = arith.addi %add3A_1937, %iota3A : vector<16xi32>
    %get3A_1939 = arith.constant 976 : index
    %get3A_1940 = tpu.vector_load %arg5[%get3A_1939] {strides = array<i32>} : memref<1024xi32, #tpu.memory_space<vmem>>, vector<16xi32>,
    %and3A_1941 = arith.constant 3 : i32
    %and3A_1942 = vector.broadcast %and3A_1941 : i32 to vector<16xi32>
    %and3A_1943 = arith.andi %get3A_1940, %and3A_1942 : vector<16xi32>
    %shift_left3A_1944 = arith.constant 5 : i32
    %shift_left3A_1945 = vector.broadcast %shift_left3A_1944 : i32 to vector<16xi32>
    %shift_left3A_1946 = arith.shli %and3A_1943, %shift_left3A_1945 : vector<16xi32>
    %add3A_1947 = arith.constant 976 : i32
    %add3A_1948 = vector.broadcast %add3A_1947 : i32 to vector<16xi32>
    %add3A_1949 = arith.addi %add3A_1948, %iota3A : vector<16xi32>
    %scan3A_1950 = arith.constant 0 : i32
    %scan3A_1951 = arith.constant 0 : i32
    %scan3A_1952 = arith.constant 32 : i32
    %scan3A_1953 = arith.addi %scan3A_1951, %scan3A_1952 : i32
    %scan3A_1954 = arith.constant 1 : i32
    scf.for %scan3A_1996 = %scan3A_1951 to %scan3A_1953 step %scan3A_1954  : i32 {
      %broadcast_in_dim3A = vector.broadcast %scan3A_1996 : i32 to vector<16xi32>
      %add3A_1997 = vector.broadcast %scan3A_1996 : i32 to vector<16xi32>
      %add3A_1998 = arith.addi %shift_left3A_1946, %add3A_1997 : vector<16xi32>
      %gather3A = tpu.vector_load_idx %arg8[%add3A_1938, %add3A_1998] : memref<128x128xf32, #tpu.memory_space<vmem>>[vector<16xi32>, vector<16xi32>], vector<16xf32>,
      tpu.vector_store_idx %arg9[%broadcast_in_dim3A, %add3A_1949], %gather3A : memref<32x1024xf32, #tpu.memory_space<vmem>>[vector<16xi32>, vector<16xi32>], vector<16xf32>,
    }
    %scan3A_1955 = arith.constant 32 : i32
    %add3A_1956 = arith.constant 96 : i32
    %add3A_1957 = vector.broadcast %add3A_1956 : i32 to vector<16xi32>
    %add3A_1958 = arith.addi %add3A_1957, %iota3A : vector<16xi32>
    %get3A_1959 = arith.constant 992 : index
    %get3A_1960 = tpu.vector_load %arg5[%get3A_1959] {strides = array<i32>} : memref<1024xi32, #tpu.memory_space<vmem>>, vector<16xi32>,
    %and3A_1961 = arith.constant 3 : i32
    %and3A_1962 = vector.broadcast %and3A_1961 : i32 to vector<16xi32>
    %and3A_1963 = arith.andi %get3A_1960, %and3A_1962 : vector<16xi32>
    %shift_left3A_1964 = arith.constant 5 : i32
    %shift_left3A_1965 = vector.broadcast %shift_left3A_1964 : i32 to vector<16xi32>
    %shift_left3A_1966 = arith.shli %and3A_1963, %shift_left3A_1965 : vector<16xi32>
    %add3A_1967 = arith.constant 992 : i32
    %add3A_1968 = vector.broadcast %add3A_1967 : i32 to vector<16xi32>
    %add3A_1969 = arith.addi %add3A_1968, %iota3A : vector<16xi32>
    %scan3A_1970 = arith.constant 0 : i32
    %scan3A_1971 = arith.constant 0 : i32
    %scan3A_1972 = arith.constant 32 : i32
    %scan3A_1973 = arith.addi %scan3A_1971, %scan3A_1972 : i32
    %scan3A_1974 = arith.constant 1 : i32
    scf.for %scan3A_1996 = %scan3A_1971 to %scan3A_1973 step %scan3A_1974  : i32 {
      %broadcast_in_dim3A = vector.broadcast %scan3A_1996 : i32 to vector<16xi32>
      %add3A_1997 = vector.broadcast %scan3A_1996 : i32 to vector<16xi32>
      %add3A_1998 = arith.addi %shift_left3A_1966, %add3A_1997 : vector<16xi32>
      %gather3A = tpu.vector_load_idx %arg8[%add3A_1958, %add3A_1998] : memref<128x128xf32, #tpu.memory_space<vmem>>[vector<16xi32>, vector<16xi32>], vector<16xf32>,
      tpu.vector_store_idx %arg9[%broadcast_in_dim3A, %add3A_1969], %gather3A : memref<32x1024xf32, #tpu.memory_space<vmem>>[vector<16xi32>, vector<16xi32>], vector<16xf32>,
    }
    %scan3A_1975 = arith.constant 32 : i32
    %add3A_1976 = arith.constant 112 : i32
    %add3A_1977 = vector.broadcast %add3A_1976 : i32 to vector<16xi32>
    %add3A_1978 = arith.addi %add3A_1977, %iota3A : vector<16xi32>
    %get3A_1979 = arith.constant 1008 : index
    %get3A_1980 = tpu.vector_load %arg5[%get3A_1979] {strides = array<i32>} : memref<1024xi32, #tpu.memory_space<vmem>>, vector<16xi32>,
    %and3A_1981 = arith.constant 3 : i32
    %and3A_1982 = vector.broadcast %and3A_1981 : i32 to vector<16xi32>
    %and3A_1983 = arith.andi %get3A_1980, %and3A_1982 : vector<16xi32>
    %shift_left3A_1984 = arith.constant 5 : i32
    %shift_left3A_1985 = vector.broadcast %shift_left3A_1984 : i32 to vector<16xi32>
    %shift_left3A_1986 = arith.shli %and3A_1983, %shift_left3A_1985 : vector<16xi32>
    %add3A_1987 = arith.constant 1008 : i32
    %add3A_1988 = vector.broadcast %add3A_1987 : i32 to vector<16xi32>
    %add3A_1989 = arith.addi %add3A_1988, %iota3A : vector<16xi32>
    %scan3A_1990 = arith.constant 0 : i32
    %scan3A_1991 = arith.constant 0 : i32
    %scan3A_1992 = arith.constant 32 : i32
    %scan3A_1993 = arith.addi %scan3A_1991, %scan3A_1992 : i32
    %scan3A_1994 = arith.constant 1 : i32
    scf.for %scan3A_1996 = %scan3A_1991 to %scan3A_1993 step %scan3A_1994  : i32 {
      %broadcast_in_dim3A = vector.broadcast %scan3A_1996 : i32 to vector<16xi32>
      %add3A_1997 = vector.broadcast %scan3A_1996 : i32 to vector<16xi32>
      %add3A_1998 = arith.addi %shift_left3A_1986, %add3A_1997 : vector<16xi32>
      %gather3A = tpu.vector_load_idx %arg8[%add3A_1978, %add3A_1998] : memref<128x128xf32, #tpu.memory_space<vmem>>[vector<16xi32>, vector<16xi32>], vector<16xf32>,
      tpu.vector_store_idx %arg9[%broadcast_in_dim3A, %add3A_1989], %gather3A : memref<32x1024xf32, #tpu.memory_space<vmem>>[vector<16xi32>, vector<16xi32>], vector<16xf32>,
    }
    %scan3A_1995 = arith.constant 32 : i32
    "tpu.region"() ({
      %run_scoped3A = tpu.sem_alloc : memref<!tpu.dma_semaphore, #tpu.memory_space<semaphore_mem>>
      %dma_start3A_1996 = arith.constant 0 : i32
      %dma_start3A_1997 = tpu.memref_slice %arg4[%select_n3A, %dma_start3A_1996, %mul3A_32] : memref<2x32x16384xf32, #tpu.memory_space<hbm>> -> memref<1x32x1024xf32, #tpu.memory_space<hbm>>
      %dma_start3A_1998 = tpu.memref_squeeze %dma_start3A_1997 : memref<1x32x1024xf32, #tpu.memory_space<hbm>> -> memref<32x1024xf32, #tpu.memory_space<hbm>>
      %dma_start3A_1999 = arith.constant 0 : i32
      %dma_start3A_2000 = tpu.memref_slice %arg4[%select_n3A, %dma_start3A_1999, %mul3A_32] : memref<2x32x16384xf32, #tpu.memory_space<hbm>> -> memref<1x32x1024xf32, #tpu.memory_space<hbm>>
      %dma_start3A_2001 = tpu.memref_squeeze %dma_start3A_2000 : memref<1x32x1024xf32, #tpu.memory_space<hbm>> -> memref<32x1024xf32, #tpu.memory_space<hbm>>
      tpu.enqueue_dma source(%arg9 : memref<32x1024xf32, #tpu.memory_space<vmem>>) target(%dma_start3A_2001 : memref<32x1024xf32, #tpu.memory_space<hbm>>) target_semaphore(%run_scoped3A : memref<!tpu.dma_semaphore, #tpu.memory_space<semaphore_mem>>)
      %dma_wait3A_2002 = arith.constant 0 : i32
      %dma_wait3A_2003 = tpu.memref_slice %arg4[%select_n3A, %dma_wait3A_2002, %mul3A_32] : memref<2x32x16384xf32, #tpu.memory_space<hbm>> -> memref<1x32x1024xf32, #tpu.memory_space<hbm>>
      %dma_wait3A_2004 = tpu.memref_squeeze %dma_wait3A_2003 : memref<1x32x1024xf32, #tpu.memory_space<hbm>> -> memref<32x1024xf32, #tpu.memory_space<hbm>>
      %dma_wait3A_2005 = arith.constant 0 : i32
      %dma_wait3A_2006 = tpu.memref_slice %arg4[%select_n3A, %dma_wait3A_2005, %mul3A_32] : memref<2x32x16384xf32, #tpu.memory_space<hbm>> -> memref<1x32x1024xf32, #tpu.memory_space<hbm>>
      %dma_wait3A_2007 = tpu.memref_squeeze %dma_wait3A_2006 : memref<1x32x1024xf32, #tpu.memory_space<hbm>> -> memref<32x1024xf32, #tpu.memory_space<hbm>>
      tpu.wait_dma2 semaphore(%run_scoped3A : memref<!tpu.dma_semaphore, #tpu.memory_space<semaphore_mem>>) src(%arg9 : memref<32x1024xf32, #tpu.memory_space<vmem>>) dst(%dma_wait3A_2007 : memref<32x1024xf32, #tpu.memory_space<hbm>>)
      tpu.yield
    }) : () -> ()
    return
  }
}

</mosaic_0001>

<sc_bundles>
// kernel: kernel.3.cloned.1.call-start
scs
__scs_entry_jumppad:
0x0: {  	(pc) =	sbr.rel $0x88, $3  }
0x1: {  	(tag) =	ssettag $0x0;
	lr =	simm.s32 $0x1  }
0x2: {  	[smem:$0x3F9F] =	sst lr;
	_ =	strace $0xD0000000  }
0x3: {  	_ = 	snop  }
0x4: {  	_ = 	snop  }
0x5: {  	_ = 	snop  }
0x6: {  	_ = 	snop  }
0x7: {  	_ = 	snop  }
__scs_overlays_trampoline_lowered:
0x8: {  	[smem:$0x3FAE] =	sst s0  }
0x9: {  	[smem:$0x3FAF] =	sst s1  }
0xa: {  	[smem:$0x3FB0] =	sst s2  }
0xb: {  	[smem:$0x3FB1] =	sst s3  }
0xc: {  	[smem:$0x3FB2] =	sst s4  }
0xd: {  	[smem:$0x3FB3] =	sst s5  }
0xe: {  	[smem:$0x3FB4] =	sst s6  }
0xf: {  	[smem:$0x3FB5] =	sst s7  }
0x10: {  	[smem:$0x3FB6] =	sst s8  }
0x11: {  	[smem:$0x3FB7] =	sst s9;
	s0 =	simm.s32 @!p0 $0x0  }
0x12: {  	s1 =	sld [smem:$0x3F9D];
	s0 =	simm.s32 @p0 $0x1  }
0x13: {  	[smem:$0x3FB8] =	sst s0;
	s0 =	simm.s32 @!p1 $0x0  }
0x14: {  	s2 =	sld [smem:$0x3F9C];
	s0 =	simm.s32 @p1 $0x1  }
0x15: {  	[smem:$0x3FB9] =	sst s0;
	s0 =	simm.s32 @!p2 $0x0  }
0x16: {  	s3 =	sld [smem:$0x3FDB];
	s0 =	simm.s32 @p2 $0x1  }
0x17: {  	s4 =	simm.s32 $0x1BF5;
	[smem:$0x3FBB] =	sst s0  }
0x18: {  	s0 =	sld [smem:$0x3F9E];
	_ =	swait.ge [sflag:s4], $0x0  }
0x19: {  	s7 =	sld [smem:$0x3F9F]  }
0x1a: {  	s8 =	sadd.s32 $0xFFFFE003, lr  }
0x1b: {  	s9 =	sadd.s32 $0xFFFFFEF7, lr;
	s5 =	simm.s32 $0xFFFFFFFF;
	p2 =	slt.u32 s8, $0xFFFFF086  }
0x1c: {  	p1 =	slt.u32 s9, $0xF7A;
	s5 =	simm.s32 @!p2 $0x0  }
0x1d: {  	s5 =	simm.s32 @p1 $0x1;
	p0 =	seq.s32 s7, s2  }
0x1e: {  	s7 =	smul.u32 @!p0 $0xF7A, s2;
	p2 =	seq.s32 @!p0 s5, $0x0  }
0x1f: {  	s9 =	smul.u32 $0xF7A, s1;
	s8 =	simm.s32 @!p0 $0x1BF5;
	p2 =	por !p2, p0  }
0x20: {  	[sflag:s8] =	ssyncset.s32 @!p0 $0xFFFFF086;
	s6 =	sadd.s32 @!p0 s3, s7;
	s7 =	simm.s32 @!p0 $0x108  }
0x21: {  	s3 =	sadd.s32 s3, s9;
	s6 =	sadd.s32 @!p0 $0x88, s6;
	s7 =	simm.s32 @p2 $0x1082  }
0x22: {  	[simem:s7], [sflag:s8] =	dma.local @!p0 [hbm:s6], $0xF7A  }
0x23: {  	s9 =	sor.u32 $0xD0000000, s2;
	s6 =	simm.s32 $0x108;
	_ =	swait.ge @!p0 [sflag:s8], $0x0  }
0x24: {  	s3 =	sadd.s32 $0x88, s3;
	s6 =	simm.s32 @!p1 $0x1082;
	[sflag:s4] =	ssyncset.s32 $0xFFFFF086  }
0x25: {  	[simem:s6], [sflag:s4] =	dma.local [hbm:s3], $0xF7A  }
0x26: {  	[smem:$0x3F9F] =	sst s1;
	(tag) =	ssettag s2;
	_ =	strace s9  }
0x27: {  	s1 =	sld [smem:$0x3FAF]  }
0x28: {  	s2 =	sld [smem:$0x3FB0]  }
0x29: {  	s4 =	sld [smem:$0x3FB2]  }
0x2a: {  	p0 =	seq.s32 s5, $0x0;
	s5 =	sld [smem:$0x3FB3]  }
0x2b: {  	s6 =	sld [smem:$0x3FB4]  }
0x2c: {  	s7 =	sld [smem:$0x3FB5]  }
0x2d: {  	s3 =	simm.s32 $0x108;
	s8 =	sld [smem:$0x3FB6]  }
0x2e: {  	s3 =	simm.s32 @!p0 $0x1082;
	s9 =	sld [smem:$0x3FB7]  }
0x2f: {  	lr =	sadd.s32 s0, s3;
	s0 =	sld [smem:$0x3FAE]  }
0x30: {  	s3 =	sld [smem:$0x3FB1]  }
0x31: {  	[smem:$0x3FBA] =	sst s10  }
0x32: {  	s10 =	sld [smem:$0x3FB8];
	_ =	sdelay $0x3  }
0x33: {  	p0 =	seq.s32 s10, $0x1;
	s10 =	sld [smem:$0x3FBA];
	_ =	sdelay $0x3  }
0x34: {  	[smem:$0x3FBA] =	sst s10  }
0x35: {  	s10 =	sld [smem:$0x3FB9];
	_ =	sdelay $0x3  }
0x36: {  	p1 =	seq.s32 s10, $0x1;
	s10 =	sld [smem:$0x3FBA];
	_ =	sdelay $0x3  }
0x37: {  	[smem:$0x3FBA] =	sst s10  }
0x38: {  	s10 =	sld [smem:$0x3FBB]  }
0x39: {  	_ = 	snop;
	(pc) =	sbr.ind lr, $3  }
0x3a: {  	_ = 	snop  }
0x3b: {  	_ = 	snop  }
0x3c: {  	p2 =	seq.s32 s10, $0x1;
	s10 =	sld [smem:$0x3FBA]  }
0x3d: {  	_ =	shalt  }
0x3e: {  	_ =	shalt  }
0x3f: {  	_ =	shalt  }
0x40: {  	_ =	shalt  }
0x41: {  	_ =	shalt  }
0x42: {  	_ =	shalt  }
0x43: {  	_ =	shalt  }
0x44: {  	_ =	shalt  }
0x45: {  	_ =	shalt  }
0x46: {  	_ =	shalt  }
0x47: {  	_ =	shalt  }
0x48: {  	_ =	shalt  }
0x49: {  	_ =	shalt  }
0x4a: {  	_ =	shalt  }
0x4b: {  	_ =	shalt  }
0x4c: {  	_ =	shalt  }
0x4d: {  	_ =	shalt  }
0x4e: {  	_ =	shalt  }
0x4f: {  	_ =	shalt  }
0x50: {  	_ =	shalt  }
0x51: {  	_ =	shalt  }
0x52: {  	_ =	shalt  }
0x53: {  	_ =	shalt  }
0x54: {  	_ =	shalt  }
0x55: {  	_ =	shalt  }
0x56: {  	_ =	shalt  }
0x57: {  	_ =	shalt  }
0x58: {  	_ =	shalt  }
0x59: {  	_ =	shalt  }
0x5a: {  	_ =	shalt  }
0x5b: {  	_ =	shalt  }
0x5c: {  	_ =	shalt  }
0x5d: {  	_ =	shalt  }
0x5e: {  	_ =	shalt  }
0x5f: {  	_ =	shalt  }
0x60: {  	_ =	shalt  }
0x61: {  	_ =	shalt  }
0x62: {  	_ =	shalt  }
0x63: {  	_ =	shalt  }
0x64: {  	_ =	shalt  }
0x65: {  	_ =	shalt  }
0x66: {  	_ =	shalt  }
0x67: {  	_ =	shalt  }
0x68: {  	_ =	shalt  }
0x69: {  	_ =	shalt  }
0x6a: {  	_ =	shalt  }
0x6b: {  	_ =	shalt  }
0x6c: {  	_ =	shalt  }
0x6d: {  	_ =	shalt  }
0x6e: {  	_ =	shalt  }
0x6f: {  	_ =	shalt  }
0x70: {  	_ =	shalt  }
0x71: {  	_ =	shalt  }
0x72: {  	_ =	shalt  }
0x73: {  	_ =	shalt  }
0x74: {  	_ =	shalt  }
0x75: {  	_ =	shalt  }
0x76: {  	_ =	shalt  }
0x77: {  	_ =	shalt  }
0x78: {  	_ =	shalt  }
0x79: {  	_ =	shalt  }
0x7a: {  	_ =	shalt  }
0x7b: {  	_ =	shalt  }
0x7c: {  	_ =	shalt  }
0x7d: {  	_ =	shalt  }
0x7e: {  	_ =	shalt  }
0x7f: {  	_ =	shalt  }
0x80: {  	_ =	shalt  }
0x81: {  	_ =	shalt  }
0x82: {  	_ =	shalt  }
0x83: {  	_ =	shalt  }
0x84: {  	_ =	shalt  }
0x85: {  	_ =	shalt  }
0x86: {  	_ =	shalt  }
0x87: {  	_ =	shalt  }
.Lfunc_end0:
.L_simem_size_0:
called_computation_lowered:
.L_overlay_start_0:
0x88: {  	s2 =	sld [smem:$0x3FD9]  }
0x89: {  	s3 =	sld [smem:$0x3FFE];
	_ =	sdelay $0x1  }
0x8a: {  	s1 =	srdreg.scid  }
0x8b: {  	s0 =	sand.u32 $0x1, s1  }
0x8c: {  	s17 =	sshll.u32 s0, $0xA;
	s2 =	sadd.s32 s3, s2  }
0x8d: {  	s2 =	sadd.s32 s2, s17  }
0x8e: {  	[smem:$0x3FC6] =	sst s2  }
0x8f: {  	_ = 	snop  }
0x90: {  	s2 =	sld [smem:$0x3FD0];
	(tm) =	ssettm $0x1  }
0x91: {  	s18 =	sld [smem:$0x3FFB];
	_ =	sdelay $0x3  }
0x92: {  	_ =	strace s18  }
0x93: {  	s3 =	sld [smem:$0x3FFC];
	_ =	sdelay $0x3  }
0x94: {  	_ =	strace s3  }
0x95: {  	s3 =	sld [smem:$0x3FFD];
	_ =	sdelay $0x3  }
0x96: {  	_ =	strace s3  }
0x97: {  	_ =	strace $0x8FFFFFFF  }
0x98: {  	s19 =	sld [smem:$0x3FDB];
	_ =	sdelay $0x1  }
0x99: {  	s4 =	simm.s32 $_scs_section_size  }
0x9a: {  	s5 =	simm.s32 $_size__tile_overlayer_lowered;
	s6 =	simm.s32 $_tile_overlayer_lowered  }
0x9b: {  	s22 =	simm.s32 $0x1BFF;
	s21 =	sshll.u32 s6, $0x1;
	s3 =	sadd.s32 s4, s19  }
0x9c: {  	s7 =	simm.s32 $0x0;
	s20 =	sshll.u32 s5, $0x1;
	s5 =	sadd.s32 s21, s3  }
0x9d: {  	[timem:s7], [sflag:s22] =	dma.local [hbm:s5], s20  }
0x9e: {  	_ =	swait.ge [sflag:s22], s20  }
0x9f: {  	s4 =	ssub.s32 $0x0, s20;
	[sflag:s22] =	ssyncset.done $0x0  }
0xa0: {  	[sflag:s22] =	ssyncadd.s32 s4;
	_ =	sdelay $0x1  }
0xa1: {  	s23 =	simm.s32 $0x1B8B  }
0xa2: {  	_ =	swait.ge [sflag:s23], $0x1  }
0xa3: {  	[sflag:s23] =	ssyncset.done $0x0  }
0xa4: {  	s25 =	simm.s32 $0x1B8E;
	s24 =	sld [smem:$0x3FFE];
	[sflag:s23] =	ssyncadd.s32 $0xFFFFFFFF  }
0xa5: {  	s26 =	simm.s32 $execute0_lowered;
	[smem:$0x3FD2] =	sst s25  }
0xa6: {  	s5 =	sshll.u32 s26, $0x1;
	_ =	strace $0x80000046;
	[dreg:$0x1] =	wrdreg $0xFFFFFFFF  }
0xa7: {  	s28 =	simm.s32 $_size_execute0_lowered;
	s3 =	sadd.s32 s3, s5;
	[dreg:$0x0] =	wrdreg $0x0  }
0xa8: {  	s5 =	sshll.u32 s28, $0x1;
	[dreg:$0x2] =	wrdreg s3  }
0xa9: {  	[dreg:$0x3] =	wrdreg s5  }
0xaa: {  	[dreg:$0x4] =	wrdreg $0xC0  }
0xab: {  	_ =	task [dreg:s7], $0x5FFFF  }
0xac: {  	[dreg:$0x1] =	wrdreg $0xFFFFFFFF  }
0xad: {  	[dreg:$0x0] =	wrdreg $0x60  }
0xae: {  	[dreg:$0x2] =	wrdreg s24  }
0xaf: {  	[dreg:$0x3] =	wrdreg s2  }
0xb0: {  	[dreg:$0x4] =	wrdreg $0x9  }
0xb1: {  	_ =	task.clear_ibuf [dreg:s7], $0x5FFFF;
	_ =	strace $0x90000046  }
0xb2: {  	s29 =	simm.s32 $0x9;
	_ =	strace $0x80000048  }
0xb3: {  	_ =	swait.ge [sflag:s29], $0x1  }
0xb4: {  	[sflag:s29] =	ssyncadd.s32 $0xFFFFFFFF  }
0xb5: {  	_ =	strace $0x90000048  }
0xb6: {  	_ =	sfence  }
0xb7: {  	s30 =	sld [smem:$0x0];
	_ =	sdelay $0x2  }
0xb8: {  	s31 =	sshll.u32 s1, $0xD;
	s1 =	sshrl.u32 s1, $0x2  }
0xb9: {  	s3 =	sand.u32 $0x4000, s31;
	s1 =	sadd.s32 s1, s30  }
0xba: {  	s0 =	sor.u32 s3, s0;
	s1 =	sshll.u32 s1, $0x11  }
0xbb: {  	s0 =	sor.u32 s1, s0  }
0xbc: {  	s0 =	sadd.s32 $0x8F2B, s0  }
0xbd: {  	[sflag:s0] =	ssyncadd.remote.s32 $0x1  }
0xbe: {  	_ =	sfence.sel $0xFFFF  }
0xbf: {  	[dreg:$0x0] =	wrdreg $0xFFFFFFFF;
	(pc) =	sbr.abs _section_cstart, $3  }
0xc0: {  	[dreg:$0x1] =	wrdreg $0xFFFFFFFF  }
0xc1: {  	_ =	task.clear_ibuf [dreg:s7], $0x2FFFF;
	_ =	strace $0x9FFFFFFF  }
0xc2: {  	(tm) =	ssettm $0x7FFFFFFF  }
0xc3: {  	_ =	shalt  }
tec
execute0_lowered:
.L_overlay_start_1:
0x0: {  	(tag) =	ssettag $0x1  }
0x1: {  	v0 =	vlaneseq.u32  }
0x2: {  	v1 =	vmul.u32 $0x80, v0;
	v3 =	vor.u32 $0x10, v0  }
0x3: {  	v5 =	vor.u32 $0x20, v0;
	v7 =	vor.u32 $0x30, v0;
	v9 =	vor.u32 $0x40, v0  }
0x4: {  	v11 =	vor.u32 $0x50, v0;
	v13 =	vor.u32 $0x60, v0;
	v15 =	vor.u32 $0x70, v0  }
0x5: {  	v17 =	vor.u32 $0x410, v0;
	v18 =	vor.u32 $0x420, v0;
	v19 =	vor.u32 $0x430, v0  }
0x6: {  	v20 =	vor.u32 $0x440, v0;
	v21 =	vor.u32 $0x450, v0;
	v22 =	vor.u32 $0x460, v0  }
0x7: {  	v23 =	vor.u32 $0x470, v0;
	v24 =	vor.u32 $0x800, v0;
	v25 =	vor.u32 $0x810, v0  }
0x8: {  	v26 =	vor.u32 $0x820, v0;
	v27 =	vor.u32 $0x830, v0;
	v28 =	vor.u32 $0x840, v0  }
0x9: {  	s3 =	rddreg [dreg:$0x0];
	s1 =	srdreg.scid;
	v29 =	vor.u32 $0x850, v0;
	v30 =	vor.u32 $0x860, v0;
	v31 =	vor.u32 $0x870, v0  }
0xa: {  	s0 =	stileid.u32;
	s4 =	rddreg [dreg:$0x1];
	v32 =	vor.u32 $0xC00, v0;
	v33 =	vor.u32 $0xC10, v0;
	v34 =	vor.u32 $0xC20, v0  }
0xb: {  	s2 =	simm.s32 $0x0;
	s10 =	simm.s32 $0x800;
	s11 =	simm.s32 $0x480;
	v35 =	vor.u32 $0xC30, v0;
	v36 =	vor.u32 $0xC40, v0;
	v37 =	vor.u32 $0xC50, v0  }
0xc: {  	s12 =	simm.s32 $0x4800;
	s13 =	simm.s32 $0x1;
	s14 =	simm.s32 $0x8800;
	v38 =	vor.u32 $0xC60, v0;
	v39 =	vor.u32 $0xC70, v0;
	v40 =	vor.u32 $0x1000, v0  }
0xd: {  	s15 =	simm.s32 $0x500;
	s16 =	simm.s32 $0x2;
	s17 =	simm.s32 $0x580;
	v41 =	vor.u32 $0x1010, v0;
	v42 =	vor.u32 $0x1020, v0;
	v43 =	vor.u32 $0x1030, v0  }
0xe: {  	s18 =	simm.s32 $0x600;
	s19 =	simm.s32 $0x680;
	s20 =	simm.s32 $0x700;
	v44 =	vor.u32 $0x1040, v0;
	v45 =	vor.u32 $0x1050, v0;
	v46 =	vor.u32 $0x1060, v0  }
0xf: {  	s21 =	simm.s32 $0x780;
	s22 =	simm.s32 $0x2000;
	s23 =	simm.s32 $0x20000;
	v47 =	vor.u32 $0x1070, v0;
	v48 =	vor.u32 $0x1400, v0;
	v2 =	vor.u32 $0x800, v1  }
0x10: {  	s24 =	simm.s32 $0x0;
	s5 =	sand.u32 $0x1, s1;
	s1 =	rddreg [dreg:$0x2];
	v49 =	vor.u32 $0x1410, v0;
	v50 =	vor.u32 $0x1420, v0;
	[tilespmem:$0x1FF80] =	vst v2;
	v2 =	vor.u32 $0x1000, v1  }
0x11: {  	s6 =	sshll.u32 s0, $0x1;
	[smem:$0x7FF] =	sst s2;
	s8 =	sshll.u32 s0, $0xD;
	v51 =	vor.u32 $0x1430, v0;
	v52 =	vor.u32 $0x1440, v0;
	[tilespmem:$0x1FF90] =	vst v2;
	v2 =	vor.u32 $0x1800, v1  }
0x12: {  	v53 =	vor.u32 $0x1450, v0;
	v54 =	vor.u32 $0x1460, v0;
	s6 =	sor.u32 s5, s6;
	s5 =	ssub.s32 $0x2, s5;
	s8 =	sand.u32 $0x10000, s8;
	[tilespmem:$0x1FFA0] =	vst v2;
	v2 =	vor.u32 $0x2000, v1  }
0x13: {  	v55 =	vor.u32 $0x1470, v0;
	v56 =	vor.u32 $0x1800, v0;
	s7 =	sshll.u32 s6, $0x7;
	s9 =	sshrl.u32 s5, $0x1;
	s6 =	sshll.u32 s6, $0xA;
	[tilespmem:$0x1FFB0] =	vst v2;
	v2 =	vor.u32 $0x2800, v1  }
0x14: {  	v57 =	vor.u32 $0x1810, v0;
	v58 =	vor.u32 $0x1820, v0;
	s31 =	sadd.s32 s4, s8;
	s8 =	simm.s32 $0x80;
	s7 =	sadd.s32 s7, s3;
	[tilespmem:$0x1FFC0] =	vst v2;
	v2 =	vor.u32 $0x3000, v1  }
0x15: {  	v59 =	vor.u32 $0x1830, v0;
	s3 =	sadd.s32 $0xF42A00, s3;
	s9 =	ssub.s32 s5, s9;
	s30 =	sand.u32 $0x3C00, s6;
	[tilespmem:$0x1FFD0] =	vst v2;
	v2 =	vor.u32 $0x3800, v1  }
0x16: {  	v60 =	vor.u32 $0x1840, v0;
	v61 =	vor.u32 $0x1850, v0;
	v62 =	vor.u32 $0x1860, v0;
	s4 =	sadd.s32 $0x600, s7;
	s5 =	sadd.s32 s30, s31;
	s6 =	smax.u32 s9, $0x1;
	[tilespmem:$0x1FFE0] =	vst v2  }
0x17: {  	v16 =	vor.u32 $0x400, v0;
	v63 =	vor.u32 $0x1870, v0;
	s7 =	simm.s32 $0x3;
	s9 =	simm.s32 $0x400;
	v2 =	vor.u32 $0x1C00, v0;
	_ =	strace $0x80000047;
	[tilespmem:$0x1FFF0] =	vst v1  }
.LBB2_1:
0x18: {  	[tilespmem:s2], [sflag:$0x3] =	stream.linear.gather [hbm4b:s4+s2], $0x400, $0x38;
	[tilespmem:$0x10800] =	vst v63  }
0x19: {  	_ =	swait.ge [sflag:s7], $0x400  }
0x1a: {  	[sflag:s7] =	ssyncset.done $0x0  }
0x1b: {  	[sflag:s7] =	ssyncadd.s32 $0xFFFFFC00  }
0x1c: {  	v4 =	vld [tilespmem:$0x0]  }
0x1d: {  	v6 =	vld [tilespmem:$0x10]  }
0x1e: {  	v8 =	vld [tilespmem:$0x20]  }
0x1f: {  	v10 =	vld [tilespmem:$0x30]  }
0x20: {  	v12 =	vld [tilespmem:$0x40]  }
0x21: {  	v14 =	vld [tilespmem:$0x50];
	v4 =	vshrl.u32 v4, $0x2  }
0x22: {  	[tilespmem:$0x400] =	vst v4;
	v4 =	vshrl.u32 v6, $0x2;
	v6 =	vld [tilespmem:$0x60]  }
0x23: {  	[tilespmem:$0x410] =	vst v4;
	v4 =	vshrl.u32 v8, $0x2;
	v8 =	vld [tilespmem:$0x70]  }
0x24: {  	[tilespmem:$0x420] =	vst v4;
	v4 =	vshrl.u32 v10, $0x2;
	v10 =	vld [tilespmem:$0x80]  }
0x25: {  	[tilespmem:$0x430] =	vst v4;
	v4 =	vshrl.u32 v12, $0x2;
	v12 =	vld [tilespmem:$0x90]  }
0x26: {  	[tilespmem:$0x440] =	vst v4;
	v4 =	vshrl.u32 v14, $0x2;
	v14 =	vld [tilespmem:$0xA0]  }
0x27: {  	[tilespmem:$0x450] =	vst v4;
	v4 =	vshrl.u32 v6, $0x2;
	v6 =	vld [tilespmem:$0xB0]  }
0x28: {  	[tilespmem:$0x460] =	vst v4;
	v4 =	vshrl.u32 v8, $0x2;
	v8 =	vld [tilespmem:$0xC0]  }
0x29: {  	[tilespmem:$0x470] =	vst v4;
	v4 =	vshrl.u32 v10, $0x2;
	v10 =	vld [tilespmem:$0xD0]  }
0x2a: {  	[tilespmem:$0x480] =	vst v4;
	v4 =	vshrl.u32 v12, $0x2;
	v12 =	vld [tilespmem:$0xE0]  }
0x2b: {  	[tilespmem:$0x490] =	vst v4;
	v4 =	vshrl.u32 v14, $0x2;
	v14 =	vld [tilespmem:$0xF0]  }
0x2c: {  	[tilespmem:$0x4A0] =	vst v4;
	v4 =	vshrl.u32 v6, $0x2;
	v6 =	vld [tilespmem:$0x100]  }
0x2d: {  	[tilespmem:$0x4B0] =	vst v4;
	v4 =	vshrl.u32 v8, $0x2;
	v8 =	vld [tilespmem:$0x110]  }
0x2e: {  	[tilespmem:$0x4C0] =	vst v4;
	v4 =	vshrl.u32 v10, $0x2;
	v10 =	vld [tilespmem:$0x120]  }
0x2f: {  	[tilespmem:$0x4D0] =	vst v4;
	v4 =	vshrl.u32 v12, $0x2;
	v12 =	vld [tilespmem:$0x130]  }
0x30: {  	[tilespmem:$0x4E0] =	vst v4;
	v4 =	vshrl.u32 v14, $0x2;
	v14 =	vld [tilespmem:$0x140]  }
0x31: {  	[tilespmem:$0x4F0] =	vst v4;
	v4 =	vshrl.u32 v6, $0x2;
	v6 =	vld [tilespmem:$0x150]  }
0x32: {  	[tilespmem:$0x500] =	vst v4;
	v4 =	vshrl.u32 v8, $0x2;
	v8 =	vld [tilespmem:$0x160]  }
0x33: {  	[tilespmem:$0x510] =	vst v4;
	v4 =	vshrl.u32 v10, $0x2;
	v10 =	vld [tilespmem:$0x170]  }
0x34: {  	[tilespmem:$0x520] =	vst v4;
	v4 =	vshrl.u32 v12, $0x2;
	v12 =	vld [tilespmem:$0x180]  }
0x35: {  	[tilespmem:$0x530] =	vst v4;
	v4 =	vshrl.u32 v14, $0x2;
	v14 =	vld [tilespmem:$0x190]  }
0x36: {  	[tilespmem:$0x540] =	vst v4;
	v4 =	vshrl.u32 v6, $0x2;
	v6 =	vld [tilespmem:$0x1A0]  }
0x37: {  	[tilespmem:$0x550] =	vst v4;
	v4 =	vshrl.u32 v8, $0x2;
	v8 =	vld [tilespmem:$0x1B0]  }
0x38: {  	[tilespmem:$0x560] =	vst v4;
	v4 =	vshrl.u32 v10, $0x2;
	v10 =	vld [tilespmem:$0x1C0]  }
0x39: {  	[tilespmem:$0x570] =	vst v4;
	v4 =	vshrl.u32 v12, $0x2;
	v12 =	vld [tilespmem:$0x1D0]  }
0x3a: {  	[tilespmem:$0x580] =	vst v4;
	v4 =	vshrl.u32 v14, $0x2;
	v14 =	vld [tilespmem:$0x1E0]  }
0x3b: {  	[tilespmem:$0x590] =	vst v4;
	v4 =	vshrl.u32 v6, $0x2;
	v6 =	vld [tilespmem:$0x1F0]  }
0x3c: {  	[tilespmem:$0x5A0] =	vst v4;
	v4 =	vshrl.u32 v8, $0x2;
	v8 =	vld [tilespmem:$0x200]  }
0x3d: {  	[tilespmem:$0x5B0] =	vst v4;
	v4 =	vshrl.u32 v10, $0x2;
	v10 =	vld [tilespmem:$0x210]  }
0x3e: {  	[tilespmem:$0x5C0] =	vst v4;
	v4 =	vshrl.u32 v12, $0x2;
	v12 =	vld [tilespmem:$0x220]  }
0x3f: {  	[tilespmem:$0x5D0] =	vst v4;
	v4 =	vshrl.u32 v14, $0x2;
	v14 =	vld [tilespmem:$0x230]  }
0x40: {  	[tilespmem:$0x5E0] =	vst v4;
	v4 =	vshrl.u32 v6, $0x2;
	v6 =	vld [tilespmem:$0x240]  }
0x41: {  	[tilespmem:$0x5F0] =	vst v4;
	v4 =	vshrl.u32 v8, $0x2;
	v8 =	vld [tilespmem:$0x250]  }
0x42: {  	[tilespmem:$0x600] =	vst v4;
	v4 =	vshrl.u32 v10, $0x2;
	v10 =	vld [tilespmem:$0x260]  }
0x43: {  	[tilespmem:$0x610] =	vst v4;
	v4 =	vshrl.u32 v12, $0x2;
	v12 =	vld [tilespmem:$0x270]  }
0x44: {  	[tilespmem:$0x620] =	vst v4;
	v4 =	vshrl.u32 v14, $0x2;
	v14 =	vld [tilespmem:$0x280]  }
0x45: {  	[tilespmem:$0x630] =	vst v4;
	v4 =	vshrl.u32 v6, $0x2;
	v6 =	vld [tilespmem:$0x290]  }
0x46: {  	[tilespmem:$0x640] =	vst v4;
	v4 =	vshrl.u32 v8, $0x2;
	v8 =	vld [tilespmem:$0x2A0]  }
0x47: {  	[tilespmem:$0x650] =	vst v4;
	v4 =	vshrl.u32 v10, $0x2;
	v10 =	vld [tilespmem:$0x2B0]  }
0x48: {  	[tilespmem:$0x660] =	vst v4;
	v4 =	vshrl.u32 v12, $0x2;
	v12 =	vld [tilespmem:$0x2C0]  }
0x49: {  	[tilespmem:$0x670] =	vst v4;
	v4 =	vshrl.u32 v14, $0x2;
	v14 =	vld [tilespmem:$0x2D0]  }
0x4a: {  	[tilespmem:$0x680] =	vst v4;
	v4 =	vshrl.u32 v6, $0x2;
	v6 =	vld [tilespmem:$0x2E0]  }
0x4b: {  	[tilespmem:$0x690] =	vst v4;
	v4 =	vshrl.u32 v8, $0x2;
	v8 =	vld [tilespmem:$0x2F0]  }
0x4c: {  	[tilespmem:$0x6A0] =	vst v4;
	v4 =	vshrl.u32 v10, $0x2;
	v10 =	vld [tilespmem:$0x300]  }
0x4d: {  	[tilespmem:$0x6B0] =	vst v4;
	v4 =	vshrl.u32 v12, $0x2;
	v12 =	vld [tilespmem:$0x310]  }
0x4e: {  	[tilespmem:$0x6C0] =	vst v4;
	v4 =	vshrl.u32 v14, $0x2;
	v14 =	vld [tilespmem:$0x320]  }
0x4f: {  	[tilespmem:$0x6D0] =	vst v4;
	v4 =	vshrl.u32 v6, $0x2;
	v6 =	vld [tilespmem:$0x330]  }
0x50: {  	[tilespmem:$0x6E0] =	vst v4;
	v4 =	vshrl.u32 v8, $0x2;
	v8 =	vld [tilespmem:$0x340]  }
0x51: {  	[tilespmem:$0x6F0] =	vst v4;
	v4 =	vshrl.u32 v10, $0x2;
	v10 =	vld [tilespmem:$0x350]  }
0x52: {  	[tilespmem:$0x700] =	vst v4;
	v4 =	vshrl.u32 v12, $0x2;
	v12 =	vld [tilespmem:$0x360]  }
0x53: {  	[tilespmem:$0x710] =	vst v4;
	v4 =	vshrl.u32 v14, $0x2;
	v14 =	vld [tilespmem:$0x370]  }
0x54: {  	[tilespmem:$0x720] =	vst v4;
	v4 =	vshrl.u32 v6, $0x2;
	v6 =	vld [tilespmem:$0x380]  }
0x55: {  	[tilespmem:$0x730] =	vst v4;
	v4 =	vshrl.u32 v8, $0x2;
	v8 =	vld [tilespmem:$0x390]  }
0x56: {  	[tilespmem:$0x740] =	vst v4;
	v4 =	vshrl.u32 v10, $0x2;
	v10 =	vld [tilespmem:$0x3A0]  }
0x57: {  	[tilespmem:$0x750] =	vst v4;
	v4 =	vshrl.u32 v12, $0x2;
	v12 =	vld [tilespmem:$0x3B0]  }
0x58: {  	[tilespmem:$0x760] =	vst v4;
	v4 =	vshrl.u32 v14, $0x2;
	v14 =	vld [tilespmem:$0x3C0]  }
0x59: {  	[tilespmem:$0x770] =	vst v4;
	v4 =	vshrl.u32 v6, $0x2;
	v6 =	vld [tilespmem:$0x3D0]  }
0x5a: {  	[tilespmem:$0x780] =	vst v4;
	v4 =	vshrl.u32 v8, $0x2;
	v8 =	vld [tilespmem:$0x3E0]  }
0x5b: {  	[tilespmem:$0x790] =	vst v4;
	v4 =	vshrl.u32 v10, $0x2;
	v10 =	vld [tilespmem:$0x3F0]  }
0x5c: {  	[tilespmem:$0x7A0] =	vst v4;
	v4 =	vshrl.u32 v12, $0x2  }
0x5d: {  	[tilespmem:$0x7B0] =	vst v4;
	v4 =	vshrl.u32 v14, $0x2  }
0x5e: {  	[tilespmem:$0x7C0] =	vst v4;
	v4 =	vshrl.u32 v6, $0x2  }
0x5f: {  	[tilespmem:$0x7D0] =	vst v4;
	v4 =	vshrl.u32 v8, $0x2  }
0x60: {  	[tilespmem:$0x7E0] =	vst v4;
	v4 =	vshrl.u32 v10, $0x2  }
0x61: {  	[tilespmem:$0x7F0] =	vst v4  }
0x62: {  	[tilespmem:s10], [sflag:$0x1] =	stream.indirect.gather [hbm4b:s3+s8], $0x80, s9, s8, $0xb8;
	[tilespmem:$0x10800] =	vst v63  }
0x63: {  	_ = 	snop  }
0x64: {  	[tilespmem:s12], [sflag:$0x2] =	stream.indirect.gather [hbm4b:s3+s8], $0x80, s11, s8, $0xb8;
	[tilespmem:$0x10800] =	vst v63  }
0x65: {  	_ =	swait.ge [sflag:s13], $0x4000  }
0x66: {  	[sflag:s13] =	ssyncset.done $0x0  }
0x67: {  	[sflag:s13] =	ssyncadd.s32 $0xFFFFC000  }
0x68: {  	v4 =	vld [tilespmem:$0x0];
	_ =	sdelay $0x4  }
0x69: {  	v4 =	vshll.u32 v4, $0x5  }
0x6a: {  	v4 =	vand.u32 $0x60, v4  }
0x6b: {  	v4 =	vor.u32 v1, v4  }
0x6c: {  	v6 =	vor.u32 s2, v4  }
0x6d: {  	v8 =	vmov s2  }
0x6e: {  	v10 =	vshll.u32 v8, $0xA;
	v8 =	vshll.u32 v8, $0x7  }
0x6f: {  	v10 =	vand.u32 $0x6000, v10;
	v8 =	vand.u32 $0x380, v8  }
0x70: {  	v8 =	vor.u32 v10, v8  }
0x71: {  	s25 =	simm.s32 $0x1;
	v10 =	vor.u32 v0, v8;
	v6 =	vld.idx.msk [tilespmem:v6+s10+$0x0], $0xffff  }
0x72: {  	s26 =	simm.s32 $0x2;
	v8 =	vor.u32 s25, v4  }
.LBB2_2:
0x73: {  	p0 =	sne.s32 s26, $0x1F  }
0x74: {  	v12 =	vmov s25;
	s25 =	smov.u32 s26  }
.Ltmp0:
0x75: {  	v14 =	vshll.u32 v12, $0xA;
	v12 =	vshll.u32 v12, $0x7;
	(pc) =	sbr.rel @p0 .LBB2_2-.Ltmp0, $4  }
0x76: {  	v14 =	vand.u32 $0x6000, v14;
	v12 =	vand.u32 $0x380, v12;
	[tilespmem:v10+s14+$0x0] =	vst.idx.msk $0xffff, v6  }
0x77: {  	v6 =	vld.idx.msk [tilespmem:v8+s10+$0x0], $0xffff;
	v8 =	vor.u32 v14, v12  }
0x78: {  	v10 =	vor.u32 v0, v8  }
0x79: {  	s26 =	sadd.s32 $0x1, s26;
	v8 =	vor.u32 s25, v4  }
0x7a: {  	_ = 	snop  }
0x7b: {  	v4 =	vmov s25  }
0x7c: {  	v12 =	vshll.u32 v4, $0xA;
	v4 =	vshll.u32 v4, $0x7  }
0x7d: {  	v12 =	vand.u32 $0x6000, v12;
	v4 =	vand.u32 $0x380, v4  }
0x7e: {  	[tilespmem:v10+s14+$0x0] =	vst.idx.msk $0xffff, v6;
	v4 =	vor.u32 v12, v4  }
0x7f: {  	v6 =	vld.idx.msk [tilespmem:v8+s10+$0x0], $0xffff;
	v4 =	vor.u32 v0, v4;
	_ =	sdelay $0x4  }
0x80: {  	[tilespmem:v4+s14+$0x0] =	vst.idx.msk $0xffff, v6  }
0x81: {  	v4 =	vld [tilespmem:$0x10];
	_ =	sdelay $0x1  }
0x82: {  	v6 =	vld [tilespmem:$0x1FF80];
	_ =	sdelay $0x2  }
0x83: {  	v4 =	vshll.u32 v4, $0x5  }
0x84: {  	v4 =	vand.u32 $0x60, v4  }
0x85: {  	s31 =	simm.s32 $0x0;
	v4 =	vor.u32 v6, v4  }
0x86: {  	v6 =	vor.u32 s31, v4  }
0x87: {  	v8 =	vmov s31  }
0x88: {  	v10 =	vshll.u32 v8, $0xA;
	v8 =	vshll.u32 v8, $0x7  }
0x89: {  	v10 =	vand.u32 $0x6000, v10;
	v8 =	vand.u32 $0x380, v8  }
0x8a: {  	v8 =	vor.u32 v10, v8  }
0x8b: {  	s25 =	simm.s32 $0x1;
	v10 =	vor.u32 v3, v8;
	v6 =	vld.idx.msk [tilespmem:v6+s10+$0x0], $0xffff  }
0x8c: {  	s26 =	simm.s32 $0x2;
	v8 =	vor.u32 s25, v4  }
.LBB2_4:
0x8d: {  	p0 =	sne.s32 s26, $0x1F  }
0x8e: {  	v12 =	vmov s25;
	s25 =	smov.u32 s26  }
.Ltmp1:
0x8f: {  	v14 =	vshll.u32 v12, $0xA;
	v12 =	vshll.u32 v12, $0x7;
	(pc) =	sbr.rel @p0 .LBB2_4-.Ltmp1, $4  }
0x90: {  	v14 =	vand.u32 $0x6000, v14;
	v12 =	vand.u32 $0x380, v12;
	[tilespmem:v10+s14+$0x0] =	vst.idx.msk $0xffff, v6  }
0x91: {  	v6 =	vld.idx.msk [tilespmem:v8+s10+$0x0], $0xffff;
	v8 =	vor.u32 v14, v12  }
0x92: {  	v10 =	vor.u32 v3, v8  }
0x93: {  	s26 =	sadd.s32 $0x1, s26;
	v8 =	vor.u32 s25, v4  }
0x94: {  	_ = 	snop  }
0x95: {  	v4 =	vmov s25  }
0x96: {  	v12 =	vshll.u32 v4, $0xA;
	v4 =	vshll.u32 v4, $0x7  }
0x97: {  	v12 =	vand.u32 $0x6000, v12;
	v4 =	vand.u32 $0x380, v4  }
0x98: {  	[tilespmem:v10+s14+$0x0] =	vst.idx.msk $0xffff, v6;
	v4 =	vor.u32 v12, v4  }
0x99: {  	v6 =	vld.idx.msk [tilespmem:v8+s10+$0x0], $0xffff;
	v4 =	vor.u32 v3, v4;
	_ =	sdelay $0x4  }
0x9a: {  	[tilespmem:v4+s14+$0x0] =	vst.idx.msk $0xffff, v6  }
0x9b: {  	v4 =	vld [tilespmem:$0x20];
	_ =	sdelay $0x1  }
0x9c: {  	v6 =	vld [tilespmem:$0x1FF90];
	_ =	sdelay $0x2  }
0x9d: {  	v4 =	vshll.u32 v4, $0x5  }
0x9e: {  	v4 =	vand.u32 $0x60, v4  }
0x9f: {  	s31 =	simm.s32 $0x0;
	v4 =	vor.u32 v6, v4  }
0xa0: {  	v6 =	vor.u32 s31, v4  }
0xa1: {  	v8 =	vmov s31  }
0xa2: {  	v10 =	vshll.u32 v8, $0xA;
	v8 =	vshll.u32 v8, $0x7  }
0xa3: {  	v10 =	vand.u32 $0x6000, v10;
	v8 =	vand.u32 $0x380, v8  }
0xa4: {  	v8 =	vor.u32 v10, v8  }
0xa5: {  	s25 =	simm.s32 $0x1;
	v10 =	vor.u32 v5, v8;
	v6 =	vld.idx.msk [tilespmem:v6+s10+$0x0], $0xffff  }
0xa6: {  	s26 =	simm.s32 $0x2;
	v8 =	vor.u32 s25, v4  }
.LBB2_6:
0xa7: {  	p0 =	sne.s32 s26, $0x1F  }
0xa8: {  	v12 =	vmov s25;
	s25 =	smov.u32 s26  }
.Ltmp2:
0xa9: {  	v14 =	vshll.u32 v12, $0xA;
	v12 =	vshll.u32 v12, $0x7;
	(pc) =	sbr.rel @p0 .LBB2_6-.Ltmp2, $4  }
0xaa: {  	v14 =	vand.u32 $0x6000, v14;
	v12 =	vand.u32 $0x380, v12;
	[tilespmem:v10+s14+$0x0] =	vst.idx.msk $0xffff, v6  }
0xab: {  	v6 =	vld.idx.msk [tilespmem:v8+s10+$0x0], $0xffff;
	v8 =	vor.u32 v14, v12  }
0xac: {  	v10 =	vor.u32 v5, v8  }
0xad: {  	s26 =	sadd.s32 $0x1, s26;
	v8 =	vor.u32 s25, v4  }
0xae: {  	_ = 	snop  }
0xaf: {  	v4 =	vmov s25  }
0xb0: {  	v12 =	vshll.u32 v4, $0xA;
	v4 =	vshll.u32 v4, $0x7  }
0xb1: {  	v12 =	vand.u32 $0x6000, v12;
	v4 =	vand.u32 $0x380, v4  }
0xb2: {  	[tilespmem:v10+s14+$0x0] =	vst.idx.msk $0xffff, v6;
	v4 =	vor.u32 v12, v4  }
0xb3: {  	v6 =	vld.idx.msk [tilespmem:v8+s10+$0x0], $0xffff;
	v4 =	vor.u32 v5, v4;
	_ =	sdelay $0x4  }
0xb4: {  	[tilespmem:v4+s14+$0x0] =	vst.idx.msk $0xffff, v6  }
0xb5: {  	v4 =	vld [tilespmem:$0x30];
	_ =	sdelay $0x1  }
0xb6: {  	v6 =	vld [tilespmem:$0x1FFA0];
	_ =	sdelay $0x2  }
0xb7: {  	v4 =	vshll.u32 v4, $0x5  }
0xb8: {  	v4 =	vand.u32 $0x60, v4  }
0xb9: {  	s31 =	simm.s32 $0x0;
	v4 =	vor.u32 v6, v4  }
0xba: {  	v6 =	vor.u32 s31, v4  }
0xbb: {  	v8 =	vmov s31  }
0xbc: {  	v10 =	vshll.u32 v8, $0xA;
	v8 =	vshll.u32 v8, $0x7  }
0xbd: {  	v10 =	vand.u32 $0x6000, v10;
	v8 =	vand.u32 $0x380, v8  }
0xbe: {  	v8 =	vor.u32 v10, v8  }
0xbf: {  	s25 =	simm.s32 $0x1;
	v10 =	vor.u32 v7, v8;
	v6 =	vld.idx.msk [tilespmem:v6+s10+$0x0], $0xffff  }
0xc0: {  	s26 =	simm.s32 $0x2;
	v8 =	vor.u32 s25, v4  }
.LBB2_8:
0xc1: {  	p0 =	sne.s32 s26, $0x1F  }
0xc2: {  	v12 =	vmov s25;
	s25 =	smov.u32 s26  }
.Ltmp3:
0xc3: {  	v14 =	vshll.u32 v12, $0xA;
	v12 =	vshll.u32 v12, $0x7;
	(pc) =	sbr.rel @p0 .LBB2_8-.Ltmp3, $4  }
0xc4: {  	v14 =	vand.u32 $0x6000, v14;
	v12 =	vand.u32 $0x380, v12;
	[tilespmem:v10+s14+$0x0] =	vst.idx.msk $0xffff, v6  }
0xc5: {  	v6 =	vld.idx.msk [tilespmem:v8+s10+$0x0], $0xffff;
	v8 =	vor.u32 v14, v12  }
0xc6: {  	v10 =	vor.u32 v7, v8  }
0xc7: {  	s26 =	sadd.s32 $0x1, s26;
	v8 =	vor.u32 s25, v4  }
0xc8: {  	_ = 	snop  }
0xc9: {  	v4 =	vmov s25  }
0xca: {  	v12 =	vshll.u32 v4, $0xA;
	v4 =	vshll.u32 v4, $0x7  }
0xcb: {  	v12 =	vand.u32 $0x6000, v12;
	v4 =	vand.u32 $0x380, v4  }
0xcc: {  	[tilespmem:v10+s14+$0x0] =	vst.idx.msk $0xffff, v6;
	v4 =	vor.u32 v12, v4  }
0xcd: {  	v6 =	vld.idx.msk [tilespmem:v8+s10+$0x0], $0xffff;
	v4 =	vor.u32 v7, v4;
	_ =	sdelay $0x4  }
0xce: {  	[tilespmem:v4+s14+$0x0] =	vst.idx.msk $0xffff, v6  }
0xcf: {  	v4 =	vld [tilespmem:$0x40];
	_ =	sdelay $0x1  }
0xd0: {  	v6 =	vld [tilespmem:$0x1FFB0];
	_ =	sdelay $0x2  }
0xd1: {  	v4 =	vshll.u32 v4, $0x5  }
0xd2: {  	v4 =	vand.u32 $0x60, v4  }
0xd3: {  	s31 =	simm.s32 $0x0;
	v4 =	vor.u32 v6, v4  }
0xd4: {  	v6 =	vor.u32 s31, v4  }
0xd5: {  	v8 =	vmov s31  }
0xd6: {  	v10 =	vshll.u32 v8, $0xA;
	v8 =	vshll.u32 v8, $0x7  }
0xd7: {  	v10 =	vand.u32 $0x6000, v10;
	v8 =	vand.u32 $0x380, v8  }
0xd8: {  	v8 =	vor.u32 v10, v8  }
0xd9: {  	s25 =	simm.s32 $0x1;
	v10 =	vor.u32 v9, v8;
	v6 =	vld.idx.msk [tilespmem:v6+s10+$0x0], $0xffff  }
0xda: {  	s26 =	simm.s32 $0x2;
	v8 =	vor.u32 s25, v4  }
.LBB2_10:
0xdb: {  	p0 =	sne.s32 s26, $0x1F  }
0xdc: {  	v12 =	vmov s25;
	s25 =	smov.u32 s26  }
.Ltmp4:
0xdd: {  	v14 =	vshll.u32 v12, $0xA;
	v12 =	vshll.u32 v12, $0x7;
	(pc) =	sbr.rel @p0 .LBB2_10-.Ltmp4, $4  }
0xde: {  	v14 =	vand.u32 $0x6000, v14;
	v12 =	vand.u32 $0x380, v12;
	[tilespmem:v10+s14+$0x0] =	vst.idx.msk $0xffff, v6  }
0xdf: {  	v6 =	vld.idx.msk [tilespmem:v8+s10+$0x0], $0xffff;
	v8 =	vor.u32 v14, v12  }
0xe0: {  	v10 =	vor.u32 v9, v8  }
0xe1: {  	s26 =	sadd.s32 $0x1, s26;
	v8 =	vor.u32 s25, v4  }
0xe2: {  	_ = 	snop  }
0xe3: {  	v4 =	vmov s25  }
0xe4: {  	v12 =	vshll.u32 v4, $0xA;
	v4 =	vshll.u32 v4, $0x7  }
0xe5: {  	v12 =	vand.u32 $0x6000, v12;
	v4 =	vand.u32 $0x380, v4  }
0xe6: {  	[tilespmem:v10+s14+$0x0] =	vst.idx.msk $0xffff, v6;
	v4 =	vor.u32 v12, v4  }
0xe7: {  	v6 =	vld.idx.msk [tilespmem:v8+s10+$0x0], $0xffff;
	v4 =	vor.u32 v9, v4;
	_ =	sdelay $0x4  }
0xe8: {  	[tilespmem:v4+s14+$0x0] =	vst.idx.msk $0xffff, v6  }
0xe9: {  	v4 =	vld [tilespmem:$0x50];
	_ =	sdelay $0x1  }
0xea: {  	v6 =	vld [tilespmem:$0x1FFC0];
	_ =	sdelay $0x2  }
0xeb: {  	v4 =	vshll.u32 v4, $0x5  }
0xec: {  	v4 =	vand.u32 $0x60, v4  }
0xed: {  	s31 =	simm.s32 $0x0;
	v4 =	vor.u32 v6, v4  }
0xee: {  	v6 =	vor.u32 s31, v4  }
0xef: {  	v8 =	vmov s31  }
0xf0: {  	v10 =	vshll.u32 v8, $0xA;
	v8 =	vshll.u32 v8, $0x7  }
0xf1: {  	v10 =	vand.u32 $0x6000, v10;
	v8 =	vand.u32 $0x380, v8  }
0xf2: {  	v8 =	vor.u32 v10, v8  }
0xf3: {  	s25 =	simm.s32 $0x1;
	v10 =	vor.u32 v11, v8;
	v6 =	vld.idx.msk [tilespmem:v6+s10+$0x0], $0xffff  }
0xf4: {  	s26 =	simm.s32 $0x2;
	v8 =	vor.u32 s25, v4  }
.LBB2_12:
0xf5: {  	p0 =	sne.s32 s26, $0x1F  }
0xf6: {  	v12 =	vmov s25;
	s25 =	smov.u32 s26  }
.Ltmp5:
0xf7: {  	v14 =	vshll.u32 v12, $0xA;
	v12 =	vshll.u32 v12, $0x7;
	(pc) =	sbr.rel @p0 .LBB2_12-.Ltmp5, $4  }
0xf8: {  	v14 =	vand.u32 $0x6000, v14;
	v12 =	vand.u32 $0x380, v12;
	[tilespmem:v10+s14+$0x0] =	vst.idx.msk $0xffff, v6  }
0xf9: {  	v6 =	vld.idx.msk [tilespmem:v8+s10+$0x0], $0xffff;
	v8 =	vor.u32 v14, v12  }
0xfa: {  	v10 =	vor.u32 v11, v8  }
0xfb: {  	s26 =	sadd.s32 $0x1, s26;
	v8 =	vor.u32 s25, v4  }
0xfc: {  	_ = 	snop  }
0xfd: {  	v4 =	vmov s25  }
0xfe: {  	v12 =	vshll.u32 v4, $0xA;
	v4 =	vshll.u32 v4, $0x7  }
0xff: {  	v12 =	vand.u32 $0x6000, v12;
	v4 =	vand.u32 $0x380, v4  }
0x100: {  	[tilespmem:v10+s14+$0x0] =	vst.idx.msk $0xffff, v6;
	v4 =	vor.u32 v12, v4  }
0x101: {  	v6 =	vld.idx.msk [tilespmem:v8+s10+$0x0], $0xffff;
	v4 =	vor.u32 v11, v4;
	_ =	sdelay $0x4  }
0x102: {  	[tilespmem:v4+s14+$0x0] =	vst.idx.msk $0xffff, v6  }
0x103: {  	v4 =	vld [tilespmem:$0x60];
	_ =	sdelay $0x1  }
0x104: {  	v6 =	vld [tilespmem:$0x1FFD0];
	_ =	sdelay $0x2  }
0x105: {  	v4 =	vshll.u32 v4, $0x5  }
0x106: {  	v4 =	vand.u32 $0x60, v4  }
0x107: {  	s31 =	simm.s32 $0x0;
	v4 =	vor.u32 v6, v4  }
0x108: {  	v6 =	vor.u32 s31, v4  }
0x109: {  	v8 =	vmov s31  }
0x10a: {  	v10 =	vshll.u32 v8, $0xA;
	v8 =	vshll.u32 v8, $0x7  }
0x10b: {  	v10 =	vand.u32 $0x6000, v10;
	v8 =	vand.u32 $0x380, v8  }
0x10c: {  	v8 =	vor.u32 v10, v8  }
0x10d: {  	s25 =	simm.s32 $0x1;
	v10 =	vor.u32 v13, v8;
	v6 =	vld.idx.msk [tilespmem:v6+s10+$0x0], $0xffff  }
0x10e: {  	s26 =	simm.s32 $0x2;
	v8 =	vor.u32 s25, v4  }
.LBB2_14:
0x10f: {  	p0 =	sne.s32 s26, $0x1F  }
0x110: {  	v12 =	vmov s25;
	s25 =	smov.u32 s26  }
.Ltmp6:
0x111: {  	v14 =	vshll.u32 v12, $0xA;
	v12 =	vshll.u32 v12, $0x7;
	(pc) =	sbr.rel @p0 .LBB2_14-.Ltmp6, $4  }
0x112: {  	v14 =	vand.u32 $0x6000, v14;
	v12 =	vand.u32 $0x380, v12;
	[tilespmem:v10+s14+$0x0] =	vst.idx.msk $0xffff, v6  }
0x113: {  	v6 =	vld.idx.msk [tilespmem:v8+s10+$0x0], $0xffff;
	v8 =	vor.u32 v14, v12  }
0x114: {  	v10 =	vor.u32 v13, v8  }
0x115: {  	s26 =	sadd.s32 $0x1, s26;
	v8 =	vor.u32 s25, v4  }
0x116: {  	_ = 	snop  }
0x117: {  	v4 =	vmov s25  }
0x118: {  	v12 =	vshll.u32 v4, $0xA;
	v4 =	vshll.u32 v4, $0x7  }
0x119: {  	v12 =	vand.u32 $0x6000, v12;
	v4 =	vand.u32 $0x380, v4  }
0x11a: {  	[tilespmem:v10+s14+$0x0] =	vst.idx.msk $0xffff, v6;
	v4 =	vor.u32 v12, v4  }
0x11b: {  	v6 =	vld.idx.msk [tilespmem:v8+s10+$0x0], $0xffff;
	v4 =	vor.u32 v13, v4;
	_ =	sdelay $0x4  }
0x11c: {  	[tilespmem:v4+s14+$0x0] =	vst.idx.msk $0xffff, v6  }
0x11d: {  	v4 =	vld [tilespmem:$0x70];
	_ =	sdelay $0x1  }
0x11e: {  	v6 =	vld [tilespmem:$0x1FFE0];
	_ =	sdelay $0x2  }
0x11f: {  	v4 =	vshll.u32 v4, $0x5  }
0x120: {  	v4 =	vand.u32 $0x60, v4  }
0x121: {  	s31 =	simm.s32 $0x0;
	v4 =	vor.u32 v6, v4  }
0x122: {  	v6 =	vor.u32 s31, v4  }
0x123: {  	v8 =	vmov s31  }
0x124: {  	v10 =	vshll.u32 v8, $0xA;
	v8 =	vshll.u32 v8, $0x7  }
0x125: {  	v10 =	vand.u32 $0x6000, v10;
	v8 =	vand.u32 $0x380, v8  }
0x126: {  	v8 =	vor.u32 v10, v8  }
0x127: {  	s25 =	simm.s32 $0x1;
	v10 =	vor.u32 v15, v8;
	v6 =	vld.idx.msk [tilespmem:v6+s10+$0x0], $0xffff  }
0x128: {  	s26 =	simm.s32 $0x2;
	v8 =	vor.u32 s25, v4  }
.LBB2_16:
0x129: {  	p0 =	sne.s32 s26, $0x1F  }
0x12a: {  	v12 =	vmov s25;
	s25 =	smov.u32 s26  }
.Ltmp7:
0x12b: {  	v14 =	vshll.u32 v12, $0xA;
	v12 =	vshll.u32 v12, $0x7;
	(pc) =	sbr.rel @p0 .LBB2_16-.Ltmp7, $4  }
0x12c: {  	v14 =	vand.u32 $0x6000, v14;
	v12 =	vand.u32 $0x380, v12;
	[tilespmem:v10+s14+$0x0] =	vst.idx.msk $0xffff, v6  }
0x12d: {  	v6 =	vld.idx.msk [tilespmem:v8+s10+$0x0], $0xffff;
	v8 =	vor.u32 v14, v12  }
0x12e: {  	v10 =	vor.u32 v15, v8  }
0x12f: {  	s26 =	sadd.s32 $0x1, s26;
	v8 =	vor.u32 s25, v4  }
0x130: {  	_ = 	snop  }
0x131: {  	v4 =	vmov s25  }
0x132: {  	v12 =	vshll.u32 v4, $0xA;
	v4 =	vshll.u32 v4, $0x7  }
0x133: {  	v12 =	vand.u32 $0x6000, v12;
	v4 =	vand.u32 $0x380, v4  }
0x134: {  	[tilespmem:v10+s14+$0x0] =	vst.idx.msk $0xffff, v6;
	v4 =	vor.u32 v12, v4  }
0x135: {  	v6 =	vld.idx.msk [tilespmem:v8+s10+$0x0], $0xffff;
	v4 =	vor.u32 v15, v4;
	_ =	sdelay $0x4  }
0x136: {  	[tilespmem:v4+s14+$0x0] =	vst.idx.msk $0xffff, v6  }
0x137: {  	[tilespmem:s10], [sflag:$0x1] =	stream.indirect.gather [hbm4b:s3+s8], $0x80, s15, s8, $0xb8;
	[tilespmem:$0x10800] =	vst v63  }
0x138: {  	_ =	swait.ge [sflag:s16], $0x4000  }
0x139: {  	[sflag:s16] =	ssyncset.done $0x0  }
0x13a: {  	[sflag:s16] =	ssyncadd.s32 $0xFFFFC000  }
0x13b: {  	v4 =	vld [tilespmem:$0x80];
	_ =	sdelay $0x4  }
0x13c: {  	v4 =	vshll.u32 v4, $0x5  }
0x13d: {  	v4 =	vand.u32 $0x60, v4  }
0x13e: {  	s31 =	simm.s32 $0x0;
	v4 =	vor.u32 v1, v4  }
0x13f: {  	v6 =	vor.u32 s31, v4  }
0x140: {  	v8 =	vmov s31  }
0x141: {  	v10 =	vshll.u32 v8, $0xA;
	v8 =	vshll.u32 v8, $0x7  }
0x142: {  	v10 =	vand.u32 $0x6000, v10;
	v8 =	vand.u32 $0x380, v8  }
0x143: {  	v8 =	vor.u32 v8, v10  }
0x144: {  	s25 =	simm.s32 $0x1;
	v10 =	vor.u32 v16, v8;
	v6 =	vld.idx.msk [tilespmem:v6+s12+$0x0], $0xffff  }
0x145: {  	s26 =	simm.s32 $0x2;
	v8 =	vor.u32 s25, v4  }
.LBB2_18:
0x146: {  	p0 =	sne.s32 s26, $0x1F  }
0x147: {  	v12 =	vmov s25;
	s25 =	smov.u32 s26  }
.Ltmp8:
0x148: {  	v14 =	vshll.u32 v12, $0xA;
	v12 =	vshll.u32 v12, $0x7;
	(pc) =	sbr.rel @p0 .LBB2_18-.Ltmp8, $4  }
0x149: {  	v14 =	vand.u32 $0x6000, v14;
	v12 =	vand.u32 $0x380, v12;
	[tilespmem:v10+s14+$0x0] =	vst.idx.msk $0xffff, v6  }
0x14a: {  	v6 =	vld.idx.msk [tilespmem:v8+s12+$0x0], $0xffff;
	v8 =	vor.u32 v12, v14  }
0x14b: {  	v10 =	vor.u32 v16, v8  }
0x14c: {  	s26 =	sadd.s32 $0x1, s26;
	v8 =	vor.u32 s25, v4  }
0x14d: {  	_ = 	snop  }
0x14e: {  	v4 =	vmov s25  }
0x14f: {  	v12 =	vshll.u32 v4, $0xA;
	v4 =	vshll.u32 v4, $0x7  }
0x150: {  	v12 =	vand.u32 $0x6000, v12;
	v4 =	vand.u32 $0x380, v4  }
0x151: {  	[tilespmem:v10+s14+$0x0] =	vst.idx.msk $0xffff, v6;
	v4 =	vor.u32 v4, v12  }
0x152: {  	v6 =	vld.idx.msk [tilespmem:v8+s12+$0x0], $0xffff;
	v4 =	vor.u32 v16, v4;
	_ =	sdelay $0x4  }
0x153: {  	[tilespmem:v4+s14+$0x0] =	vst.idx.msk $0xffff, v6  }
0x154: {  	v4 =	vld [tilespmem:$0x90];
	_ =	sdelay $0x1  }
0x155: {  	v6 =	vld [tilespmem:$0x1FF80];
	_ =	sdelay $0x2  }
0x156: {  	v4 =	vshll.u32 v4, $0x5  }
0x157: {  	v4 =	vand.u32 $0x60, v4  }
0x158: {  	s31 =	simm.s32 $0x0;
	v4 =	vor.u32 v6, v4  }
0x159: {  	v6 =	vor.u32 s31, v4  }
0x15a: {  	v8 =	vmov s31  }
0x15b: {  	v10 =	vshll.u32 v8, $0xA;
	v8 =	vshll.u32 v8, $0x7  }
0x15c: {  	v10 =	vand.u32 $0x6000, v10;
	v8 =	vand.u32 $0x380, v8  }
0x15d: {  	v8 =	vor.u32 v8, v10  }
0x15e: {  	s25 =	simm.s32 $0x1;
	v10 =	vor.u32 v17, v8;
	v6 =	vld.idx.msk [tilespmem:v6+s12+$0x0], $0xffff  }
0x15f: {  	s26 =	simm.s32 $0x2;
	v8 =	vor.u32 s25, v4  }
.LBB2_20:
0x160: {  	p0 =	sne.s32 s26, $0x1F  }
0x161: {  	v12 =	vmov s25;
	s25 =	smov.u32 s26  }
.Ltmp9:
0x162: {  	v14 =	vshll.u32 v12, $0xA;
	v12 =	vshll.u32 v12, $0x7;
	(pc) =	sbr.rel @p0 .LBB2_20-.Ltmp9, $4  }
0x163: {  	v14 =	vand.u32 $0x6000, v14;
	v12 =	vand.u32 $0x380, v12;
	[tilespmem:v10+s14+$0x0] =	vst.idx.msk $0xffff, v6  }
0x164: {  	v6 =	vld.idx.msk [tilespmem:v8+s12+$0x0], $0xffff;
	v8 =	vor.u32 v12, v14  }
0x165: {  	v10 =	vor.u32 v17, v8  }
0x166: {  	s26 =	sadd.s32 $0x1, s26;
	v8 =	vor.u32 s25, v4  }
0x167: {  	_ = 	snop  }
0x168: {  	v4 =	vmov s25  }
0x169: {  	v12 =	vshll.u32 v4, $0xA;
	v4 =	vshll.u32 v4, $0x7  }
0x16a: {  	v12 =	vand.u32 $0x6000, v12;
	v4 =	vand.u32 $0x380, v4  }
0x16b: {  	[tilespmem:v10+s14+$0x0] =	vst.idx.msk $0xffff, v6;
	v4 =	vor.u32 v4, v12  }
0x16c: {  	v6 =	vld.idx.msk [tilespmem:v8+s12+$0x0], $0xffff;
	v4 =	vor.u32 v17, v4;
	_ =	sdelay $0x4  }
0x16d: {  	[tilespmem:v4+s14+$0x0] =	vst.idx.msk $0xffff, v6  }
0x16e: {  	v4 =	vld [tilespmem:$0xA0];
	_ =	sdelay $0x1  }
0x16f: {  	v6 =	vld [tilespmem:$0x1FF90];
	_ =	sdelay $0x2  }
0x170: {  	v4 =	vshll.u32 v4, $0x5  }
0x171: {  	v4 =	vand.u32 $0x60, v4  }
0x172: {  	s31 =	simm.s32 $0x0;
	v4 =	vor.u32 v6, v4  }
0x173: {  	v6 =	vor.u32 s31, v4  }
0x174: {  	v8 =	vmov s31  }
0x175: {  	v10 =	vshll.u32 v8, $0xA;
	v8 =	vshll.u32 v8, $0x7  }
0x176: {  	v10 =	vand.u32 $0x6000, v10;
	v8 =	vand.u32 $0x380, v8  }
0x177: {  	v8 =	vor.u32 v8, v10  }
0x178: {  	s25 =	simm.s32 $0x1;
	v10 =	vor.u32 v18, v8;
	v6 =	vld.idx.msk [tilespmem:v6+s12+$0x0], $0xffff  }
0x179: {  	s26 =	simm.s32 $0x2;
	v8 =	vor.u32 s25, v4  }
.LBB2_22:
0x17a: {  	p0 =	sne.s32 s26, $0x1F  }
0x17b: {  	v12 =	vmov s25;
	s25 =	smov.u32 s26  }
.Ltmp10:
0x17c: {  	v14 =	vshll.u32 v12, $0xA;
	v12 =	vshll.u32 v12, $0x7;
	(pc) =	sbr.rel @p0 .LBB2_22-.Ltmp10, $4  }
0x17d: {  	v14 =	vand.u32 $0x6000, v14;
	v12 =	vand.u32 $0x380, v12;
	[tilespmem:v10+s14+$0x0] =	vst.idx.msk $0xffff, v6  }
0x17e: {  	v6 =	vld.idx.msk [tilespmem:v8+s12+$0x0], $0xffff;
	v8 =	vor.u32 v12, v14  }
0x17f: {  	v10 =	vor.u32 v18, v8  }
0x180: {  	s26 =	sadd.s32 $0x1, s26;
	v8 =	vor.u32 s25, v4  }
0x181: {  	_ = 	snop  }
0x182: {  	v4 =	vmov s25  }
0x183: {  	v12 =	vshll.u32 v4, $0xA;
	v4 =	vshll.u32 v4, $0x7  }
0x184: {  	v12 =	vand.u32 $0x6000, v12;
	v4 =	vand.u32 $0x380, v4  }
0x185: {  	[tilespmem:v10+s14+$0x0] =	vst.idx.msk $0xffff, v6;
	v4 =	vor.u32 v4, v12  }
0x186: {  	v6 =	vld.idx.msk [tilespmem:v8+s12+$0x0], $0xffff;
	v4 =	vor.u32 v18, v4;
	_ =	sdelay $0x4  }
0x187: {  	[tilespmem:v4+s14+$0x0] =	vst.idx.msk $0xffff, v6  }
0x188: {  	v4 =	vld [tilespmem:$0xB0];
	_ =	sdelay $0x1  }
0x189: {  	v6 =	vld [tilespmem:$0x1FFA0];
	_ =	sdelay $0x2  }
0x18a: {  	v4 =	vshll.u32 v4, $0x5  }
0x18b: {  	v4 =	vand.u32 $0x60, v4  }
0x18c: {  	s31 =	simm.s32 $0x0;
	v4 =	vor.u32 v6, v4  }
0x18d: {  	v6 =	vor.u32 s31, v4  }
0x18e: {  	v8 =	vmov s31  }
0x18f: {  	v10 =	vshll.u32 v8, $0xA;
	v8 =	vshll.u32 v8, $0x7  }
0x190: {  	v10 =	vand.u32 $0x6000, v10;
	v8 =	vand.u32 $0x380, v8  }
0x191: {  	v8 =	vor.u32 v8, v10  }
0x192: {  	s25 =	simm.s32 $0x1;
	v10 =	vor.u32 v19, v8;
	v6 =	vld.idx.msk [tilespmem:v6+s12+$0x0], $0xffff  }
0x193: {  	s26 =	simm.s32 $0x2;
	v8 =	vor.u32 s25, v4  }
.LBB2_24:
0x194: {  	p0 =	sne.s32 s26, $0x1F  }
0x195: {  	v12 =	vmov s25;
	s25 =	smov.u32 s26  }
.Ltmp11:
0x196: {  	v14 =	vshll.u32 v12, $0xA;
	v12 =	vshll.u32 v12, $0x7;
	(pc) =	sbr.rel @p0 .LBB2_24-.Ltmp11, $4  }
0x197: {  	v14 =	vand.u32 $0x6000, v14;
	v12 =	vand.u32 $0x380, v12;
	[tilespmem:v10+s14+$0x0] =	vst.idx.msk $0xffff, v6  }
0x198: {  	v6 =	vld.idx.msk [tilespmem:v8+s12+$0x0], $0xffff;
	v8 =	vor.u32 v12, v14  }
0x199: {  	v10 =	vor.u32 v19, v8  }
0x19a: {  	s26 =	sadd.s32 $0x1, s26;
	v8 =	vor.u32 s25, v4  }
0x19b: {  	_ = 	snop  }
0x19c: {  	v4 =	vmov s25  }
0x19d: {  	v12 =	vshll.u32 v4, $0xA;
	v4 =	vshll.u32 v4, $0x7  }
0x19e: {  	v12 =	vand.u32 $0x6000, v12;
	v4 =	vand.u32 $0x380, v4  }
0x19f: {  	[tilespmem:v10+s14+$0x0] =	vst.idx.msk $0xffff, v6;
	v4 =	vor.u32 v4, v12  }
0x1a0: {  	v6 =	vld.idx.msk [tilespmem:v8+s12+$0x0], $0xffff;
	v4 =	vor.u32 v19, v4;
	_ =	sdelay $0x4  }
0x1a1: {  	[tilespmem:v4+s14+$0x0] =	vst.idx.msk $0xffff, v6  }
0x1a2: {  	v4 =	vld [tilespmem:$0xC0];
	_ =	sdelay $0x1  }
0x1a3: {  	v6 =	vld [tilespmem:$0x1FFB0];
	_ =	sdelay $0x2  }
0x1a4: {  	v4 =	vshll.u32 v4, $0x5  }
0x1a5: {  	v4 =	vand.u32 $0x60, v4  }
0x1a6: {  	s31 =	simm.s32 $0x0;
	v4 =	vor.u32 v6, v4  }
0x1a7: {  	v6 =	vor.u32 s31, v4  }
0x1a8: {  	v8 =	vmov s31  }
0x1a9: {  	v10 =	vshll.u32 v8, $0xA;
	v8 =	vshll.u32 v8, $0x7  }
0x1aa: {  	v10 =	vand.u32 $0x6000, v10;
	v8 =	vand.u32 $0x380, v8  }
0x1ab: {  	v8 =	vor.u32 v8, v10  }
0x1ac: {  	s25 =	simm.s32 $0x1;
	v10 =	vor.u32 v20, v8;
	v6 =	vld.idx.msk [tilespmem:v6+s12+$0x0], $0xffff  }
0x1ad: {  	s26 =	simm.s32 $0x2;
	v8 =	vor.u32 s25, v4  }
.LBB2_26:
0x1ae: {  	p0 =	sne.s32 s26, $0x1F  }
0x1af: {  	v12 =	vmov s25;
	s25 =	smov.u32 s26  }
.Ltmp12:
0x1b0: {  	v14 =	vshll.u32 v12, $0xA;
	v12 =	vshll.u32 v12, $0x7;
	(pc) =	sbr.rel @p0 .LBB2_26-.Ltmp12, $4  }
0x1b1: {  	v14 =	vand.u32 $0x6000, v14;
	v12 =	vand.u32 $0x380, v12;
	[tilespmem:v10+s14+$0x0] =	vst.idx.msk $0xffff, v6  }
0x1b2: {  	v6 =	vld.idx.msk [tilespmem:v8+s12+$0x0], $0xffff;
	v8 =	vor.u32 v12, v14  }
0x1b3: {  	v10 =	vor.u32 v20, v8  }
0x1b4: {  	s26 =	sadd.s32 $0x1, s26;
	v8 =	vor.u32 s25, v4  }
0x1b5: {  	_ = 	snop  }
0x1b6: {  	v4 =	vmov s25  }
0x1b7: {  	v12 =	vshll.u32 v4, $0xA;
	v4 =	vshll.u32 v4, $0x7  }
0x1b8: {  	v12 =	vand.u32 $0x6000, v12;
	v4 =	vand.u32 $0x380, v4  }
0x1b9: {  	[tilespmem:v10+s14+$0x0] =	vst.idx.msk $0xffff, v6;
	v4 =	vor.u32 v4, v12  }
0x1ba: {  	v6 =	vld.idx.msk [tilespmem:v8+s12+$0x0], $0xffff;
	v4 =	vor.u32 v20, v4;
	_ =	sdelay $0x4  }
0x1bb: {  	[tilespmem:v4+s14+$0x0] =	vst.idx.msk $0xffff, v6  }
0x1bc: {  	v4 =	vld [tilespmem:$0xD0];
	_ =	sdelay $0x1  }
0x1bd: {  	v6 =	vld [tilespmem:$0x1FFC0];
	_ =	sdelay $0x2  }
0x1be: {  	v4 =	vshll.u32 v4, $0x5  }
0x1bf: {  	v4 =	vand.u32 $0x60, v4  }
0x1c0: {  	s31 =	simm.s32 $0x0;
	v4 =	vor.u32 v6, v4  }
0x1c1: {  	v6 =	vor.u32 s31, v4  }
0x1c2: {  	v8 =	vmov s31  }
0x1c3: {  	v10 =	vshll.u32 v8, $0xA;
	v8 =	vshll.u32 v8, $0x7  }
0x1c4: {  	v10 =	vand.u32 $0x6000, v10;
	v8 =	vand.u32 $0x380, v8  }
0x1c5: {  	v8 =	vor.u32 v8, v10  }
0x1c6: {  	s25 =	simm.s32 $0x1;
	v10 =	vor.u32 v21, v8;
	v6 =	vld.idx.msk [tilespmem:v6+s12+$0x0], $0xffff  }
0x1c7: {  	s26 =	simm.s32 $0x2;
	v8 =	vor.u32 s25, v4  }
.LBB2_28:
0x1c8: {  	p0 =	sne.s32 s26, $0x1F  }
0x1c9: {  	v12 =	vmov s25;
	s25 =	smov.u32 s26  }
.Ltmp13:
0x1ca: {  	v14 =	vshll.u32 v12, $0xA;
	v12 =	vshll.u32 v12, $0x7;
	(pc) =	sbr.rel @p0 .LBB2_28-.Ltmp13, $4  }
0x1cb: {  	v14 =	vand.u32 $0x6000, v14;
	v12 =	vand.u32 $0x380, v12;
	[tilespmem:v10+s14+$0x0] =	vst.idx.msk $0xffff, v6  }
0x1cc: {  	v6 =	vld.idx.msk [tilespmem:v8+s12+$0x0], $0xffff;
	v8 =	vor.u32 v12, v14  }
0x1cd: {  	v10 =	vor.u32 v21, v8  }
0x1ce: {  	s26 =	sadd.s32 $0x1, s26;
	v8 =	vor.u32 s25, v4  }
0x1cf: {  	_ = 	snop  }
0x1d0: {  	v4 =	vmov s25  }
0x1d1: {  	v12 =	vshll.u32 v4, $0xA;
	v4 =	vshll.u32 v4, $0x7  }
0x1d2: {  	v12 =	vand.u32 $0x6000, v12;
	v4 =	vand.u32 $0x380, v4  }
0x1d3: {  	[tilespmem:v10+s14+$0x0] =	vst.idx.msk $0xffff, v6;
	v4 =	vor.u32 v4, v12  }
0x1d4: {  	v6 =	vld.idx.msk [tilespmem:v8+s12+$0x0], $0xffff;
	v4 =	vor.u32 v21, v4;
	_ =	sdelay $0x4  }
0x1d5: {  	[tilespmem:v4+s14+$0x0] =	vst.idx.msk $0xffff, v6  }
0x1d6: {  	v4 =	vld [tilespmem:$0xE0];
	_ =	sdelay $0x1  }
0x1d7: {  	v6 =	vld [tilespmem:$0x1FFD0];
	_ =	sdelay $0x2  }
0x1d8: {  	v4 =	vshll.u32 v4, $0x5  }
0x1d9: {  	v4 =	vand.u32 $0x60, v4  }
0x1da: {  	s31 =	simm.s32 $0x0;
	v4 =	vor.u32 v6, v4  }
0x1db: {  	v6 =	vor.u32 s31, v4  }
0x1dc: {  	v8 =	vmov s31  }
0x1dd: {  	v10 =	vshll.u32 v8, $0xA;
	v8 =	vshll.u32 v8, $0x7  }
0x1de: {  	v10 =	vand.u32 $0x6000, v10;
	v8 =	vand.u32 $0x380, v8  }
0x1df: {  	v8 =	vor.u32 v8, v10  }
0x1e0: {  	s25 =	simm.s32 $0x1;
	v10 =	vor.u32 v22, v8;
	v6 =	vld.idx.msk [tilespmem:v6+s12+$0x0], $0xffff  }
0x1e1: {  	s26 =	simm.s32 $0x2;
	v8 =	vor.u32 s25, v4  }
.LBB2_30:
0x1e2: {  	p0 =	sne.s32 s26, $0x1F  }
0x1e3: {  	v12 =	vmov s25;
	s25 =	smov.u32 s26  }
.Ltmp14:
0x1e4: {  	v14 =	vshll.u32 v12, $0xA;
	v12 =	vshll.u32 v12, $0x7;
	(pc) =	sbr.rel @p0 .LBB2_30-.Ltmp14, $4  }
0x1e5: {  	v14 =	vand.u32 $0x6000, v14;
	v12 =	vand.u32 $0x380, v12;
	[tilespmem:v10+s14+$0x0] =	vst.idx.msk $0xffff, v6  }
0x1e6: {  	v6 =	vld.idx.msk [tilespmem:v8+s12+$0x0], $0xffff;
	v8 =	vor.u32 v12, v14  }
0x1e7: {  	v10 =	vor.u32 v22, v8  }
0x1e8: {  	s26 =	sadd.s32 $0x1, s26;
	v8 =	vor.u32 s25, v4  }
0x1e9: {  	_ = 	snop  }
0x1ea: {  	v4 =	vmov s25  }
0x1eb: {  	v12 =	vshll.u32 v4, $0xA;
	v4 =	vshll.u32 v4, $0x7  }
0x1ec: {  	v12 =	vand.u32 $0x6000, v12;
	v4 =	vand.u32 $0x380, v4  }
0x1ed: {  	[tilespmem:v10+s14+$0x0] =	vst.idx.msk $0xffff, v6;
	v4 =	vor.u32 v4, v12  }
0x1ee: {  	v6 =	vld.idx.msk [tilespmem:v8+s12+$0x0], $0xffff;
	v4 =	vor.u32 v22, v4;
	_ =	sdelay $0x4  }
0x1ef: {  	[tilespmem:v4+s14+$0x0] =	vst.idx.msk $0xffff, v6  }
0x1f0: {  	v4 =	vld [tilespmem:$0xF0];
	_ =	sdelay $0x1  }
0x1f1: {  	v6 =	vld [tilespmem:$0x1FFE0];
	_ =	sdelay $0x2  }
0x1f2: {  	v4 =	vshll.u32 v4, $0x5  }
0x1f3: {  	v4 =	vand.u32 $0x60, v4  }
0x1f4: {  	s31 =	simm.s32 $0x0;
	v4 =	vor.u32 v6, v4  }
0x1f5: {  	v6 =	vor.u32 s31, v4  }
0x1f6: {  	v8 =	vmov s31  }
0x1f7: {  	v10 =	vshll.u32 v8, $0xA;
	v8 =	vshll.u32 v8, $0x7  }
0x1f8: {  	v10 =	vand.u32 $0x6000, v10;
	v8 =	vand.u32 $0x380, v8  }
0x1f9: {  	v8 =	vor.u32 v8, v10  }
0x1fa: {  	s25 =	simm.s32 $0x1;
	v10 =	vor.u32 v23, v8;
	v6 =	vld.idx.msk [tilespmem:v6+s12+$0x0], $0xffff  }
0x1fb: {  	s26 =	simm.s32 $0x2;
	v8 =	vor.u32 s25, v4  }
.LBB2_32:
0x1fc: {  	p0 =	sne.s32 s26, $0x1F  }
0x1fd: {  	v12 =	vmov s25;
	s25 =	smov.u32 s26  }
.Ltmp15:
0x1fe: {  	v14 =	vshll.u32 v12, $0xA;
	v12 =	vshll.u32 v12, $0x7;
	(pc) =	sbr.rel @p0 .LBB2_32-.Ltmp15, $4  }
0x1ff: {  	v14 =	vand.u32 $0x6000, v14;
	v12 =	vand.u32 $0x380, v12;
	[tilespmem:v10+s14+$0x0] =	vst.idx.msk $0xffff, v6  }
0x200: {  	v6 =	vld.idx.msk [tilespmem:v8+s12+$0x0], $0xffff;
	v8 =	vor.u32 v12, v14  }
0x201: {  	v10 =	vor.u32 v23, v8  }
0x202: {  	s26 =	sadd.s32 $0x1, s26;
	v8 =	vor.u32 s25, v4  }
0x203: {  	_ = 	snop  }
0x204: {  	v4 =	vmov s25  }
0x205: {  	v12 =	vshll.u32 v4, $0xA;
	v4 =	vshll.u32 v4, $0x7  }
0x206: {  	v12 =	vand.u32 $0x6000, v12;
	v4 =	vand.u32 $0x380, v4  }
0x207: {  	[tilespmem:v10+s14+$0x0] =	vst.idx.msk $0xffff, v6;
	v4 =	vor.u32 v4, v12  }
0x208: {  	v6 =	vld.idx.msk [tilespmem:v8+s12+$0x0], $0xffff;
	v4 =	vor.u32 v23, v4;
	_ =	sdelay $0x4  }
0x209: {  	[tilespmem:v4+s14+$0x0] =	vst.idx.msk $0xffff, v6  }
0x20a: {  	[tilespmem:s12], [sflag:$0x2] =	stream.indirect.gather [hbm4b:s3+s8], $0x80, s17, s8, $0xb8;
	[tilespmem:$0x10800] =	vst v63  }
0x20b: {  	_ =	swait.ge [sflag:s13], $0x4000  }
0x20c: {  	[sflag:s13] =	ssyncset.done $0x0  }
0x20d: {  	[sflag:s13] =	ssyncadd.s32 $0xFFFFC000  }
0x20e: {  	v4 =	vld [tilespmem:$0x100];
	_ =	sdelay $0x4  }
0x20f: {  	v4 =	vshll.u32 v4, $0x5  }
0x210: {  	v4 =	vand.u32 $0x60, v4  }
0x211: {  	s31 =	simm.s32 $0x0;
	v4 =	vor.u32 v1, v4  }
0x212: {  	v6 =	vor.u32 s31, v4  }
0x213: {  	v8 =	vmov s31  }
0x214: {  	v10 =	vshll.u32 v8, $0xA;
	v8 =	vshll.u32 v8, $0x7  }
0x215: {  	v10 =	vand.u32 $0x6000, v10;
	v8 =	vand.u32 $0x380, v8  }
0x216: {  	v8 =	vor.u32 v8, v10  }
0x217: {  	s25 =	simm.s32 $0x1;
	v10 =	vor.u32 v24, v8;
	v6 =	vld.idx.msk [tilespmem:v6+s10+$0x0], $0xffff  }
0x218: {  	s26 =	simm.s32 $0x2;
	v8 =	vor.u32 s25, v4  }
.LBB2_34:
0x219: {  	p0 =	sne.s32 s26, $0x1F  }
0x21a: {  	v12 =	vmov s25;
	s25 =	smov.u32 s26  }
.Ltmp16:
0x21b: {  	v14 =	vshll.u32 v12, $0xA;
	v12 =	vshll.u32 v12, $0x7;
	(pc) =	sbr.rel @p0 .LBB2_34-.Ltmp16, $4  }
0x21c: {  	v14 =	vand.u32 $0x6000, v14;
	v12 =	vand.u32 $0x380, v12;
	[tilespmem:v10+s14+$0x0] =	vst.idx.msk $0xffff, v6  }
0x21d: {  	v6 =	vld.idx.msk [tilespmem:v8+s10+$0x0], $0xffff;
	v8 =	vor.u32 v12, v14  }
0x21e: {  	v10 =	vor.u32 v24, v8  }
0x21f: {  	s26 =	sadd.s32 $0x1, s26;
	v8 =	vor.u32 s25, v4  }
0x220: {  	_ = 	snop  }
0x221: {  	v4 =	vmov s25  }
0x222: {  	v12 =	vshll.u32 v4, $0xA;
	v4 =	vshll.u32 v4, $0x7  }
0x223: {  	v12 =	vand.u32 $0x6000, v12;
	v4 =	vand.u32 $0x380, v4  }
0x224: {  	[tilespmem:v10+s14+$0x0] =	vst.idx.msk $0xffff, v6;
	v4 =	vor.u32 v4, v12  }
0x225: {  	v6 =	vld.idx.msk [tilespmem:v8+s10+$0x0], $0xffff;
	v4 =	vor.u32 v24, v4;
	_ =	sdelay $0x4  }
0x226: {  	[tilespmem:v4+s14+$0x0] =	vst.idx.msk $0xffff, v6  }
0x227: {  	v4 =	vld [tilespmem:$0x110];
	_ =	sdelay $0x1  }
0x228: {  	v6 =	vld [tilespmem:$0x1FF80];
	_ =	sdelay $0x2  }
0x229: {  	v4 =	vshll.u32 v4, $0x5  }
0x22a: {  	v4 =	vand.u32 $0x60, v4  }
0x22b: {  	s31 =	simm.s32 $0x0;
	v4 =	vor.u32 v6, v4  }
0x22c: {  	v6 =	vor.u32 s31, v4  }
0x22d: {  	v8 =	vmov s31  }
0x22e: {  	v10 =	vshll.u32 v8, $0xA;
	v8 =	vshll.u32 v8, $0x7  }
0x22f: {  	v10 =	vand.u32 $0x6000, v10;
	v8 =	vand.u32 $0x380, v8  }
0x230: {  	v8 =	vor.u32 v8, v10  }
0x231: {  	s25 =	simm.s32 $0x1;
	v10 =	vor.u32 v25, v8;
	v6 =	vld.idx.msk [tilespmem:v6+s10+$0x0], $0xffff  }
0x232: {  	s26 =	simm.s32 $0x2;
	v8 =	vor.u32 s25, v4  }
.LBB2_36:
0x233: {  	p0 =	sne.s32 s26, $0x1F  }
0x234: {  	v12 =	vmov s25;
	s25 =	smov.u32 s26  }
.Ltmp17:
0x235: {  	v14 =	vshll.u32 v12, $0xA;
	v12 =	vshll.u32 v12, $0x7;
	(pc) =	sbr.rel @p0 .LBB2_36-.Ltmp17, $4  }
0x236: {  	v14 =	vand.u32 $0x6000, v14;
	v12 =	vand.u32 $0x380, v12;
	[tilespmem:v10+s14+$0x0] =	vst.idx.msk $0xffff, v6  }
0x237: {  	v6 =	vld.idx.msk [tilespmem:v8+s10+$0x0], $0xffff;
	v8 =	vor.u32 v12, v14  }
0x238: {  	v10 =	vor.u32 v25, v8  }
0x239: {  	s26 =	sadd.s32 $0x1, s26;
	v8 =	vor.u32 s25, v4  }
0x23a: {  	_ = 	snop  }
0x23b: {  	v4 =	vmov s25  }
0x23c: {  	v12 =	vshll.u32 v4, $0xA;
	v4 =	vshll.u32 v4, $0x7  }
0x23d: {  	v12 =	vand.u32 $0x6000, v12;
	v4 =	vand.u32 $0x380, v4  }
0x23e: {  	[tilespmem:v10+s14+$0x0] =	vst.idx.msk $0xffff, v6;
	v4 =	vor.u32 v4, v12  }
0x23f: {  	v6 =	vld.idx.msk [tilespmem:v8+s10+$0x0], $0xffff;
	v4 =	vor.u32 v25, v4;
	_ =	sdelay $0x4  }
0x240: {  	[tilespmem:v4+s14+$0x0] =	vst.idx.msk $0xffff, v6  }
0x241: {  	v4 =	vld [tilespmem:$0x120];
	_ =	sdelay $0x1  }
0x242: {  	v6 =	vld [tilespmem:$0x1FF90];
	_ =	sdelay $0x2  }
0x243: {  	v4 =	vshll.u32 v4, $0x5  }
0x244: {  	v4 =	vand.u32 $0x60, v4  }
0x245: {  	s31 =	simm.s32 $0x0;
	v4 =	vor.u32 v6, v4  }
0x246: {  	v6 =	vor.u32 s31, v4  }
0x247: {  	v8 =	vmov s31  }
0x248: {  	v10 =	vshll.u32 v8, $0xA;
	v8 =	vshll.u32 v8, $0x7  }
0x249: {  	v10 =	vand.u32 $0x6000, v10;
	v8 =	vand.u32 $0x380, v8  }
0x24a: {  	v8 =	vor.u32 v8, v10  }
0x24b: {  	s25 =	simm.s32 $0x1;
	v10 =	vor.u32 v26, v8;
	v6 =	vld.idx.msk [tilespmem:v6+s10+$0x0], $0xffff  }
0x24c: {  	s26 =	simm.s32 $0x2;
	v8 =	vor.u32 s25, v4  }
.LBB2_38:
0x24d: {  	p0 =	sne.s32 s26, $0x1F  }
0x24e: {  	v12 =	vmov s25;
	s25 =	smov.u32 s26  }
.Ltmp18:
0x24f: {  	v14 =	vshll.u32 v12, $0xA;
	v12 =	vshll.u32 v12, $0x7;
	(pc) =	sbr.rel @p0 .LBB2_38-.Ltmp18, $4  }
0x250: {  	v14 =	vand.u32 $0x6000, v14;
	v12 =	vand.u32 $0x380, v12;
	[tilespmem:v10+s14+$0x0] =	vst.idx.msk $0xffff, v6  }
0x251: {  	v6 =	vld.idx.msk [tilespmem:v8+s10+$0x0], $0xffff;
	v8 =	vor.u32 v12, v14  }
0x252: {  	v10 =	vor.u32 v26, v8  }
0x253: {  	s26 =	sadd.s32 $0x1, s26;
	v8 =	vor.u32 s25, v4  }
0x254: {  	_ = 	snop  }
0x255: {  	v4 =	vmov s25  }
0x256: {  	v12 =	vshll.u32 v4, $0xA;
	v4 =	vshll.u32 v4, $0x7  }
0x257: {  	v12 =	vand.u32 $0x6000, v12;
	v4 =	vand.u32 $0x380, v4  }
0x258: {  	[tilespmem:v10+s14+$0x0] =	vst.idx.msk $0xffff, v6;
	v4 =	vor.u32 v4, v12  }
0x259: {  	v6 =	vld.idx.msk [tilespmem:v8+s10+$0x0], $0xffff;
	v4 =	vor.u32 v26, v4;
	_ =	sdelay $0x4  }
0x25a: {  	[tilespmem:v4+s14+$0x0] =	vst.idx.msk $0xffff, v6  }
0x25b: {  	v4 =	vld [tilespmem:$0x130];
	_ =	sdelay $0x1  }
0x25c: {  	v6 =	vld [tilespmem:$0x1FFA0];
	_ =	sdelay $0x2  }
0x25d: {  	v4 =	vshll.u32 v4, $0x5  }
0x25e: {  	v4 =	vand.u32 $0x60, v4  }
0x25f: {  	s31 =	simm.s32 $0x0;
	v4 =	vor.u32 v6, v4  }
0x260: {  	v6 =	vor.u32 s31, v4  }
0x261: {  	v8 =	vmov s31  }
0x262: {  	v10 =	vshll.u32 v8, $0xA;
	v8 =	vshll.u32 v8, $0x7  }
0x263: {  	v10 =	vand.u32 $0x6000, v10;
	v8 =	vand.u32 $0x380, v8  }
0x264: {  	v8 =	vor.u32 v8, v10  }
0x265: {  	s25 =	simm.s32 $0x1;
	v10 =	vor.u32 v27, v8;
	v6 =	vld.idx.msk [tilespmem:v6+s10+$0x0], $0xffff  }
0x266: {  	s26 =	simm.s32 $0x2;
	v8 =	vor.u32 s25, v4  }
.LBB2_40:
0x267: {  	p0 =	sne.s32 s26, $0x1F  }
0x268: {  	v12 =	vmov s25;
	s25 =	smov.u32 s26  }
.Ltmp19:
0x269: {  	v14 =	vshll.u32 v12, $0xA;
	v12 =	vshll.u32 v12, $0x7;
	(pc) =	sbr.rel @p0 .LBB2_40-.Ltmp19, $4  }
0x26a: {  	v14 =	vand.u32 $0x6000, v14;
	v12 =	vand.u32 $0x380, v12;
	[tilespmem:v10+s14+$0x0] =	vst.idx.msk $0xffff, v6  }
0x26b: {  	v6 =	vld.idx.msk [tilespmem:v8+s10+$0x0], $0xffff;
	v8 =	vor.u32 v12, v14  }
0x26c: {  	v10 =	vor.u32 v27, v8  }
0x26d: {  	s26 =	sadd.s32 $0x1, s26;
	v8 =	vor.u32 s25, v4  }
0x26e: {  	_ = 	snop  }
0x26f: {  	v4 =	vmov s25  }
0x270: {  	v12 =	vshll.u32 v4, $0xA;
	v4 =	vshll.u32 v4, $0x7  }
0x271: {  	v12 =	vand.u32 $0x6000, v12;
	v4 =	vand.u32 $0x380, v4  }
0x272: {  	[tilespmem:v10+s14+$0x0] =	vst.idx.msk $0xffff, v6;
	v4 =	vor.u32 v4, v12  }
0x273: {  	v6 =	vld.idx.msk [tilespmem:v8+s10+$0x0], $0xffff;
	v4 =	vor.u32 v27, v4;
	_ =	sdelay $0x4  }
0x274: {  	[tilespmem:v4+s14+$0x0] =	vst.idx.msk $0xffff, v6  }
0x275: {  	v4 =	vld [tilespmem:$0x140];
	_ =	sdelay $0x1  }
0x276: {  	v6 =	vld [tilespmem:$0x1FFB0];
	_ =	sdelay $0x2  }
0x277: {  	v4 =	vshll.u32 v4, $0x5  }
0x278: {  	v4 =	vand.u32 $0x60, v4  }
0x279: {  	s31 =	simm.s32 $0x0;
	v4 =	vor.u32 v6, v4  }
0x27a: {  	v6 =	vor.u32 s31, v4  }
0x27b: {  	v8 =	vmov s31  }
0x27c: {  	v10 =	vshll.u32 v8, $0xA;
	v8 =	vshll.u32 v8, $0x7  }
0x27d: {  	v10 =	vand.u32 $0x6000, v10;
	v8 =	vand.u32 $0x380, v8  }
0x27e: {  	v8 =	vor.u32 v8, v10  }
0x27f: {  	s25 =	simm.s32 $0x1;
	v10 =	vor.u32 v28, v8;
	v6 =	vld.idx.msk [tilespmem:v6+s10+$0x0], $0xffff  }
0x280: {  	s26 =	simm.s32 $0x2;
	v8 =	vor.u32 s25, v4  }
.LBB2_42:
0x281: {  	p0 =	sne.s32 s26, $0x1F  }
0x282: {  	v12 =	vmov s25;
	s25 =	smov.u32 s26  }
.Ltmp20:
0x283: {  	v14 =	vshll.u32 v12, $0xA;
	v12 =	vshll.u32 v12, $0x7;
	(pc) =	sbr.rel @p0 .LBB2_42-.Ltmp20, $4  }
0x284: {  	v14 =	vand.u32 $0x6000, v14;
	v12 =	vand.u32 $0x380, v12;
	[tilespmem:v10+s14+$0x0] =	vst.idx.msk $0xffff, v6  }
0x285: {  	v6 =	vld.idx.msk [tilespmem:v8+s10+$0x0], $0xffff;
	v8 =	vor.u32 v12, v14  }
0x286: {  	v10 =	vor.u32 v28, v8  }
0x287: {  	s26 =	sadd.s32 $0x1, s26;
	v8 =	vor.u32 s25, v4  }
0x288: {  	_ = 	snop  }
0x289: {  	v4 =	vmov s25  }
0x28a: {  	v12 =	vshll.u32 v4, $0xA;
	v4 =	vshll.u32 v4, $0x7  }
0x28b: {  	v12 =	vand.u32 $0x6000, v12;
	v4 =	vand.u32 $0x380, v4  }
0x28c: {  	[tilespmem:v10+s14+$0x0] =	vst.idx.msk $0xffff, v6;
	v4 =	vor.u32 v4, v12  }
0x28d: {  	v6 =	vld.idx.msk [tilespmem:v8+s10+$0x0], $0xffff;
	v4 =	vor.u32 v28, v4;
	_ =	sdelay $0x4  }
0x28e: {  	[tilespmem:v4+s14+$0x0] =	vst.idx.msk $0xffff, v6  }
0x28f: {  	v4 =	vld [tilespmem:$0x150];
	_ =	sdelay $0x1  }
0x290: {  	v6 =	vld [tilespmem:$0x1FFC0];
	_ =	sdelay $0x2  }
0x291: {  	v4 =	vshll.u32 v4, $0x5  }
0x292: {  	v4 =	vand.u32 $0x60, v4  }
0x293: {  	s31 =	simm.s32 $0x0;
	v4 =	vor.u32 v6, v4  }
0x294: {  	v6 =	vor.u32 s31, v4  }
0x295: {  	v8 =	vmov s31  }
0x296: {  	v10 =	vshll.u32 v8, $0xA;
	v8 =	vshll.u32 v8, $0x7  }
0x297: {  	v10 =	vand.u32 $0x6000, v10;
	v8 =	vand.u32 $0x380, v8  }
0x298: {  	v8 =	vor.u32 v8, v10  }
0x299: {  	s25 =	simm.s32 $0x1;
	v10 =	vor.u32 v29, v8;
	v6 =	vld.idx.msk [tilespmem:v6+s10+$0x0], $0xffff  }
0x29a: {  	s26 =	simm.s32 $0x2;
	v8 =	vor.u32 s25, v4  }
.LBB2_44:
0x29b: {  	p0 =	sne.s32 s26, $0x1F  }
0x29c: {  	v12 =	vmov s25;
	s25 =	smov.u32 s26  }
.Ltmp21:
0x29d: {  	v14 =	vshll.u32 v12, $0xA;
	v12 =	vshll.u32 v12, $0x7;
	(pc) =	sbr.rel @p0 .LBB2_44-.Ltmp21, $4  }
0x29e: {  	v14 =	vand.u32 $0x6000, v14;
	v12 =	vand.u32 $0x380, v12;
	[tilespmem:v10+s14+$0x0] =	vst.idx.msk $0xffff, v6  }
0x29f: {  	v6 =	vld.idx.msk [tilespmem:v8+s10+$0x0], $0xffff;
	v8 =	vor.u32 v12, v14  }
0x2a0: {  	v10 =	vor.u32 v29, v8  }
0x2a1: {  	s26 =	sadd.s32 $0x1, s26;
	v8 =	vor.u32 s25, v4  }
0x2a2: {  	_ = 	snop  }
0x2a3: {  	v4 =	vmov s25  }
0x2a4: {  	v12 =	vshll.u32 v4, $0xA;
	v4 =	vshll.u32 v4, $0x7  }
0x2a5: {  	v12 =	vand.u32 $0x6000, v12;
	v4 =	vand.u32 $0x380, v4  }
0x2a6: {  	[tilespmem:v10+s14+$0x0] =	vst.idx.msk $0xffff, v6;
	v4 =	vor.u32 v4, v12  }
0x2a7: {  	v6 =	vld.idx.msk [tilespmem:v8+s10+$0x0], $0xffff;
	v4 =	vor.u32 v29, v4;
	_ =	sdelay $0x4  }
0x2a8: {  	[tilespmem:v4+s14+$0x0] =	vst.idx.msk $0xffff, v6  }
0x2a9: {  	v4 =	vld [tilespmem:$0x160];
	_ =	sdelay $0x1  }
0x2aa: {  	v6 =	vld [tilespmem:$0x1FFD0];
	_ =	sdelay $0x2  }
0x2ab: {  	v4 =	vshll.u32 v4, $0x5  }
0x2ac: {  	v4 =	vand.u32 $0x60, v4  }
0x2ad: {  	s31 =	simm.s32 $0x0;
	v4 =	vor.u32 v6, v4  }
0x2ae: {  	v6 =	vor.u32 s31, v4  }
0x2af: {  	v8 =	vmov s31  }
0x2b0: {  	v10 =	vshll.u32 v8, $0xA;
	v8 =	vshll.u32 v8, $0x7  }
0x2b1: {  	v10 =	vand.u32 $0x6000, v10;
	v8 =	vand.u32 $0x380, v8  }
0x2b2: {  	v8 =	vor.u32 v8, v10  }
0x2b3: {  	s25 =	simm.s32 $0x1;
	v10 =	vor.u32 v30, v8;
	v6 =	vld.idx.msk [tilespmem:v6+s10+$0x0], $0xffff  }
0x2b4: {  	s26 =	simm.s32 $0x2;
	v8 =	vor.u32 s25, v4  }
.LBB2_46:
0x2b5: {  	p0 =	sne.s32 s26, $0x1F  }
0x2b6: {  	v12 =	vmov s25;
	s25 =	smov.u32 s26  }
.Ltmp22:
0x2b7: {  	v14 =	vshll.u32 v12, $0xA;
	v12 =	vshll.u32 v12, $0x7;
	(pc) =	sbr.rel @p0 .LBB2_46-.Ltmp22, $4  }
0x2b8: {  	v14 =	vand.u32 $0x6000, v14;
	v12 =	vand.u32 $0x380, v12;
	[tilespmem:v10+s14+$0x0] =	vst.idx.msk $0xffff, v6  }
0x2b9: {  	v6 =	vld.idx.msk [tilespmem:v8+s10+$0x0], $0xffff;
	v8 =	vor.u32 v12, v14  }
0x2ba: {  	v10 =	vor.u32 v30, v8  }
0x2bb: {  	s26 =	sadd.s32 $0x1, s26;
	v8 =	vor.u32 s25, v4  }
0x2bc: {  	_ = 	snop  }
0x2bd: {  	v4 =	vmov s25  }
0x2be: {  	v12 =	vshll.u32 v4, $0xA;
	v4 =	vshll.u32 v4, $0x7  }
0x2bf: {  	v12 =	vand.u32 $0x6000, v12;
	v4 =	vand.u32 $0x380, v4  }
0x2c0: {  	[tilespmem:v10+s14+$0x0] =	vst.idx.msk $0xffff, v6;
	v4 =	vor.u32 v4, v12  }
0x2c1: {  	v6 =	vld.idx.msk [tilespmem:v8+s10+$0x0], $0xffff;
	v4 =	vor.u32 v30, v4;
	_ =	sdelay $0x4  }
0x2c2: {  	[tilespmem:v4+s14+$0x0] =	vst.idx.msk $0xffff, v6  }
0x2c3: {  	v4 =	vld [tilespmem:$0x170];
	_ =	sdelay $0x1  }
0x2c4: {  	v6 =	vld [tilespmem:$0x1FFE0];
	_ =	sdelay $0x2  }
0x2c5: {  	v4 =	vshll.u32 v4, $0x5  }
0x2c6: {  	v4 =	vand.u32 $0x60, v4  }
0x2c7: {  	s31 =	simm.s32 $0x0;
	v4 =	vor.u32 v6, v4  }
0x2c8: {  	v6 =	vor.u32 s31, v4  }
0x2c9: {  	v8 =	vmov s31  }
0x2ca: {  	v10 =	vshll.u32 v8, $0xA;
	v8 =	vshll.u32 v8, $0x7  }
0x2cb: {  	v10 =	vand.u32 $0x6000, v10;
	v8 =	vand.u32 $0x380, v8  }
0x2cc: {  	v8 =	vor.u32 v8, v10  }
0x2cd: {  	s25 =	simm.s32 $0x1;
	v10 =	vor.u32 v31, v8;
	v6 =	vld.idx.msk [tilespmem:v6+s10+$0x0], $0xffff  }
0x2ce: {  	s26 =	simm.s32 $0x2;
	v8 =	vor.u32 s25, v4  }
.LBB2_48:
0x2cf: {  	p0 =	sne.s32 s26, $0x1F  }
0x2d0: {  	v12 =	vmov s25;
	s25 =	smov.u32 s26  }
.Ltmp23:
0x2d1: {  	v14 =	vshll.u32 v12, $0xA;
	v12 =	vshll.u32 v12, $0x7;
	(pc) =	sbr.rel @p0 .LBB2_48-.Ltmp23, $4  }
0x2d2: {  	v14 =	vand.u32 $0x6000, v14;
	v12 =	vand.u32 $0x380, v12;
	[tilespmem:v10+s14+$0x0] =	vst.idx.msk $0xffff, v6  }
0x2d3: {  	v6 =	vld.idx.msk [tilespmem:v8+s10+$0x0], $0xffff;
	v8 =	vor.u32 v12, v14  }
0x2d4: {  	v10 =	vor.u32 v31, v8  }
0x2d5: {  	s26 =	sadd.s32 $0x1, s26;
	v8 =	vor.u32 s25, v4  }
0x2d6: {  	_ = 	snop  }
0x2d7: {  	v4 =	vmov s25  }
0x2d8: {  	v12 =	vshll.u32 v4, $0xA;
	v4 =	vshll.u32 v4, $0x7  }
0x2d9: {  	v12 =	vand.u32 $0x6000, v12;
	v4 =	vand.u32 $0x380, v4  }
0x2da: {  	[tilespmem:v10+s14+$0x0] =	vst.idx.msk $0xffff, v6;
	v4 =	vor.u32 v4, v12  }
0x2db: {  	v6 =	vld.idx.msk [tilespmem:v8+s10+$0x0], $0xffff;
	v4 =	vor.u32 v31, v4;
	_ =	sdelay $0x4  }
0x2dc: {  	[tilespmem:v4+s14+$0x0] =	vst.idx.msk $0xffff, v6  }
0x2dd: {  	[tilespmem:s10], [sflag:$0x1] =	stream.indirect.gather [hbm4b:s3+s8], $0x80, s18, s8, $0xb8;
	[tilespmem:$0x10800] =	vst v63  }
0x2de: {  	_ =	swait.ge [sflag:s16], $0x4000  }
0x2df: {  	[sflag:s16] =	ssyncset.done $0x0  }
0x2e0: {  	[sflag:s16] =	ssyncadd.s32 $0xFFFFC000  }
0x2e1: {  	v4 =	vld [tilespmem:$0x180];
	_ =	sdelay $0x4  }
0x2e2: {  	v4 =	vshll.u32 v4, $0x5  }
0x2e3: {  	v4 =	vand.u32 $0x60, v4  }
0x2e4: {  	s31 =	simm.s32 $0x0;
	v4 =	vor.u32 v1, v4  }
0x2e5: {  	v6 =	vor.u32 s31, v4  }
0x2e6: {  	v8 =	vmov s31  }
0x2e7: {  	v10 =	vshll.u32 v8, $0xA;
	v8 =	vshll.u32 v8, $0x7  }
0x2e8: {  	v10 =	vand.u32 $0x6000, v10;
	v8 =	vand.u32 $0x380, v8  }
0x2e9: {  	v8 =	vor.u32 v8, v10  }
0x2ea: {  	s25 =	simm.s32 $0x1;
	v10 =	vor.u32 v32, v8;
	v6 =	vld.idx.msk [tilespmem:v6+s12+$0x0], $0xffff  }
0x2eb: {  	s26 =	simm.s32 $0x2;
	v8 =	vor.u32 s25, v4  }
.LBB2_50:
0x2ec: {  	p0 =	sne.s32 s26, $0x1F  }
0x2ed: {  	v12 =	vmov s25;
	s25 =	smov.u32 s26  }
.Ltmp24:
0x2ee: {  	v14 =	vshll.u32 v12, $0xA;
	v12 =	vshll.u32 v12, $0x7;
	(pc) =	sbr.rel @p0 .LBB2_50-.Ltmp24, $4  }
0x2ef: {  	v14 =	vand.u32 $0x6000, v14;
	v12 =	vand.u32 $0x380, v12;
	[tilespmem:v10+s14+$0x0] =	vst.idx.msk $0xffff, v6  }
0x2f0: {  	v6 =	vld.idx.msk [tilespmem:v8+s12+$0x0], $0xffff;
	v8 =	vor.u32 v12, v14  }
0x2f1: {  	v10 =	vor.u32 v32, v8  }
0x2f2: {  	s26 =	sadd.s32 $0x1, s26;
	v8 =	vor.u32 s25, v4  }
0x2f3: {  	_ = 	snop  }
0x2f4: {  	v4 =	vmov s25  }
0x2f5: {  	v12 =	vshll.u32 v4, $0xA;
	v4 =	vshll.u32 v4, $0x7  }
0x2f6: {  	v12 =	vand.u32 $0x6000, v12;
	v4 =	vand.u32 $0x380, v4  }
0x2f7: {  	[tilespmem:v10+s14+$0x0] =	vst.idx.msk $0xffff, v6;
	v4 =	vor.u32 v4, v12  }
0x2f8: {  	v6 =	vld.idx.msk [tilespmem:v8+s12+$0x0], $0xffff;
	v4 =	vor.u32 v32, v4;
	_ =	sdelay $0x4  }
0x2f9: {  	[tilespmem:v4+s14+$0x0] =	vst.idx.msk $0xffff, v6  }
0x2fa: {  	v4 =	vld [tilespmem:$0x190];
	_ =	sdelay $0x1  }
0x2fb: {  	v6 =	vld [tilespmem:$0x1FF80];
	_ =	sdelay $0x2  }
0x2fc: {  	v4 =	vshll.u32 v4, $0x5  }
0x2fd: {  	v4 =	vand.u32 $0x60, v4  }
0x2fe: {  	s31 =	simm.s32 $0x0;
	v4 =	vor.u32 v6, v4  }
0x2ff: {  	v6 =	vor.u32 s31, v4  }
0x300: {  	v8 =	vmov s31  }
0x301: {  	v10 =	vshll.u32 v8, $0xA;
	v8 =	vshll.u32 v8, $0x7  }
0x302: {  	v10 =	vand.u32 $0x6000, v10;
	v8 =	vand.u32 $0x380, v8  }
0x303: {  	v8 =	vor.u32 v8, v10  }
0x304: {  	s25 =	simm.s32 $0x1;
	v10 =	vor.u32 v33, v8;
	v6 =	vld.idx.msk [tilespmem:v6+s12+$0x0], $0xffff  }
0x305: {  	s26 =	simm.s32 $0x2;
	v8 =	vor.u32 s25, v4  }
.LBB2_52:
0x306: {  	p0 =	sne.s32 s26, $0x1F  }
0x307: {  	v12 =	vmov s25;
	s25 =	smov.u32 s26  }
.Ltmp25:
0x308: {  	v14 =	vshll.u32 v12, $0xA;
	v12 =	vshll.u32 v12, $0x7;
	(pc) =	sbr.rel @p0 .LBB2_52-.Ltmp25, $4  }
0x309: {  	v14 =	vand.u32 $0x6000, v14;
	v12 =	vand.u32 $0x380, v12;
	[tilespmem:v10+s14+$0x0] =	vst.idx.msk $0xffff, v6  }
0x30a: {  	v6 =	vld.idx.msk [tilespmem:v8+s12+$0x0], $0xffff;
	v8 =	vor.u32 v12, v14  }
0x30b: {  	v10 =	vor.u32 v33, v8  }
0x30c: {  	s26 =	sadd.s32 $0x1, s26;
	v8 =	vor.u32 s25, v4  }
0x30d: {  	_ = 	snop  }
0x30e: {  	v4 =	vmov s25  }
0x30f: {  	v12 =	vshll.u32 v4, $0xA;
	v4 =	vshll.u32 v4, $0x7  }
0x310: {  	v12 =	vand.u32 $0x6000, v12;
	v4 =	vand.u32 $0x380, v4  }
0x311: {  	[tilespmem:v10+s14+$0x0] =	vst.idx.msk $0xffff, v6;
	v4 =	vor.u32 v4, v12  }
0x312: {  	v6 =	vld.idx.msk [tilespmem:v8+s12+$0x0], $0xffff;
	v4 =	vor.u32 v33, v4;
	_ =	sdelay $0x4  }
0x313: {  	[tilespmem:v4+s14+$0x0] =	vst.idx.msk $0xffff, v6  }
0x314: {  	v4 =	vld [tilespmem:$0x1A0];
	_ =	sdelay $0x1  }
0x315: {  	v6 =	vld [tilespmem:$0x1FF90];
	_ =	sdelay $0x2  }
0x316: {  	v4 =	vshll.u32 v4, $0x5  }
0x317: {  	v4 =	vand.u32 $0x60, v4  }
0x318: {  	s31 =	simm.s32 $0x0;
	v4 =	vor.u32 v6, v4  }
0x319: {  	v6 =	vor.u32 s31, v4  }
0x31a: {  	v8 =	vmov s31  }
0x31b: {  	v10 =	vshll.u32 v8, $0xA;
	v8 =	vshll.u32 v8, $0x7  }
0x31c: {  	v10 =	vand.u32 $0x6000, v10;
	v8 =	vand.u32 $0x380, v8  }
0x31d: {  	v8 =	vor.u32 v8, v10  }
0x31e: {  	s25 =	simm.s32 $0x1;
	v10 =	vor.u32 v34, v8;
	v6 =	vld.idx.msk [tilespmem:v6+s12+$0x0], $0xffff  }
0x31f: {  	s26 =	simm.s32 $0x2;
	v8 =	vor.u32 s25, v4  }
.LBB2_54:
0x320: {  	p0 =	sne.s32 s26, $0x1F  }
0x321: {  	v12 =	vmov s25;
	s25 =	smov.u32 s26  }
.Ltmp26:
0x322: {  	v14 =	vshll.u32 v12, $0xA;
	v12 =	vshll.u32 v12, $0x7;
	(pc) =	sbr.rel @p0 .LBB2_54-.Ltmp26, $4  }
0x323: {  	v14 =	vand.u32 $0x6000, v14;
	v12 =	vand.u32 $0x380, v12;
	[tilespmem:v10+s14+$0x0] =	vst.idx.msk $0xffff, v6  }
0x324: {  	v6 =	vld.idx.msk [tilespmem:v8+s12+$0x0], $0xffff;
	v8 =	vor.u32 v12, v14  }
0x325: {  	v10 =	vor.u32 v34, v8  }
0x326: {  	s26 =	sadd.s32 $0x1, s26;
	v8 =	vor.u32 s25, v4  }
0x327: {  	_ = 	snop  }
0x328: {  	v4 =	vmov s25  }
0x329: {  	v12 =	vshll.u32 v4, $0xA;
	v4 =	vshll.u32 v4, $0x7  }
0x32a: {  	v12 =	vand.u32 $0x6000, v12;
	v4 =	vand.u32 $0x380, v4  }
0x32b: {  	[tilespmem:v10+s14+$0x0] =	vst.idx.msk $0xffff, v6;
	v4 =	vor.u32 v4, v12  }
0x32c: {  	v6 =	vld.idx.msk [tilespmem:v8+s12+$0x0], $0xffff;
	v4 =	vor.u32 v34, v4;
	_ =	sdelay $0x4  }
0x32d: {  	[tilespmem:v4+s14+$0x0] =	vst.idx.msk $0xffff, v6  }
0x32e: {  	v4 =	vld [tilespmem:$0x1B0];
	_ =	sdelay $0x1  }
0x32f: {  	v6 =	vld [tilespmem:$0x1FFA0];
	_ =	sdelay $0x2  }
0x330: {  	v4 =	vshll.u32 v4, $0x5  }
0x331: {  	v4 =	vand.u32 $0x60, v4  }
0x332: {  	s31 =	simm.s32 $0x0;
	v4 =	vor.u32 v6, v4  }
0x333: {  	v6 =	vor.u32 s31, v4  }
0x334: {  	v8 =	vmov s31  }
0x335: {  	v10 =	vshll.u32 v8, $0xA;
	v8 =	vshll.u32 v8, $0x7  }
0x336: {  	v10 =	vand.u32 $0x6000, v10;
	v8 =	vand.u32 $0x380, v8  }
0x337: {  	v8 =	vor.u32 v8, v10  }
0x338: {  	s25 =	simm.s32 $0x1;
	v10 =	vor.u32 v35, v8;
	v6 =	vld.idx.msk [tilespmem:v6+s12+$0x0], $0xffff  }
0x339: {  	s26 =	simm.s32 $0x2;
	v8 =	vor.u32 s25, v4  }
.LBB2_56:
0x33a: {  	p0 =	sne.s32 s26, $0x1F  }
0x33b: {  	v12 =	vmov s25;
	s25 =	smov.u32 s26  }
.Ltmp27:
0x33c: {  	v14 =	vshll.u32 v12, $0xA;
	v12 =	vshll.u32 v12, $0x7;
	(pc) =	sbr.rel @p0 .LBB2_56-.Ltmp27, $4  }
0x33d: {  	v14 =	vand.u32 $0x6000, v14;
	v12 =	vand.u32 $0x380, v12;
	[tilespmem:v10+s14+$0x0] =	vst.idx.msk $0xffff, v6  }
0x33e: {  	v6 =	vld.idx.msk [tilespmem:v8+s12+$0x0], $0xffff;
	v8 =	vor.u32 v12, v14  }
0x33f: {  	v10 =	vor.u32 v35, v8  }
0x340: {  	s26 =	sadd.s32 $0x1, s26;
	v8 =	vor.u32 s25, v4  }
0x341: {  	_ = 	snop  }
0x342: {  	v4 =	vmov s25  }
0x343: {  	v12 =	vshll.u32 v4, $0xA;
	v4 =	vshll.u32 v4, $0x7  }
0x344: {  	v12 =	vand.u32 $0x6000, v12;
	v4 =	vand.u32 $0x380, v4  }
0x345: {  	[tilespmem:v10+s14+$0x0] =	vst.idx.msk $0xffff, v6;
	v4 =	vor.u32 v4, v12  }
0x346: {  	v6 =	vld.idx.msk [tilespmem:v8+s12+$0x0], $0xffff;
	v4 =	vor.u32 v35, v4;
	_ =	sdelay $0x4  }
0x347: {  	[tilespmem:v4+s14+$0x0] =	vst.idx.msk $0xffff, v6  }
0x348: {  	v4 =	vld [tilespmem:$0x1C0];
	_ =	sdelay $0x1  }
0x349: {  	v6 =	vld [tilespmem:$0x1FFB0];
	_ =	sdelay $0x2  }
0x34a: {  	v4 =	vshll.u32 v4, $0x5  }
0x34b: {  	v4 =	vand.u32 $0x60, v4  }
0x34c: {  	s31 =	simm.s32 $0x0;
	v4 =	vor.u32 v6, v4  }
0x34d: {  	v6 =	vor.u32 s31, v4  }
0x34e: {  	v8 =	vmov s31  }
0x34f: {  	v10 =	vshll.u32 v8, $0xA;
	v8 =	vshll.u32 v8, $0x7  }
0x350: {  	v10 =	vand.u32 $0x6000, v10;
	v8 =	vand.u32 $0x380, v8  }
0x351: {  	v8 =	vor.u32 v8, v10  }
0x352: {  	s25 =	simm.s32 $0x1;
	v10 =	vor.u32 v36, v8;
	v6 =	vld.idx.msk [tilespmem:v6+s12+$0x0], $0xffff  }
0x353: {  	s26 =	simm.s32 $0x2;
	v8 =	vor.u32 s25, v4  }
.LBB2_58:
0x354: {  	p0 =	sne.s32 s26, $0x1F  }
0x355: {  	v12 =	vmov s25;
	s25 =	smov.u32 s26  }
.Ltmp28:
0x356: {  	v14 =	vshll.u32 v12, $0xA;
	v12 =	vshll.u32 v12, $0x7;
	(pc) =	sbr.rel @p0 .LBB2_58-.Ltmp28, $4  }
0x357: {  	v14 =	vand.u32 $0x6000, v14;
	v12 =	vand.u32 $0x380, v12;
	[tilespmem:v10+s14+$0x0] =	vst.idx.msk $0xffff, v6  }
0x358: {  	v6 =	vld.idx.msk [tilespmem:v8+s12+$0x0], $0xffff;
	v8 =	vor.u32 v12, v14  }
0x359: {  	v10 =	vor.u32 v36, v8  }
0x35a: {  	s26 =	sadd.s32 $0x1, s26;
	v8 =	vor.u32 s25, v4  }
0x35b: {  	_ = 	snop  }
0x35c: {  	v4 =	vmov s25  }
0x35d: {  	v12 =	vshll.u32 v4, $0xA;
	v4 =	vshll.u32 v4, $0x7  }
0x35e: {  	v12 =	vand.u32 $0x6000, v12;
	v4 =	vand.u32 $0x380, v4  }
0x35f: {  	[tilespmem:v10+s14+$0x0] =	vst.idx.msk $0xffff, v6;
	v4 =	vor.u32 v4, v12  }
0x360: {  	v6 =	vld.idx.msk [tilespmem:v8+s12+$0x0], $0xffff;
	v4 =	vor.u32 v36, v4;
	_ =	sdelay $0x4  }
0x361: {  	[tilespmem:v4+s14+$0x0] =	vst.idx.msk $0xffff, v6  }
0x362: {  	v4 =	vld [tilespmem:$0x1D0];
	_ =	sdelay $0x1  }
0x363: {  	v6 =	vld [tilespmem:$0x1FFC0];
	_ =	sdelay $0x2  }
0x364: {  	v4 =	vshll.u32 v4, $0x5  }
0x365: {  	v4 =	vand.u32 $0x60, v4  }
0x366: {  	s31 =	simm.s32 $0x0;
	v4 =	vor.u32 v6, v4  }
0x367: {  	v6 =	vor.u32 s31, v4  }
0x368: {  	v8 =	vmov s31  }
0x369: {  	v10 =	vshll.u32 v8, $0xA;
	v8 =	vshll.u32 v8, $0x7  }
0x36a: {  	v10 =	vand.u32 $0x6000, v10;
	v8 =	vand.u32 $0x380, v8  }
0x36b: {  	v8 =	vor.u32 v8, v10  }
0x36c: {  	s25 =	simm.s32 $0x1;
	v10 =	vor.u32 v37, v8;
	v6 =	vld.idx.msk [tilespmem:v6+s12+$0x0], $0xffff  }
0x36d: {  	s26 =	simm.s32 $0x2;
	v8 =	vor.u32 s25, v4  }
.LBB2_60:
0x36e: {  	p0 =	sne.s32 s26, $0x1F  }
0x36f: {  	v12 =	vmov s25;
	s25 =	smov.u32 s26  }
.Ltmp29:
0x370: {  	v14 =	vshll.u32 v12, $0xA;
	v12 =	vshll.u32 v12, $0x7;
	(pc) =	sbr.rel @p0 .LBB2_60-.Ltmp29, $4  }
0x371: {  	v14 =	vand.u32 $0x6000, v14;
	v12 =	vand.u32 $0x380, v12;
	[tilespmem:v10+s14+$0x0] =	vst.idx.msk $0xffff, v6  }
0x372: {  	v6 =	vld.idx.msk [tilespmem:v8+s12+$0x0], $0xffff;
	v8 =	vor.u32 v12, v14  }
0x373: {  	v10 =	vor.u32 v37, v8  }
0x374: {  	s26 =	sadd.s32 $0x1, s26;
	v8 =	vor.u32 s25, v4  }
0x375: {  	_ = 	snop  }
0x376: {  	v4 =	vmov s25  }
0x377: {  	v12 =	vshll.u32 v4, $0xA;
	v4 =	vshll.u32 v4, $0x7  }
0x378: {  	v12 =	vand.u32 $0x6000, v12;
	v4 =	vand.u32 $0x380, v4  }
0x379: {  	[tilespmem:v10+s14+$0x0] =	vst.idx.msk $0xffff, v6;
	v4 =	vor.u32 v4, v12  }
0x37a: {  	v6 =	vld.idx.msk [tilespmem:v8+s12+$0x0], $0xffff;
	v4 =	vor.u32 v37, v4;
	_ =	sdelay $0x4  }
0x37b: {  	[tilespmem:v4+s14+$0x0] =	vst.idx.msk $0xffff, v6  }
0x37c: {  	v4 =	vld [tilespmem:$0x1E0];
	_ =	sdelay $0x1  }
0x37d: {  	v6 =	vld [tilespmem:$0x1FFD0];
	_ =	sdelay $0x2  }
0x37e: {  	v4 =	vshll.u32 v4, $0x5  }
0x37f: {  	v4 =	vand.u32 $0x60, v4  }
0x380: {  	s31 =	simm.s32 $0x0;
	v4 =	vor.u32 v6, v4  }
0x381: {  	v6 =	vor.u32 s31, v4  }
0x382: {  	v8 =	vmov s31  }
0x383: {  	v10 =	vshll.u32 v8, $0xA;
	v8 =	vshll.u32 v8, $0x7  }
0x384: {  	v10 =	vand.u32 $0x6000, v10;
	v8 =	vand.u32 $0x380, v8  }
0x385: {  	v8 =	vor.u32 v8, v10  }
0x386: {  	s25 =	simm.s32 $0x1;
	v10 =	vor.u32 v38, v8;
	v6 =	vld.idx.msk [tilespmem:v6+s12+$0x0], $0xffff  }
0x387: {  	s26 =	simm.s32 $0x2;
	v8 =	vor.u32 s25, v4  }
.LBB2_62:
0x388: {  	p0 =	sne.s32 s26, $0x1F  }
0x389: {  	v12 =	vmov s25;
	s25 =	smov.u32 s26  }
.Ltmp30:
0x38a: {  	v14 =	vshll.u32 v12, $0xA;
	v12 =	vshll.u32 v12, $0x7;
	(pc) =	sbr.rel @p0 .LBB2_62-.Ltmp30, $4  }
0x38b: {  	v14 =	vand.u32 $0x6000, v14;
	v12 =	vand.u32 $0x380, v12;
	[tilespmem:v10+s14+$0x0] =	vst.idx.msk $0xffff, v6  }
0x38c: {  	v6 =	vld.idx.msk [tilespmem:v8+s12+$0x0], $0xffff;
	v8 =	vor.u32 v12, v14  }
0x38d: {  	v10 =	vor.u32 v38, v8  }
0x38e: {  	s26 =	sadd.s32 $0x1, s26;
	v8 =	vor.u32 s25, v4  }
0x38f: {  	_ = 	snop  }
0x390: {  	v4 =	vmov s25  }
0x391: {  	v12 =	vshll.u32 v4, $0xA;
	v4 =	vshll.u32 v4, $0x7  }
0x392: {  	v12 =	vand.u32 $0x6000, v12;
	v4 =	vand.u32 $0x380, v4  }
0x393: {  	[tilespmem:v10+s14+$0x0] =	vst.idx.msk $0xffff, v6;
	v4 =	vor.u32 v4, v12  }
0x394: {  	v6 =	vld.idx.msk [tilespmem:v8+s12+$0x0], $0xffff;
	v4 =	vor.u32 v38, v4;
	_ =	sdelay $0x4  }
0x395: {  	[tilespmem:v4+s14+$0x0] =	vst.idx.msk $0xffff, v6  }
0x396: {  	v4 =	vld [tilespmem:$0x1F0];
	_ =	sdelay $0x1  }
0x397: {  	v6 =	vld [tilespmem:$0x1FFE0];
	_ =	sdelay $0x2  }
0x398: {  	v4 =	vshll.u32 v4, $0x5  }
0x399: {  	v4 =	vand.u32 $0x60, v4  }
0x39a: {  	s31 =	simm.s32 $0x0;
	v4 =	vor.u32 v6, v4  }
0x39b: {  	v6 =	vor.u32 s31, v4  }
0x39c: {  	v8 =	vmov s31  }
0x39d: {  	v10 =	vshll.u32 v8, $0xA;
	v8 =	vshll.u32 v8, $0x7  }
0x39e: {  	v10 =	vand.u32 $0x6000, v10;
	v8 =	vand.u32 $0x380, v8  }
0x39f: {  	v8 =	vor.u32 v8, v10  }
0x3a0: {  	s25 =	simm.s32 $0x1;
	v10 =	vor.u32 v39, v8;
	v6 =	vld.idx.msk [tilespmem:v6+s12+$0x0], $0xffff  }
0x3a1: {  	s26 =	simm.s32 $0x2;
	v8 =	vor.u32 s25, v4  }
.LBB2_64:
0x3a2: {  	p0 =	sne.s32 s26, $0x1F  }
0x3a3: {  	v12 =	vmov s25;
	s25 =	smov.u32 s26  }
.Ltmp31:
0x3a4: {  	v14 =	vshll.u32 v12, $0xA;
	v12 =	vshll.u32 v12, $0x7;
	(pc) =	sbr.rel @p0 .LBB2_64-.Ltmp31, $4  }
0x3a5: {  	v14 =	vand.u32 $0x6000, v14;
	v12 =	vand.u32 $0x380, v12;
	[tilespmem:v10+s14+$0x0] =	vst.idx.msk $0xffff, v6  }
0x3a6: {  	v6 =	vld.idx.msk [tilespmem:v8+s12+$0x0], $0xffff;
	v8 =	vor.u32 v12, v14  }
0x3a7: {  	v10 =	vor.u32 v39, v8  }
0x3a8: {  	s26 =	sadd.s32 $0x1, s26;
	v8 =	vor.u32 s25, v4  }
0x3a9: {  	_ = 	snop  }
0x3aa: {  	v4 =	vmov s25  }
0x3ab: {  	v12 =	vshll.u32 v4, $0xA;
	v4 =	vshll.u32 v4, $0x7  }
0x3ac: {  	v12 =	vand.u32 $0x6000, v12;
	v4 =	vand.u32 $0x380, v4  }
0x3ad: {  	[tilespmem:v10+s14+$0x0] =	vst.idx.msk $0xffff, v6;
	v4 =	vor.u32 v4, v12  }
0x3ae: {  	v6 =	vld.idx.msk [tilespmem:v8+s12+$0x0], $0xffff;
	v4 =	vor.u32 v39, v4;
	_ =	sdelay $0x4  }
0x3af: {  	[tilespmem:v4+s14+$0x0] =	vst.idx.msk $0xffff, v6  }
0x3b0: {  	[tilespmem:s12], [sflag:$0x2] =	stream.indirect.gather [hbm4b:s3+s8], $0x80, s19, s8, $0xb8;
	[tilespmem:$0x10800] =	vst v63  }
0x3b1: {  	_ =	swait.ge [sflag:s13], $0x4000  }
0x3b2: {  	[sflag:s13] =	ssyncset.done $0x0  }
0x3b3: {  	[sflag:s13] =	ssyncadd.s32 $0xFFFFC000  }
0x3b4: {  	v4 =	vld [tilespmem:$0x200];
	_ =	sdelay $0x4  }
0x3b5: {  	v4 =	vshll.u32 v4, $0x5  }
0x3b6: {  	v4 =	vand.u32 $0x60, v4  }
0x3b7: {  	s31 =	simm.s32 $0x0;
	v4 =	vor.u32 v1, v4  }
0x3b8: {  	v6 =	vor.u32 s31, v4  }
0x3b9: {  	v8 =	vmov s31  }
0x3ba: {  	v10 =	vshll.u32 v8, $0xA;
	v8 =	vshll.u32 v8, $0x7  }
0x3bb: {  	v10 =	vand.u32 $0x6000, v10;
	v8 =	vand.u32 $0x380, v8  }
0x3bc: {  	v8 =	vor.u32 v8, v10  }
0x3bd: {  	s25 =	simm.s32 $0x1;
	v10 =	vor.u32 v40, v8;
	v6 =	vld.idx.msk [tilespmem:v6+s10+$0x0], $0xffff  }
0x3be: {  	s26 =	simm.s32 $0x2;
	v8 =	vor.u32 s25, v4  }
.LBB2_66:
0x3bf: {  	p0 =	sne.s32 s26, $0x1F  }
0x3c0: {  	v12 =	vmov s25;
	s25 =	smov.u32 s26  }
.Ltmp32:
0x3c1: {  	v14 =	vshll.u32 v12, $0xA;
	v12 =	vshll.u32 v12, $0x7;
	(pc) =	sbr.rel @p0 .LBB2_66-.Ltmp32, $4  }
0x3c2: {  	v14 =	vand.u32 $0x6000, v14;
	v12 =	vand.u32 $0x380, v12;
	[tilespmem:v10+s14+$0x0] =	vst.idx.msk $0xffff, v6  }
0x3c3: {  	v6 =	vld.idx.msk [tilespmem:v8+s10+$0x0], $0xffff;
	v8 =	vor.u32 v12, v14  }
0x3c4: {  	v10 =	vor.u32 v40, v8  }
0x3c5: {  	s26 =	sadd.s32 $0x1, s26;
	v8 =	vor.u32 s25, v4  }
0x3c6: {  	_ = 	snop  }
0x3c7: {  	v4 =	vmov s25  }
0x3c8: {  	v12 =	vshll.u32 v4, $0xA;
	v4 =	vshll.u32 v4, $0x7  }
0x3c9: {  	v12 =	vand.u32 $0x6000, v12;
	v4 =	vand.u32 $0x380, v4  }
0x3ca: {  	[tilespmem:v10+s14+$0x0] =	vst.idx.msk $0xffff, v6;
	v4 =	vor.u32 v4, v12  }
0x3cb: {  	v6 =	vld.idx.msk [tilespmem:v8+s10+$0x0], $0xffff;
	v4 =	vor.u32 v40, v4;
	_ =	sdelay $0x4  }
0x3cc: {  	[tilespmem:v4+s14+$0x0] =	vst.idx.msk $0xffff, v6  }
0x3cd: {  	v4 =	vld [tilespmem:$0x210];
	_ =	sdelay $0x1  }
0x3ce: {  	v6 =	vld [tilespmem:$0x1FF80];
	_ =	sdelay $0x2  }
0x3cf: {  	v4 =	vshll.u32 v4, $0x5  }
0x3d0: {  	v4 =	vand.u32 $0x60, v4  }
0x3d1: {  	s31 =	simm.s32 $0x0;
	v4 =	vor.u32 v6, v4  }
0x3d2: {  	v6 =	vor.u32 s31, v4  }
0x3d3: {  	v8 =	vmov s31  }
0x3d4: {  	v10 =	vshll.u32 v8, $0xA;
	v8 =	vshll.u32 v8, $0x7  }
0x3d5: {  	v10 =	vand.u32 $0x6000, v10;
	v8 =	vand.u32 $0x380, v8  }
0x3d6: {  	v8 =	vor.u32 v8, v10  }
0x3d7: {  	s25 =	simm.s32 $0x1;
	v10 =	vor.u32 v41, v8;
	v6 =	vld.idx.msk [tilespmem:v6+s10+$0x0], $0xffff  }
0x3d8: {  	s26 =	simm.s32 $0x2;
	v8 =	vor.u32 s25, v4  }
.LBB2_68:
0x3d9: {  	p0 =	sne.s32 s26, $0x1F  }
0x3da: {  	v12 =	vmov s25;
	s25 =	smov.u32 s26  }
.Ltmp33:
0x3db: {  	v14 =	vshll.u32 v12, $0xA;
	v12 =	vshll.u32 v12, $0x7;
	(pc) =	sbr.rel @p0 .LBB2_68-.Ltmp33, $4  }
0x3dc: {  	v14 =	vand.u32 $0x6000, v14;
	v12 =	vand.u32 $0x380, v12;
	[tilespmem:v10+s14+$0x0] =	vst.idx.msk $0xffff, v6  }
0x3dd: {  	v6 =	vld.idx.msk [tilespmem:v8+s10+$0x0], $0xffff;
	v8 =	vor.u32 v12, v14  }
0x3de: {  	v10 =	vor.u32 v41, v8  }
0x3df: {  	s26 =	sadd.s32 $0x1, s26;
	v8 =	vor.u32 s25, v4  }
0x3e0: {  	_ = 	snop  }
0x3e1: {  	v4 =	vmov s25  }
0x3e2: {  	v12 =	vshll.u32 v4, $0xA;
	v4 =	vshll.u32 v4, $0x7  }
0x3e3: {  	v12 =	vand.u32 $0x6000, v12;
	v4 =	vand.u32 $0x380, v4  }
0x3e4: {  	[tilespmem:v10+s14+$0x0] =	vst.idx.msk $0xffff, v6;
	v4 =	vor.u32 v4, v12  }
0x3e5: {  	v6 =	vld.idx.msk [tilespmem:v8+s10+$0x0], $0xffff;
	v4 =	vor.u32 v41, v4;
	_ =	sdelay $0x4  }
0x3e6: {  	[tilespmem:v4+s14+$0x0] =	vst.idx.msk $0xffff, v6  }
0x3e7: {  	v4 =	vld [tilespmem:$0x220];
	_ =	sdelay $0x1  }
0x3e8: {  	v6 =	vld [tilespmem:$0x1FF90];
	_ =	sdelay $0x2  }
0x3e9: {  	v4 =	vshll.u32 v4, $0x5  }
0x3ea: {  	v4 =	vand.u32 $0x60, v4  }
0x3eb: {  	s31 =	simm.s32 $0x0;
	v4 =	vor.u32 v6, v4  }
0x3ec: {  	v6 =	vor.u32 s31, v4  }
0x3ed: {  	v8 =	vmov s31  }
0x3ee: {  	v10 =	vshll.u32 v8, $0xA;
	v8 =	vshll.u32 v8, $0x7  }
0x3ef: {  	v10 =	vand.u32 $0x6000, v10;
	v8 =	vand.u32 $0x380, v8  }
0x3f0: {  	v8 =	vor.u32 v8, v10  }
0x3f1: {  	s25 =	simm.s32 $0x1;
	v10 =	vor.u32 v42, v8;
	v6 =	vld.idx.msk [tilespmem:v6+s10+$0x0], $0xffff  }
0x3f2: {  	s26 =	simm.s32 $0x2;
	v8 =	vor.u32 s25, v4  }
.LBB2_70:
0x3f3: {  	p0 =	sne.s32 s26, $0x1F  }
0x3f4: {  	v12 =	vmov s25;
	s25 =	smov.u32 s26  }
.Ltmp34:
0x3f5: {  	v14 =	vshll.u32 v12, $0xA;
	v12 =	vshll.u32 v12, $0x7;
	(pc) =	sbr.rel @p0 .LBB2_70-.Ltmp34, $4  }
0x3f6: {  	v14 =	vand.u32 $0x6000, v14;
	v12 =	vand.u32 $0x380, v12;
	[tilespmem:v10+s14+$0x0] =	vst.idx.msk $0xffff, v6  }
0x3f7: {  	v6 =	vld.idx.msk [tilespmem:v8+s10+$0x0], $0xffff;
	v8 =	vor.u32 v12, v14  }
0x3f8: {  	v10 =	vor.u32 v42, v8  }
0x3f9: {  	s26 =	sadd.s32 $0x1, s26;
	v8 =	vor.u32 s25, v4  }
0x3fa: {  	_ = 	snop  }
0x3fb: {  	v4 =	vmov s25  }
0x3fc: {  	v12 =	vshll.u32 v4, $0xA;
	v4 =	vshll.u32 v4, $0x7  }
0x3fd: {  	v12 =	vand.u32 $0x6000, v12;
	v4 =	vand.u32 $0x380, v4  }
0x3fe: {  	[tilespmem:v10+s14+$0x0] =	vst.idx.msk $0xffff, v6;
	v4 =	vor.u32 v4, v12  }
0x3ff: {  	v6 =	vld.idx.msk [tilespmem:v8+s10+$0x0], $0xffff;
	v4 =	vor.u32 v42, v4;
	_ =	sdelay $0x4  }
0x400: {  	[tilespmem:v4+s14+$0x0] =	vst.idx.msk $0xffff, v6  }
0x401: {  	v4 =	vld [tilespmem:$0x230];
	_ =	sdelay $0x1  }
0x402: {  	v6 =	vld [tilespmem:$0x1FFA0];
	_ =	sdelay $0x2  }
0x403: {  	v4 =	vshll.u32 v4, $0x5  }
0x404: {  	v4 =	vand.u32 $0x60, v4  }
0x405: {  	s31 =	simm.s32 $0x0;
	v4 =	vor.u32 v6, v4  }
0x406: {  	v6 =	vor.u32 s31, v4  }
0x407: {  	v8 =	vmov s31  }
0x408: {  	v10 =	vshll.u32 v8, $0xA;
	v8 =	vshll.u32 v8, $0x7  }
0x409: {  	v10 =	vand.u32 $0x6000, v10;
	v8 =	vand.u32 $0x380, v8  }
0x40a: {  	v8 =	vor.u32 v8, v10  }
0x40b: {  	s25 =	simm.s32 $0x1;
	v10 =	vor.u32 v43, v8;
	v6 =	vld.idx.msk [tilespmem:v6+s10+$0x0], $0xffff  }
0x40c: {  	s26 =	simm.s32 $0x2;
	v8 =	vor.u32 s25, v4  }
.LBB2_72:
0x40d: {  	p0 =	sne.s32 s26, $0x1F  }
0x40e: {  	v12 =	vmov s25;
	s25 =	smov.u32 s26  }
.Ltmp35:
0x40f: {  	v14 =	vshll.u32 v12, $0xA;
	v12 =	vshll.u32 v12, $0x7;
	(pc) =	sbr.rel @p0 .LBB2_72-.Ltmp35, $4  }
0x410: {  	v14 =	vand.u32 $0x6000, v14;
	v12 =	vand.u32 $0x380, v12;
	[tilespmem:v10+s14+$0x0] =	vst.idx.msk $0xffff, v6  }
0x411: {  	v6 =	vld.idx.msk [tilespmem:v8+s10+$0x0], $0xffff;
	v8 =	vor.u32 v12, v14  }
0x412: {  	v10 =	vor.u32 v43, v8  }
0x413: {  	s26 =	sadd.s32 $0x1, s26;
	v8 =	vor.u32 s25, v4  }
0x414: {  	_ = 	snop  }
0x415: {  	v4 =	vmov s25  }
0x416: {  	v12 =	vshll.u32 v4, $0xA;
	v4 =	vshll.u32 v4, $0x7  }
0x417: {  	v12 =	vand.u32 $0x6000, v12;
	v4 =	vand.u32 $0x380, v4  }
0x418: {  	[tilespmem:v10+s14+$0x0] =	vst.idx.msk $0xffff, v6;
	v4 =	vor.u32 v4, v12  }
0x419: {  	v6 =	vld.idx.msk [tilespmem:v8+s10+$0x0], $0xffff;
	v4 =	vor.u32 v43, v4;
	_ =	sdelay $0x4  }
0x41a: {  	[tilespmem:v4+s14+$0x0] =	vst.idx.msk $0xffff, v6  }
0x41b: {  	v4 =	vld [tilespmem:$0x240];
	_ =	sdelay $0x1  }
0x41c: {  	v6 =	vld [tilespmem:$0x1FFB0];
	_ =	sdelay $0x2  }
0x41d: {  	v4 =	vshll.u32 v4, $0x5  }
0x41e: {  	v4 =	vand.u32 $0x60, v4  }
0x41f: {  	s31 =	simm.s32 $0x0;
	v4 =	vor.u32 v6, v4  }
0x420: {  	v6 =	vor.u32 s31, v4  }
0x421: {  	v8 =	vmov s31  }
0x422: {  	v10 =	vshll.u32 v8, $0xA;
	v8 =	vshll.u32 v8, $0x7  }
0x423: {  	v10 =	vand.u32 $0x6000, v10;
	v8 =	vand.u32 $0x380, v8  }
0x424: {  	v8 =	vor.u32 v8, v10  }
0x425: {  	s25 =	simm.s32 $0x1;
	v10 =	vor.u32 v44, v8;
	v6 =	vld.idx.msk [tilespmem:v6+s10+$0x0], $0xffff  }
0x426: {  	s26 =	simm.s32 $0x2;
	v8 =	vor.u32 s25, v4  }
.LBB2_74:
0x427: {  	p0 =	sne.s32 s26, $0x1F  }
0x428: {  	v12 =	vmov s25;
	s25 =	smov.u32 s26  }
.Ltmp36:
0x429: {  	v14 =	vshll.u32 v12, $0xA;
	v12 =	vshll.u32 v12, $0x7;
	(pc) =	sbr.rel @p0 .LBB2_74-.Ltmp36, $4  }
0x42a: {  	v14 =	vand.u32 $0x6000, v14;
	v12 =	vand.u32 $0x380, v12;
	[tilespmem:v10+s14+$0x0] =	vst.idx.msk $0xffff, v6  }
0x42b: {  	v6 =	vld.idx.msk [tilespmem:v8+s10+$0x0], $0xffff;
	v8 =	vor.u32 v12, v14  }
0x42c: {  	v10 =	vor.u32 v44, v8  }
0x42d: {  	s26 =	sadd.s32 $0x1, s26;
	v8 =	vor.u32 s25, v4  }
0x42e: {  	_ = 	snop  }
0x42f: {  	v4 =	vmov s25  }
0x430: {  	v12 =	vshll.u32 v4, $0xA;
	v4 =	vshll.u32 v4, $0x7  }
0x431: {  	v12 =	vand.u32 $0x6000, v12;
	v4 =	vand.u32 $0x380, v4  }
0x432: {  	[tilespmem:v10+s14+$0x0] =	vst.idx.msk $0xffff, v6;
	v4 =	vor.u32 v4, v12  }
0x433: {  	v6 =	vld.idx.msk [tilespmem:v8+s10+$0x0], $0xffff;
	v4 =	vor.u32 v44, v4;
	_ =	sdelay $0x4  }
0x434: {  	[tilespmem:v4+s14+$0x0] =	vst.idx.msk $0xffff, v6  }
0x435: {  	v4 =	vld [tilespmem:$0x250];
	_ =	sdelay $0x1  }
0x436: {  	v6 =	vld [tilespmem:$0x1FFC0];
	_ =	sdelay $0x2  }
0x437: {  	v4 =	vshll.u32 v4, $0x5  }
0x438: {  	v4 =	vand.u32 $0x60, v4  }
0x439: {  	s31 =	simm.s32 $0x0;
	v4 =	vor.u32 v6, v4  }
0x43a: {  	v6 =	vor.u32 s31, v4  }
0x43b: {  	v8 =	vmov s31  }
0x43c: {  	v10 =	vshll.u32 v8, $0xA;
	v8 =	vshll.u32 v8, $0x7  }
0x43d: {  	v10 =	vand.u32 $0x6000, v10;
	v8 =	vand.u32 $0x380, v8  }
0x43e: {  	v8 =	vor.u32 v8, v10  }
0x43f: {  	s25 =	simm.s32 $0x1;
	v10 =	vor.u32 v45, v8;
	v6 =	vld.idx.msk [tilespmem:v6+s10+$0x0], $0xffff  }
0x440: {  	s26 =	simm.s32 $0x2;
	v8 =	vor.u32 s25, v4  }
.LBB2_76:
0x441: {  	p0 =	sne.s32 s26, $0x1F  }
0x442: {  	v12 =	vmov s25;
	s25 =	smov.u32 s26  }
.Ltmp37:
0x443: {  	v14 =	vshll.u32 v12, $0xA;
	v12 =	vshll.u32 v12, $0x7;
	(pc) =	sbr.rel @p0 .LBB2_76-.Ltmp37, $4  }
0x444: {  	v14 =	vand.u32 $0x6000, v14;
	v12 =	vand.u32 $0x380, v12;
	[tilespmem:v10+s14+$0x0] =	vst.idx.msk $0xffff, v6  }
0x445: {  	v6 =	vld.idx.msk [tilespmem:v8+s10+$0x0], $0xffff;
	v8 =	vor.u32 v12, v14  }
0x446: {  	v10 =	vor.u32 v45, v8  }
0x447: {  	s26 =	sadd.s32 $0x1, s26;
	v8 =	vor.u32 s25, v4  }
0x448: {  	_ = 	snop  }
0x449: {  	v4 =	vmov s25  }
0x44a: {  	v12 =	vshll.u32 v4, $0xA;
	v4 =	vshll.u32 v4, $0x7  }
0x44b: {  	v12 =	vand.u32 $0x6000, v12;
	v4 =	vand.u32 $0x380, v4  }
0x44c: {  	[tilespmem:v10+s14+$0x0] =	vst.idx.msk $0xffff, v6;
	v4 =	vor.u32 v4, v12  }
0x44d: {  	v6 =	vld.idx.msk [tilespmem:v8+s10+$0x0], $0xffff;
	v4 =	vor.u32 v45, v4;
	_ =	sdelay $0x4  }
0x44e: {  	[tilespmem:v4+s14+$0x0] =	vst.idx.msk $0xffff, v6  }
0x44f: {  	v4 =	vld [tilespmem:$0x260];
	_ =	sdelay $0x1  }
0x450: {  	v6 =	vld [tilespmem:$0x1FFD0];
	_ =	sdelay $0x2  }
0x451: {  	v4 =	vshll.u32 v4, $0x5  }
0x452: {  	v4 =	vand.u32 $0x60, v4  }
0x453: {  	s31 =	simm.s32 $0x0;
	v4 =	vor.u32 v6, v4  }
0x454: {  	v6 =	vor.u32 s31, v4  }
0x455: {  	v8 =	vmov s31  }
0x456: {  	v10 =	vshll.u32 v8, $0xA;
	v8 =	vshll.u32 v8, $0x7  }
0x457: {  	v10 =	vand.u32 $0x6000, v10;
	v8 =	vand.u32 $0x380, v8  }
0x458: {  	v8 =	vor.u32 v8, v10  }
0x459: {  	s25 =	simm.s32 $0x1;
	v10 =	vor.u32 v46, v8;
	v6 =	vld.idx.msk [tilespmem:v6+s10+$0x0], $0xffff  }
0x45a: {  	s26 =	simm.s32 $0x2;
	v8 =	vor.u32 s25, v4  }
.LBB2_78:
0x45b: {  	p0 =	sne.s32 s26, $0x1F  }
0x45c: {  	v12 =	vmov s25;
	s25 =	smov.u32 s26  }
.Ltmp38:
0x45d: {  	v14 =	vshll.u32 v12, $0xA;
	v12 =	vshll.u32 v12, $0x7;
	(pc) =	sbr.rel @p0 .LBB2_78-.Ltmp38, $4  }
0x45e: {  	v14 =	vand.u32 $0x6000, v14;
	v12 =	vand.u32 $0x380, v12;
	[tilespmem:v10+s14+$0x0] =	vst.idx.msk $0xffff, v6  }
0x45f: {  	v6 =	vld.idx.msk [tilespmem:v8+s10+$0x0], $0xffff;
	v8 =	vor.u32 v12, v14  }
0x460: {  	v10 =	vor.u32 v46, v8  }
0x461: {  	s26 =	sadd.s32 $0x1, s26;
	v8 =	vor.u32 s25, v4  }
0x462: {  	_ = 	snop  }
0x463: {  	v4 =	vmov s25  }
0x464: {  	v12 =	vshll.u32 v4, $0xA;
	v4 =	vshll.u32 v4, $0x7  }
0x465: {  	v12 =	vand.u32 $0x6000, v12;
	v4 =	vand.u32 $0x380, v4  }
0x466: {  	[tilespmem:v10+s14+$0x0] =	vst.idx.msk $0xffff, v6;
	v4 =	vor.u32 v4, v12  }
0x467: {  	v6 =	vld.idx.msk [tilespmem:v8+s10+$0x0], $0xffff;
	v4 =	vor.u32 v46, v4;
	_ =	sdelay $0x4  }
0x468: {  	[tilespmem:v4+s14+$0x0] =	vst.idx.msk $0xffff, v6  }
0x469: {  	v4 =	vld [tilespmem:$0x270];
	_ =	sdelay $0x1  }
0x46a: {  	v6 =	vld [tilespmem:$0x1FFE0];
	_ =	sdelay $0x2  }
0x46b: {  	v4 =	vshll.u32 v4, $0x5  }
0x46c: {  	v4 =	vand.u32 $0x60, v4  }
0x46d: {  	s31 =	simm.s32 $0x0;
	v4 =	vor.u32 v6, v4  }
0x46e: {  	v6 =	vor.u32 s31, v4  }
0x46f: {  	v8 =	vmov s31  }
0x470: {  	v10 =	vshll.u32 v8, $0xA;
	v8 =	vshll.u32 v8, $0x7  }
0x471: {  	v10 =	vand.u32 $0x6000, v10;
	v8 =	vand.u32 $0x380, v8  }
0x472: {  	v8 =	vor.u32 v8, v10  }
0x473: {  	s25 =	simm.s32 $0x1;
	v10 =	vor.u32 v47, v8;
	v6 =	vld.idx.msk [tilespmem:v6+s10+$0x0], $0xffff  }
0x474: {  	s26 =	simm.s32 $0x2;
	v8 =	vor.u32 s25, v4  }
.LBB2_80:
0x475: {  	p0 =	sne.s32 s26, $0x1F  }
0x476: {  	v12 =	vmov s25;
	s25 =	smov.u32 s26  }
.Ltmp39:
0x477: {  	v14 =	vshll.u32 v12, $0xA;
	v12 =	vshll.u32 v12, $0x7;
	(pc) =	sbr.rel @p0 .LBB2_80-.Ltmp39, $4  }
0x478: {  	v14 =	vand.u32 $0x6000, v14;
	v12 =	vand.u32 $0x380, v12;
	[tilespmem:v10+s14+$0x0] =	vst.idx.msk $0xffff, v6  }
0x479: {  	v6 =	vld.idx.msk [tilespmem:v8+s10+$0x0], $0xffff;
	v8 =	vor.u32 v12, v14  }
0x47a: {  	v10 =	vor.u32 v47, v8  }
0x47b: {  	s26 =	sadd.s32 $0x1, s26;
	v8 =	vor.u32 s25, v4  }
0x47c: {  	_ = 	snop  }
0x47d: {  	v4 =	vmov s25  }
0x47e: {  	v12 =	vshll.u32 v4, $0xA;
	v4 =	vshll.u32 v4, $0x7  }
0x47f: {  	v12 =	vand.u32 $0x6000, v12;
	v4 =	vand.u32 $0x380, v4  }
0x480: {  	[tilespmem:v10+s14+$0x0] =	vst.idx.msk $0xffff, v6;
	v4 =	vor.u32 v4, v12  }
0x481: {  	v6 =	vld.idx.msk [tilespmem:v8+s10+$0x0], $0xffff;
	v4 =	vor.u32 v47, v4;
	_ =	sdelay $0x4  }
0x482: {  	[tilespmem:v4+s14+$0x0] =	vst.idx.msk $0xffff, v6  }
0x483: {  	[tilespmem:s10], [sflag:$0x1] =	stream.indirect.gather [hbm4b:s3+s8], $0x80, s20, s8, $0xb8;
	[tilespmem:$0x10800] =	vst v63  }
0x484: {  	_ =	swait.ge [sflag:s16], $0x4000  }
0x485: {  	[sflag:s16] =	ssyncset.done $0x0  }
0x486: {  	[sflag:s16] =	ssyncadd.s32 $0xFFFFC000  }
0x487: {  	v4 =	vld [tilespmem:$0x280];
	_ =	sdelay $0x4  }
0x488: {  	v4 =	vshll.u32 v4, $0x5  }
0x489: {  	v4 =	vand.u32 $0x60, v4  }
0x48a: {  	s31 =	simm.s32 $0x0;
	v4 =	vor.u32 v1, v4  }
0x48b: {  	v6 =	vor.u32 s31, v4  }
0x48c: {  	v8 =	vmov s31  }
0x48d: {  	v10 =	vshll.u32 v8, $0xA;
	v8 =	vshll.u32 v8, $0x7  }
0x48e: {  	v10 =	vand.u32 $0x6000, v10;
	v8 =	vand.u32 $0x380, v8  }
0x48f: {  	v8 =	vor.u32 v8, v10  }
0x490: {  	s25 =	simm.s32 $0x1;
	v10 =	vor.u32 v48, v8;
	v6 =	vld.idx.msk [tilespmem:v6+s12+$0x0], $0xffff  }
0x491: {  	s26 =	simm.s32 $0x2;
	v8 =	vor.u32 s25, v4  }
.LBB2_82:
0x492: {  	p0 =	sne.s32 s26, $0x1F  }
0x493: {  	v12 =	vmov s25;
	s25 =	smov.u32 s26  }
.Ltmp40:
0x494: {  	v14 =	vshll.u32 v12, $0xA;
	v12 =	vshll.u32 v12, $0x7;
	(pc) =	sbr.rel @p0 .LBB2_82-.Ltmp40, $4  }
0x495: {  	v14 =	vand.u32 $0x6000, v14;
	v12 =	vand.u32 $0x380, v12;
	[tilespmem:v10+s14+$0x0] =	vst.idx.msk $0xffff, v6  }
0x496: {  	v6 =	vld.idx.msk [tilespmem:v8+s12+$0x0], $0xffff;
	v8 =	vor.u32 v12, v14  }
0x497: {  	v10 =	vor.u32 v48, v8  }
0x498: {  	s26 =	sadd.s32 $0x1, s26;
	v8 =	vor.u32 s25, v4  }
0x499: {  	_ = 	snop  }
0x49a: {  	v4 =	vmov s25  }
0x49b: {  	v12 =	vshll.u32 v4, $0xA;
	v4 =	vshll.u32 v4, $0x7  }
0x49c: {  	v12 =	vand.u32 $0x6000, v12;
	v4 =	vand.u32 $0x380, v4  }
0x49d: {  	[tilespmem:v10+s14+$0x0] =	vst.idx.msk $0xffff, v6;
	v4 =	vor.u32 v4, v12  }
0x49e: {  	v6 =	vld.idx.msk [tilespmem:v8+s12+$0x0], $0xffff;
	v4 =	vor.u32 v48, v4;
	_ =	sdelay $0x4  }
0x49f: {  	[tilespmem:v4+s14+$0x0] =	vst.idx.msk $0xffff, v6  }
0x4a0: {  	v4 =	vld [tilespmem:$0x290];
	_ =	sdelay $0x1  }
0x4a1: {  	v6 =	vld [tilespmem:$0x1FF80];
	_ =	sdelay $0x2  }
0x4a2: {  	v4 =	vshll.u32 v4, $0x5  }
0x4a3: {  	v4 =	vand.u32 $0x60, v4  }
0x4a4: {  	s31 =	simm.s32 $0x0;
	v4 =	vor.u32 v6, v4  }
0x4a5: {  	v6 =	vor.u32 s31, v4  }
0x4a6: {  	v8 =	vmov s31  }
0x4a7: {  	v10 =	vshll.u32 v8, $0xA;
	v8 =	vshll.u32 v8, $0x7  }
0x4a8: {  	v10 =	vand.u32 $0x6000, v10;
	v8 =	vand.u32 $0x380, v8  }
0x4a9: {  	v8 =	vor.u32 v8, v10  }
0x4aa: {  	s25 =	simm.s32 $0x1;
	v10 =	vor.u32 v49, v8;
	v6 =	vld.idx.msk [tilespmem:v6+s12+$0x0], $0xffff  }
0x4ab: {  	s26 =	simm.s32 $0x2;
	v8 =	vor.u32 s25, v4  }
.LBB2_84:
0x4ac: {  	p0 =	sne.s32 s26, $0x1F  }
0x4ad: {  	v12 =	vmov s25;
	s25 =	smov.u32 s26  }
.Ltmp41:
0x4ae: {  	v14 =	vshll.u32 v12, $0xA;
	v12 =	vshll.u32 v12, $0x7;
	(pc) =	sbr.rel @p0 .LBB2_84-.Ltmp41, $4  }
0x4af: {  	v14 =	vand.u32 $0x6000, v14;
	v12 =	vand.u32 $0x380, v12;
	[tilespmem:v10+s14+$0x0] =	vst.idx.msk $0xffff, v6  }
0x4b0: {  	v6 =	vld.idx.msk [tilespmem:v8+s12+$0x0], $0xffff;
	v8 =	vor.u32 v12, v14  }
0x4b1: {  	v10 =	vor.u32 v49, v8  }
0x4b2: {  	s26 =	sadd.s32 $0x1, s26;
	v8 =	vor.u32 s25, v4  }
0x4b3: {  	_ = 	snop  }
0x4b4: {  	v4 =	vmov s25  }
0x4b5: {  	v12 =	vshll.u32 v4, $0xA;
	v4 =	vshll.u32 v4, $0x7  }
0x4b6: {  	v12 =	vand.u32 $0x6000, v12;
	v4 =	vand.u32 $0x380, v4  }
0x4b7: {  	[tilespmem:v10+s14+$0x0] =	vst.idx.msk $0xffff, v6;
	v4 =	vor.u32 v4, v12  }
0x4b8: {  	v6 =	vld.idx.msk [tilespmem:v8+s12+$0x0], $0xffff;
	v4 =	vor.u32 v49, v4;
	_ =	sdelay $0x4  }
0x4b9: {  	[tilespmem:v4+s14+$0x0] =	vst.idx.msk $0xffff, v6  }
0x4ba: {  	v4 =	vld [tilespmem:$0x2A0];
	_ =	sdelay $0x1  }
0x4bb: {  	v6 =	vld [tilespmem:$0x1FF90];
	_ =	sdelay $0x2  }
0x4bc: {  	v4 =	vshll.u32 v4, $0x5  }
0x4bd: {  	v4 =	vand.u32 $0x60, v4  }
0x4be: {  	s31 =	simm.s32 $0x0;
	v4 =	vor.u32 v6, v4  }
0x4bf: {  	v6 =	vor.u32 s31, v4  }
0x4c0: {  	v8 =	vmov s31  }
0x4c1: {  	v10 =	vshll.u32 v8, $0xA;
	v8 =	vshll.u32 v8, $0x7  }
0x4c2: {  	v10 =	vand.u32 $0x6000, v10;
	v8 =	vand.u32 $0x380, v8  }
0x4c3: {  	v8 =	vor.u32 v8, v10  }
0x4c4: {  	s25 =	simm.s32 $0x1;
	v10 =	vor.u32 v50, v8;
	v6 =	vld.idx.msk [tilespmem:v6+s12+$0x0], $0xffff  }
0x4c5: {  	s26 =	simm.s32 $0x2;
	v8 =	vor.u32 s25, v4  }
.LBB2_86:
0x4c6: {  	p0 =	sne.s32 s26, $0x1F  }
0x4c7: {  	v12 =	vmov s25;
	s25 =	smov.u32 s26  }
.Ltmp42:
0x4c8: {  	v14 =	vshll.u32 v12, $0xA;
	v12 =	vshll.u32 v12, $0x7;
	(pc) =	sbr.rel @p0 .LBB2_86-.Ltmp42, $4  }
0x4c9: {  	v14 =	vand.u32 $0x6000, v14;
	v12 =	vand.u32 $0x380, v12;
	[tilespmem:v10+s14+$0x0] =	vst.idx.msk $0xffff, v6  }
0x4ca: {  	v6 =	vld.idx.msk [tilespmem:v8+s12+$0x0], $0xffff;
	v8 =	vor.u32 v12, v14  }
0x4cb: {  	v10 =	vor.u32 v50, v8  }
0x4cc: {  	s26 =	sadd.s32 $0x1, s26;
	v8 =	vor.u32 s25, v4  }
0x4cd: {  	_ = 	snop  }
0x4ce: {  	v4 =	vmov s25  }
0x4cf: {  	v12 =	vshll.u32 v4, $0xA;
	v4 =	vshll.u32 v4, $0x7  }
0x4d0: {  	v12 =	vand.u32 $0x6000, v12;
	v4 =	vand.u32 $0x380, v4  }
0x4d1: {  	[tilespmem:v10+s14+$0x0] =	vst.idx.msk $0xffff, v6;
	v4 =	vor.u32 v4, v12  }
0x4d2: {  	v6 =	vld.idx.msk [tilespmem:v8+s12+$0x0], $0xffff;
	v4 =	vor.u32 v50, v4;
	_ =	sdelay $0x4  }
0x4d3: {  	[tilespmem:v4+s14+$0x0] =	vst.idx.msk $0xffff, v6  }
0x4d4: {  	v4 =	vld [tilespmem:$0x2B0];
	_ =	sdelay $0x1  }
0x4d5: {  	v6 =	vld [tilespmem:$0x1FFA0];
	_ =	sdelay $0x2  }
0x4d6: {  	v4 =	vshll.u32 v4, $0x5  }
0x4d7: {  	v4 =	vand.u32 $0x60, v4  }
0x4d8: {  	s31 =	simm.s32 $0x0;
	v4 =	vor.u32 v6, v4  }
0x4d9: {  	v6 =	vor.u32 s31, v4  }
0x4da: {  	v8 =	vmov s31  }
0x4db: {  	v10 =	vshll.u32 v8, $0xA;
	v8 =	vshll.u32 v8, $0x7  }
0x4dc: {  	v10 =	vand.u32 $0x6000, v10;
	v8 =	vand.u32 $0x380, v8  }
0x4dd: {  	v8 =	vor.u32 v8, v10  }
0x4de: {  	s25 =	simm.s32 $0x1;
	v10 =	vor.u32 v51, v8;
	v6 =	vld.idx.msk [tilespmem:v6+s12+$0x0], $0xffff  }
0x4df: {  	s26 =	simm.s32 $0x2;
	v8 =	vor.u32 s25, v4  }
.LBB2_88:
0x4e0: {  	p0 =	sne.s32 s26, $0x1F  }
0x4e1: {  	v12 =	vmov s25;
	s25 =	smov.u32 s26  }
.Ltmp43:
0x4e2: {  	v14 =	vshll.u32 v12, $0xA;
	v12 =	vshll.u32 v12, $0x7;
	(pc) =	sbr.rel @p0 .LBB2_88-.Ltmp43, $4  }
0x4e3: {  	v14 =	vand.u32 $0x6000, v14;
	v12 =	vand.u32 $0x380, v12;
	[tilespmem:v10+s14+$0x0] =	vst.idx.msk $0xffff, v6  }
0x4e4: {  	v6 =	vld.idx.msk [tilespmem:v8+s12+$0x0], $0xffff;
	v8 =	vor.u32 v12, v14  }
0x4e5: {  	v10 =	vor.u32 v51, v8  }
0x4e6: {  	s26 =	sadd.s32 $0x1, s26;
	v8 =	vor.u32 s25, v4  }
0x4e7: {  	_ = 	snop  }
0x4e8: {  	v4 =	vmov s25  }
0x4e9: {  	v12 =	vshll.u32 v4, $0xA;
	v4 =	vshll.u32 v4, $0x7  }
0x4ea: {  	v12 =	vand.u32 $0x6000, v12;
	v4 =	vand.u32 $0x380, v4  }
0x4eb: {  	[tilespmem:v10+s14+$0x0] =	vst.idx.msk $0xffff, v6;
	v4 =	vor.u32 v4, v12  }
0x4ec: {  	v6 =	vld.idx.msk [tilespmem:v8+s12+$0x0], $0xffff;
	v4 =	vor.u32 v51, v4;
	_ =	sdelay $0x4  }
0x4ed: {  	[tilespmem:v4+s14+$0x0] =	vst.idx.msk $0xffff, v6  }
0x4ee: {  	v4 =	vld [tilespmem:$0x2C0];
	_ =	sdelay $0x1  }
0x4ef: {  	v6 =	vld [tilespmem:$0x1FFB0];
	_ =	sdelay $0x2  }
0x4f0: {  	v4 =	vshll.u32 v4, $0x5  }
0x4f1: {  	v4 =	vand.u32 $0x60, v4  }
0x4f2: {  	s31 =	simm.s32 $0x0;
	v4 =	vor.u32 v6, v4  }
0x4f3: {  	v6 =	vor.u32 s31, v4  }
0x4f4: {  	v8 =	vmov s31  }
0x4f5: {  	v10 =	vshll.u32 v8, $0xA;
	v8 =	vshll.u32 v8, $0x7  }
0x4f6: {  	v10 =	vand.u32 $0x6000, v10;
	v8 =	vand.u32 $0x380, v8  }
0x4f7: {  	v8 =	vor.u32 v8, v10  }
0x4f8: {  	s25 =	simm.s32 $0x1;
	v10 =	vor.u32 v52, v8;
	v6 =	vld.idx.msk [tilespmem:v6+s12+$0x0], $0xffff  }
0x4f9: {  	s26 =	simm.s32 $0x2;
	v8 =	vor.u32 s25, v4  }
.LBB2_90:
0x4fa: {  	p0 =	sne.s32 s26, $0x1F  }
0x4fb: {  	v12 =	vmov s25;
	s25 =	smov.u32 s26  }
.Ltmp44:
0x4fc: {  	v14 =	vshll.u32 v12, $0xA;
	v12 =	vshll.u32 v12, $0x7;
	(pc) =	sbr.rel @p0 .LBB2_90-.Ltmp44, $4  }
0x4fd: {  	v14 =	vand.u32 $0x6000, v14;
	v12 =	vand.u32 $0x380, v12;
	[tilespmem:v10+s14+$0x0] =	vst.idx.msk $0xffff, v6  }
0x4fe: {  	v6 =	vld.idx.msk [tilespmem:v8+s12+$0x0], $0xffff;
	v8 =	vor.u32 v12, v14  }
0x4ff: {  	v10 =	vor.u32 v52, v8  }
0x500: {  	s26 =	sadd.s32 $0x1, s26;
	v8 =	vor.u32 s25, v4  }
0x501: {  	_ = 	snop  }
0x502: {  	v4 =	vmov s25  }
0x503: {  	v12 =	vshll.u32 v4, $0xA;
	v4 =	vshll.u32 v4, $0x7  }
0x504: {  	v12 =	vand.u32 $0x6000, v12;
	v4 =	vand.u32 $0x380, v4  }
0x505: {  	[tilespmem:v10+s14+$0x0] =	vst.idx.msk $0xffff, v6;
	v4 =	vor.u32 v4, v12  }
0x506: {  	v6 =	vld.idx.msk [tilespmem:v8+s12+$0x0], $0xffff;
	v4 =	vor.u32 v52, v4;
	_ =	sdelay $0x4  }
0x507: {  	[tilespmem:v4+s14+$0x0] =	vst.idx.msk $0xffff, v6  }
0x508: {  	v4 =	vld [tilespmem:$0x2D0];
	_ =	sdelay $0x1  }
0x509: {  	v6 =	vld [tilespmem:$0x1FFC0];
	_ =	sdelay $0x2  }
0x50a: {  	v4 =	vshll.u32 v4, $0x5  }
0x50b: {  	v4 =	vand.u32 $0x60, v4  }
0x50c: {  	s31 =	simm.s32 $0x0;
	v4 =	vor.u32 v6, v4  }
0x50d: {  	v6 =	vor.u32 s31, v4  }
0x50e: {  	v8 =	vmov s31  }
0x50f: {  	v10 =	vshll.u32 v8, $0xA;
	v8 =	vshll.u32 v8, $0x7  }
0x510: {  	v10 =	vand.u32 $0x6000, v10;
	v8 =	vand.u32 $0x380, v8  }
0x511: {  	v8 =	vor.u32 v8, v10  }
0x512: {  	s25 =	simm.s32 $0x1;
	v10 =	vor.u32 v53, v8;
	v6 =	vld.idx.msk [tilespmem:v6+s12+$0x0], $0xffff  }
0x513: {  	s26 =	simm.s32 $0x2;
	v8 =	vor.u32 s25, v4  }
.LBB2_92:
0x514: {  	p0 =	sne.s32 s26, $0x1F  }
0x515: {  	v12 =	vmov s25;
	s25 =	smov.u32 s26  }
.Ltmp45:
0x516: {  	v14 =	vshll.u32 v12, $0xA;
	v12 =	vshll.u32 v12, $0x7;
	(pc) =	sbr.rel @p0 .LBB2_92-.Ltmp45, $4  }
0x517: {  	v14 =	vand.u32 $0x6000, v14;
	v12 =	vand.u32 $0x380, v12;
	[tilespmem:v10+s14+$0x0] =	vst.idx.msk $0xffff, v6  }
0x518: {  	v6 =	vld.idx.msk [tilespmem:v8+s12+$0x0], $0xffff;
	v8 =	vor.u32 v12, v14  }
0x519: {  	v10 =	vor.u32 v53, v8  }
0x51a: {  	s26 =	sadd.s32 $0x1, s26;
	v8 =	vor.u32 s25, v4  }
0x51b: {  	_ = 	snop  }
0x51c: {  	v4 =	vmov s25  }
0x51d: {  	v12 =	vshll.u32 v4, $0xA;
	v4 =	vshll.u32 v4, $0x7  }
0x51e: {  	v12 =	vand.u32 $0x6000, v12;
	v4 =	vand.u32 $0x380, v4  }
0x51f: {  	[tilespmem:v10+s14+$0x0] =	vst.idx.msk $0xffff, v6;
	v4 =	vor.u32 v4, v12  }
0x520: {  	v6 =	vld.idx.msk [tilespmem:v8+s12+$0x0], $0xffff;
	v4 =	vor.u32 v53, v4;
	_ =	sdelay $0x4  }
0x521: {  	[tilespmem:v4+s14+$0x0] =	vst.idx.msk $0xffff, v6  }
0x522: {  	v4 =	vld [tilespmem:$0x2E0];
	_ =	sdelay $0x1  }
0x523: {  	v6 =	vld [tilespmem:$0x1FFD0];
	_ =	sdelay $0x2  }
0x524: {  	v4 =	vshll.u32 v4, $0x5  }
0x525: {  	v4 =	vand.u32 $0x60, v4  }
0x526: {  	s31 =	simm.s32 $0x0;
	v4 =	vor.u32 v6, v4  }
0x527: {  	v6 =	vor.u32 s31, v4  }
0x528: {  	v8 =	vmov s31  }
0x529: {  	v10 =	vshll.u32 v8, $0xA;
	v8 =	vshll.u32 v8, $0x7  }
0x52a: {  	v10 =	vand.u32 $0x6000, v10;
	v8 =	vand.u32 $0x380, v8  }
0x52b: {  	v8 =	vor.u32 v8, v10  }
0x52c: {  	s25 =	simm.s32 $0x1;
	v10 =	vor.u32 v54, v8;
	v6 =	vld.idx.msk [tilespmem:v6+s12+$0x0], $0xffff  }
0x52d: {  	s26 =	simm.s32 $0x2;
	v8 =	vor.u32 s25, v4  }
.LBB2_94:
0x52e: {  	p0 =	sne.s32 s26, $0x1F  }
0x52f: {  	v12 =	vmov s25;
	s25 =	smov.u32 s26  }
.Ltmp46:
0x530: {  	v14 =	vshll.u32 v12, $0xA;
	v12 =	vshll.u32 v12, $0x7;
	(pc) =	sbr.rel @p0 .LBB2_94-.Ltmp46, $4  }
0x531: {  	v14 =	vand.u32 $0x6000, v14;
	v12 =	vand.u32 $0x380, v12;
	[tilespmem:v10+s14+$0x0] =	vst.idx.msk $0xffff, v6  }
0x532: {  	v6 =	vld.idx.msk [tilespmem:v8+s12+$0x0], $0xffff;
	v8 =	vor.u32 v12, v14  }
0x533: {  	v10 =	vor.u32 v54, v8  }
0x534: {  	s26 =	sadd.s32 $0x1, s26;
	v8 =	vor.u32 s25, v4  }
0x535: {  	_ = 	snop  }
0x536: {  	v4 =	vmov s25  }
0x537: {  	v12 =	vshll.u32 v4, $0xA;
	v4 =	vshll.u32 v4, $0x7  }
0x538: {  	v12 =	vand.u32 $0x6000, v12;
	v4 =	vand.u32 $0x380, v4  }
0x539: {  	[tilespmem:v10+s14+$0x0] =	vst.idx.msk $0xffff, v6;
	v4 =	vor.u32 v4, v12  }
0x53a: {  	v6 =	vld.idx.msk [tilespmem:v8+s12+$0x0], $0xffff;
	v4 =	vor.u32 v54, v4;
	_ =	sdelay $0x4  }
0x53b: {  	[tilespmem:v4+s14+$0x0] =	vst.idx.msk $0xffff, v6  }
0x53c: {  	v4 =	vld [tilespmem:$0x2F0];
	_ =	sdelay $0x1  }
0x53d: {  	v6 =	vld [tilespmem:$0x1FFE0];
	_ =	sdelay $0x2  }
0x53e: {  	v4 =	vshll.u32 v4, $0x5  }
0x53f: {  	v4 =	vand.u32 $0x60, v4  }
0x540: {  	s31 =	simm.s32 $0x0;
	v4 =	vor.u32 v6, v4  }
0x541: {  	v6 =	vor.u32 s31, v4  }
0x542: {  	v8 =	vmov s31  }
0x543: {  	v10 =	vshll.u32 v8, $0xA;
	v8 =	vshll.u32 v8, $0x7  }
0x544: {  	v10 =	vand.u32 $0x6000, v10;
	v8 =	vand.u32 $0x380, v8  }
0x545: {  	v8 =	vor.u32 v8, v10  }
0x546: {  	s25 =	simm.s32 $0x1;
	v10 =	vor.u32 v55, v8;
	v6 =	vld.idx.msk [tilespmem:v6+s12+$0x0], $0xffff  }
0x547: {  	s26 =	simm.s32 $0x2;
	v8 =	vor.u32 s25, v4  }
.LBB2_96:
0x548: {  	p0 =	sne.s32 s26, $0x1F  }
0x549: {  	v12 =	vmov s25;
	s25 =	smov.u32 s26  }
.Ltmp47:
0x54a: {  	v14 =	vshll.u32 v12, $0xA;
	v12 =	vshll.u32 v12, $0x7;
	(pc) =	sbr.rel @p0 .LBB2_96-.Ltmp47, $4  }
0x54b: {  	v14 =	vand.u32 $0x6000, v14;
	v12 =	vand.u32 $0x380, v12;
	[tilespmem:v10+s14+$0x0] =	vst.idx.msk $0xffff, v6  }
0x54c: {  	v6 =	vld.idx.msk [tilespmem:v8+s12+$0x0], $0xffff;
	v8 =	vor.u32 v12, v14  }
0x54d: {  	v10 =	vor.u32 v55, v8  }
0x54e: {  	s26 =	sadd.s32 $0x1, s26;
	v8 =	vor.u32 s25, v4  }
0x54f: {  	_ = 	snop  }
0x550: {  	v4 =	vmov s25  }
0x551: {  	v12 =	vshll.u32 v4, $0xA;
	v4 =	vshll.u32 v4, $0x7  }
0x552: {  	v12 =	vand.u32 $0x6000, v12;
	v4 =	vand.u32 $0x380, v4  }
0x553: {  	[tilespmem:v10+s14+$0x0] =	vst.idx.msk $0xffff, v6;
	v4 =	vor.u32 v4, v12  }
0x554: {  	v6 =	vld.idx.msk [tilespmem:v8+s12+$0x0], $0xffff;
	v4 =	vor.u32 v55, v4;
	_ =	sdelay $0x4  }
0x555: {  	[tilespmem:v4+s14+$0x0] =	vst.idx.msk $0xffff, v6  }
0x556: {  	[tilespmem:s12], [sflag:$0x2] =	stream.indirect.gather [hbm4b:s3+s8], $0x80, s21, s8, $0xb8;
	[tilespmem:$0x10800] =	vst v63  }
0x557: {  	_ =	swait.ge [sflag:s13], $0x4000  }
0x558: {  	[sflag:s13] =	ssyncset.done $0x0  }
0x559: {  	[sflag:s13] =	ssyncadd.s32 $0xFFFFC000  }
0x55a: {  	v4 =	vld [tilespmem:$0x300];
	_ =	sdelay $0x4  }
0x55b: {  	v4 =	vshll.u32 v4, $0x5  }
0x55c: {  	v4 =	vand.u32 $0x60, v4  }
0x55d: {  	s31 =	simm.s32 $0x0;
	v4 =	vor.u32 v1, v4  }
0x55e: {  	v6 =	vor.u32 s31, v4  }
0x55f: {  	v8 =	vmov s31  }
0x560: {  	v10 =	vshll.u32 v8, $0xA;
	v8 =	vshll.u32 v8, $0x7  }
0x561: {  	v10 =	vand.u32 $0x6000, v10;
	v8 =	vand.u32 $0x380, v8  }
0x562: {  	v8 =	vor.u32 v8, v10  }
0x563: {  	s25 =	simm.s32 $0x1;
	v10 =	vor.u32 v56, v8;
	v6 =	vld.idx.msk [tilespmem:v6+s10+$0x0], $0xffff  }
0x564: {  	s26 =	simm.s32 $0x2;
	v8 =	vor.u32 s25, v4  }
.LBB2_98:
0x565: {  	p0 =	sne.s32 s26, $0x1F  }
0x566: {  	v12 =	vmov s25;
	s25 =	smov.u32 s26  }
.Ltmp48:
0x567: {  	v14 =	vshll.u32 v12, $0xA;
	v12 =	vshll.u32 v12, $0x7;
	(pc) =	sbr.rel @p0 .LBB2_98-.Ltmp48, $4  }
0x568: {  	v14 =	vand.u32 $0x6000, v14;
	v12 =	vand.u32 $0x380, v12;
	[tilespmem:v10+s14+$0x0] =	vst.idx.msk $0xffff, v6  }
0x569: {  	v6 =	vld.idx.msk [tilespmem:v8+s10+$0x0], $0xffff;
	v8 =	vor.u32 v12, v14  }
0x56a: {  	v10 =	vor.u32 v56, v8  }
0x56b: {  	s26 =	sadd.s32 $0x1, s26;
	v8 =	vor.u32 s25, v4  }
0x56c: {  	_ = 	snop  }
0x56d: {  	v4 =	vmov s25  }
0x56e: {  	v12 =	vshll.u32 v4, $0xA;
	v4 =	vshll.u32 v4, $0x7  }
0x56f: {  	v12 =	vand.u32 $0x6000, v12;
	v4 =	vand.u32 $0x380, v4  }
0x570: {  	[tilespmem:v10+s14+$0x0] =	vst.idx.msk $0xffff, v6;
	v4 =	vor.u32 v4, v12  }
0x571: {  	v6 =	vld.idx.msk [tilespmem:v8+s10+$0x0], $0xffff;
	v4 =	vor.u32 v56, v4;
	_ =	sdelay $0x4  }
0x572: {  	[tilespmem:v4+s14+$0x0] =	vst.idx.msk $0xffff, v6  }
0x573: {  	v4 =	vld [tilespmem:$0x310];
	_ =	sdelay $0x1  }
0x574: {  	v6 =	vld [tilespmem:$0x1FF80];
	_ =	sdelay $0x2  }
0x575: {  	v4 =	vshll.u32 v4, $0x5  }
0x576: {  	v4 =	vand.u32 $0x60, v4  }
0x577: {  	s31 =	simm.s32 $0x0;
	v4 =	vor.u32 v6, v4  }
0x578: {  	v6 =	vor.u32 s31, v4  }
0x579: {  	v8 =	vmov s31  }
0x57a: {  	v10 =	vshll.u32 v8, $0xA;
	v8 =	vshll.u32 v8, $0x7  }
0x57b: {  	v10 =	vand.u32 $0x6000, v10;
	v8 =	vand.u32 $0x380, v8  }
0x57c: {  	v8 =	vor.u32 v8, v10  }
0x57d: {  	s25 =	simm.s32 $0x1;
	v10 =	vor.u32 v57, v8;
	v6 =	vld.idx.msk [tilespmem:v6+s10+$0x0], $0xffff  }
0x57e: {  	s26 =	simm.s32 $0x2;
	v8 =	vor.u32 s25, v4  }
.LBB2_100:
0x57f: {  	p0 =	sne.s32 s26, $0x1F  }
0x580: {  	v12 =	vmov s25;
	s25 =	smov.u32 s26  }
.Ltmp49:
0x581: {  	v14 =	vshll.u32 v12, $0xA;
	v12 =	vshll.u32 v12, $0x7;
	(pc) =	sbr.rel @p0 .LBB2_100-.Ltmp49, $4  }
0x582: {  	v14 =	vand.u32 $0x6000, v14;
	v12 =	vand.u32 $0x380, v12;
	[tilespmem:v10+s14+$0x0] =	vst.idx.msk $0xffff, v6  }
0x583: {  	v6 =	vld.idx.msk [tilespmem:v8+s10+$0x0], $0xffff;
	v8 =	vor.u32 v12, v14  }
0x584: {  	v10 =	vor.u32 v57, v8  }
0x585: {  	s26 =	sadd.s32 $0x1, s26;
	v8 =	vor.u32 s25, v4  }
0x586: {  	_ = 	snop  }
0x587: {  	v4 =	vmov s25  }
0x588: {  	v12 =	vshll.u32 v4, $0xA;
	v4 =	vshll.u32 v4, $0x7  }
0x589: {  	v12 =	vand.u32 $0x6000, v12;
	v4 =	vand.u32 $0x380, v4  }
0x58a: {  	[tilespmem:v10+s14+$0x0] =	vst.idx.msk $0xffff, v6;
	v4 =	vor.u32 v4, v12  }
0x58b: {  	v6 =	vld.idx.msk [tilespmem:v8+s10+$0x0], $0xffff;
	v4 =	vor.u32 v57, v4;
	_ =	sdelay $0x4  }
0x58c: {  	[tilespmem:v4+s14+$0x0] =	vst.idx.msk $0xffff, v6  }
0x58d: {  	v4 =	vld [tilespmem:$0x320];
	_ =	sdelay $0x1  }
0x58e: {  	v6 =	vld [tilespmem:$0x1FF90];
	_ =	sdelay $0x2  }
0x58f: {  	v4 =	vshll.u32 v4, $0x5  }
0x590: {  	v4 =	vand.u32 $0x60, v4  }
0x591: {  	s31 =	simm.s32 $0x0;
	v4 =	vor.u32 v6, v4  }
0x592: {  	v6 =	vor.u32 s31, v4  }
0x593: {  	v8 =	vmov s31  }
0x594: {  	v10 =	vshll.u32 v8, $0xA;
	v8 =	vshll.u32 v8, $0x7  }
0x595: {  	v10 =	vand.u32 $0x6000, v10;
	v8 =	vand.u32 $0x380, v8  }
0x596: {  	v8 =	vor.u32 v8, v10  }
0x597: {  	s25 =	simm.s32 $0x1;
	v10 =	vor.u32 v58, v8;
	v6 =	vld.idx.msk [tilespmem:v6+s10+$0x0], $0xffff  }
0x598: {  	s26 =	simm.s32 $0x2;
	v8 =	vor.u32 s25, v4  }
.LBB2_102:
0x599: {  	p0 =	sne.s32 s26, $0x1F  }
0x59a: {  	v12 =	vmov s25;
	s25 =	smov.u32 s26  }
.Ltmp50:
0x59b: {  	v14 =	vshll.u32 v12, $0xA;
	v12 =	vshll.u32 v12, $0x7;
	(pc) =	sbr.rel @p0 .LBB2_102-.Ltmp50, $4  }
0x59c: {  	v14 =	vand.u32 $0x6000, v14;
	v12 =	vand.u32 $0x380, v12;
	[tilespmem:v10+s14+$0x0] =	vst.idx.msk $0xffff, v6  }
0x59d: {  	v6 =	vld.idx.msk [tilespmem:v8+s10+$0x0], $0xffff;
	v8 =	vor.u32 v12, v14  }
0x59e: {  	v10 =	vor.u32 v58, v8  }
0x59f: {  	s26 =	sadd.s32 $0x1, s26;
	v8 =	vor.u32 s25, v4  }
0x5a0: {  	_ = 	snop  }
0x5a1: {  	v4 =	vmov s25  }
0x5a2: {  	v12 =	vshll.u32 v4, $0xA;
	v4 =	vshll.u32 v4, $0x7  }
0x5a3: {  	v12 =	vand.u32 $0x6000, v12;
	v4 =	vand.u32 $0x380, v4  }
0x5a4: {  	[tilespmem:v10+s14+$0x0] =	vst.idx.msk $0xffff, v6;
	v4 =	vor.u32 v4, v12  }
0x5a5: {  	v6 =	vld.idx.msk [tilespmem:v8+s10+$0x0], $0xffff;
	v4 =	vor.u32 v58, v4;
	_ =	sdelay $0x4  }
0x5a6: {  	[tilespmem:v4+s14+$0x0] =	vst.idx.msk $0xffff, v6  }
0x5a7: {  	v4 =	vld [tilespmem:$0x330];
	_ =	sdelay $0x1  }
0x5a8: {  	v6 =	vld [tilespmem:$0x1FFA0];
	_ =	sdelay $0x2  }
0x5a9: {  	v4 =	vshll.u32 v4, $0x5  }
0x5aa: {  	v4 =	vand.u32 $0x60, v4  }
0x5ab: {  	s31 =	simm.s32 $0x0;
	v4 =	vor.u32 v6, v4  }
0x5ac: {  	v6 =	vor.u32 s31, v4  }
0x5ad: {  	v8 =	vmov s31  }
0x5ae: {  	v10 =	vshll.u32 v8, $0xA;
	v8 =	vshll.u32 v8, $0x7  }
0x5af: {  	v10 =	vand.u32 $0x6000, v10;
	v8 =	vand.u32 $0x380, v8  }
0x5b0: {  	v8 =	vor.u32 v8, v10  }
0x5b1: {  	s25 =	simm.s32 $0x1;
	v10 =	vor.u32 v59, v8;
	v6 =	vld.idx.msk [tilespmem:v6+s10+$0x0], $0xffff  }
0x5b2: {  	s26 =	simm.s32 $0x2;
	v8 =	vor.u32 s25, v4  }
.LBB2_104:
0x5b3: {  	p0 =	sne.s32 s26, $0x1F  }
0x5b4: {  	v12 =	vmov s25;
	s25 =	smov.u32 s26  }
.Ltmp51:
0x5b5: {  	v14 =	vshll.u32 v12, $0xA;
	v12 =	vshll.u32 v12, $0x7;
	(pc) =	sbr.rel @p0 .LBB2_104-.Ltmp51, $4  }
0x5b6: {  	v14 =	vand.u32 $0x6000, v14;
	v12 =	vand.u32 $0x380, v12;
	[tilespmem:v10+s14+$0x0] =	vst.idx.msk $0xffff, v6  }
0x5b7: {  	v6 =	vld.idx.msk [tilespmem:v8+s10+$0x0], $0xffff;
	v8 =	vor.u32 v12, v14  }
0x5b8: {  	v10 =	vor.u32 v59, v8  }
0x5b9: {  	s26 =	sadd.s32 $0x1, s26;
	v8 =	vor.u32 s25, v4  }
0x5ba: {  	_ = 	snop  }
0x5bb: {  	v4 =	vmov s25  }
0x5bc: {  	v12 =	vshll.u32 v4, $0xA;
	v4 =	vshll.u32 v4, $0x7  }
0x5bd: {  	v12 =	vand.u32 $0x6000, v12;
	v4 =	vand.u32 $0x380, v4  }
0x5be: {  	[tilespmem:v10+s14+$0x0] =	vst.idx.msk $0xffff, v6;
	v4 =	vor.u32 v4, v12  }
0x5bf: {  	v6 =	vld.idx.msk [tilespmem:v8+s10+$0x0], $0xffff;
	v4 =	vor.u32 v59, v4;
	_ =	sdelay $0x4  }
0x5c0: {  	[tilespmem:v4+s14+$0x0] =	vst.idx.msk $0xffff, v6  }
0x5c1: {  	v4 =	vld [tilespmem:$0x340];
	_ =	sdelay $0x1  }
0x5c2: {  	v6 =	vld [tilespmem:$0x1FFB0];
	_ =	sdelay $0x2  }
0x5c3: {  	v4 =	vshll.u32 v4, $0x5  }
0x5c4: {  	v4 =	vand.u32 $0x60, v4  }
0x5c5: {  	s31 =	simm.s32 $0x0;
	v4 =	vor.u32 v6, v4  }
0x5c6: {  	v6 =	vor.u32 s31, v4  }
0x5c7: {  	v8 =	vmov s31  }
0x5c8: {  	v10 =	vshll.u32 v8, $0xA;
	v8 =	vshll.u32 v8, $0x7  }
0x5c9: {  	v10 =	vand.u32 $0x6000, v10;
	v8 =	vand.u32 $0x380, v8  }
0x5ca: {  	v8 =	vor.u32 v8, v10  }
0x5cb: {  	s25 =	simm.s32 $0x1;
	v10 =	vor.u32 v60, v8;
	v6 =	vld.idx.msk [tilespmem:v6+s10+$0x0], $0xffff  }
0x5cc: {  	s26 =	simm.s32 $0x2;
	v8 =	vor.u32 s25, v4  }
.LBB2_106:
0x5cd: {  	p0 =	sne.s32 s26, $0x1F  }
0x5ce: {  	v12 =	vmov s25;
	s25 =	smov.u32 s26  }
.Ltmp52:
0x5cf: {  	v14 =	vshll.u32 v12, $0xA;
	v12 =	vshll.u32 v12, $0x7;
	(pc) =	sbr.rel @p0 .LBB2_106-.Ltmp52, $4  }
0x5d0: {  	v14 =	vand.u32 $0x6000, v14;
	v12 =	vand.u32 $0x380, v12;
	[tilespmem:v10+s14+$0x0] =	vst.idx.msk $0xffff, v6  }
0x5d1: {  	v6 =	vld.idx.msk [tilespmem:v8+s10+$0x0], $0xffff;
	v8 =	vor.u32 v12, v14  }
0x5d2: {  	v10 =	vor.u32 v60, v8  }
0x5d3: {  	s26 =	sadd.s32 $0x1, s26;
	v8 =	vor.u32 s25, v4  }
0x5d4: {  	_ = 	snop  }
0x5d5: {  	v4 =	vmov s25  }
0x5d6: {  	v12 =	vshll.u32 v4, $0xA;
	v4 =	vshll.u32 v4, $0x7  }
0x5d7: {  	v12 =	vand.u32 $0x6000, v12;
	v4 =	vand.u32 $0x380, v4  }
0x5d8: {  	[tilespmem:v10+s14+$0x0] =	vst.idx.msk $0xffff, v6;
	v4 =	vor.u32 v4, v12  }
0x5d9: {  	v6 =	vld.idx.msk [tilespmem:v8+s10+$0x0], $0xffff;
	v4 =	vor.u32 v60, v4;
	_ =	sdelay $0x4  }
0x5da: {  	[tilespmem:v4+s14+$0x0] =	vst.idx.msk $0xffff, v6  }
0x5db: {  	v4 =	vld [tilespmem:$0x350];
	_ =	sdelay $0x1  }
0x5dc: {  	v6 =	vld [tilespmem:$0x1FFC0];
	_ =	sdelay $0x2  }
0x5dd: {  	v4 =	vshll.u32 v4, $0x5  }
0x5de: {  	v4 =	vand.u32 $0x60, v4  }
0x5df: {  	s31 =	simm.s32 $0x0;
	v4 =	vor.u32 v6, v4  }
0x5e0: {  	v6 =	vor.u32 s31, v4  }
0x5e1: {  	v8 =	vmov s31  }
0x5e2: {  	v10 =	vshll.u32 v8, $0xA;
	v8 =	vshll.u32 v8, $0x7  }
0x5e3: {  	v10 =	vand.u32 $0x6000, v10;
	v8 =	vand.u32 $0x380, v8  }
0x5e4: {  	v8 =	vor.u32 v8, v10  }
0x5e5: {  	s25 =	simm.s32 $0x1;
	v10 =	vor.u32 v61, v8;
	v6 =	vld.idx.msk [tilespmem:v6+s10+$0x0], $0xffff  }
0x5e6: {  	s26 =	simm.s32 $0x2;
	v8 =	vor.u32 s25, v4  }
.LBB2_108:
0x5e7: {  	p0 =	sne.s32 s26, $0x1F  }
0x5e8: {  	v12 =	vmov s25;
	s25 =	smov.u32 s26  }
.Ltmp53:
0x5e9: {  	v14 =	vshll.u32 v12, $0xA;
	v12 =	vshll.u32 v12, $0x7;
	(pc) =	sbr.rel @p0 .LBB2_108-.Ltmp53, $4  }
0x5ea: {  	v14 =	vand.u32 $0x6000, v14;
	v12 =	vand.u32 $0x380, v12;
	[tilespmem:v10+s14+$0x0] =	vst.idx.msk $0xffff, v6  }
0x5eb: {  	v6 =	vld.idx.msk [tilespmem:v8+s10+$0x0], $0xffff;
	v8 =	vor.u32 v12, v14  }
0x5ec: {  	v10 =	vor.u32 v61, v8  }
0x5ed: {  	s26 =	sadd.s32 $0x1, s26;
	v8 =	vor.u32 s25, v4  }
0x5ee: {  	_ = 	snop  }
0x5ef: {  	v4 =	vmov s25  }
0x5f0: {  	v12 =	vshll.u32 v4, $0xA;
	v4 =	vshll.u32 v4, $0x7  }
0x5f1: {  	v12 =	vand.u32 $0x6000, v12;
	v4 =	vand.u32 $0x380, v4  }
0x5f2: {  	[tilespmem:v10+s14+$0x0] =	vst.idx.msk $0xffff, v6;
	v4 =	vor.u32 v4, v12  }
0x5f3: {  	v6 =	vld.idx.msk [tilespmem:v8+s10+$0x0], $0xffff;
	v4 =	vor.u32 v61, v4;
	_ =	sdelay $0x4  }
0x5f4: {  	[tilespmem:v4+s14+$0x0] =	vst.idx.msk $0xffff, v6  }
0x5f5: {  	v4 =	vld [tilespmem:$0x360];
	_ =	sdelay $0x1  }
0x5f6: {  	v6 =	vld [tilespmem:$0x1FFD0];
	_ =	sdelay $0x2  }
0x5f7: {  	v4 =	vshll.u32 v4, $0x5  }
0x5f8: {  	v4 =	vand.u32 $0x60, v4  }
0x5f9: {  	s31 =	simm.s32 $0x0;
	v4 =	vor.u32 v6, v4  }
0x5fa: {  	v6 =	vor.u32 s31, v4  }
0x5fb: {  	v8 =	vmov s31  }
0x5fc: {  	v10 =	vshll.u32 v8, $0xA;
	v8 =	vshll.u32 v8, $0x7  }
0x5fd: {  	v10 =	vand.u32 $0x6000, v10;
	v8 =	vand.u32 $0x380, v8  }
0x5fe: {  	v8 =	vor.u32 v8, v10  }
0x5ff: {  	s25 =	simm.s32 $0x1;
	v10 =	vor.u32 v62, v8;
	v6 =	vld.idx.msk [tilespmem:v6+s10+$0x0], $0xffff  }
0x600: {  	s26 =	simm.s32 $0x2;
	v8 =	vor.u32 s25, v4  }
.LBB2_110:
0x601: {  	p0 =	sne.s32 s26, $0x1F  }
0x602: {  	v12 =	vmov s25;
	s25 =	smov.u32 s26  }
.Ltmp54:
0x603: {  	v14 =	vshll.u32 v12, $0xA;
	v12 =	vshll.u32 v12, $0x7;
	(pc) =	sbr.rel @p0 .LBB2_110-.Ltmp54, $4  }
0x604: {  	v14 =	vand.u32 $0x6000, v14;
	v12 =	vand.u32 $0x380, v12;
	[tilespmem:v10+s14+$0x0] =	vst.idx.msk $0xffff, v6  }
0x605: {  	v6 =	vld.idx.msk [tilespmem:v8+s10+$0x0], $0xffff;
	v8 =	vor.u32 v12, v14  }
0x606: {  	v10 =	vor.u32 v62, v8  }
0x607: {  	s26 =	sadd.s32 $0x1, s26;
	v8 =	vor.u32 s25, v4  }
0x608: {  	_ = 	snop  }
0x609: {  	v4 =	vmov s25  }
0x60a: {  	v12 =	vshll.u32 v4, $0xA;
	v4 =	vshll.u32 v4, $0x7  }
0x60b: {  	v12 =	vand.u32 $0x6000, v12;
	v4 =	vand.u32 $0x380, v4  }
0x60c: {  	[tilespmem:v10+s14+$0x0] =	vst.idx.msk $0xffff, v6;
	v4 =	vor.u32 v4, v12  }
0x60d: {  	v6 =	vld.idx.msk [tilespmem:v8+s10+$0x0], $0xffff;
	v4 =	vor.u32 v62, v4;
	_ =	sdelay $0x4  }
0x60e: {  	[tilespmem:v4+s14+$0x0] =	vst.idx.msk $0xffff, v6  }
0x60f: {  	v4 =	vld [tilespmem:$0x370];
	_ =	sdelay $0x1  }
0x610: {  	v6 =	vld [tilespmem:$0x1FFE0];
	_ =	sdelay $0x2  }
0x611: {  	v4 =	vshll.u32 v4, $0x5  }
0x612: {  	v4 =	vand.u32 $0x60, v4  }
0x613: {  	s31 =	simm.s32 $0x0;
	v4 =	vor.u32 v6, v4  }
0x614: {  	v6 =	vor.u32 s31, v4  }
0x615: {  	v8 =	vmov s31  }
0x616: {  	v10 =	vshll.u32 v8, $0xA;
	v8 =	vshll.u32 v8, $0x7  }
0x617: {  	v10 =	vand.u32 $0x6000, v10;
	v8 =	vand.u32 $0x380, v8  }
0x618: {  	v8 =	vor.u32 v8, v10  }
0x619: {  	s25 =	simm.s32 $0x1;
	v10 =	vor.u32 v63, v8;
	v6 =	vld.idx.msk [tilespmem:v6+s10+$0x0], $0xffff  }
0x61a: {  	s26 =	simm.s32 $0x2;
	v8 =	vor.u32 s25, v4  }
.LBB2_112:
0x61b: {  	p0 =	sne.s32 s26, $0x1F  }
0x61c: {  	v12 =	vmov s25;
	s25 =	smov.u32 s26  }
.Ltmp55:
0x61d: {  	v14 =	vshll.u32 v12, $0xA;
	v12 =	vshll.u32 v12, $0x7;
	(pc) =	sbr.rel @p0 .LBB2_112-.Ltmp55, $4  }
0x61e: {  	v14 =	vand.u32 $0x6000, v14;
	v12 =	vand.u32 $0x380, v12;
	[tilespmem:v10+s14+$0x0] =	vst.idx.msk $0xffff, v6  }
0x61f: {  	v6 =	vld.idx.msk [tilespmem:v8+s10+$0x0], $0xffff;
	v8 =	vor.u32 v12, v14  }
0x620: {  	v10 =	vor.u32 v63, v8  }
0x621: {  	s26 =	sadd.s32 $0x1, s26;
	v8 =	vor.u32 s25, v4  }
0x622: {  	_ = 	snop  }
0x623: {  	v4 =	vmov s25  }
0x624: {  	v12 =	vshll.u32 v4, $0xA;
	v4 =	vshll.u32 v4, $0x7  }
0x625: {  	v12 =	vand.u32 $0x6000, v12;
	v4 =	vand.u32 $0x380, v4  }
0x626: {  	[tilespmem:v10+s14+$0x0] =	vst.idx.msk $0xffff, v6;
	v4 =	vor.u32 v4, v12  }
0x627: {  	v6 =	vld.idx.msk [tilespmem:v8+s10+$0x0], $0xffff;
	v4 =	vor.u32 v63, v4;
	_ =	sdelay $0x4  }
0x628: {  	[tilespmem:v4+s14+$0x0] =	vst.idx.msk $0xffff, v6  }
0x629: {  	_ =	swait.ge [sflag:s16], $0x4000  }
0x62a: {  	[sflag:s16] =	ssyncset.done $0x0  }
0x62b: {  	[sflag:s16] =	ssyncadd.s32 $0xFFFFC000  }
0x62c: {  	v4 =	vld [tilespmem:$0x380];
	_ =	sdelay $0x4  }
0x62d: {  	v4 =	vshll.u32 v4, $0x5  }
0x62e: {  	v4 =	vand.u32 $0x60, v4  }
0x62f: {  	s31 =	simm.s32 $0x0;
	v4 =	vor.u32 v1, v4  }
0x630: {  	v6 =	vor.u32 s31, v4  }
0x631: {  	v8 =	vmov s31  }
0x632: {  	v10 =	vshll.u32 v8, $0x7  }
0x633: {  	v8 =	vshll.u32 v8, $0xA;
	v10 =	vand.u32 $0x380, v10  }
0x634: {  	v8 =	vor.u32 v10, v8  }
0x635: {  	s25 =	simm.s32 $0x1;
	v10 =	vor.u32 v2, v8;
	v6 =	vld.idx.msk [tilespmem:v6+s12+$0x0], $0xffff  }
0x636: {  	s26 =	simm.s32 $0x2;
	v8 =	vor.u32 s25, v4  }
.LBB2_114:
0x637: {  	p0 =	sne.s32 s26, $0x1F  }
0x638: {  	v12 =	vmov s25;
	s25 =	smov.u32 s26  }
.Ltmp56:
0x639: {  	v14 =	vshll.u32 v12, $0x7;
	(pc) =	sbr.rel @p0 .LBB2_114-.Ltmp56, $4  }
0x63a: {  	v12 =	vshll.u32 v12, $0xA;
	v14 =	vand.u32 $0x380, v14;
	[tilespmem:v10+s14+$0x0] =	vst.idx.msk $0xffff, v6  }
0x63b: {  	v6 =	vld.idx.msk [tilespmem:v8+s12+$0x0], $0xffff;
	v8 =	vor.u32 v14, v12  }
0x63c: {  	v10 =	vor.u32 v2, v8  }
0x63d: {  	s26 =	sadd.s32 $0x1, s26;
	v8 =	vor.u32 s25, v4  }
0x63e: {  	_ = 	snop  }
0x63f: {  	v4 =	vmov s25  }
0x640: {  	v12 =	vshll.u32 v4, $0x7  }
0x641: {  	v4 =	vshll.u32 v4, $0xA;
	v12 =	vand.u32 $0x380, v12  }
0x642: {  	[tilespmem:v10+s14+$0x0] =	vst.idx.msk $0xffff, v6;
	v4 =	vor.u32 v12, v4  }
0x643: {  	v6 =	vld.idx.msk [tilespmem:v8+s12+$0x0], $0xffff;
	v4 =	vor.u32 v2, v4;
	_ =	sdelay $0x4  }
0x644: {  	[tilespmem:v4+s14+$0x0] =	vst.idx.msk $0xffff, v6  }
0x645: {  	v4 =	vld [tilespmem:$0x390];
	_ =	sdelay $0x1  }
0x646: {  	v1 =	vld [tilespmem:$0x1FF80];
	_ =	sdelay $0x2  }
0x647: {  	v4 =	vshll.u32 v4, $0x5  }
0x648: {  	v4 =	vand.u32 $0x60, v4  }
0x649: {  	s31 =	simm.s32 $0x0;
	v4 =	vor.u32 v1, v4  }
0x64a: {  	v8 =	vor.u32 s31, v4  }
0x64b: {  	v6 =	vmov s31  }
0x64c: {  	v10 =	vshll.u32 v6, $0x7  }
0x64d: {  	v6 =	vshll.u32 v6, $0xA;
	v10 =	vand.u32 $0x380, v10  }
0x64e: {  	v10 =	vor.u32 v10, v6;
	v6 =	vor.u32 $0x1C10, v0  }
0x64f: {  	s25 =	simm.s32 $0x1;
	v12 =	vor.u32 v6, v10;
	v8 =	vld.idx.msk [tilespmem:v8+s12+$0x0], $0xffff  }
0x650: {  	s26 =	simm.s32 $0x2;
	v10 =	vor.u32 s25, v4  }
.LBB2_116:
0x651: {  	p0 =	sne.s32 s26, $0x1F  }
0x652: {  	v14 =	vmov s25;
	s25 =	smov.u32 s26  }
.Ltmp57:
0x653: {  	v1 =	vshll.u32 v14, $0x7;
	(pc) =	sbr.rel @p0 .LBB2_116-.Ltmp57, $4  }
0x654: {  	v14 =	vshll.u32 v14, $0xA;
	v1 =	vand.u32 $0x380, v1;
	[tilespmem:v12+s14+$0x0] =	vst.idx.msk $0xffff, v8  }
0x655: {  	v1 =	vor.u32 v1, v14;
	v8 =	vld.idx.msk [tilespmem:v10+s12+$0x0], $0xffff  }
0x656: {  	v12 =	vor.u32 v6, v1  }
0x657: {  	s26 =	sadd.s32 $0x1, s26;
	v10 =	vor.u32 s25, v4  }
0x658: {  	_ = 	snop  }
0x659: {  	v1 =	vmov s25  }
0x65a: {  	v4 =	vshll.u32 v1, $0x7  }
0x65b: {  	v1 =	vshll.u32 v1, $0xA;
	v4 =	vand.u32 $0x380, v4  }
0x65c: {  	[tilespmem:v12+s14+$0x0] =	vst.idx.msk $0xffff, v8;
	v1 =	vor.u32 v4, v1  }
0x65d: {  	v4 =	vld.idx.msk [tilespmem:v10+s12+$0x0], $0xffff;
	v1 =	vor.u32 v6, v1;
	_ =	sdelay $0x4  }
0x65e: {  	[tilespmem:v1+s14+$0x0] =	vst.idx.msk $0xffff, v4  }
0x65f: {  	v1 =	vld [tilespmem:$0x3A0];
	_ =	sdelay $0x1  }
0x660: {  	v4 =	vld [tilespmem:$0x1FF90];
	_ =	sdelay $0x2  }
0x661: {  	v1 =	vshll.u32 v1, $0x5  }
0x662: {  	v1 =	vand.u32 $0x60, v1  }
0x663: {  	s31 =	simm.s32 $0x0;
	v4 =	vor.u32 v4, v1  }
0x664: {  	v1 =	vor.u32 s31, v4  }
0x665: {  	v6 =	vmov s31  }
0x666: {  	v8 =	vshll.u32 v6, $0x7  }
0x667: {  	v6 =	vshll.u32 v6, $0xA;
	v8 =	vand.u32 $0x380, v8  }
0x668: {  	v10 =	vor.u32 v8, v6;
	v6 =	vor.u32 $0x1C20, v0  }
0x669: {  	s25 =	simm.s32 $0x1;
	v12 =	vor.u32 v6, v10;
	v8 =	vld.idx.msk [tilespmem:v1+s12+$0x0], $0xffff  }
0x66a: {  	s26 =	simm.s32 $0x2;
	v10 =	vor.u32 s25, v4  }
.LBB2_118:
0x66b: {  	p0 =	sne.s32 s26, $0x1F  }
0x66c: {  	v1 =	vmov s25;
	s25 =	smov.u32 s26  }
.Ltmp58:
0x66d: {  	v14 =	vshll.u32 v1, $0x7;
	(pc) =	sbr.rel @p0 .LBB2_118-.Ltmp58, $4  }
0x66e: {  	v1 =	vshll.u32 v1, $0xA;
	v14 =	vand.u32 $0x380, v14;
	[tilespmem:v12+s14+$0x0] =	vst.idx.msk $0xffff, v8  }
0x66f: {  	v1 =	vor.u32 v14, v1;
	v8 =	vld.idx.msk [tilespmem:v10+s12+$0x0], $0xffff  }
0x670: {  	v12 =	vor.u32 v6, v1  }
0x671: {  	s26 =	sadd.s32 $0x1, s26;
	v10 =	vor.u32 s25, v4  }
0x672: {  	_ = 	snop  }
0x673: {  	v1 =	vmov s25  }
0x674: {  	v4 =	vshll.u32 v1, $0x7  }
0x675: {  	v1 =	vshll.u32 v1, $0xA;
	v4 =	vand.u32 $0x380, v4  }
0x676: {  	[tilespmem:v12+s14+$0x0] =	vst.idx.msk $0xffff, v8;
	v1 =	vor.u32 v4, v1  }
0x677: {  	v4 =	vld.idx.msk [tilespmem:v10+s12+$0x0], $0xffff;
	v1 =	vor.u32 v6, v1;
	_ =	sdelay $0x4  }
0x678: {  	[tilespmem:v1+s14+$0x0] =	vst.idx.msk $0xffff, v4  }
0x679: {  	v1 =	vld [tilespmem:$0x3B0];
	_ =	sdelay $0x1  }
0x67a: {  	v4 =	vld [tilespmem:$0x1FFA0];
	_ =	sdelay $0x2  }
0x67b: {  	v1 =	vshll.u32 v1, $0x5  }
0x67c: {  	v1 =	vand.u32 $0x60, v1  }
0x67d: {  	s31 =	simm.s32 $0x0;
	v4 =	vor.u32 v4, v1  }
0x67e: {  	v1 =	vor.u32 s31, v4  }
0x67f: {  	v6 =	vmov s31  }
0x680: {  	v8 =	vshll.u32 v6, $0x7  }
0x681: {  	v6 =	vshll.u32 v6, $0xA;
	v8 =	vand.u32 $0x380, v8  }
0x682: {  	v10 =	vor.u32 v8, v6;
	v6 =	vor.u32 $0x1C30, v0  }
0x683: {  	s25 =	simm.s32 $0x1;
	v12 =	vor.u32 v6, v10;
	v8 =	vld.idx.msk [tilespmem:v1+s12+$0x0], $0xffff  }
0x684: {  	s26 =	simm.s32 $0x2;
	v10 =	vor.u32 s25, v4  }
.LBB2_120:
0x685: {  	p0 =	sne.s32 s26, $0x1F  }
0x686: {  	v1 =	vmov s25;
	s25 =	smov.u32 s26  }
.Ltmp59:
0x687: {  	v14 =	vshll.u32 v1, $0x7;
	(pc) =	sbr.rel @p0 .LBB2_120-.Ltmp59, $4  }
0x688: {  	v1 =	vshll.u32 v1, $0xA;
	v14 =	vand.u32 $0x380, v14;
	[tilespmem:v12+s14+$0x0] =	vst.idx.msk $0xffff, v8  }
0x689: {  	v1 =	vor.u32 v14, v1;
	v8 =	vld.idx.msk [tilespmem:v10+s12+$0x0], $0xffff  }
0x68a: {  	v12 =	vor.u32 v6, v1  }
0x68b: {  	s26 =	sadd.s32 $0x1, s26;
	v10 =	vor.u32 s25, v4  }
0x68c: {  	_ = 	snop  }
0x68d: {  	v1 =	vmov s25  }
0x68e: {  	v4 =	vshll.u32 v1, $0x7  }
0x68f: {  	v1 =	vshll.u32 v1, $0xA;
	v4 =	vand.u32 $0x380, v4  }
0x690: {  	[tilespmem:v12+s14+$0x0] =	vst.idx.msk $0xffff, v8;
	v1 =	vor.u32 v4, v1  }
0x691: {  	v4 =	vld.idx.msk [tilespmem:v10+s12+$0x0], $0xffff;
	v1 =	vor.u32 v6, v1;
	_ =	sdelay $0x4  }
0x692: {  	[tilespmem:v1+s14+$0x0] =	vst.idx.msk $0xffff, v4  }
0x693: {  	v1 =	vld [tilespmem:$0x3C0];
	_ =	sdelay $0x1  }
0x694: {  	v4 =	vld [tilespmem:$0x1FFB0];
	_ =	sdelay $0x2  }
0x695: {  	v1 =	vshll.u32 v1, $0x5  }
0x696: {  	v1 =	vand.u32 $0x60, v1  }
0x697: {  	s31 =	simm.s32 $0x0;
	v4 =	vor.u32 v4, v1  }
0x698: {  	v1 =	vor.u32 s31, v4  }
0x699: {  	v6 =	vmov s31  }
0x69a: {  	v8 =	vshll.u32 v6, $0x7  }
0x69b: {  	v6 =	vshll.u32 v6, $0xA;
	v8 =	vand.u32 $0x380, v8  }
0x69c: {  	v10 =	vor.u32 v8, v6;
	v6 =	vor.u32 $0x1C40, v0  }
0x69d: {  	s25 =	simm.s32 $0x1;
	v12 =	vor.u32 v6, v10;
	v8 =	vld.idx.msk [tilespmem:v1+s12+$0x0], $0xffff  }
0x69e: {  	s26 =	simm.s32 $0x2;
	v10 =	vor.u32 s25, v4  }
.LBB2_122:
0x69f: {  	p0 =	sne.s32 s26, $0x1F  }
0x6a0: {  	v1 =	vmov s25;
	s25 =	smov.u32 s26  }
.Ltmp60:
0x6a1: {  	v14 =	vshll.u32 v1, $0x7;
	(pc) =	sbr.rel @p0 .LBB2_122-.Ltmp60, $4  }
0x6a2: {  	v1 =	vshll.u32 v1, $0xA;
	v14 =	vand.u32 $0x380, v14;
	[tilespmem:v12+s14+$0x0] =	vst.idx.msk $0xffff, v8  }
0x6a3: {  	v1 =	vor.u32 v14, v1;
	v8 =	vld.idx.msk [tilespmem:v10+s12+$0x0], $0xffff  }
0x6a4: {  	v12 =	vor.u32 v6, v1  }
0x6a5: {  	s26 =	sadd.s32 $0x1, s26;
	v10 =	vor.u32 s25, v4  }
0x6a6: {  	_ = 	snop  }
0x6a7: {  	v1 =	vmov s25  }
0x6a8: {  	v4 =	vshll.u32 v1, $0x7  }
0x6a9: {  	v1 =	vshll.u32 v1, $0xA;
	v4 =	vand.u32 $0x380, v4  }
0x6aa: {  	[tilespmem:v12+s14+$0x0] =	vst.idx.msk $0xffff, v8;
	v1 =	vor.u32 v4, v1  }
0x6ab: {  	v4 =	vld.idx.msk [tilespmem:v10+s12+$0x0], $0xffff;
	v1 =	vor.u32 v6, v1;
	_ =	sdelay $0x4  }
0x6ac: {  	[tilespmem:v1+s14+$0x0] =	vst.idx.msk $0xffff, v4  }
0x6ad: {  	v1 =	vld [tilespmem:$0x3D0];
	_ =	sdelay $0x1  }
0x6ae: {  	v4 =	vld [tilespmem:$0x1FFC0];
	_ =	sdelay $0x2  }
0x6af: {  	v1 =	vshll.u32 v1, $0x5  }
0x6b0: {  	v1 =	vand.u32 $0x60, v1  }
0x6b1: {  	s31 =	simm.s32 $0x0;
	v4 =	vor.u32 v4, v1  }
0x6b2: {  	v1 =	vor.u32 s31, v4  }
0x6b3: {  	v6 =	vmov s31  }
0x6b4: {  	v8 =	vshll.u32 v6, $0x7  }
0x6b5: {  	v6 =	vshll.u32 v6, $0xA;
	v8 =	vand.u32 $0x380, v8  }
0x6b6: {  	v10 =	vor.u32 v8, v6;
	v6 =	vor.u32 $0x1C50, v0  }
0x6b7: {  	s25 =	simm.s32 $0x1;
	v12 =	vor.u32 v6, v10;
	v8 =	vld.idx.msk [tilespmem:v1+s12+$0x0], $0xffff  }
0x6b8: {  	s26 =	simm.s32 $0x2;
	v10 =	vor.u32 s25, v4  }
.LBB2_124:
0x6b9: {  	p0 =	sne.s32 s26, $0x1F  }
0x6ba: {  	v1 =	vmov s25;
	s25 =	smov.u32 s26  }
.Ltmp61:
0x6bb: {  	v14 =	vshll.u32 v1, $0x7;
	(pc) =	sbr.rel @p0 .LBB2_124-.Ltmp61, $4  }
0x6bc: {  	v1 =	vshll.u32 v1, $0xA;
	v14 =	vand.u32 $0x380, v14;
	[tilespmem:v12+s14+$0x0] =	vst.idx.msk $0xffff, v8  }
0x6bd: {  	v1 =	vor.u32 v14, v1;
	v8 =	vld.idx.msk [tilespmem:v10+s12+$0x0], $0xffff  }
0x6be: {  	v12 =	vor.u32 v6, v1  }
0x6bf: {  	s26 =	sadd.s32 $0x1, s26;
	v10 =	vor.u32 s25, v4  }
0x6c0: {  	_ = 	snop  }
0x6c1: {  	v1 =	vmov s25  }
0x6c2: {  	v4 =	vshll.u32 v1, $0x7  }
0x6c3: {  	v1 =	vshll.u32 v1, $0xA;
	v4 =	vand.u32 $0x380, v4  }
0x6c4: {  	[tilespmem:v12+s14+$0x0] =	vst.idx.msk $0xffff, v8;
	v1 =	vor.u32 v4, v1  }
0x6c5: {  	v4 =	vld.idx.msk [tilespmem:v10+s12+$0x0], $0xffff;
	v1 =	vor.u32 v6, v1;
	_ =	sdelay $0x4  }
0x6c6: {  	[tilespmem:v1+s14+$0x0] =	vst.idx.msk $0xffff, v4  }
0x6c7: {  	v1 =	vld [tilespmem:$0x3E0];
	_ =	sdelay $0x1  }
0x6c8: {  	v4 =	vld [tilespmem:$0x1FFD0];
	_ =	sdelay $0x2  }
0x6c9: {  	v1 =	vshll.u32 v1, $0x5  }
0x6ca: {  	v1 =	vand.u32 $0x60, v1  }
0x6cb: {  	s31 =	simm.s32 $0x0;
	v4 =	vor.u32 v4, v1  }
0x6cc: {  	v1 =	vor.u32 s31, v4  }
0x6cd: {  	v6 =	vmov s31  }
0x6ce: {  	v8 =	vshll.u32 v6, $0x7  }
0x6cf: {  	v6 =	vshll.u32 v6, $0xA;
	v8 =	vand.u32 $0x380, v8  }
0x6d0: {  	v10 =	vor.u32 v8, v6;
	v6 =	vor.u32 $0x1C60, v0  }
0x6d1: {  	s25 =	simm.s32 $0x1;
	v12 =	vor.u32 v6, v10;
	v8 =	vld.idx.msk [tilespmem:v1+s12+$0x0], $0xffff  }
0x6d2: {  	s26 =	simm.s32 $0x2;
	v10 =	vor.u32 s25, v4  }
.LBB2_126:
0x6d3: {  	p0 =	sne.s32 s26, $0x1F  }
0x6d4: {  	v1 =	vmov s25;
	s25 =	smov.u32 s26  }
.Ltmp62:
0x6d5: {  	v14 =	vshll.u32 v1, $0x7;
	(pc) =	sbr.rel @p0 .LBB2_126-.Ltmp62, $4  }
0x6d6: {  	v1 =	vshll.u32 v1, $0xA;
	v14 =	vand.u32 $0x380, v14;
	[tilespmem:v12+s14+$0x0] =	vst.idx.msk $0xffff, v8  }
0x6d7: {  	v1 =	vor.u32 v14, v1;
	v8 =	vld.idx.msk [tilespmem:v10+s12+$0x0], $0xffff  }
0x6d8: {  	v12 =	vor.u32 v6, v1  }
0x6d9: {  	s26 =	sadd.s32 $0x1, s26;
	v10 =	vor.u32 s25, v4  }
0x6da: {  	_ = 	snop  }
0x6db: {  	v1 =	vmov s25  }
0x6dc: {  	v4 =	vshll.u32 v1, $0x7  }
0x6dd: {  	v1 =	vshll.u32 v1, $0xA;
	v4 =	vand.u32 $0x380, v4  }
0x6de: {  	[tilespmem:v12+s14+$0x0] =	vst.idx.msk $0xffff, v8;
	v1 =	vor.u32 v4, v1  }
0x6df: {  	v4 =	vld.idx.msk [tilespmem:v10+s12+$0x0], $0xffff;
	v1 =	vor.u32 v6, v1;
	_ =	sdelay $0x4  }
0x6e0: {  	[tilespmem:v1+s14+$0x0] =	vst.idx.msk $0xffff, v4  }
0x6e1: {  	v1 =	vld [tilespmem:$0x3F0];
	_ =	sdelay $0x1  }
0x6e2: {  	v4 =	vld [tilespmem:$0x1FFE0];
	_ =	sdelay $0x2  }
0x6e3: {  	v1 =	vshll.u32 v1, $0x5  }
0x6e4: {  	v1 =	vand.u32 $0x60, v1  }
0x6e5: {  	s31 =	simm.s32 $0x0;
	v4 =	vor.u32 v4, v1  }
0x6e6: {  	v1 =	vor.u32 s31, v4  }
0x6e7: {  	v6 =	vmov s31  }
0x6e8: {  	v8 =	vshll.u32 v6, $0x7  }
0x6e9: {  	v6 =	vshll.u32 v6, $0xA;
	v8 =	vand.u32 $0x380, v8  }
0x6ea: {  	v10 =	vor.u32 v8, v6;
	v6 =	vor.u32 $0x1C70, v0  }
0x6eb: {  	s25 =	simm.s32 $0x1;
	v12 =	vor.u32 v6, v10;
	v8 =	vld.idx.msk [tilespmem:v1+s12+$0x0], $0xffff  }
0x6ec: {  	s26 =	simm.s32 $0x2;
	v10 =	vor.u32 s25, v4  }
.LBB2_128:
0x6ed: {  	p0 =	sne.s32 s26, $0x1F  }
0x6ee: {  	v1 =	vmov s25;
	s25 =	smov.u32 s26  }
.Ltmp63:
0x6ef: {  	v14 =	vshll.u32 v1, $0x7;
	(pc) =	sbr.rel @p0 .LBB2_128-.Ltmp63, $4  }
0x6f0: {  	v1 =	vshll.u32 v1, $0xA;
	v14 =	vand.u32 $0x380, v14;
	[tilespmem:v12+s14+$0x0] =	vst.idx.msk $0xffff, v8  }
0x6f1: {  	v1 =	vor.u32 v14, v1;
	v8 =	vld.idx.msk [tilespmem:v10+s12+$0x0], $0xffff  }
0x6f2: {  	v12 =	vor.u32 v6, v1  }
0x6f3: {  	s26 =	sadd.s32 $0x1, s26;
	v10 =	vor.u32 s25, v4  }
0x6f4: {  	_ = 	snop  }
0x6f5: {  	v1 =	vmov s25  }
0x6f6: {  	v4 =	vshll.u32 v1, $0x7  }
0x6f7: {  	v1 =	vshll.u32 v1, $0xA;
	v4 =	vand.u32 $0x380, v4  }
0x6f8: {  	[tilespmem:v12+s14+$0x0] =	vst.idx.msk $0xffff, v8;
	v1 =	vor.u32 v4, v1  }
0x6f9: {  	v4 =	vld.idx.msk [tilespmem:v10+s12+$0x0], $0xffff;
	v1 =	vor.u32 v6, v1;
	_ =	sdelay $0x2  }
0x6fa: {  	s24 =	sadd.s32 $0x1, s24  }
0x6fb: {  	p0 =	sne.s32 s24, s6  }
.Ltmp64:
0x6fc: {  	[tilespmem:v1+s14+$0x0] =	vst.idx.msk $0xffff, v4;
	(pc) =	sbr.rel @p0 .LBB2_1-.Ltmp64, $4  }
0x6fd: {  	[hbm4b:s5+s22] =	stream.strided.scatter [tilespmem:s14], [sflag:$0x3], $0x8000, s23, s22, $0x38;
	[tilespmem:$0x10800] =	vst v63  }
0x6fe: {  	_ =	swait.ge [sflag:s7], $0x8000  }
0x6ff: {  	[sflag:s7] =	ssyncset.done $0x0  }
0x700: {  	v1 =	vld [tilespmem:$0x1FFF0];
	[sflag:s7] =	ssyncadd.s32 $0xFFFF8000  }
0x701: {  	_ =	sfence.sel $0x180000  }
0x702: {  	[bflag:$0x0] =	sbarrier.arrive $0xFFFF  }
0x703: {  	p0 =	sne.s32 s0, $0x0;
	_ =	strace $0x90000047  }
0x704: {  	s0 =	sadd.s32 @!p0 $0x100000, s1;
	[bflag:$0x2] =	sbarrier.arrive $0xFFFF  }
0x705: {  	[sflag:s0] =	ssyncadd.tile.s32 @!p0 $0x1;
	_ =	shalt  }
.Lfunc_end2:
_tile_overlayer_lowered:
.L_overlay_start_2:
0x706: {  	(tag) =	ssettag $0x2  }
0x707: {  	s0 =	rddreg [dreg:$0x0];
	s2 =	stileid.u32  }
0x708: {  	s1 =	rddreg [dreg:$0x1];
	p0 =	sne.s32 s2, $0x0  }
0x709: {  	s3 =	rddreg [dreg:$0x2];
	[bflag:$0x3] =	sbarrier.arrive $0xFFFF;
	s2 =	simm.s32 @!p0 $0x1C03  }
0x70a: {  	[timem:s3], [sflag:s2] =	dma.local @!p0 [hbm:s0], s1  }
0x70b: {  	s0 =	simm.s32 @!p0 $0x3  }
0x70c: {  	_ =	swait.ge @!p0 [sflag:s0], s1  }
0x70d: {  	s1 =	ssub.s32 @!p0 $0x0, s1;
	[sflag:s0] =	ssyncset.done @!p0 $0x0  }
0x70e: {  	[sflag:s0] =	ssyncadd.s32 @!p0 s1  }
0x70f: {  	[bflag:$0x3] =	sbarrier.arrive $0xFFFF  }
0x710: {  	_ =	shalt  }

</sc_bundles>
